<compile_context>
chip_gen: v7x
topology: tpu7x:2x2x1
jax: 0.10.2.dev20260603
libtpu: 0.0.44.dev20260713+nightly
codegen_flags: <defaults>
</compile_context>

<pallas_src>
import functools
import math

import jax
import jax.numpy as jnp
from jax import lax
from jax.experimental import pallas as pl
from jax.experimental.pallas import tpu as pltpu
from jax.experimental.pallas import tpu_sc as plsc

_NC = 2
_NS = 16
_NW = _NC * _NS
_CH = 128
_ZR = 128
_NB = 4


def _cdiv(a, b):
    return (a + b - 1) // b




@functools.lru_cache(maxsize=None)
def _make_spmm(n, h, nchunk, npad):
    mesh = plsc.VectorSubcoreMesh(core_axis_name="c", subcore_axis_name="s")
    rps = npad // _NS
    qc = nchunk // 2
    assert qc % 8 == 0

    @functools.partial(
        pl.kernel,
        mesh=mesh,
        out_type=jax.ShapeDtypeStruct((_NC, npad, h), jnp.float32),
        scratch_types=(
            [pltpu.VMEM((qc, _CH), jnp.int32),
             pltpu.VMEM((qc, _CH), jnp.int32),
             pltpu.VMEM((qc, _CH), jnp.float32)]
            + [pltpu.VMEM((_CH, h), jnp.float32)] * 2
            + [pltpu.VMEM_SHARED((npad, h), jnp.float32)]
            + [pltpu.SemaphoreType.DMA] * 4
        ),
    )
    def spmm(y_hbm, src_hbm, dst_hbm, ew_hbm, out_hbm,
             src_v, dst_v, ew_v, *bufs_and_sems):
        full = list(bufs_and_sems[0:2])
        acc_sh = bufs_and_sems[2]
        gsem = list(bufs_and_sems[3:5])
        ssem = list(bufs_and_sems[5:7])
        c = lax.axis_index("c")
        s = lax.axis_index("s")
        w = s * _NC + c

        zv = jnp.zeros((16,), jnp.float32)

        def zero_rows(i, carry):
            for k in range(h // 16):
                full[0][i, pl.ds(k * 16, 16)] = zv
            return carry

        lax.fori_loop(0, _CH, zero_rows, 0)
        for z in range(rps // _ZR):
            pltpu.async_copy(
                full[0], acc_sh.at[pl.ds(s * rps + z * _ZR, _ZR)], gsem[0])
        for z in range(rps // _ZR):
            pltpu.make_async_copy(
                full[0], acc_sh.at[pl.ds(s * rps + z * _ZR, _ZR)],
                gsem[0]).wait()
        plsc.subcore_barrier()

        def load_idx(qi):
            base = w * nchunk + qi * qc
            pltpu.sync_copy(src_hbm.at[pl.ds(base, qc)], src_v)
            pltpu.sync_copy(dst_hbm.at[pl.ds(base, qc)], dst_v)
            pltpu.sync_copy(ew_hbm.at[pl.ds(base, qc)], ew_v)

        load_idx(0)
        pltpu.async_copy(y_hbm.at[src_v.at[0]], full[0], gsem[0])

        def scale(j, lr):
            def scale_body(i2, c2):
                ev = ew_v[lr, pl.ds(i2 * 16, 16)]
                for jj in range(16):
                    vs = jnp.full((16,), ev[jj], jnp.float32)
                    r = i2 * 16 + jj
                    for k in range(h // 16):
                        full[j][r, pl.ds(k * 16, 16)] = (
                            full[j][r, pl.ds(k * 16, 16)] * vs)
                return c2

            lax.fori_loop(0, _CH // 16, scale_body, 0)

        def super_body(big, carry):
            for j in range(2):
                g = big * 2 + j
                lr = lax.rem(g, qc)
                jp = 1 - j

                if j == 0:
                    @pl.when(jnp.logical_and(lr == 0, g > 0))
                    def _():
                        pltpu.make_async_copy(
                            full[1], acc_sh.at[dst_v.at[0]], ssem[1]).wait()
                        pltpu.make_async_copy(
                            full[0], acc_sh.at[dst_v.at[0]], ssem[0]).wait()
                        load_idx(g // qc)
                        pltpu.async_copy(
                            y_hbm.at[src_v.at[0]], full[0], gsem[0])

                pltpu.make_async_copy(
                    y_hbm.at[src_v.at[lr]], full[j], gsem[j]).wait()

                @pl.when(jnp.logical_and(g + 1 < nchunk,
                                         lax.rem(g + 1, qc) != 0))
                def _():
                    @pl.when(lr >= 1)
                    def _():
                        pltpu.make_async_copy(
                            full[jp], acc_sh.at[dst_v.at[lr]],
                            ssem[jp]).wait()

                    pltpu.async_copy(
                        y_hbm.at[src_v.at[lr + 1]], full[jp], gsem[jp])

                scale(j, lr)
                pltpu.async_copy(full[j], acc_sh.at[dst_v.at[lr]],
                                 ssem[j], add=True)
            return carry

        lax.fori_loop(0, nchunk // 2, super_body, 0)
        for j in range(2):
            pltpu.make_async_copy(
                full[j], acc_sh.at[dst_v.at[0]], ssem[j]).wait()
        plsc.subcore_barrier()
        pltpu.sync_copy(acc_sh.at[pl.ds(s * rps, rps)],
                        out_hbm.at[c, pl.ds(s * rps, rps)])

    return spmm


@functools.lru_cache(maxsize=None)
def _make_deg(nchunk, npad):
    mesh = plsc.VectorSubcoreMesh(core_axis_name="c", subcore_axis_name="s")
    rps = npad // _NS

    @functools.partial(
        pl.kernel,
        mesh=mesh,
        out_type=jax.ShapeDtypeStruct((_NC * npad,), jnp.float32),
        scratch_types=[
            pltpu.VMEM((nchunk, _CH), jnp.int32),
            pltpu.VMEM((nchunk, _CH), jnp.float32),
            pltpu.VMEM((rps,), jnp.float32),
            pltpu.VMEM_SHARED((npad,), jnp.float32),
            pltpu.SemaphoreType.DMA,
        ],
    )
    def degk(dst_hbm, ew_hbm, out_hbm, dst_v, ew_v, stage_v, deg_sh, sem):
        c = lax.axis_index("c")
        s = lax.axis_index("s")

        zv = jnp.zeros((16,), jnp.float32)

        def zero_stage(i, carry):
            stage_v[pl.ds(i * 16, 16)] = zv
            return carry

        lax.fori_loop(0, rps // 16, zero_stage, 0)
        pltpu.sync_copy(stage_v, deg_sh.at[pl.ds(s * rps, rps)])
        plsc.subcore_barrier()

        w = s * _NC + c
        pltpu.sync_copy(dst_hbm.at[pl.ds(w * nchunk, nchunk)], dst_v)
        pltpu.sync_copy(ew_hbm.at[pl.ds(w * nchunk, nchunk)], ew_v)

        def chunk_body(g, carry):
            pltpu.async_copy(ew_v.at[g], deg_sh.at[dst_v.at[g]], sem,
                             add=True)
            return carry

        lax.fori_loop(0, nchunk, chunk_body, 0)

        def drain_body(g, carry):
            pltpu.make_async_copy(
                ew_v.at[0], deg_sh.at[dst_v.at[0]], sem).wait()
            return carry

        lax.fori_loop(0, nchunk, drain_body, 0)
        plsc.subcore_barrier()
        pltpu.sync_copy(deg_sh.at[pl.ds(s * rps, rps)],
                        out_hbm.at[pl.ds(c * npad + s * rps, rps)])

    return degk



_CHR = 1000


def _dinv_tc(dp):
    n = dp.shape[1]

    def body(d_ref, o_ref):
        d = d_ref[0:1, :] + d_ref[1:2, :] + 1.0
        o_ref[...] = lax.rsqrt(d)

    return pl.pallas_call(
        body,
        out_shape=jax.ShapeDtypeStruct((1, n), jnp.float32),
    )(dp)


def _mm_scale_tc(x, w, dinv):
    n, f = x.shape
    h = w.shape[1]

    def body(x_ref, w_ref, d_ref, y_ref):
        y_ref[...] = d_ref[...] * jnp.dot(
            x_ref[...], w_ref[...], preferred_element_type=jnp.float32)

    return pl.pallas_call(
        body,
        grid=(n // _CHR,),
        in_specs=[
            pl.BlockSpec((_CHR, f), lambda i: (i, 0)),
            pl.BlockSpec((f, h), lambda i: (0, 0)),
            pl.BlockSpec((_CHR, 1), lambda i: (i, 0)),
        ],
        out_specs=pl.BlockSpec((_CHR, h), lambda i: (i, 0)),
        out_shape=jax.ShapeDtypeStruct((n, h), jnp.float32),
    )(x, w, dinv)


def _conv_step_tc(accp, y, hprev, dinv, batch_col, b, wja, wjb, bj, wn,
                  flag, nseg):
    npad = accp.shape[1]
    h2 = accp.shape[2]
    h = y.shape[1]
    n = y.shape[0]

    def body(a_ref, y_ref, hp_ref, d_ref, bt_ref, b_ref, wa_ref, wb_ref,
             bj_ref, wn_ref, fl_ref, h_ref, y2_ref, p_ref):
        i = pl.program_id(0)
        a = a_ref[0] + a_ref[1]
        d = d_ref[...]
        fl = fl_ref[...]
        h1 = jnp.maximum(d * (a + y_ref[...]) + b_ref[...], 0.0)
        hb = jnp.maximum(
            jnp.dot(hp_ref[...], wa_ref[...],
                    preferred_element_type=jnp.float32)
            + jnp.dot(h1, wb_ref[...], preferred_element_type=jnp.float32)
            + bj_ref[...], 0.0)
        sel = h1 + fl * (hb - h1)
        h_ref[...] = h1
        y2_ref[...] = d * jnp.dot(sel, wn_ref[...],
                                  preferred_element_type=jnp.float32)
        seg = lax.broadcasted_iota(jnp.int32, (_CHR, nseg), 1)
        onehot = (bt_ref[...] == seg).astype(jnp.float32)

        @pl.when(i == 0)
        def _():
            p_ref[...] = jnp.zeros_like(p_ref)

        p_ref[...] += lax.dot_general(
            onehot, fl * hb, (((0,), (0,)), ((), ())),
            preferred_element_type=jnp.float32)

    return pl.pallas_call(
        body,
        grid=(n // _CHR,),
        in_specs=[
            pl.BlockSpec((_NC, _CHR, h), lambda i: (0, i, 0)),
            pl.BlockSpec((_CHR, h), lambda i: (i, 0)),
            pl.BlockSpec((_CHR, h), lambda i: (i, 0)),
            pl.BlockSpec((_CHR, 1), lambda i: (i, 0)),
            pl.BlockSpec((_CHR, 1), lambda i: (i, 0)),
            pl.BlockSpec((1, h), lambda i: (0, 0)),
            pl.BlockSpec((h, h), lambda i: (0, 0)),
            pl.BlockSpec((h, h), lambda i: (0, 0)),
            pl.BlockSpec((1, h), lambda i: (0, 0)),
            pl.BlockSpec((h, h), lambda i: (0, 0)),
            pl.BlockSpec((1, 1), lambda i: (0, 0)),
        ],
        out_specs=[
            pl.BlockSpec((_CHR, h), lambda i: (i, 0)),
            pl.BlockSpec((_CHR, h), lambda i: (i, 0)),
            pl.BlockSpec((nseg, h), lambda i: (0, 0)),
        ],
        out_shape=[
            jax.ShapeDtypeStruct((n, h), jnp.float32),
            jax.ShapeDtypeStruct((n, h), jnp.float32),
            jax.ShapeDtypeStruct((nseg, h), jnp.float32),
        ],
    )(accp, y, hprev, dinv, batch_col, b, wja, wjb, bj, wn, flag)


def _head_tc(p1, p2, p3, bng, bnb, wl1, bl1, wl2, bl2, eps):
    nb = p1.shape[0]
    cdim = wl2.shape[1]
    c0 = 1.0 / math.sqrt(1.0 + eps)

    def body(p1_ref, p2_ref, p3_ref, g_ref, b_ref, w1_ref, b1_ref,
             w2_ref, b2_ref, o_ref):
        z = jnp.concatenate([p1_ref[...], p2_ref[...], p3_ref[...]], axis=1)
        z = g_ref[...] * z * c0 + b_ref[...]
        z = jnp.maximum(
            jnp.dot(z, w1_ref[...], preferred_element_type=jnp.float32)
            + b1_ref[...], 0.0)
        z = jnp.dot(z, w2_ref[...], preferred_element_type=jnp.float32) \
            + b2_ref[...]
        m = jnp.max(z, axis=-1, keepdims=True)
        e = jnp.exp(z - m)
        o_ref[...] = e / jnp.sum(e, axis=-1, keepdims=True)

    return pl.pallas_call(
        body,
        out_shape=jax.ShapeDtypeStruct((nb, cdim), jnp.float32),
    )(p1, p2, p3, bng, bnb, wl1, bl1, wl2, bl2)




def kernel(x, edge_attr, params, edge_index, batch, batch_size):
    n, f = x.shape
    e = edge_attr.shape[0]
    blocks = params['blocks']
    h = blocks[0]['W0'].shape[1]
    nseg = 64
    eps = 1e-5

    ew_per_w = e // _NW
    nchunk = _cdiv(_cdiv(ew_per_w, _CH), 8) * 8
    ewp = nchunk * _CH
    pad = ewp - ew_per_w
    npad = _NS * _ZR * _cdiv(n, _NS * _ZR)

    src = edge_index[0].reshape(_NW, ew_per_w)
    dst = edge_index[1].reshape(_NW, ew_per_w)
    eww = edge_attr.reshape(_NW, ew_per_w)
    if pad:
        pad_src = jnp.broadcast_to(
            jnp.arange(pad, dtype=jnp.int32) % jnp.int32(n), (_NW, pad))
        pad_dst = jnp.broadcast_to(
            jnp.int32(n) + jnp.arange(pad, dtype=jnp.int32)
            % jnp.int32(npad - n), (_NW, pad))
        src = jnp.concatenate([src, pad_src], axis=1)
        dst = jnp.concatenate([dst, pad_dst], axis=1)
        eww = jnp.concatenate(
            [eww, jnp.zeros((_NW, pad), jnp.float32)], axis=1)
    src_p = src.reshape(_NW * nchunk, _CH)
    dst_p = dst.reshape(_NW * nchunk, _CH)
    ew_p = eww.reshape(_NW * nchunk, _CH)

    spmm = _make_spmm(n, h, nchunk, npad)
    degk = _make_deg(nchunk, npad)

    deg_flat = degk(dst_p, ew_p)
    dp = deg_flat.reshape(_NC, npad)[:, :n]
    dinv = _dinv_tc(dp).reshape(n, 1)

    batch_col = batch.reshape(n, 1)

    zh = jnp.zeros((h, h), jnp.float32)
    zb = jnp.zeros((h,), jnp.float32)
    b_st, wja_st, wjb_st, bj_st, wn_st, fl_st = [], [], [], [], [], []
    for bi in range(3):
        p = blocks[bi]
        wn_last = blocks[bi + 1]['W0'] if bi < 2 else zh
        b_st += [p['b0'], p['b1']]
        wja_st += [zh, p['Wj'][:h]]
        wjb_st += [zh, p['Wj'][h:]]
        bj_st += [zb, p['bj']]
        wn_st += [p['W1'], wn_last]
        fl_st += [0.0, 1.0]
    b_st = jnp.stack(b_st).reshape(6, 1, h)
    wja_st = jnp.stack(wja_st)
    wjb_st = jnp.stack(wjb_st)
    bj_st = jnp.stack(bj_st).reshape(6, 1, h)
    wn_st = jnp.stack(wn_st)
    fl_st = jnp.asarray(fl_st, jnp.float32).reshape(6, 1, 1)

    y0 = _mm_scale_tc(x, blocks[0]['W0'], dinv)

    def take(stack, i):
        return lax.dynamic_index_in_dim(stack, i, 0, keepdims=False)

    def loop_body(i, carry):
        y, hprev, pooled = carry
        accp = spmm(y, src_p, dst_p, ew_p)
        h1, ynext, pooled_i = _conv_step_tc(
            accp, y, hprev, dinv, batch_col,
            take(b_st, i), take(wja_st, i), take(wjb_st, i),
            take(bj_st, i), take(wn_st, i), take(fl_st, i), nseg)
        pooled = lax.dynamic_update_slice(
            pooled, pooled_i[None], (i // 2, 0, 0))
        return (ynext, h1, pooled)

    ub = lax.optimization_barrier(jnp.int32(6))
    pooled0 = jnp.zeros((3, nseg, h), jnp.float32)
    _, _, pooled_all = lax.fori_loop(0, ub, loop_body, (y0, y0, pooled0))

    out = _head_tc(pooled_all[0], pooled_all[1], pooled_all[2],
                   params['bn_g'].reshape(1, 3 * h),
                   params['bn_b'].reshape(1, 3 * h),
                   params['Wl1'], params['bl1'].reshape(1, h),
                   params['Wl2'], params['bl2'].reshape(1, 16),
                   eps)
    return out

# --- scband reference (transcript-rebuilt; emitter-appended) ---
"""Pipeline reference for scband-base-model-66391604462304 (READ-ONLY COPY).

The authoritative reference and input builder live on the scoring server;
editing this copy changes nothing except your own understanding.
"""

import jax, jax.numpy as jnp
import numpy as np

N = 10000
E = 320000
F_IN = 128
H = 128
B = 64
C = 16
EPS = 1e-5


def _glorot(key, fin, fout):
    s = float(np.sqrt(6.0 / (fin + fout)))
    return jax.random.uniform(key, (fin, fout), jnp.float32, -s, s)


def _init_params(key):
    ki = iter(jax.random.split(key, 16))
    blocks = []
    fin = F_IN
    for _ in range(3):
        blocks.append({
            'W0': _glorot(next(ki), fin, H), 'b0': jnp.zeros((H,), jnp.float32),
            'W1': _glorot(next(ki), H, H), 'b1': jnp.zeros((H,), jnp.float32),
            'Wj': _glorot(next(ki), 2 * H, H), 'bj': jnp.zeros((H,), jnp.float32),
        })
        fin = H
    out_dim = 3 * H
    return {
        'blocks': blocks,
        'bn_g': jnp.ones((out_dim,), jnp.float32),
        'bn_b': jnp.zeros((out_dim,), jnp.float32),
        'Wl1': _glorot(next(ki), out_dim, H), 'bl1': jnp.zeros((H,), jnp.float32),
        'Wl2': _glorot(next(ki), H, C), 'bl2': jnp.zeros((C,), jnp.float32),
    }


def setup_inputs(seed: int = 0):
    key = jax.random.key(seed)
    k1, k2, k3, k4, k5 = jax.random.split(key, 5)
    x = jax.random.normal(k1, (N, F_IN), jnp.float32)
    edge_index = jax.random.randint(k2, (2, E), 0, N, jnp.int32)
    edge_attr = jax.random.uniform(k3, (E,), jnp.float32)
    batch = jnp.sort(jax.random.randint(k4, (N,), 0, B, jnp.int32))
    params = _init_params(k5)
    return {'x': x, 'edge_attr': edge_attr, 'params': params,
            'edge_index': edge_index, 'batch': batch, 'batch_size': B}


def _gcn_conv(x, W, b, src, dst, ew):
    # GCNConv with edge_weight and added self-loops (weight 1.0)
    n = x.shape[0]
    xw = x @ W
    deg = jnp.zeros((n,), x.dtype).at[dst].add(ew) + 1.0
    dinv = jax.lax.rsqrt(deg)
    norm = ew * dinv[src] * dinv[dst]
    agg = jnp.zeros_like(xw).at[dst].add(xw[src] * norm[:, None])
    agg = agg + xw * (dinv * dinv)[:, None]
    return agg + b


def _block(x, p, src, dst, ew):
    # Block: 2 GCNConv layers, relu, JumpingKnowledge('cat') + Linear + relu
    h0 = jax.nn.relu(_gcn_conv(x, p['W0'], p['b0'], src, dst, ew))
    h1 = jax.nn.relu(_gcn_conv(h0, p['W1'], p['b1'], src, dst, ew))
    hcat = jnp.concatenate([h0, h1], axis=1)
    return jax.nn.relu(hcat @ p['Wj'] + p['bj'])


def reference(x, edge_attr, params, edge_index, batch, batch_size):
    src, dst = edge_index[0], edge_index[1]
    batch = batch + (0 * jnp.asarray(batch_size)).astype(batch.dtype)
    xs = []
    h = x
    for p in params['blocks']:  # conv_in + (num_layers-1) blocks = 3
        h = _block(h, p, src, dst, edge_attr)
        xs.append(jax.ops.segment_sum(h, batch, num_segments=B))  # global_add_pool
    z = jnp.concatenate(xs, axis=1)
    # BatchNorm1d in eval mode (running_mean=0, running_var=1)
    z = params['bn_g'] * z * (1.0 / jnp.sqrt(1.0 + EPS)) + params['bn_b']
    z = jax.nn.relu(z @ params['Wl1'] + params['bl1'])
    # dropout inactive in eval mode
    z = z @ params['Wl2'] + params['bl2']
    return jax.nn.softmax(z, axis=-1)

if __name__ == "__main__":
    import jax
    _d = setup_inputs()
    print(jax.jit(kernel)(*tuple(_d.values())))

</pallas_src>

<mosaic_0001>
#map = affine_map<(d0, d1) -> (0, 0)>
#map1 = affine_map<(d0, d1) -> (0)>
module attributes {stable_mosaic.version = 14 : i64} {
  func.func @degk(%arg0: i32, %arg1: i32, %arg2: memref<2560x128xi32, #tpu.memory_space<hbm>>, %arg3: memref<2560x128xf32, #tpu.memory_space<hbm>>, %arg4: memref<20480xf32, #tpu.memory_space<hbm>>, %arg5: memref<80x128xi32, #tpu.memory_space<vmem>>, %arg6: memref<80x128xf32, #tpu.memory_space<vmem>>, %arg7: memref<640xf32, #tpu.memory_space<vmem>>, %arg8: memref<10240xf32, #tpu.memory_space<vmem_shared>>, %arg9: memref<!tpu.dma_semaphore, #tpu.memory_space<semaphore_mem>>) attributes {dimension_semantics = [#tpu.dimension_semantics<core_parallel>, #tpu.dimension_semantics<subcore_parallel>], iteration_bounds = array<i64: 2, 16>, scalar_prefetch = 0 : i64, scratch_operands = 5 : i64, tpu.core_type = #tpu.core_type<sc_vector_subcore>, window_params = [{transform_indices = #map}, {transform_indices = #map}, {transform_indices = #map1}]} {
    %broadcast_in_dim3A = arith.constant 0.000000e+00 : f32
    %broadcast_in_dim3A_0 = vector.broadcast %broadcast_in_dim3A : f32 to vector<16xf32>
    %scan3A = arith.constant 0 : i32
    %scan3A_1 = arith.constant 0 : i32
    %scan3A_2 = arith.constant 40 : i32
    %scan3A_3 = arith.addi %scan3A_1, %scan3A_2 : i32
    %scan3A_4 = arith.constant 1 : i32
    scf.for %scan3A_33 = %scan3A_1 to %scan3A_3 step %scan3A_4  : i32 {
      %mul3A_34 = arith.constant 16 : i32
      %mul3A_35 = arith.muli %scan3A_33, %mul3A_34 : i32
      %swap3A = arith.index_cast %mul3A_35 : i32 to index
      %swap3A_36 = tpu.vector_load %arg7[%swap3A] {strides = array<i32>} : memref<640xf32, #tpu.memory_space<vmem>>, vector<16xf32>,
      %swap3A_37 = vector.shape_cast %swap3A_36 : vector<16xf32> to vector<16xf32>
      %swap3A_38 = vector.shape_cast %broadcast_in_dim3A_0 : vector<16xf32> to vector<16xf32>
      tpu.vector_store %arg7[%swap3A], %swap3A_38 {strides = array<i32>} : memref<640xf32, #tpu.memory_space<vmem>>, vector<16xf32>,
    }
    %scan3A_5 = arith.constant 40 : i32
    %mul3A = arith.constant 640 : i32
    %mul3A_6 = arith.muli %arg1, %mul3A : i32
    "tpu.region"() ({
      %run_scoped3A = tpu.sem_alloc : memref<!tpu.dma_semaphore, #tpu.memory_space<semaphore_mem>>
      %dma_start3A = tpu.memref_slice %arg8[%mul3A_6] : memref<10240xf32, #tpu.memory_space<vmem_shared>> -> memref<640xf32, #tpu.memory_space<vmem_shared>>
      %dma_start3A_33 = tpu.memref_slice %arg8[%mul3A_6] : memref<10240xf32, #tpu.memory_space<vmem_shared>> -> memref<640xf32, #tpu.memory_space<vmem_shared>>
      tpu.enqueue_dma source(%arg7 : memref<640xf32, #tpu.memory_space<vmem>>) target(%dma_start3A_33 : memref<640xf32, #tpu.memory_space<vmem_shared>>) target_semaphore(%run_scoped3A : memref<!tpu.dma_semaphore, #tpu.memory_space<semaphore_mem>>)
      %dma_wait3A = tpu.memref_slice %arg8[%mul3A_6] : memref<10240xf32, #tpu.memory_space<vmem_shared>> -> memref<640xf32, #tpu.memory_space<vmem_shared>>
      %dma_wait3A_34 = tpu.memref_slice %arg8[%mul3A_6] : memref<10240xf32, #tpu.memory_space<vmem_shared>> -> memref<640xf32, #tpu.memory_space<vmem_shared>>
      tpu.wait_dma2 semaphore(%run_scoped3A : memref<!tpu.dma_semaphore, #tpu.memory_space<semaphore_mem>>) src(%arg7 : memref<640xf32, #tpu.memory_space<vmem>>) dst(%dma_wait3A_34 : memref<640xf32, #tpu.memory_space<vmem_shared>>)
      tpu.yield
    }) : () -> ()
    %barrier3A = arith.constant 0 : index
    tpu.barrier barrier_id(%barrier3A)
    %mul3A_7 = arith.constant 2 : i32
    %mul3A_8 = arith.muli %arg1, %mul3A_7 : i32
    %add3A = arith.addi %mul3A_8, %arg0 : i32
    %mul3A_9 = arith.constant 80 : i32
    %mul3A_10 = arith.muli %add3A, %mul3A_9 : i32
    "tpu.region"() ({
      %run_scoped3A = tpu.sem_alloc : memref<!tpu.dma_semaphore, #tpu.memory_space<semaphore_mem>>
      %dma_start3A = arith.constant 0 : i32
      %dma_start3A_33 = tpu.memref_slice %arg2[%mul3A_10, %dma_start3A] : memref<2560x128xi32, #tpu.memory_space<hbm>> -> memref<80x128xi32, #tpu.memory_space<hbm>>
      %dma_start3A_34 = arith.constant 0 : i32
      %dma_start3A_35 = tpu.memref_slice %arg2[%mul3A_10, %dma_start3A_34] : memref<2560x128xi32, #tpu.memory_space<hbm>> -> memref<80x128xi32, #tpu.memory_space<hbm>>
      tpu.enqueue_dma source(%dma_start3A_35 : memref<80x128xi32, #tpu.memory_space<hbm>>) target(%arg5 : memref<80x128xi32, #tpu.memory_space<vmem>>) target_semaphore(%run_scoped3A : memref<!tpu.dma_semaphore, #tpu.memory_space<semaphore_mem>>)
      %dma_wait3A = arith.constant 0 : i32
      %dma_wait3A_36 = tpu.memref_slice %arg2[%mul3A_10, %dma_wait3A] : memref<2560x128xi32, #tpu.memory_space<hbm>> -> memref<80x128xi32, #tpu.memory_space<hbm>>
      %dma_wait3A_37 = arith.constant 0 : i32
      %dma_wait3A_38 = tpu.memref_slice %arg2[%mul3A_10, %dma_wait3A_37] : memref<2560x128xi32, #tpu.memory_space<hbm>> -> memref<80x128xi32, #tpu.memory_space<hbm>>
      tpu.wait_dma2 semaphore(%run_scoped3A : memref<!tpu.dma_semaphore, #tpu.memory_space<semaphore_mem>>) src(%dma_wait3A_38 : memref<80x128xi32, #tpu.memory_space<hbm>>) dst(%arg5 : memref<80x128xi32, #tpu.memory_space<vmem>>)
      tpu.yield
    }) : () -> ()
    %mul3A_11 = arith.constant 80 : i32
    %mul3A_12 = arith.muli %add3A, %mul3A_11 : i32
    "tpu.region"() ({
      %run_scoped3A = tpu.sem_alloc : memref<!tpu.dma_semaphore, #tpu.memory_space<semaphore_mem>>
      %dma_start3A = arith.constant 0 : i32
      %dma_start3A_33 = tpu.memref_slice %arg3[%mul3A_12, %dma_start3A] : memref<2560x128xf32, #tpu.memory_space<hbm>> -> memref<80x128xf32, #tpu.memory_space<hbm>>
      %dma_start3A_34 = arith.constant 0 : i32
      %dma_start3A_35 = tpu.memref_slice %arg3[%mul3A_12, %dma_start3A_34] : memref<2560x128xf32, #tpu.memory_space<hbm>> -> memref<80x128xf32, #tpu.memory_space<hbm>>
      tpu.enqueue_dma source(%dma_start3A_35 : memref<80x128xf32, #tpu.memory_space<hbm>>) target(%arg6 : memref<80x128xf32, #tpu.memory_space<vmem>>) target_semaphore(%run_scoped3A : memref<!tpu.dma_semaphore, #tpu.memory_space<semaphore_mem>>)
      %dma_wait3A = arith.constant 0 : i32
      %dma_wait3A_36 = tpu.memref_slice %arg3[%mul3A_12, %dma_wait3A] : memref<2560x128xf32, #tpu.memory_space<hbm>> -> memref<80x128xf32, #tpu.memory_space<hbm>>
      %dma_wait3A_37 = arith.constant 0 : i32
      %dma_wait3A_38 = tpu.memref_slice %arg3[%mul3A_12, %dma_wait3A_37] : memref<2560x128xf32, #tpu.memory_space<hbm>> -> memref<80x128xf32, #tpu.memory_space<hbm>>
      tpu.wait_dma2 semaphore(%run_scoped3A : memref<!tpu.dma_semaphore, #tpu.memory_space<semaphore_mem>>) src(%dma_wait3A_38 : memref<80x128xf32, #tpu.memory_space<hbm>>) dst(%arg6 : memref<80x128xf32, #tpu.memory_space<vmem>>)
      tpu.yield
    }) : () -> ()
    %scan3A_13 = arith.constant 0 : i32
    %scan3A_14 = arith.constant 0 : i32
    %scan3A_15 = arith.constant 80 : i32
    %scan3A_16 = arith.addi %scan3A_14, %scan3A_15 : i32
    %scan3A_17 = arith.constant 1 : i32
    scf.for %scan3A_33 = %scan3A_14 to %scan3A_16 step %scan3A_17  : i32 {
      %dma_start3A = arith.constant 0 : i32
      %dma_start3A_34 = tpu.memref_slice %arg6[%scan3A_33, %dma_start3A] : memref<80x128xf32, #tpu.memory_space<vmem>> -> memref<1x128xf32, #tpu.memory_space<vmem>>
      %dma_start3A_35 = tpu.memref_squeeze %dma_start3A_34 : memref<1x128xf32, #tpu.memory_space<vmem>> -> memref<128xf32, #tpu.memory_space<vmem>>
      %dma_start3A_36 = arith.constant 0 : i32
      %dma_start3A_37 = tpu.memref_slice %arg5[%scan3A_33, %dma_start3A_36] : memref<80x128xi32, #tpu.memory_space<vmem>> -> memref<1x128xi32, #tpu.memory_space<vmem>>
      %dma_start3A_38 = tpu.memref_squeeze %dma_start3A_37 : memref<1x128xi32, #tpu.memory_space<vmem>> -> memref<128xi32, #tpu.memory_space<vmem>>
      %dma_start3A_39 = arith.constant 0 : i32
      %dma_start3A_40 = tpu.memref_slice %arg8[%dma_start3A_39] : memref<10240xf32, #tpu.memory_space<vmem_shared>> -> memref<10240xf32, #tpu.memory_space<vmem_shared>>
      tpu.enqueue_indirect_dma source(%dma_start3A_35 : memref<128xf32, #tpu.memory_space<vmem>>) target(%dma_start3A_40 : memref<10240xf32, #tpu.memory_space<vmem_shared>>) offsets(%dma_start3A_38 : memref<128xi32, #tpu.memory_space<vmem>>) semaphore(%arg9 : memref<!tpu.dma_semaphore, #tpu.memory_space<semaphore_mem>>) {add = true}
    }
    %scan3A_18 = arith.constant 80 : i32
    %scan3A_19 = arith.constant 0 : i32
    %scan3A_20 = arith.constant 0 : i32
    %scan3A_21 = arith.constant 80 : i32
    %scan3A_22 = arith.addi %scan3A_20, %scan3A_21 : i32
    %scan3A_23 = arith.constant 1 : i32
    scf.for %scan3A_33 = %scan3A_20 to %scan3A_22 step %scan3A_23  : i32 {
      %dma_wait3A = arith.constant 0 : i32
      %dma_wait3A_34 = arith.constant 0 : i32
      %dma_wait3A_35 = arith.constant 0 : i32
      %dma_wait3A_36 = tpu.memref_slice %arg6[%dma_wait3A, %dma_wait3A_35] : memref<80x128xf32, #tpu.memory_space<vmem>> -> memref<1x128xf32, #tpu.memory_space<vmem>>
      %dma_wait3A_37 = tpu.memref_squeeze %dma_wait3A_36 : memref<1x128xf32, #tpu.memory_space<vmem>> -> memref<128xf32, #tpu.memory_space<vmem>>
      %dma_wait3A_38 = arith.constant 0 : i32
      %dma_wait3A_39 = tpu.memref_slice %arg5[%dma_wait3A_34, %dma_wait3A_38] : memref<80x128xi32, #tpu.memory_space<vmem>> -> memref<1x128xi32, #tpu.memory_space<vmem>>
      %dma_wait3A_40 = tpu.memref_squeeze %dma_wait3A_39 : memref<1x128xi32, #tpu.memory_space<vmem>> -> memref<128xi32, #tpu.memory_space<vmem>>
      %dma_wait3A_41 = arith.constant 0 : i32
      %dma_wait3A_42 = tpu.memref_slice %arg8[%dma_wait3A_41] : memref<10240xf32, #tpu.memory_space<vmem_shared>> -> memref<10240xf32, #tpu.memory_space<vmem_shared>>
      tpu.wait_indirect_dma semaphore(%arg9 : memref<!tpu.dma_semaphore, #tpu.memory_space<semaphore_mem>>) src(%dma_wait3A_37 : memref<128xf32, #tpu.memory_space<vmem>>) dst(%dma_wait3A_42 : memref<10240xf32, #tpu.memory_space<vmem_shared>>)
    }
    %scan3A_24 = arith.constant 80 : i32
    %barrier3A_25 = arith.constant 0 : index
    tpu.barrier barrier_id(%barrier3A_25)
    %mul3A_26 = arith.constant 640 : i32
    %mul3A_27 = arith.muli %arg1, %mul3A_26 : i32
    %mul3A_28 = arith.constant 10240 : i32
    %mul3A_29 = arith.muli %arg0, %mul3A_28 : i32
    %mul3A_30 = arith.constant 640 : i32
    %mul3A_31 = arith.muli %arg1, %mul3A_30 : i32
    %add3A_32 = arith.addi %mul3A_29, %mul3A_31 : i32
    "tpu.region"() ({
      %run_scoped3A = tpu.sem_alloc : memref<!tpu.dma_semaphore, #tpu.memory_space<semaphore_mem>>
      %dma_start3A = tpu.memref_slice %arg4[%add3A_32] : memref<20480xf32, #tpu.memory_space<hbm>> -> memref<640xf32, #tpu.memory_space<hbm>>
      %dma_start3A_33 = tpu.memref_slice %arg8[%mul3A_27] : memref<10240xf32, #tpu.memory_space<vmem_shared>> -> memref<640xf32, #tpu.memory_space<vmem_shared>>
      tpu.enqueue_dma source(%dma_start3A_33 : memref<640xf32, #tpu.memory_space<vmem_shared>>) target(%dma_start3A : memref<640xf32, #tpu.memory_space<hbm>>) target_semaphore(%run_scoped3A : memref<!tpu.dma_semaphore, #tpu.memory_space<semaphore_mem>>)
      %dma_wait3A = tpu.memref_slice %arg4[%add3A_32] : memref<20480xf32, #tpu.memory_space<hbm>> -> memref<640xf32, #tpu.memory_space<hbm>>
      %dma_wait3A_34 = tpu.memref_slice %arg8[%mul3A_27] : memref<10240xf32, #tpu.memory_space<vmem_shared>> -> memref<640xf32, #tpu.memory_space<vmem_shared>>
      tpu.wait_dma2 semaphore(%run_scoped3A : memref<!tpu.dma_semaphore, #tpu.memory_space<semaphore_mem>>) src(%dma_wait3A_34 : memref<640xf32, #tpu.memory_space<vmem_shared>>) dst(%dma_wait3A : memref<640xf32, #tpu.memory_space<hbm>>)
      tpu.yield
    }) : () -> ()
    return
  }
}

#map = affine_map<(d0, d1) -> (0, 0)>
#map1 = affine_map<(d0, d1) -> (0, 0, 0)>
module attributes {stable_mosaic.version = 14 : i64} {
  func.func @spmm(%arg0: i32, %arg1: i32, %arg2: memref<10000x128xf32, #tpu.memory_space<hbm>>, %arg3: memref<2560x128xi32, #tpu.memory_space<hbm>>, %arg4: memref<2560x128xi32, #tpu.memory_space<hbm>>, %arg5: memref<2560x128xf32, #tpu.memory_space<hbm>>, %arg6: memref<2x10240x128xf32, #tpu.memory_space<hbm>>, %arg7: memref<40x128xi32, #tpu.memory_space<vmem>>, %arg8: memref<40x128xi32, #tpu.memory_space<vmem>>, %arg9: memref<40x128xf32, #tpu.memory_space<vmem>>, %arg10: memref<128x128xf32, #tpu.memory_space<vmem>>, %arg11: memref<128x128xf32, #tpu.memory_space<vmem>>, %arg12: memref<10240x128xf32, #tpu.memory_space<vmem_shared>>, %arg13: memref<!tpu.dma_semaphore, #tpu.memory_space<semaphore_mem>>, %arg14: memref<!tpu.dma_semaphore, #tpu.memory_space<semaphore_mem>>, %arg15: memref<!tpu.dma_semaphore, #tpu.memory_space<semaphore_mem>>, %arg16: memref<!tpu.dma_semaphore, #tpu.memory_space<semaphore_mem>>) attributes {dimension_semantics = [#tpu.dimension_semantics<core_parallel>, #tpu.dimension_semantics<subcore_parallel>], iteration_bounds = array<i64: 2, 16>, scalar_prefetch = 0 : i64, scratch_operands = 10 : i64, tpu.core_type = #tpu.core_type<sc_vector_subcore>, window_params = [{transform_indices = #map}, {transform_indices = #map}, {transform_indices = #map}, {transform_indices = #map}, {transform_indices = #map1}]} {
    %mul3A = arith.constant 2 : i32
    %mul3A_0 = arith.muli %arg1, %mul3A : i32
    %add3A = arith.addi %mul3A_0, %arg0 : i32
    %broadcast_in_dim3A = arith.constant 0.000000e+00 : f32
    %broadcast_in_dim3A_1 = vector.broadcast %broadcast_in_dim3A : f32 to vector<16xf32>
    %scan3A = arith.constant 0 : i32
    %scan3A_2 = arith.constant 0 : i32
    %scan3A_3 = arith.constant 128 : i32
    %scan3A_4 = arith.addi %scan3A_2, %scan3A_3 : i32
    %scan3A_5 = arith.constant 1 : i32
    scf.for %scan3A_121 = %scan3A_2 to %scan3A_4 step %scan3A_5  : i32 {
      %swap3A = arith.index_cast %scan3A_121 : i32 to index
      %swap3A_122 = arith.constant 0 : index
      %swap3A_123 = tpu.vector_load %arg10[%swap3A, %swap3A_122] {strides = array<i32>} : memref<128x128xf32, #tpu.memory_space<vmem>>, vector<1x16xf32>,
      %swap3A_124 = vector.shape_cast %swap3A_123 : vector<1x16xf32> to vector<16xf32>
      %swap3A_125 = vector.shape_cast %broadcast_in_dim3A_1 : vector<16xf32> to vector<1x16xf32>
      tpu.vector_store %arg10[%swap3A, %swap3A_122], %swap3A_125 {strides = array<i32>} : memref<128x128xf32, #tpu.memory_space<vmem>>, vector<1x16xf32>,
      %swap3A_126 = arith.index_cast %scan3A_121 : i32 to index
      %swap3A_127 = arith.constant 16 : index
      %swap3A_128 = tpu.vector_load %arg10[%swap3A_126, %swap3A_127] {strides = array<i32>} : memref<128x128xf32, #tpu.memory_space<vmem>>, vector<1x16xf32>,
      %swap3A_129 = vector.shape_cast %swap3A_128 : vector<1x16xf32> to vector<16xf32>
      %swap3A_130 = vector.shape_cast %broadcast_in_dim3A_1 : vector<16xf32> to vector<1x16xf32>
      tpu.vector_store %arg10[%swap3A_126, %swap3A_127], %swap3A_130 {strides = array<i32>} : memref<128x128xf32, #tpu.memory_space<vmem>>, vector<1x16xf32>,
      %swap3A_131 = arith.index_cast %scan3A_121 : i32 to index
      %swap3A_132 = arith.constant 32 : index
      %swap3A_133 = tpu.vector_load %arg10[%swap3A_131, %swap3A_132] {strides = array<i32>} : memref<128x128xf32, #tpu.memory_space<vmem>>, vector<1x16xf32>,
      %swap3A_134 = vector.shape_cast %swap3A_133 : vector<1x16xf32> to vector<16xf32>
      %swap3A_135 = vector.shape_cast %broadcast_in_dim3A_1 : vector<16xf32> to vector<1x16xf32>
      tpu.vector_store %arg10[%swap3A_131, %swap3A_132], %swap3A_135 {strides = array<i32>} : memref<128x128xf32, #tpu.memory_space<vmem>>, vector<1x16xf32>,
      %swap3A_136 = arith.index_cast %scan3A_121 : i32 to index
      %swap3A_137 = arith.constant 48 : index
      %swap3A_138 = tpu.vector_load %arg10[%swap3A_136, %swap3A_137] {strides = array<i32>} : memref<128x128xf32, #tpu.memory_space<vmem>>, vector<1x16xf32>,
      %swap3A_139 = vector.shape_cast %swap3A_138 : vector<1x16xf32> to vector<16xf32>
      %swap3A_140 = vector.shape_cast %broadcast_in_dim3A_1 : vector<16xf32> to vector<1x16xf32>
      tpu.vector_store %arg10[%swap3A_136, %swap3A_137], %swap3A_140 {strides = array<i32>} : memref<128x128xf32, #tpu.memory_space<vmem>>, vector<1x16xf32>,
      %swap3A_141 = arith.index_cast %scan3A_121 : i32 to index
      %swap3A_142 = arith.constant 64 : index
      %swap3A_143 = tpu.vector_load %arg10[%swap3A_141, %swap3A_142] {strides = array<i32>} : memref<128x128xf32, #tpu.memory_space<vmem>>, vector<1x16xf32>,
      %swap3A_144 = vector.shape_cast %swap3A_143 : vector<1x16xf32> to vector<16xf32>
      %swap3A_145 = vector.shape_cast %broadcast_in_dim3A_1 : vector<16xf32> to vector<1x16xf32>
      tpu.vector_store %arg10[%swap3A_141, %swap3A_142], %swap3A_145 {strides = array<i32>} : memref<128x128xf32, #tpu.memory_space<vmem>>, vector<1x16xf32>,
      %swap3A_146 = arith.index_cast %scan3A_121 : i32 to index
      %swap3A_147 = arith.constant 80 : index
      %swap3A_148 = tpu.vector_load %arg10[%swap3A_146, %swap3A_147] {strides = array<i32>} : memref<128x128xf32, #tpu.memory_space<vmem>>, vector<1x16xf32>,
      %swap3A_149 = vector.shape_cast %swap3A_148 : vector<1x16xf32> to vector<16xf32>
      %swap3A_150 = vector.shape_cast %broadcast_in_dim3A_1 : vector<16xf32> to vector<1x16xf32>
      tpu.vector_store %arg10[%swap3A_146, %swap3A_147], %swap3A_150 {strides = array<i32>} : memref<128x128xf32, #tpu.memory_space<vmem>>, vector<1x16xf32>,
      %swap3A_151 = arith.index_cast %scan3A_121 : i32 to index
      %swap3A_152 = arith.constant 96 : index
      %swap3A_153 = tpu.vector_load %arg10[%swap3A_151, %swap3A_152] {strides = array<i32>} : memref<128x128xf32, #tpu.memory_space<vmem>>, vector<1x16xf32>,
      %swap3A_154 = vector.shape_cast %swap3A_153 : vector<1x16xf32> to vector<16xf32>
      %swap3A_155 = vector.shape_cast %broadcast_in_dim3A_1 : vector<16xf32> to vector<1x16xf32>
      tpu.vector_store %arg10[%swap3A_151, %swap3A_152], %swap3A_155 {strides = array<i32>} : memref<128x128xf32, #tpu.memory_space<vmem>>, vector<1x16xf32>,
      %swap3A_156 = arith.index_cast %scan3A_121 : i32 to index
      %swap3A_157 = arith.constant 112 : index
      %swap3A_158 = tpu.vector_load %arg10[%swap3A_156, %swap3A_157] {strides = array<i32>} : memref<128x128xf32, #tpu.memory_space<vmem>>, vector<1x16xf32>,
      %swap3A_159 = vector.shape_cast %swap3A_158 : vector<1x16xf32> to vector<16xf32>
      %swap3A_160 = vector.shape_cast %broadcast_in_dim3A_1 : vector<16xf32> to vector<1x16xf32>
      tpu.vector_store %arg10[%swap3A_156, %swap3A_157], %swap3A_160 {strides = array<i32>} : memref<128x128xf32, #tpu.memory_space<vmem>>, vector<1x16xf32>,
    }
    %scan3A_6 = arith.constant 128 : i32
    %mul3A_7 = arith.constant 640 : i32
    %mul3A_8 = arith.muli %arg1, %mul3A_7 : i32
    %add3A_9 = arith.constant 0 : i32
    %add3A_10 = arith.addi %mul3A_8, %add3A_9 : i32
    %dma_start3A = arith.constant 0 : i32
    %dma_start3A_11 = tpu.memref_slice %arg12[%add3A_10, %dma_start3A] : memref<10240x128xf32, #tpu.memory_space<vmem_shared>> -> memref<128x128xf32, #tpu.memory_space<vmem_shared>>
    %dma_start3A_12 = arith.constant 0 : i32
    %dma_start3A_13 = tpu.memref_slice %arg12[%add3A_10, %dma_start3A_12] : memref<10240x128xf32, #tpu.memory_space<vmem_shared>> -> memref<128x128xf32, #tpu.memory_space<vmem_shared>>
    tpu.enqueue_dma source(%arg10 : memref<128x128xf32, #tpu.memory_space<vmem>>) target(%dma_start3A_13 : memref<128x128xf32, #tpu.memory_space<vmem_shared>>) target_semaphore(%arg13 : memref<!tpu.dma_semaphore, #tpu.memory_space<semaphore_mem>>)
    %mul3A_14 = arith.constant 640 : i32
    %mul3A_15 = arith.muli %arg1, %mul3A_14 : i32
    %add3A_16 = arith.constant 128 : i32
    %add3A_17 = arith.addi %mul3A_15, %add3A_16 : i32
    %dma_start3A_18 = arith.constant 0 : i32
    %dma_start3A_19 = tpu.memref_slice %arg12[%add3A_17, %dma_start3A_18] : memref<10240x128xf32, #tpu.memory_space<vmem_shared>> -> memref<128x128xf32, #tpu.memory_space<vmem_shared>>
    %dma_start3A_20 = arith.constant 0 : i32
    %dma_start3A_21 = tpu.memref_slice %arg12[%add3A_17, %dma_start3A_20] : memref<10240x128xf32, #tpu.memory_space<vmem_shared>> -> memref<128x128xf32, #tpu.memory_space<vmem_shared>>
    tpu.enqueue_dma source(%arg10 : memref<128x128xf32, #tpu.memory_space<vmem>>) target(%dma_start3A_21 : memref<128x128xf32, #tpu.memory_space<vmem_shared>>) target_semaphore(%arg13 : memref<!tpu.dma_semaphore, #tpu.memory_space<semaphore_mem>>)
    %mul3A_22 = arith.constant 640 : i32
    %mul3A_23 = arith.muli %arg1, %mul3A_22 : i32
    %add3A_24 = arith.constant 256 : i32
    %add3A_25 = arith.addi %mul3A_23, %add3A_24 : i32
    %dma_start3A_26 = arith.constant 0 : i32
    %dma_start3A_27 = tpu.memref_slice %arg12[%add3A_25, %dma_start3A_26] : memref<10240x128xf32, #tpu.memory_space<vmem_shared>> -> memref<128x128xf32, #tpu.memory_space<vmem_shared>>
    %dma_start3A_28 = arith.constant 0 : i32
    %dma_start3A_29 = tpu.memref_slice %arg12[%add3A_25, %dma_start3A_28] : memref<10240x128xf32, #tpu.memory_space<vmem_shared>> -> memref<128x128xf32, #tpu.memory_space<vmem_shared>>
    tpu.enqueue_dma source(%arg10 : memref<128x128xf32, #tpu.memory_space<vmem>>) target(%dma_start3A_29 : memref<128x128xf32, #tpu.memory_space<vmem_shared>>) target_semaphore(%arg13 : memref<!tpu.dma_semaphore, #tpu.memory_space<semaphore_mem>>)
    %mul3A_30 = arith.constant 640 : i32
    %mul3A_31 = arith.muli %arg1, %mul3A_30 : i32
    %add3A_32 = arith.constant 384 : i32
    %add3A_33 = arith.addi %mul3A_31, %add3A_32 : i32
    %dma_start3A_34 = arith.constant 0 : i32
    %dma_start3A_35 = tpu.memref_slice %arg12[%add3A_33, %dma_start3A_34] : memref<10240x128xf32, #tpu.memory_space<vmem_shared>> -> memref<128x128xf32, #tpu.memory_space<vmem_shared>>
    %dma_start3A_36 = arith.constant 0 : i32
    %dma_start3A_37 = tpu.memref_slice %arg12[%add3A_33, %dma_start3A_36] : memref<10240x128xf32, #tpu.memory_space<vmem_shared>> -> memref<128x128xf32, #tpu.memory_space<vmem_shared>>
    tpu.enqueue_dma source(%arg10 : memref<128x128xf32, #tpu.memory_space<vmem>>) target(%dma_start3A_37 : memref<128x128xf32, #tpu.memory_space<vmem_shared>>) target_semaphore(%arg13 : memref<!tpu.dma_semaphore, #tpu.memory_space<semaphore_mem>>)
    %mul3A_38 = arith.constant 640 : i32
    %mul3A_39 = arith.muli %arg1, %mul3A_38 : i32
    %add3A_40 = arith.constant 512 : i32
    %add3A_41 = arith.addi %mul3A_39, %add3A_40 : i32
    %dma_start3A_42 = arith.constant 0 : i32
    %dma_start3A_43 = tpu.memref_slice %arg12[%add3A_41, %dma_start3A_42] : memref<10240x128xf32, #tpu.memory_space<vmem_shared>> -> memref<128x128xf32, #tpu.memory_space<vmem_shared>>
    %dma_start3A_44 = arith.constant 0 : i32
    %dma_start3A_45 = tpu.memref_slice %arg12[%add3A_41, %dma_start3A_44] : memref<10240x128xf32, #tpu.memory_space<vmem_shared>> -> memref<128x128xf32, #tpu.memory_space<vmem_shared>>
    tpu.enqueue_dma source(%arg10 : memref<128x128xf32, #tpu.memory_space<vmem>>) target(%dma_start3A_45 : memref<128x128xf32, #tpu.memory_space<vmem_shared>>) target_semaphore(%arg13 : memref<!tpu.dma_semaphore, #tpu.memory_space<semaphore_mem>>)
    %mul3A_46 = arith.constant 640 : i32
    %mul3A_47 = arith.muli %arg1, %mul3A_46 : i32
    %add3A_48 = arith.constant 0 : i32
    %add3A_49 = arith.addi %mul3A_47, %add3A_48 : i32
    %dma_wait3A = arith.constant 0 : i32
    %dma_wait3A_50 = tpu.memref_slice %arg12[%add3A_49, %dma_wait3A] : memref<10240x128xf32, #tpu.memory_space<vmem_shared>> -> memref<128x128xf32, #tpu.memory_space<vmem_shared>>
    %dma_wait3A_51 = arith.constant 0 : i32
    %dma_wait3A_52 = tpu.memref_slice %arg12[%add3A_49, %dma_wait3A_51] : memref<10240x128xf32, #tpu.memory_space<vmem_shared>> -> memref<128x128xf32, #tpu.memory_space<vmem_shared>>
    tpu.wait_dma2 semaphore(%arg13 : memref<!tpu.dma_semaphore, #tpu.memory_space<semaphore_mem>>) src(%arg10 : memref<128x128xf32, #tpu.memory_space<vmem>>) dst(%dma_wait3A_52 : memref<128x128xf32, #tpu.memory_space<vmem_shared>>)
    %mul3A_53 = arith.constant 640 : i32
    %mul3A_54 = arith.muli %arg1, %mul3A_53 : i32
    %add3A_55 = arith.constant 128 : i32
    %add3A_56 = arith.addi %mul3A_54, %add3A_55 : i32
    %dma_wait3A_57 = arith.constant 0 : i32
    %dma_wait3A_58 = tpu.memref_slice %arg12[%add3A_56, %dma_wait3A_57] : memref<10240x128xf32, #tpu.memory_space<vmem_shared>> -> memref<128x128xf32, #tpu.memory_space<vmem_shared>>
    %dma_wait3A_59 = arith.constant 0 : i32
    %dma_wait3A_60 = tpu.memref_slice %arg12[%add3A_56, %dma_wait3A_59] : memref<10240x128xf32, #tpu.memory_space<vmem_shared>> -> memref<128x128xf32, #tpu.memory_space<vmem_shared>>
    tpu.wait_dma2 semaphore(%arg13 : memref<!tpu.dma_semaphore, #tpu.memory_space<semaphore_mem>>) src(%arg10 : memref<128x128xf32, #tpu.memory_space<vmem>>) dst(%dma_wait3A_60 : memref<128x128xf32, #tpu.memory_space<vmem_shared>>)
    %mul3A_61 = arith.constant 640 : i32
    %mul3A_62 = arith.muli %arg1, %mul3A_61 : i32
    %add3A_63 = arith.constant 256 : i32
    %add3A_64 = arith.addi %mul3A_62, %add3A_63 : i32
    %dma_wait3A_65 = arith.constant 0 : i32
    %dma_wait3A_66 = tpu.memref_slice %arg12[%add3A_64, %dma_wait3A_65] : memref<10240x128xf32, #tpu.memory_space<vmem_shared>> -> memref<128x128xf32, #tpu.memory_space<vmem_shared>>
    %dma_wait3A_67 = arith.constant 0 : i32
    %dma_wait3A_68 = tpu.memref_slice %arg12[%add3A_64, %dma_wait3A_67] : memref<10240x128xf32, #tpu.memory_space<vmem_shared>> -> memref<128x128xf32, #tpu.memory_space<vmem_shared>>
    tpu.wait_dma2 semaphore(%arg13 : memref<!tpu.dma_semaphore, #tpu.memory_space<semaphore_mem>>) src(%arg10 : memref<128x128xf32, #tpu.memory_space<vmem>>) dst(%dma_wait3A_68 : memref<128x128xf32, #tpu.memory_space<vmem_shared>>)
    %mul3A_69 = arith.constant 640 : i32
    %mul3A_70 = arith.muli %arg1, %mul3A_69 : i32
    %add3A_71 = arith.constant 384 : i32
    %add3A_72 = arith.addi %mul3A_70, %add3A_71 : i32
    %dma_wait3A_73 = arith.constant 0 : i32
    %dma_wait3A_74 = tpu.memref_slice %arg12[%add3A_72, %dma_wait3A_73] : memref<10240x128xf32, #tpu.memory_space<vmem_shared>> -> memref<128x128xf32, #tpu.memory_space<vmem_shared>>
    %dma_wait3A_75 = arith.constant 0 : i32
    %dma_wait3A_76 = tpu.memref_slice %arg12[%add3A_72, %dma_wait3A_75] : memref<10240x128xf32, #tpu.memory_space<vmem_shared>> -> memref<128x128xf32, #tpu.memory_space<vmem_shared>>
    tpu.wait_dma2 semaphore(%arg13 : memref<!tpu.dma_semaphore, #tpu.memory_space<semaphore_mem>>) src(%arg10 : memref<128x128xf32, #tpu.memory_space<vmem>>) dst(%dma_wait3A_76 : memref<128x128xf32, #tpu.memory_space<vmem_shared>>)
    %mul3A_77 = arith.constant 640 : i32
    %mul3A_78 = arith.muli %arg1, %mul3A_77 : i32
    %add3A_79 = arith.constant 512 : i32
    %add3A_80 = arith.addi %mul3A_78, %add3A_79 : i32
    %dma_wait3A_81 = arith.constant 0 : i32
    %dma_wait3A_82 = tpu.memref_slice %arg12[%add3A_80, %dma_wait3A_81] : memref<10240x128xf32, #tpu.memory_space<vmem_shared>> -> memref<128x128xf32, #tpu.memory_space<vmem_shared>>
    %dma_wait3A_83 = arith.constant 0 : i32
    %dma_wait3A_84 = tpu.memref_slice %arg12[%add3A_80, %dma_wait3A_83] : memref<10240x128xf32, #tpu.memory_space<vmem_shared>> -> memref<128x128xf32, #tpu.memory_space<vmem_shared>>
    tpu.wait_dma2 semaphore(%arg13 : memref<!tpu.dma_semaphore, #tpu.memory_space<semaphore_mem>>) src(%arg10 : memref<128x128xf32, #tpu.memory_space<vmem>>) dst(%dma_wait3A_84 : memref<128x128xf32, #tpu.memory_space<vmem_shared>>)
    %barrier3A = arith.constant 0 : index
    tpu.barrier barrier_id(%barrier3A)
    %mul3A_85 = arith.constant 80 : i32
    %mul3A_86 = arith.muli %add3A, %mul3A_85 : i32
    %add3A_87 = arith.constant 0 : i32
    %add3A_88 = arith.addi %mul3A_86, %add3A_87 : i32
    "tpu.region"() ({
      %run_scoped3A = tpu.sem_alloc : memref<!tpu.dma_semaphore, #tpu.memory_space<semaphore_mem>>
      %dma_start3A_121 = arith.constant 0 : i32
      %dma_start3A_122 = tpu.memref_slice %arg3[%add3A_88, %dma_start3A_121] : memref<2560x128xi32, #tpu.memory_space<hbm>> -> memref<40x128xi32, #tpu.memory_space<hbm>>
      %dma_start3A_123 = arith.constant 0 : i32
      %dma_start3A_124 = tpu.memref_slice %arg3[%add3A_88, %dma_start3A_123] : memref<2560x128xi32, #tpu.memory_space<hbm>> -> memref<40x128xi32, #tpu.memory_space<hbm>>
      tpu.enqueue_dma source(%dma_start3A_124 : memref<40x128xi32, #tpu.memory_space<hbm>>) target(%arg7 : memref<40x128xi32, #tpu.memory_space<vmem>>) target_semaphore(%run_scoped3A : memref<!tpu.dma_semaphore, #tpu.memory_space<semaphore_mem>>)
      %dma_wait3A_125 = arith.constant 0 : i32
      %dma_wait3A_126 = tpu.memref_slice %arg3[%add3A_88, %dma_wait3A_125] : memref<2560x128xi32, #tpu.memory_space<hbm>> -> memref<40x128xi32, #tpu.memory_space<hbm>>
      %dma_wait3A_127 = arith.constant 0 : i32
      %dma_wait3A_128 = tpu.memref_slice %arg3[%add3A_88, %dma_wait3A_127] : memref<2560x128xi32, #tpu.memory_space<hbm>> -> memref<40x128xi32, #tpu.memory_space<hbm>>
      tpu.wait_dma2 semaphore(%run_scoped3A : memref<!tpu.dma_semaphore, #tpu.memory_space<semaphore_mem>>) src(%dma_wait3A_128 : memref<40x128xi32, #tpu.memory_space<hbm>>) dst(%arg7 : memref<40x128xi32, #tpu.memory_space<vmem>>)
      tpu.yield
    }) : () -> ()
    "tpu.region"() ({
      %run_scoped3A = tpu.sem_alloc : memref<!tpu.dma_semaphore, #tpu.memory_space<semaphore_mem>>
      %dma_start3A_121 = arith.constant 0 : i32
      %dma_start3A_122 = tpu.memref_slice %arg4[%add3A_88, %dma_start3A_121] : memref<2560x128xi32, #tpu.memory_space<hbm>> -> memref<40x128xi32, #tpu.memory_space<hbm>>
      %dma_start3A_123 = arith.constant 0 : i32
      %dma_start3A_124 = tpu.memref_slice %arg4[%add3A_88, %dma_start3A_123] : memref<2560x128xi32, #tpu.memory_space<hbm>> -> memref<40x128xi32, #tpu.memory_space<hbm>>
      tpu.enqueue_dma source(%dma_start3A_124 : memref<40x128xi32, #tpu.memory_space<hbm>>) target(%arg8 : memref<40x128xi32, #tpu.memory_space<vmem>>) target_semaphore(%run_scoped3A : memref<!tpu.dma_semaphore, #tpu.memory_space<semaphore_mem>>)
      %dma_wait3A_125 = arith.constant 0 : i32
      %dma_wait3A_126 = tpu.memref_slice %arg4[%add3A_88, %dma_wait3A_125] : memref<2560x128xi32, #tpu.memory_space<hbm>> -> memref<40x128xi32, #tpu.memory_space<hbm>>
      %dma_wait3A_127 = arith.constant 0 : i32
      %dma_wait3A_128 = tpu.memref_slice %arg4[%add3A_88, %dma_wait3A_127] : memref<2560x128xi32, #tpu.memory_space<hbm>> -> memref<40x128xi32, #tpu.memory_space<hbm>>
      tpu.wait_dma2 semaphore(%run_scoped3A : memref<!tpu.dma_semaphore, #tpu.memory_space<semaphore_mem>>) src(%dma_wait3A_128 : memref<40x128xi32, #tpu.memory_space<hbm>>) dst(%arg8 : memref<40x128xi32, #tpu.memory_space<vmem>>)
      tpu.yield
    }) : () -> ()
    "tpu.region"() ({
      %run_scoped3A = tpu.sem_alloc : memref<!tpu.dma_semaphore, #tpu.memory_space<semaphore_mem>>
      %dma_start3A_121 = arith.constant 0 : i32
      %dma_start3A_122 = tpu.memref_slice %arg5[%add3A_88, %dma_start3A_121] : memref<2560x128xf32, #tpu.memory_space<hbm>> -> memref<40x128xf32, #tpu.memory_space<hbm>>
      %dma_start3A_123 = arith.constant 0 : i32
      %dma_start3A_124 = tpu.memref_slice %arg5[%add3A_88, %dma_start3A_123] : memref<2560x128xf32, #tpu.memory_space<hbm>> -> memref<40x128xf32, #tpu.memory_space<hbm>>
      tpu.enqueue_dma source(%dma_start3A_124 : memref<40x128xf32, #tpu.memory_space<hbm>>) target(%arg9 : memref<40x128xf32, #tpu.memory_space<vmem>>) target_semaphore(%run_scoped3A : memref<!tpu.dma_semaphore, #tpu.memory_space<semaphore_mem>>)
      %dma_wait3A_125 = arith.constant 0 : i32
      %dma_wait3A_126 = tpu.memref_slice %arg5[%add3A_88, %dma_wait3A_125] : memref<2560x128xf32, #tpu.memory_space<hbm>> -> memref<40x128xf32, #tpu.memory_space<hbm>>
      %dma_wait3A_127 = arith.constant 0 : i32
      %dma_wait3A_128 = tpu.memref_slice %arg5[%add3A_88, %dma_wait3A_127] : memref<2560x128xf32, #tpu.memory_space<hbm>> -> memref<40x128xf32, #tpu.memory_space<hbm>>
      tpu.wait_dma2 semaphore(%run_scoped3A : memref<!tpu.dma_semaphore, #tpu.memory_space<semaphore_mem>>) src(%dma_wait3A_128 : memref<40x128xf32, #tpu.memory_space<hbm>>) dst(%arg9 : memref<40x128xf32, #tpu.memory_space<vmem>>)
      tpu.yield
    }) : () -> ()
    %dma_start3A_89 = arith.constant 0 : i32
    %dma_start3A_90 = arith.constant 0 : i32
    %dma_start3A_91 = tpu.memref_slice %arg7[%dma_start3A_89, %dma_start3A_90] : memref<40x128xi32, #tpu.memory_space<vmem>> -> memref<1x128xi32, #tpu.memory_space<vmem>>
    %dma_start3A_92 = tpu.memref_squeeze %dma_start3A_91 : memref<1x128xi32, #tpu.memory_space<vmem>> -> memref<128xi32, #tpu.memory_space<vmem>>
    %dma_start3A_93 = arith.constant 0 : i32
    %dma_start3A_94 = arith.constant 0 : i32
    %dma_start3A_95 = tpu.memref_slice %arg2[%dma_start3A_93, %dma_start3A_94] : memref<10000x128xf32, #tpu.memory_space<hbm>> -> memref<10000x128xf32, #tpu.memory_space<hbm>>
    tpu.enqueue_indirect_dma source(%dma_start3A_95 : memref<10000x128xf32, #tpu.memory_space<hbm>>) target(%arg10 : memref<128x128xf32, #tpu.memory_space<vmem>>) offsets(%dma_start3A_92 : memref<128xi32, #tpu.memory_space<vmem>>) semaphore(%arg13 : memref<!tpu.dma_semaphore, #tpu.memory_space<semaphore_mem>>)
    %scan3A_96 = arith.constant 0 : i32
    %scan3A_97 = arith.constant 0 : i32
    %scan3A_98 = arith.constant 40 : i32
    %scan3A_99 = arith.addi %scan3A_97, %scan3A_98 : i32
    %scan3A_100 = arith.constant 1 : i32
    scf.for %scan3A_121 = %scan3A_97 to %scan3A_99 step %scan3A_100  : i32 {
      %mul3A_122 = arith.constant 2 : i32
      %mul3A_123 = arith.muli %scan3A_121, %mul3A_122 : i32
      %add3A_124 = arith.constant 0 : i32
      %add3A_125 = arith.addi %mul3A_123, %add3A_124 : i32
      %rem3A = arith.constant 40 : i32
      %rem3A_126 = arith.remsi %add3A_125, %rem3A : i32
      %eq3A = arith.constant 0 : i32
      %eq3A_127 = arith.cmpi eq, %rem3A_126, %eq3A : i32
      %gt3A = arith.constant 0 : i32
      %gt3A_128 = arith.cmpi sgt, %add3A_125, %gt3A : i32
      %and3A = arith.andi %eq3A_127, %gt3A_128 : i1
      %convert_element_type3A = arith.extui %and3A : i1 to i32
      %cond3A = arith.constant 0 : i32
      %cond3A_129 = arith.cmpi ne, %convert_element_type3A, %cond3A : i32
      scf.if %cond3A_129 {
        %dma_wait3A_198 = arith.constant 0 : i32
        %dma_wait3A_199 = arith.constant 0 : i32
        %dma_wait3A_200 = tpu.memref_slice %arg8[%dma_wait3A_198, %dma_wait3A_199] : memref<40x128xi32, #tpu.memory_space<vmem>> -> memref<1x128xi32, #tpu.memory_space<vmem>>
        %dma_wait3A_201 = tpu.memref_squeeze %dma_wait3A_200 : memref<1x128xi32, #tpu.memory_space<vmem>> -> memref<128xi32, #tpu.memory_space<vmem>>
        %dma_wait3A_202 = arith.constant 0 : i32
        %dma_wait3A_203 = arith.constant 0 : i32
        %dma_wait3A_204 = tpu.memref_slice %arg12[%dma_wait3A_202, %dma_wait3A_203] : memref<10240x128xf32, #tpu.memory_space<vmem_shared>> -> memref<10240x128xf32, #tpu.memory_space<vmem_shared>>
        tpu.wait_indirect_dma semaphore(%arg16 : memref<!tpu.dma_semaphore, #tpu.memory_space<semaphore_mem>>) src(%arg11 : memref<128x128xf32, #tpu.memory_space<vmem>>) dst(%dma_wait3A_204 : memref<10240x128xf32, #tpu.memory_space<vmem_shared>>)
        %dma_wait3A_205 = arith.constant 0 : i32
        %dma_wait3A_206 = arith.constant 0 : i32
        %dma_wait3A_207 = tpu.memref_slice %arg8[%dma_wait3A_205, %dma_wait3A_206] : memref<40x128xi32, #tpu.memory_space<vmem>> -> memref<1x128xi32, #tpu.memory_space<vmem>>
        %dma_wait3A_208 = tpu.memref_squeeze %dma_wait3A_207 : memref<1x128xi32, #tpu.memory_space<vmem>> -> memref<128xi32, #tpu.memory_space<vmem>>
        %dma_wait3A_209 = arith.constant 0 : i32
        %dma_wait3A_210 = arith.constant 0 : i32
        %dma_wait3A_211 = tpu.memref_slice %arg12[%dma_wait3A_209, %dma_wait3A_210] : memref<10240x128xf32, #tpu.memory_space<vmem_shared>> -> memref<10240x128xf32, #tpu.memory_space<vmem_shared>>
        tpu.wait_indirect_dma semaphore(%arg15 : memref<!tpu.dma_semaphore, #tpu.memory_space<semaphore_mem>>) src(%arg10 : memref<128x128xf32, #tpu.memory_space<vmem>>) dst(%dma_wait3A_211 : memref<10240x128xf32, #tpu.memory_space<vmem_shared>>)
        %jit3A = arith.constant 40 : i32
        %div3A = arith.divsi %add3A_125, %jit3A : i32
        %sign3A = arith.constant 0 : i32
        %sign3A_212 = arith.cmpi sgt, %add3A_125, %sign3A : i32
        %sign3A_213 = arith.extui %sign3A_212 : i1 to i32
        %sign3A_214 = arith.constant 0 : i32
        %sign3A_215 = arith.cmpi slt, %add3A_125, %sign3A_214 : i32
        %sign3A_216 = arith.extui %sign3A_215 : i1 to i32
        %sign3A_217 = arith.subi %sign3A_213, %sign3A_216 : i32
        %sign3A_218 = arith.constant 0 : i32
        %sign3A_219 = arith.cmpi sgt, %jit3A, %sign3A_218 : i32
        %sign3A_220 = arith.extui %sign3A_219 : i1 to i32
        %sign3A_221 = arith.constant 0 : i32
        %sign3A_222 = arith.cmpi slt, %jit3A, %sign3A_221 : i32
        %sign3A_223 = arith.extui %sign3A_222 : i1 to i32
        %sign3A_224 = arith.subi %sign3A_220, %sign3A_223 : i32
        %ne3A_225 = arith.cmpi ne, %sign3A_217, %sign3A_224 : i32
        %rem3A_226 = arith.remsi %add3A_125, %jit3A : i32
        %ne3A_227 = arith.constant 0 : i32
        %ne3A_228 = arith.cmpi ne, %rem3A_226, %ne3A_227 : i32
        %and3A_229 = arith.andi %ne3A_225, %ne3A_228 : i1
        %sub3A = arith.constant 1 : i32
        %sub3A_230 = arith.subi %div3A, %sub3A : i32
        %select_n3A = arith.select %and3A_229, %sub3A_230, %div3A : i32
        %mul3A_231 = arith.constant 80 : i32
        %mul3A_232 = arith.muli %add3A, %mul3A_231 : i32
        %mul3A_233 = arith.constant 40 : i32
        %mul3A_234 = arith.muli %select_n3A, %mul3A_233 : i32
        %add3A_235 = arith.addi %mul3A_232, %mul3A_234 : i32
        "tpu.region"() ({
          %run_scoped3A = tpu.sem_alloc : memref<!tpu.dma_semaphore, #tpu.memory_space<semaphore_mem>>
          %dma_start3A_243 = arith.constant 0 : i32
          %dma_start3A_244 = tpu.memref_slice %arg3[%add3A_235, %dma_start3A_243] : memref<2560x128xi32, #tpu.memory_space<hbm>> -> memref<40x128xi32, #tpu.memory_space<hbm>>
          %dma_start3A_245 = arith.constant 0 : i32
          %dma_start3A_246 = tpu.memref_slice %arg3[%add3A_235, %dma_start3A_245] : memref<2560x128xi32, #tpu.memory_space<hbm>> -> memref<40x128xi32, #tpu.memory_space<hbm>>
          tpu.enqueue_dma source(%dma_start3A_246 : memref<40x128xi32, #tpu.memory_space<hbm>>) target(%arg7 : memref<40x128xi32, #tpu.memory_space<vmem>>) target_semaphore(%run_scoped3A : memref<!tpu.dma_semaphore, #tpu.memory_space<semaphore_mem>>)
          %dma_wait3A_247 = arith.constant 0 : i32
          %dma_wait3A_248 = tpu.memref_slice %arg3[%add3A_235, %dma_wait3A_247] : memref<2560x128xi32, #tpu.memory_space<hbm>> -> memref<40x128xi32, #tpu.memory_space<hbm>>
          %dma_wait3A_249 = arith.constant 0 : i32
          %dma_wait3A_250 = tpu.memref_slice %arg3[%add3A_235, %dma_wait3A_249] : memref<2560x128xi32, #tpu.memory_space<hbm>> -> memref<40x128xi32, #tpu.memory_space<hbm>>
          tpu.wait_dma2 semaphore(%run_scoped3A : memref<!tpu.dma_semaphore, #tpu.memory_space<semaphore_mem>>) src(%dma_wait3A_250 : memref<40x128xi32, #tpu.memory_space<hbm>>) dst(%arg7 : memref<40x128xi32, #tpu.memory_space<vmem>>)
          tpu.yield
        }) : () -> ()
        "tpu.region"() ({
          %run_scoped3A = tpu.sem_alloc : memref<!tpu.dma_semaphore, #tpu.memory_space<semaphore_mem>>
          %dma_start3A_243 = arith.constant 0 : i32
          %dma_start3A_244 = tpu.memref_slice %arg4[%add3A_235, %dma_start3A_243] : memref<2560x128xi32, #tpu.memory_space<hbm>> -> memref<40x128xi32, #tpu.memory_space<hbm>>
          %dma_start3A_245 = arith.constant 0 : i32
          %dma_start3A_246 = tpu.memref_slice %arg4[%add3A_235, %dma_start3A_245] : memref<2560x128xi32, #tpu.memory_space<hbm>> -> memref<40x128xi32, #tpu.memory_space<hbm>>
          tpu.enqueue_dma source(%dma_start3A_246 : memref<40x128xi32, #tpu.memory_space<hbm>>) target(%arg8 : memref<40x128xi32, #tpu.memory_space<vmem>>) target_semaphore(%run_scoped3A : memref<!tpu.dma_semaphore, #tpu.memory_space<semaphore_mem>>)
          %dma_wait3A_247 = arith.constant 0 : i32
          %dma_wait3A_248 = tpu.memref_slice %arg4[%add3A_235, %dma_wait3A_247] : memref<2560x128xi32, #tpu.memory_space<hbm>> -> memref<40x128xi32, #tpu.memory_space<hbm>>
          %dma_wait3A_249 = arith.constant 0 : i32
          %dma_wait3A_250 = tpu.memref_slice %arg4[%add3A_235, %dma_wait3A_249] : memref<2560x128xi32, #tpu.memory_space<hbm>> -> memref<40x128xi32, #tpu.memory_space<hbm>>
          tpu.wait_dma2 semaphore(%run_scoped3A : memref<!tpu.dma_semaphore, #tpu.memory_space<semaphore_mem>>) src(%dma_wait3A_250 : memref<40x128xi32, #tpu.memory_space<hbm>>) dst(%arg8 : memref<40x128xi32, #tpu.memory_space<vmem>>)
          tpu.yield
        }) : () -> ()
        "tpu.region"() ({
          %run_scoped3A = tpu.sem_alloc : memref<!tpu.dma_semaphore, #tpu.memory_space<semaphore_mem>>
          %dma_start3A_243 = arith.constant 0 : i32
          %dma_start3A_244 = tpu.memref_slice %arg5[%add3A_235, %dma_start3A_243] : memref<2560x128xf32, #tpu.memory_space<hbm>> -> memref<40x128xf32, #tpu.memory_space<hbm>>
          %dma_start3A_245 = arith.constant 0 : i32
          %dma_start3A_246 = tpu.memref_slice %arg5[%add3A_235, %dma_start3A_245] : memref<2560x128xf32, #tpu.memory_space<hbm>> -> memref<40x128xf32, #tpu.memory_space<hbm>>
          tpu.enqueue_dma source(%dma_start3A_246 : memref<40x128xf32, #tpu.memory_space<hbm>>) target(%arg9 : memref<40x128xf32, #tpu.memory_space<vmem>>) target_semaphore(%run_scoped3A : memref<!tpu.dma_semaphore, #tpu.memory_space<semaphore_mem>>)
          %dma_wait3A_247 = arith.constant 0 : i32
          %dma_wait3A_248 = tpu.memref_slice %arg5[%add3A_235, %dma_wait3A_247] : memref<2560x128xf32, #tpu.memory_space<hbm>> -> memref<40x128xf32, #tpu.memory_space<hbm>>
          %dma_wait3A_249 = arith.constant 0 : i32
          %dma_wait3A_250 = tpu.memref_slice %arg5[%add3A_235, %dma_wait3A_249] : memref<2560x128xf32, #tpu.memory_space<hbm>> -> memref<40x128xf32, #tpu.memory_space<hbm>>
          tpu.wait_dma2 semaphore(%run_scoped3A : memref<!tpu.dma_semaphore, #tpu.memory_space<semaphore_mem>>) src(%dma_wait3A_250 : memref<40x128xf32, #tpu.memory_space<hbm>>) dst(%arg9 : memref<40x128xf32, #tpu.memory_space<vmem>>)
          tpu.yield
        }) : () -> ()
        %dma_start3A_236 = arith.constant 0 : i32
        %dma_start3A_237 = arith.constant 0 : i32
        %dma_start3A_238 = tpu.memref_slice %arg7[%dma_start3A_236, %dma_start3A_237] : memref<40x128xi32, #tpu.memory_space<vmem>> -> memref<1x128xi32, #tpu.memory_space<vmem>>
        %dma_start3A_239 = tpu.memref_squeeze %dma_start3A_238 : memref<1x128xi32, #tpu.memory_space<vmem>> -> memref<128xi32, #tpu.memory_space<vmem>>
        %dma_start3A_240 = arith.constant 0 : i32
        %dma_start3A_241 = arith.constant 0 : i32
        %dma_start3A_242 = tpu.memref_slice %arg2[%dma_start3A_240, %dma_start3A_241] : memref<10000x128xf32, #tpu.memory_space<hbm>> -> memref<10000x128xf32, #tpu.memory_space<hbm>>
        tpu.enqueue_indirect_dma source(%dma_start3A_242 : memref<10000x128xf32, #tpu.memory_space<hbm>>) target(%arg10 : memref<128x128xf32, #tpu.memory_space<vmem>>) offsets(%dma_start3A_239 : memref<128xi32, #tpu.memory_space<vmem>>) semaphore(%arg13 : memref<!tpu.dma_semaphore, #tpu.memory_space<semaphore_mem>>)
      } else {
      }
      %dma_wait3A_130 = arith.constant 0 : i32
      %dma_wait3A_131 = tpu.memref_slice %arg7[%rem3A_126, %dma_wait3A_130] : memref<40x128xi32, #tpu.memory_space<vmem>> -> memref<1x128xi32, #tpu.memory_space<vmem>>
      %dma_wait3A_132 = tpu.memref_squeeze %dma_wait3A_131 : memref<1x128xi32, #tpu.memory_space<vmem>> -> memref<128xi32, #tpu.memory_space<vmem>>
      %dma_wait3A_133 = arith.constant 0 : i32
      %dma_wait3A_134 = arith.constant 0 : i32
      %dma_wait3A_135 = tpu.memref_slice %arg2[%dma_wait3A_133, %dma_wait3A_134] : memref<10000x128xf32, #tpu.memory_space<hbm>> -> memref<10000x128xf32, #tpu.memory_space<hbm>>
      tpu.wait_indirect_dma semaphore(%arg13 : memref<!tpu.dma_semaphore, #tpu.memory_space<semaphore_mem>>) src(%dma_wait3A_135 : memref<10000x128xf32, #tpu.memory_space<hbm>>) dst(%arg10 : memref<128x128xf32, #tpu.memory_space<vmem>>)
      %add3A_136 = arith.constant 1 : i32
      %add3A_137 = arith.addi %add3A_125, %add3A_136 : i32
      %lt3A = arith.constant 80 : i32
      %lt3A_138 = arith.cmpi slt, %add3A_137, %lt3A : i32
      %add3A_139 = arith.constant 1 : i32
      %add3A_140 = arith.addi %add3A_125, %add3A_139 : i32
      %rem3A_141 = arith.constant 40 : i32
      %rem3A_142 = arith.remsi %add3A_140, %rem3A_141 : i32
      %ne3A = arith.constant 0 : i32
      %ne3A_143 = arith.cmpi ne, %rem3A_142, %ne3A : i32
      %and3A_144 = arith.andi %lt3A_138, %ne3A_143 : i1
      %convert_element_type3A_145 = arith.extui %and3A_144 : i1 to i32
      %cond3A_146 = arith.constant 0 : i32
      %cond3A_147 = arith.cmpi ne, %convert_element_type3A_145, %cond3A_146 : i32
      scf.if %cond3A_147 {
        %ge3A = arith.constant 1 : i32
        %ge3A_198 = arith.cmpi sge, %rem3A_126, %ge3A : i32
        %convert_element_type3A_199 = arith.extui %ge3A_198 : i1 to i32
        %cond3A_200 = arith.constant 0 : i32
        %cond3A_201 = arith.cmpi ne, %convert_element_type3A_199, %cond3A_200 : i32
        scf.if %cond3A_201 {
          %dma_wait3A_210 = arith.constant 0 : i32
          %dma_wait3A_211 = tpu.memref_slice %arg8[%rem3A_126, %dma_wait3A_210] : memref<40x128xi32, #tpu.memory_space<vmem>> -> memref<1x128xi32, #tpu.memory_space<vmem>>
          %dma_wait3A_212 = tpu.memref_squeeze %dma_wait3A_211 : memref<1x128xi32, #tpu.memory_space<vmem>> -> memref<128xi32, #tpu.memory_space<vmem>>
          %dma_wait3A_213 = arith.constant 0 : i32
          %dma_wait3A_214 = arith.constant 0 : i32
          %dma_wait3A_215 = tpu.memref_slice %arg12[%dma_wait3A_213, %dma_wait3A_214] : memref<10240x128xf32, #tpu.memory_space<vmem_shared>> -> memref<10240x128xf32, #tpu.memory_space<vmem_shared>>
          tpu.wait_indirect_dma semaphore(%arg16 : memref<!tpu.dma_semaphore, #tpu.memory_space<semaphore_mem>>) src(%arg11 : memref<128x128xf32, #tpu.memory_space<vmem>>) dst(%dma_wait3A_215 : memref<10240x128xf32, #tpu.memory_space<vmem_shared>>)
        } else {
        }
        %add3A_202 = arith.constant 1 : i32
        %add3A_203 = arith.addi %rem3A_126, %add3A_202 : i32
        %dma_start3A_204 = arith.constant 0 : i32
        %dma_start3A_205 = tpu.memref_slice %arg7[%add3A_203, %dma_start3A_204] : memref<40x128xi32, #tpu.memory_space<vmem>> -> memref<1x128xi32, #tpu.memory_space<vmem>>
        %dma_start3A_206 = tpu.memref_squeeze %dma_start3A_205 : memref<1x128xi32, #tpu.memory_space<vmem>> -> memref<128xi32, #tpu.memory_space<vmem>>
        %dma_start3A_207 = arith.constant 0 : i32
        %dma_start3A_208 = arith.constant 0 : i32
        %dma_start3A_209 = tpu.memref_slice %arg2[%dma_start3A_207, %dma_start3A_208] : memref<10000x128xf32, #tpu.memory_space<hbm>> -> memref<10000x128xf32, #tpu.memory_space<hbm>>
        tpu.enqueue_indirect_dma source(%dma_start3A_209 : memref<10000x128xf32, #tpu.memory_space<hbm>>) target(%arg11 : memref<128x128xf32, #tpu.memory_space<vmem>>) offsets(%dma_start3A_206 : memref<128xi32, #tpu.memory_space<vmem>>) semaphore(%arg14 : memref<!tpu.dma_semaphore, #tpu.memory_space<semaphore_mem>>)
      } else {
      }
      %scan3A_148 = arith.constant 0 : i32
      %scan3A_149 = arith.constant 0 : i32
      %scan3A_150 = arith.constant 8 : i32
      %scan3A_151 = arith.addi %scan3A_149, %scan3A_150 : i32
      %scan3A_152 = arith.constant 1 : i32
      scf.for %scan3A_198 = %scan3A_149 to %scan3A_151 step %scan3A_152  : i32 {
        %mul3A_199 = arith.constant 16 : i32
        %mul3A_200 = arith.muli %scan3A_198, %mul3A_199 : i32
        %get3A = arith.index_cast %rem3A_126 : i32 to index
        %get3A_201 = arith.index_cast %mul3A_200 : i32 to index
        %get3A_202 = tpu.vector_load %arg9[%get3A, %get3A_201] {strides = array<i32>} : memref<40x128xf32, #tpu.memory_space<vmem>>, vector<1x16xf32>,
        %get3A_203 = vector.shape_cast %get3A_202 : vector<1x16xf32> to vector<16xf32>
        %slice3A = vector.extract_strided_slice %get3A_203 {offsets = [0], sizes = [1], strides = [1]} : vector<16xf32> to vector<1xf32>
        %squeeze3A = vector.extract %slice3A[0] : f32 from vector<1xf32>
        %broadcast_in_dim3A_204 = vector.broadcast %squeeze3A : f32 to vector<16xf32>
        %mul3A_205 = arith.constant 16 : i32
        %mul3A_206 = arith.muli %scan3A_198, %mul3A_205 : i32
        %add3A_207 = arith.constant 0 : i32
        %add3A_208 = arith.addi %mul3A_206, %add3A_207 : i32
        %get3A_209 = arith.index_cast %add3A_208 : i32 to index
        %get3A_210 = arith.constant 0 : index
        %get3A_211 = tpu.vector_load %arg10[%get3A_209, %get3A_210] {strides = array<i32>} : memref<128x128xf32, #tpu.memory_space<vmem>>, vector<1x16xf32>,
        %get3A_212 = vector.shape_cast %get3A_211 : vector<1x16xf32> to vector<16xf32>
        %mul3A_213 = arith.mulf %get3A_212, %broadcast_in_dim3A_204 : vector<16xf32>
        %swap3A = arith.index_cast %add3A_208 : i32 to index
        %swap3A_214 = arith.constant 0 : index
        %swap3A_215 = tpu.vector_load %arg10[%swap3A, %swap3A_214] {strides = array<i32>} : memref<128x128xf32, #tpu.memory_space<vmem>>, vector<1x16xf32>,
        %swap3A_216 = vector.shape_cast %swap3A_215 : vector<1x16xf32> to vector<16xf32>
        %swap3A_217 = vector.shape_cast %mul3A_213 : vector<16xf32> to vector<1x16xf32>
        tpu.vector_store %arg10[%swap3A, %swap3A_214], %swap3A_217 {strides = array<i32>} : memref<128x128xf32, #tpu.memory_space<vmem>>, vector<1x16xf32>,
        %get3A_218 = arith.index_cast %add3A_208 : i32 to index
        %get3A_219 = arith.constant 16 : index
        %get3A_220 = tpu.vector_load %arg10[%get3A_218, %get3A_219] {strides = array<i32>} : memref<128x128xf32, #tpu.memory_space<vmem>>, vector<1x16xf32>,
        %get3A_221 = vector.shape_cast %get3A_220 : vector<1x16xf32> to vector<16xf32>
        %mul3A_222 = arith.mulf %get3A_221, %broadcast_in_dim3A_204 : vector<16xf32>
        %swap3A_223 = arith.index_cast %add3A_208 : i32 to index
        %swap3A_224 = arith.constant 16 : index
        %swap3A_225 = tpu.vector_load %arg10[%swap3A_223, %swap3A_224] {strides = array<i32>} : memref<128x128xf32, #tpu.memory_space<vmem>>, vector<1x16xf32>,
        %swap3A_226 = vector.shape_cast %swap3A_225 : vector<1x16xf32> to vector<16xf32>
        %swap3A_227 = vector.shape_cast %mul3A_222 : vector<16xf32> to vector<1x16xf32>
        tpu.vector_store %arg10[%swap3A_223, %swap3A_224], %swap3A_227 {strides = array<i32>} : memref<128x128xf32, #tpu.memory_space<vmem>>, vector<1x16xf32>,
        %get3A_228 = arith.index_cast %add3A_208 : i32 to index
        %get3A_229 = arith.constant 32 : index
        %get3A_230 = tpu.vector_load %arg10[%get3A_228, %get3A_229] {strides = array<i32>} : memref<128x128xf32, #tpu.memory_space<vmem>>, vector<1x16xf32>,
        %get3A_231 = vector.shape_cast %get3A_230 : vector<1x16xf32> to vector<16xf32>
        %mul3A_232 = arith.mulf %get3A_231, %broadcast_in_dim3A_204 : vector<16xf32>
        %swap3A_233 = arith.index_cast %add3A_208 : i32 to index
        %swap3A_234 = arith.constant 32 : index
        %swap3A_235 = tpu.vector_load %arg10[%swap3A_233, %swap3A_234] {strides = array<i32>} : memref<128x128xf32, #tpu.memory_space<vmem>>, vector<1x16xf32>,
        %swap3A_236 = vector.shape_cast %swap3A_235 : vector<1x16xf32> to vector<16xf32>
        %swap3A_237 = vector.shape_cast %mul3A_232 : vector<16xf32> to vector<1x16xf32>
        tpu.vector_store %arg10[%swap3A_233, %swap3A_234], %swap3A_237 {strides = array<i32>} : memref<128x128xf32, #tpu.memory_space<vmem>>, vector<1x16xf32>,
        %get3A_238 = arith.index_cast %add3A_208 : i32 to index
        %get3A_239 = arith.constant 48 : index
        %get3A_240 = tpu.vector_load %arg10[%get3A_238, %get3A_239] {strides = array<i32>} : memref<128x128xf32, #tpu.memory_space<vmem>>, vector<1x16xf32>,
        %get3A_241 = vector.shape_cast %get3A_240 : vector<1x16xf32> to vector<16xf32>
        %mul3A_242 = arith.mulf %get3A_241, %broadcast_in_dim3A_204 : vector<16xf32>
        %swap3A_243 = arith.index_cast %add3A_208 : i32 to index
        %swap3A_244 = arith.constant 48 : index
        %swap3A_245 = tpu.vector_load %arg10[%swap3A_243, %swap3A_244] {strides = array<i32>} : memref<128x128xf32, #tpu.memory_space<vmem>>, vector<1x16xf32>,
        %swap3A_246 = vector.shape_cast %swap3A_245 : vector<1x16xf32> to vector<16xf32>
        %swap3A_247 = vector.shape_cast %mul3A_242 : vector<16xf32> to vector<1x16xf32>
        tpu.vector_store %arg10[%swap3A_243, %swap3A_244], %swap3A_247 {strides = array<i32>} : memref<128x128xf32, #tpu.memory_space<vmem>>, vector<1x16xf32>,
        %get3A_248 = arith.index_cast %add3A_208 : i32 to index
        %get3A_249 = arith.constant 64 : index
        %get3A_250 = tpu.vector_load %arg10[%get3A_248, %get3A_249] {strides = array<i32>} : memref<128x128xf32, #tpu.memory_space<vmem>>, vector<1x16xf32>,
        %get3A_251 = vector.shape_cast %get3A_250 : vector<1x16xf32> to vector<16xf32>
        %mul3A_252 = arith.mulf %get3A_251, %broadcast_in_dim3A_204 : vector<16xf32>
        %swap3A_253 = arith.index_cast %add3A_208 : i32 to index
        %swap3A_254 = arith.constant 64 : index
        %swap3A_255 = tpu.vector_load %arg10[%swap3A_253, %swap3A_254] {strides = array<i32>} : memref<128x128xf32, #tpu.memory_space<vmem>>, vector<1x16xf32>,
        %swap3A_256 = vector.shape_cast %swap3A_255 : vector<1x16xf32> to vector<16xf32>
        %swap3A_257 = vector.shape_cast %mul3A_252 : vector<16xf32> to vector<1x16xf32>
        tpu.vector_store %arg10[%swap3A_253, %swap3A_254], %swap3A_257 {strides = array<i32>} : memref<128x128xf32, #tpu.memory_space<vmem>>, vector<1x16xf32>,
        %get3A_258 = arith.index_cast %add3A_208 : i32 to index
        %get3A_259 = arith.constant 80 : index
        %get3A_260 = tpu.vector_load %arg10[%get3A_258, %get3A_259] {strides = array<i32>} : memref<128x128xf32, #tpu.memory_space<vmem>>, vector<1x16xf32>,
        %get3A_261 = vector.shape_cast %get3A_260 : vector<1x16xf32> to vector<16xf32>
        %mul3A_262 = arith.mulf %get3A_261, %broadcast_in_dim3A_204 : vector<16xf32>
        %swap3A_263 = arith.index_cast %add3A_208 : i32 to index
        %swap3A_264 = arith.constant 80 : index
        %swap3A_265 = tpu.vector_load %arg10[%swap3A_263, %swap3A_264] {strides = array<i32>} : memref<128x128xf32, #tpu.memory_space<vmem>>, vector<1x16xf32>,
        %swap3A_266 = vector.shape_cast %swap3A_265 : vector<1x16xf32> to vector<16xf32>
        %swap3A_267 = vector.shape_cast %mul3A_262 : vector<16xf32> to vector<1x16xf32>
        tpu.vector_store %arg10[%swap3A_263, %swap3A_264], %swap3A_267 {strides = array<i32>} : memref<128x128xf32, #tpu.memory_space<vmem>>, vector<1x16xf32>,
        %get3A_268 = arith.index_cast %add3A_208 : i32 to index
        %get3A_269 = arith.constant 96 : index
        %get3A_270 = tpu.vector_load %arg10[%get3A_268, %get3A_269] {strides = array<i32>} : memref<128x128xf32, #tpu.memory_space<vmem>>, vector<1x16xf32>,
        %get3A_271 = vector.shape_cast %get3A_270 : vector<1x16xf32> to vector<16xf32>
        %mul3A_272 = arith.mulf %get3A_271, %broadcast_in_dim3A_204 : vector<16xf32>
        %swap3A_273 = arith.index_cast %add3A_208 : i32 to index
        %swap3A_274 = arith.constant 96 : index
        %swap3A_275 = tpu.vector_load %arg10[%swap3A_273, %swap3A_274] {strides = array<i32>} : memref<128x128xf32, #tpu.memory_space<vmem>>, vector<1x16xf32>,
        %swap3A_276 = vector.shape_cast %swap3A_275 : vector<1x16xf32> to vector<16xf32>
        %swap3A_277 = vector.shape_cast %mul3A_272 : vector<16xf32> to vector<1x16xf32>
        tpu.vector_store %arg10[%swap3A_273, %swap3A_274], %swap3A_277 {strides = array<i32>} : memref<128x128xf32, #tpu.memory_space<vmem>>, vector<1x16xf32>,
        %get3A_278 = arith.index_cast %add3A_208 : i32 to index
        %get3A_279 = arith.constant 112 : index
        %get3A_280 = tpu.vector_load %arg10[%get3A_278, %get3A_279] {strides = array<i32>} : memref<128x128xf32, #tpu.memory_space<vmem>>, vector<1x16xf32>,
        %get3A_281 = vector.shape_cast %get3A_280 : vector<1x16xf32> to vector<16xf32>
        %mul3A_282 = arith.mulf %get3A_281, %broadcast_in_dim3A_204 : vector<16xf32>
        %swap3A_283 = arith.index_cast %add3A_208 : i32 to index
        %swap3A_284 = arith.constant 112 : index
        %swap3A_285 = tpu.vector_load %arg10[%swap3A_283, %swap3A_284] {strides = array<i32>} : memref<128x128xf32, #tpu.memory_space<vmem>>, vector<1x16xf32>,
        %swap3A_286 = vector.shape_cast %swap3A_285 : vector<1x16xf32> to vector<16xf32>
        %swap3A_287 = vector.shape_cast %mul3A_282 : vector<16xf32> to vector<1x16xf32>
        tpu.vector_store %arg10[%swap3A_283, %swap3A_284], %swap3A_287 {strides = array<i32>} : memref<128x128xf32, #tpu.memory_space<vmem>>, vector<1x16xf32>,
        %slice3A_288 = vector.extract_strided_slice %get3A_203 {offsets = [1], sizes = [1], strides = [1]} : vector<16xf32> to vector<1xf32>
        %squeeze3A_289 = vector.extract %slice3A_288[0] : f32 from vector<1xf32>
        %broadcast_in_dim3A_290 = vector.broadcast %squeeze3A_289 : f32 to vector<16xf32>
        %mul3A_291 = arith.constant 16 : i32
        %mul3A_292 = arith.muli %scan3A_198, %mul3A_291 : i32
        %add3A_293 = arith.constant 1 : i32
        %add3A_294 = arith.addi %mul3A_292, %add3A_293 : i32
        %get3A_295 = arith.index_cast %add3A_294 : i32 to index
        %get3A_296 = arith.constant 0 : index
        %get3A_297 = tpu.vector_load %arg10[%get3A_295, %get3A_296] {strides = array<i32>} : memref<128x128xf32, #tpu.memory_space<vmem>>, vector<1x16xf32>,
        %get3A_298 = vector.shape_cast %get3A_297 : vector<1x16xf32> to vector<16xf32>
        %mul3A_299 = arith.mulf %get3A_298, %broadcast_in_dim3A_290 : vector<16xf32>
        %swap3A_300 = arith.index_cast %add3A_294 : i32 to index
        %swap3A_301 = arith.constant 0 : index
        %swap3A_302 = tpu.vector_load %arg10[%swap3A_300, %swap3A_301] {strides = array<i32>} : memref<128x128xf32, #tpu.memory_space<vmem>>, vector<1x16xf32>,
        %swap3A_303 = vector.shape_cast %swap3A_302 : vector<1x16xf32> to vector<16xf32>
        %swap3A_304 = vector.shape_cast %mul3A_299 : vector<16xf32> to vector<1x16xf32>
        tpu.vector_store %arg10[%swap3A_300, %swap3A_301], %swap3A_304 {strides = array<i32>} : memref<128x128xf32, #tpu.memory_space<vmem>>, vector<1x16xf32>,
        %get3A_305 = arith.index_cast %add3A_294 : i32 to index
        %get3A_306 = arith.constant 16 : index
        %get3A_307 = tpu.vector_load %arg10[%get3A_305, %get3A_306] {strides = array<i32>} : memref<128x128xf32, #tpu.memory_space<vmem>>, vector<1x16xf32>,
        %get3A_308 = vector.shape_cast %get3A_307 : vector<1x16xf32> to vector<16xf32>
        %mul3A_309 = arith.mulf %get3A_308, %broadcast_in_dim3A_290 : vector<16xf32>
        %swap3A_310 = arith.index_cast %add3A_294 : i32 to index
        %swap3A_311 = arith.constant 16 : index
        %swap3A_312 = tpu.vector_load %arg10[%swap3A_310, %swap3A_311] {strides = array<i32>} : memref<128x128xf32, #tpu.memory_space<vmem>>, vector<1x16xf32>,
        %swap3A_313 = vector.shape_cast %swap3A_312 : vector<1x16xf32> to vector<16xf32>
        %swap3A_314 = vector.shape_cast %mul3A_309 : vector<16xf32> to vector<1x16xf32>
        tpu.vector_store %arg10[%swap3A_310, %swap3A_311], %swap3A_314 {strides = array<i32>} : memref<128x128xf32, #tpu.memory_space<vmem>>, vector<1x16xf32>,
        %get3A_315 = arith.index_cast %add3A_294 : i32 to index
        %get3A_316 = arith.constant 32 : index
        %get3A_317 = tpu.vector_load %arg10[%get3A_315, %get3A_316] {strides = array<i32>} : memref<128x128xf32, #tpu.memory_space<vmem>>, vector<1x16xf32>,
        %get3A_318 = vector.shape_cast %get3A_317 : vector<1x16xf32> to vector<16xf32>
        %mul3A_319 = arith.mulf %get3A_318, %broadcast_in_dim3A_290 : vector<16xf32>
        %swap3A_320 = arith.index_cast %add3A_294 : i32 to index
        %swap3A_321 = arith.constant 32 : index
        %swap3A_322 = tpu.vector_load %arg10[%swap3A_320, %swap3A_321] {strides = array<i32>} : memref<128x128xf32, #tpu.memory_space<vmem>>, vector<1x16xf32>,
        %swap3A_323 = vector.shape_cast %swap3A_322 : vector<1x16xf32> to vector<16xf32>
        %swap3A_324 = vector.shape_cast %mul3A_319 : vector<16xf32> to vector<1x16xf32>
        tpu.vector_store %arg10[%swap3A_320, %swap3A_321], %swap3A_324 {strides = array<i32>} : memref<128x128xf32, #tpu.memory_space<vmem>>, vector<1x16xf32>,
        %get3A_325 = arith.index_cast %add3A_294 : i32 to index
        %get3A_326 = arith.constant 48 : index
        %get3A_327 = tpu.vector_load %arg10[%get3A_325, %get3A_326] {strides = array<i32>} : memref<128x128xf32, #tpu.memory_space<vmem>>, vector<1x16xf32>,
        %get3A_328 = vector.shape_cast %get3A_327 : vector<1x16xf32> to vector<16xf32>
        %mul3A_329 = arith.mulf %get3A_328, %broadcast_in_dim3A_290 : vector<16xf32>
        %swap3A_330 = arith.index_cast %add3A_294 : i32 to index
        %swap3A_331 = arith.constant 48 : index
        %swap3A_332 = tpu.vector_load %arg10[%swap3A_330, %swap3A_331] {strides = array<i32>} : memref<128x128xf32, #tpu.memory_space<vmem>>, vector<1x16xf32>,
        %swap3A_333 = vector.shape_cast %swap3A_332 : vector<1x16xf32> to vector<16xf32>
        %swap3A_334 = vector.shape_cast %mul3A_329 : vector<16xf32> to vector<1x16xf32>
        tpu.vector_store %arg10[%swap3A_330, %swap3A_331], %swap3A_334 {strides = array<i32>} : memref<128x128xf32, #tpu.memory_space<vmem>>, vector<1x16xf32>,
        %get3A_335 = arith.index_cast %add3A_294 : i32 to index
        %get3A_336 = arith.constant 64 : index
        %get3A_337 = tpu.vector_load %arg10[%get3A_335, %get3A_336] {strides = array<i32>} : memref<128x128xf32, #tpu.memory_space<vmem>>, vector<1x16xf32>,
        %get3A_338 = vector.shape_cast %get3A_337 : vector<1x16xf32> to vector<16xf32>
        %mul3A_339 = arith.mulf %get3A_338, %broadcast_in_dim3A_290 : vector<16xf32>
        %swap3A_340 = arith.index_cast %add3A_294 : i32 to index
        %swap3A_341 = arith.constant 64 : index
        %swap3A_342 = tpu.vector_load %arg10[%swap3A_340, %swap3A_341] {strides = array<i32>} : memref<128x128xf32, #tpu.memory_space<vmem>>, vector<1x16xf32>,
        %swap3A_343 = vector.shape_cast %swap3A_342 : vector<1x16xf32> to vector<16xf32>
        %swap3A_344 = vector.shape_cast %mul3A_339 : vector<16xf32> to vector<1x16xf32>
        tpu.vector_store %arg10[%swap3A_340, %swap3A_341], %swap3A_344 {strides = array<i32>} : memref<128x128xf32, #tpu.memory_space<vmem>>, vector<1x16xf32>,
        %get3A_345 = arith.index_cast %add3A_294 : i32 to index
        %get3A_346 = arith.constant 80 : index
        %get3A_347 = tpu.vector_load %arg10[%get3A_345, %get3A_346] {strides = array<i32>} : memref<128x128xf32, #tpu.memory_space<vmem>>, vector<1x16xf32>,
        %get3A_348 = vector.shape_cast %get3A_347 : vector<1x16xf32> to vector<16xf32>
        %mul3A_349 = arith.mulf %get3A_348, %broadcast_in_dim3A_290 : vector<16xf32>
        %swap3A_350 = arith.index_cast %add3A_294 : i32 to index
        %swap3A_351 = arith.constant 80 : index
        %swap3A_352 = tpu.vector_load %arg10[%swap3A_350, %swap3A_351] {strides = array<i32>} : memref<128x128xf32, #tpu.memory_space<vmem>>, vector<1x16xf32>,
        %swap3A_353 = vector.shape_cast %swap3A_352 : vector<1x16xf32> to vector<16xf32>
        %swap3A_354 = vector.shape_cast %mul3A_349 : vector<16xf32> to vector<1x16xf32>
        tpu.vector_store %arg10[%swap3A_350, %swap3A_351], %swap3A_354 {strides = array<i32>} : memref<128x128xf32, #tpu.memory_space<vmem>>, vector<1x16xf32>,
        %get3A_355 = arith.index_cast %add3A_294 : i32 to index
        %get3A_356 = arith.constant 96 : index
        %get3A_357 = tpu.vector_load %arg10[%get3A_355, %get3A_356] {strides = array<i32>} : memref<128x128xf32, #tpu.memory_space<vmem>>, vector<1x16xf32>,
        %get3A_358 = vector.shape_cast %get3A_357 : vector<1x16xf32> to vector<16xf32>
        %mul3A_359 = arith.mulf %get3A_358, %broadcast_in_dim3A_290 : vector<16xf32>
        %swap3A_360 = arith.index_cast %add3A_294 : i32 to index
        %swap3A_361 = arith.constant 96 : index
        %swap3A_362 = tpu.vector_load %arg10[%swap3A_360, %swap3A_361] {strides = array<i32>} : memref<128x128xf32, #tpu.memory_space<vmem>>, vector<1x16xf32>,
        %swap3A_363 = vector.shape_cast %swap3A_362 : vector<1x16xf32> to vector<16xf32>
        %swap3A_364 = vector.shape_cast %mul3A_359 : vector<16xf32> to vector<1x16xf32>
        tpu.vector_store %arg10[%swap3A_360, %swap3A_361], %swap3A_364 {strides = array<i32>} : memref<128x128xf32, #tpu.memory_space<vmem>>, vector<1x16xf32>,
        %get3A_365 = arith.index_cast %add3A_294 : i32 to index
        %get3A_366 = arith.constant 112 : index
        %get3A_367 = tpu.vector_load %arg10[%get3A_365, %get3A_366] {strides = array<i32>} : memref<128x128xf32, #tpu.memory_space<vmem>>, vector<1x16xf32>,
        %get3A_368 = vector.shape_cast %get3A_367 : vector<1x16xf32> to vector<16xf32>
        %mul3A_369 = arith.mulf %get3A_368, %broadcast_in_dim3A_290 : vector<16xf32>
        %swap3A_370 = arith.index_cast %add3A_294 : i32 to index
        %swap3A_371 = arith.constant 112 : index
        %swap3A_372 = tpu.vector_load %arg10[%swap3A_370, %swap3A_371] {strides = array<i32>} : memref<128x128xf32, #tpu.memory_space<vmem>>, vector<1x16xf32>,
        %swap3A_373 = vector.shape_cast %swap3A_372 : vector<1x16xf32> to vector<16xf32>
        %swap3A_374 = vector.shape_cast %mul3A_369 : vector<16xf32> to vector<1x16xf32>
        tpu.vector_store %arg10[%swap3A_370, %swap3A_371], %swap3A_374 {strides = array<i32>} : memref<128x128xf32, #tpu.memory_space<vmem>>, vector<1x16xf32>,
        %slice3A_375 = vector.extract_strided_slice %get3A_203 {offsets = [2], sizes = [1], strides = [1]} : vector<16xf32> to vector<1xf32>
        %squeeze3A_376 = vector.extract %slice3A_375[0] : f32 from vector<1xf32>
        %broadcast_in_dim3A_377 = vector.broadcast %squeeze3A_376 : f32 to vector<16xf32>
        %mul3A_378 = arith.constant 16 : i32
        %mul3A_379 = arith.muli %scan3A_198, %mul3A_378 : i32
        %add3A_380 = arith.constant 2 : i32
        %add3A_381 = arith.addi %mul3A_379, %add3A_380 : i32
        %get3A_382 = arith.index_cast %add3A_381 : i32 to index
        %get3A_383 = arith.constant 0 : index
        %get3A_384 = tpu.vector_load %arg10[%get3A_382, %get3A_383] {strides = array<i32>} : memref<128x128xf32, #tpu.memory_space<vmem>>, vector<1x16xf32>,
        %get3A_385 = vector.shape_cast %get3A_384 : vector<1x16xf32> to vector<16xf32>
        %mul3A_386 = arith.mulf %get3A_385, %broadcast_in_dim3A_377 : vector<16xf32>
        %swap3A_387 = arith.index_cast %add3A_381 : i32 to index
        %swap3A_388 = arith.constant 0 : index
        %swap3A_389 = tpu.vector_load %arg10[%swap3A_387, %swap3A_388] {strides = array<i32>} : memref<128x128xf32, #tpu.memory_space<vmem>>, vector<1x16xf32>,
        %swap3A_390 = vector.shape_cast %swap3A_389 : vector<1x16xf32> to vector<16xf32>
        %swap3A_391 = vector.shape_cast %mul3A_386 : vector<16xf32> to vector<1x16xf32>
        tpu.vector_store %arg10[%swap3A_387, %swap3A_388], %swap3A_391 {strides = array<i32>} : memref<128x128xf32, #tpu.memory_space<vmem>>, vector<1x16xf32>,
        %get3A_392 = arith.index_cast %add3A_381 : i32 to index
        %get3A_393 = arith.constant 16 : index
        %get3A_394 = tpu.vector_load %arg10[%get3A_392, %get3A_393] {strides = array<i32>} : memref<128x128xf32, #tpu.memory_space<vmem>>, vector<1x16xf32>,
        %get3A_395 = vector.shape_cast %get3A_394 : vector<1x16xf32> to vector<16xf32>
        %mul3A_396 = arith.mulf %get3A_395, %broadcast_in_dim3A_377 : vector<16xf32>
        %swap3A_397 = arith.index_cast %add3A_381 : i32 to index
        %swap3A_398 = arith.constant 16 : index
        %swap3A_399 = tpu.vector_load %arg10[%swap3A_397, %swap3A_398] {strides = array<i32>} : memref<128x128xf32, #tpu.memory_space<vmem>>, vector<1x16xf32>,
        %swap3A_400 = vector.shape_cast %swap3A_399 : vector<1x16xf32> to vector<16xf32>
        %swap3A_401 = vector.shape_cast %mul3A_396 : vector<16xf32> to vector<1x16xf32>
        tpu.vector_store %arg10[%swap3A_397, %swap3A_398], %swap3A_401 {strides = array<i32>} : memref<128x128xf32, #tpu.memory_space<vmem>>, vector<1x16xf32>,
        %get3A_402 = arith.index_cast %add3A_381 : i32 to index
        %get3A_403 = arith.constant 32 : index
        %get3A_404 = tpu.vector_load %arg10[%get3A_402, %get3A_403] {strides = array<i32>} : memref<128x128xf32, #tpu.memory_space<vmem>>, vector<1x16xf32>,
        %get3A_405 = vector.shape_cast %get3A_404 : vector<1x16xf32> to vector<16xf32>
        %mul3A_406 = arith.mulf %get3A_405, %broadcast_in_dim3A_377 : vector<16xf32>
        %swap3A_407 = arith.index_cast %add3A_381 : i32 to index
        %swap3A_408 = arith.constant 32 : index
        %swap3A_409 = tpu.vector_load %arg10[%swap3A_407, %swap3A_408] {strides = array<i32>} : memref<128x128xf32, #tpu.memory_space<vmem>>, vector<1x16xf32>,
        %swap3A_410 = vector.shape_cast %swap3A_409 : vector<1x16xf32> to vector<16xf32>
        %swap3A_411 = vector.shape_cast %mul3A_406 : vector<16xf32> to vector<1x16xf32>
        tpu.vector_store %arg10[%swap3A_407, %swap3A_408], %swap3A_411 {strides = array<i32>} : memref<128x128xf32, #tpu.memory_space<vmem>>, vector<1x16xf32>,
        %get3A_412 = arith.index_cast %add3A_381 : i32 to index
        %get3A_413 = arith.constant 48 : index
        %get3A_414 = tpu.vector_load %arg10[%get3A_412, %get3A_413] {strides = array<i32>} : memref<128x128xf32, #tpu.memory_space<vmem>>, vector<1x16xf32>,
        %get3A_415 = vector.shape_cast %get3A_414 : vector<1x16xf32> to vector<16xf32>
        %mul3A_416 = arith.mulf %get3A_415, %broadcast_in_dim3A_377 : vector<16xf32>
        %swap3A_417 = arith.index_cast %add3A_381 : i32 to index
        %swap3A_418 = arith.constant 48 : index
        %swap3A_419 = tpu.vector_load %arg10[%swap3A_417, %swap3A_418] {strides = array<i32>} : memref<128x128xf32, #tpu.memory_space<vmem>>, vector<1x16xf32>,
        %swap3A_420 = vector.shape_cast %swap3A_419 : vector<1x16xf32> to vector<16xf32>
        %swap3A_421 = vector.shape_cast %mul3A_416 : vector<16xf32> to vector<1x16xf32>
        tpu.vector_store %arg10[%swap3A_417, %swap3A_418], %swap3A_421 {strides = array<i32>} : memref<128x128xf32, #tpu.memory_space<vmem>>, vector<1x16xf32>,
        %get3A_422 = arith.index_cast %add3A_381 : i32 to index
        %get3A_423 = arith.constant 64 : index
        %get3A_424 = tpu.vector_load %arg10[%get3A_422, %get3A_423] {strides = array<i32>} : memref<128x128xf32, #tpu.memory_space<vmem>>, vector<1x16xf32>,
        %get3A_425 = vector.shape_cast %get3A_424 : vector<1x16xf32> to vector<16xf32>
        %mul3A_426 = arith.mulf %get3A_425, %broadcast_in_dim3A_377 : vector<16xf32>
        %swap3A_427 = arith.index_cast %add3A_381 : i32 to index
        %swap3A_428 = arith.constant 64 : index
        %swap3A_429 = tpu.vector_load %arg10[%swap3A_427, %swap3A_428] {strides = array<i32>} : memref<128x128xf32, #tpu.memory_space<vmem>>, vector<1x16xf32>,
        %swap3A_430 = vector.shape_cast %swap3A_429 : vector<1x16xf32> to vector<16xf32>
        %swap3A_431 = vector.shape_cast %mul3A_426 : vector<16xf32> to vector<1x16xf32>
        tpu.vector_store %arg10[%swap3A_427, %swap3A_428], %swap3A_431 {strides = array<i32>} : memref<128x128xf32, #tpu.memory_space<vmem>>, vector<1x16xf32>,
        %get3A_432 = arith.index_cast %add3A_381 : i32 to index
        %get3A_433 = arith.constant 80 : index
        %get3A_434 = tpu.vector_load %arg10[%get3A_432, %get3A_433] {strides = array<i32>} : memref<128x128xf32, #tpu.memory_space<vmem>>, vector<1x16xf32>,
        %get3A_435 = vector.shape_cast %get3A_434 : vector<1x16xf32> to vector<16xf32>
        %mul3A_436 = arith.mulf %get3A_435, %broadcast_in_dim3A_377 : vector<16xf32>
        %swap3A_437 = arith.index_cast %add3A_381 : i32 to index
        %swap3A_438 = arith.constant 80 : index
        %swap3A_439 = tpu.vector_load %arg10[%swap3A_437, %swap3A_438] {strides = array<i32>} : memref<128x128xf32, #tpu.memory_space<vmem>>, vector<1x16xf32>,
        %swap3A_440 = vector.shape_cast %swap3A_439 : vector<1x16xf32> to vector<16xf32>
        %swap3A_441 = vector.shape_cast %mul3A_436 : vector<16xf32> to vector<1x16xf32>
        tpu.vector_store %arg10[%swap3A_437, %swap3A_438], %swap3A_441 {strides = array<i32>} : memref<128x128xf32, #tpu.memory_space<vmem>>, vector<1x16xf32>,
        %get3A_442 = arith.index_cast %add3A_381 : i32 to index
        %get3A_443 = arith.constant 96 : index
        %get3A_444 = tpu.vector_load %arg10[%get3A_442, %get3A_443] {strides = array<i32>} : memref<128x128xf32, #tpu.memory_space<vmem>>, vector<1x16xf32>,
        %get3A_445 = vector.shape_cast %get3A_444 : vector<1x16xf32> to vector<16xf32>
        %mul3A_446 = arith.mulf %get3A_445, %broadcast_in_dim3A_377 : vector<16xf32>
        %swap3A_447 = arith.index_cast %add3A_381 : i32 to index
        %swap3A_448 = arith.constant 96 : index
        %swap3A_449 = tpu.vector_load %arg10[%swap3A_447, %swap3A_448] {strides = array<i32>} : memref<128x128xf32, #tpu.memory_space<vmem>>, vector<1x16xf32>,
        %swap3A_450 = vector.shape_cast %swap3A_449 : vector<1x16xf32> to vector<16xf32>
        %swap3A_451 = vector.shape_cast %mul3A_446 : vector<16xf32> to vector<1x16xf32>
        tpu.vector_store %arg10[%swap3A_447, %swap3A_448], %swap3A_451 {strides = array<i32>} : memref<128x128xf32, #tpu.memory_space<vmem>>, vector<1x16xf32>,
        %get3A_452 = arith.index_cast %add3A_381 : i32 to index
        %get3A_453 = arith.constant 112 : index
        %get3A_454 = tpu.vector_load %arg10[%get3A_452, %get3A_453] {strides = array<i32>} : memref<128x128xf32, #tpu.memory_space<vmem>>, vector<1x16xf32>,
        %get3A_455 = vector.shape_cast %get3A_454 : vector<1x16xf32> to vector<16xf32>
        %mul3A_456 = arith.mulf %get3A_455, %broadcast_in_dim3A_377 : vector<16xf32>
        %swap3A_457 = arith.index_cast %add3A_381 : i32 to index
        %swap3A_458 = arith.constant 112 : index
        %swap3A_459 = tpu.vector_load %arg10[%swap3A_457, %swap3A_458] {strides = array<i32>} : memref<128x128xf32, #tpu.memory_space<vmem>>, vector<1x16xf32>,
        %swap3A_460 = vector.shape_cast %swap3A_459 : vector<1x16xf32> to vector<16xf32>
        %swap3A_461 = vector.shape_cast %mul3A_456 : vector<16xf32> to vector<1x16xf32>
        tpu.vector_store %arg10[%swap3A_457, %swap3A_458], %swap3A_461 {strides = array<i32>} : memref<128x128xf32, #tpu.memory_space<vmem>>, vector<1x16xf32>,
        %slice3A_462 = vector.extract_strided_slice %get3A_203 {offsets = [3], sizes = [1], strides = [1]} : vector<16xf32> to vector<1xf32>
        %squeeze3A_463 = vector.extract %slice3A_462[0] : f32 from vector<1xf32>
        %broadcast_in_dim3A_464 = vector.broadcast %squeeze3A_463 : f32 to vector<16xf32>
        %mul3A_465 = arith.constant 16 : i32
        %mul3A_466 = arith.muli %scan3A_198, %mul3A_465 : i32
        %add3A_467 = arith.constant 3 : i32
        %add3A_468 = arith.addi %mul3A_466, %add3A_467 : i32
        %get3A_469 = arith.index_cast %add3A_468 : i32 to index
        %get3A_470 = arith.constant 0 : index
        %get3A_471 = tpu.vector_load %arg10[%get3A_469, %get3A_470] {strides = array<i32>} : memref<128x128xf32, #tpu.memory_space<vmem>>, vector<1x16xf32>,
        %get3A_472 = vector.shape_cast %get3A_471 : vector<1x16xf32> to vector<16xf32>
        %mul3A_473 = arith.mulf %get3A_472, %broadcast_in_dim3A_464 : vector<16xf32>
        %swap3A_474 = arith.index_cast %add3A_468 : i32 to index
        %swap3A_475 = arith.constant 0 : index
        %swap3A_476 = tpu.vector_load %arg10[%swap3A_474, %swap3A_475] {strides = array<i32>} : memref<128x128xf32, #tpu.memory_space<vmem>>, vector<1x16xf32>,
        %swap3A_477 = vector.shape_cast %swap3A_476 : vector<1x16xf32> to vector<16xf32>
        %swap3A_478 = vector.shape_cast %mul3A_473 : vector<16xf32> to vector<1x16xf32>
        tpu.vector_store %arg10[%swap3A_474, %swap3A_475], %swap3A_478 {strides = array<i32>} : memref<128x128xf32, #tpu.memory_space<vmem>>, vector<1x16xf32>,
        %get3A_479 = arith.index_cast %add3A_468 : i32 to index
        %get3A_480 = arith.constant 16 : index
        %get3A_481 = tpu.vector_load %arg10[%get3A_479, %get3A_480] {strides = array<i32>} : memref<128x128xf32, #tpu.memory_space<vmem>>, vector<1x16xf32>,
        %get3A_482 = vector.shape_cast %get3A_481 : vector<1x16xf32> to vector<16xf32>
        %mul3A_483 = arith.mulf %get3A_482, %broadcast_in_dim3A_464 : vector<16xf32>
        %swap3A_484 = arith.index_cast %add3A_468 : i32 to index
        %swap3A_485 = arith.constant 16 : index
        %swap3A_486 = tpu.vector_load %arg10[%swap3A_484, %swap3A_485] {strides = array<i32>} : memref<128x128xf32, #tpu.memory_space<vmem>>, vector<1x16xf32>,
        %swap3A_487 = vector.shape_cast %swap3A_486 : vector<1x16xf32> to vector<16xf32>
        %swap3A_488 = vector.shape_cast %mul3A_483 : vector<16xf32> to vector<1x16xf32>
        tpu.vector_store %arg10[%swap3A_484, %swap3A_485], %swap3A_488 {strides = array<i32>} : memref<128x128xf32, #tpu.memory_space<vmem>>, vector<1x16xf32>,
        %get3A_489 = arith.index_cast %add3A_468 : i32 to index
        %get3A_490 = arith.constant 32 : index
        %get3A_491 = tpu.vector_load %arg10[%get3A_489, %get3A_490] {strides = array<i32>} : memref<128x128xf32, #tpu.memory_space<vmem>>, vector<1x16xf32>,
        %get3A_492 = vector.shape_cast %get3A_491 : vector<1x16xf32> to vector<16xf32>
        %mul3A_493 = arith.mulf %get3A_492, %broadcast_in_dim3A_464 : vector<16xf32>
        %swap3A_494 = arith.index_cast %add3A_468 : i32 to index
        %swap3A_495 = arith.constant 32 : index
        %swap3A_496 = tpu.vector_load %arg10[%swap3A_494, %swap3A_495] {strides = array<i32>} : memref<128x128xf32, #tpu.memory_space<vmem>>, vector<1x16xf32>,
        %swap3A_497 = vector.shape_cast %swap3A_496 : vector<1x16xf32> to vector<16xf32>
        %swap3A_498 = vector.shape_cast %mul3A_493 : vector<16xf32> to vector<1x16xf32>
        tpu.vector_store %arg10[%swap3A_494, %swap3A_495], %swap3A_498 {strides = array<i32>} : memref<128x128xf32, #tpu.memory_space<vmem>>, vector<1x16xf32>,
        %get3A_499 = arith.index_cast %add3A_468 : i32 to index
        %get3A_500 = arith.constant 48 : index
        %get3A_501 = tpu.vector_load %arg10[%get3A_499, %get3A_500] {strides = array<i32>} : memref<128x128xf32, #tpu.memory_space<vmem>>, vector<1x16xf32>,
        %get3A_502 = vector.shape_cast %get3A_501 : vector<1x16xf32> to vector<16xf32>
        %mul3A_503 = arith.mulf %get3A_502, %broadcast_in_dim3A_464 : vector<16xf32>
        %swap3A_504 = arith.index_cast %add3A_468 : i32 to index
        %swap3A_505 = arith.constant 48 : index
        %swap3A_506 = tpu.vector_load %arg10[%swap3A_504, %swap3A_505] {strides = array<i32>} : memref<128x128xf32, #tpu.memory_space<vmem>>, vector<1x16xf32>,
        %swap3A_507 = vector.shape_cast %swap3A_506 : vector<1x16xf32> to vector<16xf32>
        %swap3A_508 = vector.shape_cast %mul3A_503 : vector<16xf32> to vector<1x16xf32>
        tpu.vector_store %arg10[%swap3A_504, %swap3A_505], %swap3A_508 {strides = array<i32>} : memref<128x128xf32, #tpu.memory_space<vmem>>, vector<1x16xf32>,
        %get3A_509 = arith.index_cast %add3A_468 : i32 to index
        %get3A_510 = arith.constant 64 : index
        %get3A_511 = tpu.vector_load %arg10[%get3A_509, %get3A_510] {strides = array<i32>} : memref<128x128xf32, #tpu.memory_space<vmem>>, vector<1x16xf32>,
        %get3A_512 = vector.shape_cast %get3A_511 : vector<1x16xf32> to vector<16xf32>
        %mul3A_513 = arith.mulf %get3A_512, %broadcast_in_dim3A_464 : vector<16xf32>
        %swap3A_514 = arith.index_cast %add3A_468 : i32 to index
        %swap3A_515 = arith.constant 64 : index
        %swap3A_516 = tpu.vector_load %arg10[%swap3A_514, %swap3A_515] {strides = array<i32>} : memref<128x128xf32, #tpu.memory_space<vmem>>, vector<1x16xf32>,
        %swap3A_517 = vector.shape_cast %swap3A_516 : vector<1x16xf32> to vector<16xf32>
        %swap3A_518 = vector.shape_cast %mul3A_513 : vector<16xf32> to vector<1x16xf32>
        tpu.vector_store %arg10[%swap3A_514, %swap3A_515], %swap3A_518 {strides = array<i32>} : memref<128x128xf32, #tpu.memory_space<vmem>>, vector<1x16xf32>,
        %get3A_519 = arith.index_cast %add3A_468 : i32 to index
        %get3A_520 = arith.constant 80 : index
        %get3A_521 = tpu.vector_load %arg10[%get3A_519, %get3A_520] {strides = array<i32>} : memref<128x128xf32, #tpu.memory_space<vmem>>, vector<1x16xf32>,
        %get3A_522 = vector.shape_cast %get3A_521 : vector<1x16xf32> to vector<16xf32>
        %mul3A_523 = arith.mulf %get3A_522, %broadcast_in_dim3A_464 : vector<16xf32>
        %swap3A_524 = arith.index_cast %add3A_468 : i32 to index
        %swap3A_525 = arith.constant 80 : index
        %swap3A_526 = tpu.vector_load %arg10[%swap3A_524, %swap3A_525] {strides = array<i32>} : memref<128x128xf32, #tpu.memory_space<vmem>>, vector<1x16xf32>,
        %swap3A_527 = vector.shape_cast %swap3A_526 : vector<1x16xf32> to vector<16xf32>
        %swap3A_528 = vector.shape_cast %mul3A_523 : vector<16xf32> to vector<1x16xf32>
        tpu.vector_store %arg10[%swap3A_524, %swap3A_525], %swap3A_528 {strides = array<i32>} : memref<128x128xf32, #tpu.memory_space<vmem>>, vector<1x16xf32>,
        %get3A_529 = arith.index_cast %add3A_468 : i32 to index
        %get3A_530 = arith.constant 96 : index
        %get3A_531 = tpu.vector_load %arg10[%get3A_529, %get3A_530] {strides = array<i32>} : memref<128x128xf32, #tpu.memory_space<vmem>>, vector<1x16xf32>,
        %get3A_532 = vector.shape_cast %get3A_531 : vector<1x16xf32> to vector<16xf32>
        %mul3A_533 = arith.mulf %get3A_532, %broadcast_in_dim3A_464 : vector<16xf32>
        %swap3A_534 = arith.index_cast %add3A_468 : i32 to index
        %swap3A_535 = arith.constant 96 : index
        %swap3A_536 = tpu.vector_load %arg10[%swap3A_534, %swap3A_535] {strides = array<i32>} : memref<128x128xf32, #tpu.memory_space<vmem>>, vector<1x16xf32>,
        %swap3A_537 = vector.shape_cast %swap3A_536 : vector<1x16xf32> to vector<16xf32>
        %swap3A_538 = vector.shape_cast %mul3A_533 : vector<16xf32> to vector<1x16xf32>
        tpu.vector_store %arg10[%swap3A_534, %swap3A_535], %swap3A_538 {strides = array<i32>} : memref<128x128xf32, #tpu.memory_space<vmem>>, vector<1x16xf32>,
        %get3A_539 = arith.index_cast %add3A_468 : i32 to index
        %get3A_540 = arith.constant 112 : index
        %get3A_541 = tpu.vector_load %arg10[%get3A_539, %get3A_540] {strides = array<i32>} : memref<128x128xf32, #tpu.memory_space<vmem>>, vector<1x16xf32>,
        %get3A_542 = vector.shape_cast %get3A_541 : vector<1x16xf32> to vector<16xf32>
        %mul3A_543 = arith.mulf %get3A_542, %broadcast_in_dim3A_464 : vector<16xf32>
        %swap3A_544 = arith.index_cast %add3A_468 : i32 to index
        %swap3A_545 = arith.constant 112 : index
        %swap3A_546 = tpu.vector_load %arg10[%swap3A_544, %swap3A_545] {strides = array<i32>} : memref<128x128xf32, #tpu.memory_space<vmem>>, vector<1x16xf32>,
        %swap3A_547 = vector.shape_cast %swap3A_546 : vector<1x16xf32> to vector<16xf32>
        %swap3A_548 = vector.shape_cast %mul3A_543 : vector<16xf32> to vector<1x16xf32>
        tpu.vector_store %arg10[%swap3A_544, %swap3A_545], %swap3A_548 {strides = array<i32>} : memref<128x128xf32, #tpu.memory_space<vmem>>, vector<1x16xf32>,
        %slice3A_549 = vector.extract_strided_slice %get3A_203 {offsets = [4], sizes = [1], strides = [1]} : vector<16xf32> to vector<1xf32>
        %squeeze3A_550 = vector.extract %slice3A_549[0] : f32 from vector<1xf32>
        %broadcast_in_dim3A_551 = vector.broadcast %squeeze3A_550 : f32 to vector<16xf32>
        %mul3A_552 = arith.constant 16 : i32
        %mul3A_553 = arith.muli %scan3A_198, %mul3A_552 : i32
        %add3A_554 = arith.constant 4 : i32
        %add3A_555 = arith.addi %mul3A_553, %add3A_554 : i32
        %get3A_556 = arith.index_cast %add3A_555 : i32 to index
        %get3A_557 = arith.constant 0 : index
        %get3A_558 = tpu.vector_load %arg10[%get3A_556, %get3A_557] {strides = array<i32>} : memref<128x128xf32, #tpu.memory_space<vmem>>, vector<1x16xf32>,
        %get3A_559 = vector.shape_cast %get3A_558 : vector<1x16xf32> to vector<16xf32>
        %mul3A_560 = arith.mulf %get3A_559, %broadcast_in_dim3A_551 : vector<16xf32>
        %swap3A_561 = arith.index_cast %add3A_555 : i32 to index
        %swap3A_562 = arith.constant 0 : index
        %swap3A_563 = tpu.vector_load %arg10[%swap3A_561, %swap3A_562] {strides = array<i32>} : memref<128x128xf32, #tpu.memory_space<vmem>>, vector<1x16xf32>,
        %swap3A_564 = vector.shape_cast %swap3A_563 : vector<1x16xf32> to vector<16xf32>
        %swap3A_565 = vector.shape_cast %mul3A_560 : vector<16xf32> to vector<1x16xf32>
        tpu.vector_store %arg10[%swap3A_561, %swap3A_562], %swap3A_565 {strides = array<i32>} : memref<128x128xf32, #tpu.memory_space<vmem>>, vector<1x16xf32>,
        %get3A_566 = arith.index_cast %add3A_555 : i32 to index
        %get3A_567 = arith.constant 16 : index
        %get3A_568 = tpu.vector_load %arg10[%get3A_566, %get3A_567] {strides = array<i32>} : memref<128x128xf32, #tpu.memory_space<vmem>>, vector<1x16xf32>,
        %get3A_569 = vector.shape_cast %get3A_568 : vector<1x16xf32> to vector<16xf32>
        %mul3A_570 = arith.mulf %get3A_569, %broadcast_in_dim3A_551 : vector<16xf32>
        %swap3A_571 = arith.index_cast %add3A_555 : i32 to index
        %swap3A_572 = arith.constant 16 : index
        %swap3A_573 = tpu.vector_load %arg10[%swap3A_571, %swap3A_572] {strides = array<i32>} : memref<128x128xf32, #tpu.memory_space<vmem>>, vector<1x16xf32>,
        %swap3A_574 = vector.shape_cast %swap3A_573 : vector<1x16xf32> to vector<16xf32>
        %swap3A_575 = vector.shape_cast %mul3A_570 : vector<16xf32> to vector<1x16xf32>
        tpu.vector_store %arg10[%swap3A_571, %swap3A_572], %swap3A_575 {strides = array<i32>} : memref<128x128xf32, #tpu.memory_space<vmem>>, vector<1x16xf32>,
        %get3A_576 = arith.index_cast %add3A_555 : i32 to index
        %get3A_577 = arith.constant 32 : index
        %get3A_578 = tpu.vector_load %arg10[%get3A_576, %get3A_577] {strides = array<i32>} : memref<128x128xf32, #tpu.memory_space<vmem>>, vector<1x16xf32>,
        %get3A_579 = vector.shape_cast %get3A_578 : vector<1x16xf32> to vector<16xf32>
        %mul3A_580 = arith.mulf %get3A_579, %broadcast_in_dim3A_551 : vector<16xf32>
        %swap3A_581 = arith.index_cast %add3A_555 : i32 to index
        %swap3A_582 = arith.constant 32 : index
        %swap3A_583 = tpu.vector_load %arg10[%swap3A_581, %swap3A_582] {strides = array<i32>} : memref<128x128xf32, #tpu.memory_space<vmem>>, vector<1x16xf32>,
        %swap3A_584 = vector.shape_cast %swap3A_583 : vector<1x16xf32> to vector<16xf32>
        %swap3A_585 = vector.shape_cast %mul3A_580 : vector<16xf32> to vector<1x16xf32>
        tpu.vector_store %arg10[%swap3A_581, %swap3A_582], %swap3A_585 {strides = array<i32>} : memref<128x128xf32, #tpu.memory_space<vmem>>, vector<1x16xf32>,
        %get3A_586 = arith.index_cast %add3A_555 : i32 to index
        %get3A_587 = arith.constant 48 : index
        %get3A_588 = tpu.vector_load %arg10[%get3A_586, %get3A_587] {strides = array<i32>} : memref<128x128xf32, #tpu.memory_space<vmem>>, vector<1x16xf32>,
        %get3A_589 = vector.shape_cast %get3A_588 : vector<1x16xf32> to vector<16xf32>
        %mul3A_590 = arith.mulf %get3A_589, %broadcast_in_dim3A_551 : vector<16xf32>
        %swap3A_591 = arith.index_cast %add3A_555 : i32 to index
        %swap3A_592 = arith.constant 48 : index
        %swap3A_593 = tpu.vector_load %arg10[%swap3A_591, %swap3A_592] {strides = array<i32>} : memref<128x128xf32, #tpu.memory_space<vmem>>, vector<1x16xf32>,
        %swap3A_594 = vector.shape_cast %swap3A_593 : vector<1x16xf32> to vector<16xf32>
        %swap3A_595 = vector.shape_cast %mul3A_590 : vector<16xf32> to vector<1x16xf32>
        tpu.vector_store %arg10[%swap3A_591, %swap3A_592], %swap3A_595 {strides = array<i32>} : memref<128x128xf32, #tpu.memory_space<vmem>>, vector<1x16xf32>,
        %get3A_596 = arith.index_cast %add3A_555 : i32 to index
        %get3A_597 = arith.constant 64 : index
        %get3A_598 = tpu.vector_load %arg10[%get3A_596, %get3A_597] {strides = array<i32>} : memref<128x128xf32, #tpu.memory_space<vmem>>, vector<1x16xf32>,
        %get3A_599 = vector.shape_cast %get3A_598 : vector<1x16xf32> to vector<16xf32>
        %mul3A_600 = arith.mulf %get3A_599, %broadcast_in_dim3A_551 : vector<16xf32>
        %swap3A_601 = arith.index_cast %add3A_555 : i32 to index
        %swap3A_602 = arith.constant 64 : index
        %swap3A_603 = tpu.vector_load %arg10[%swap3A_601, %swap3A_602] {strides = array<i32>} : memref<128x128xf32, #tpu.memory_space<vmem>>, vector<1x16xf32>,
        %swap3A_604 = vector.shape_cast %swap3A_603 : vector<1x16xf32> to vector<16xf32>
        %swap3A_605 = vector.shape_cast %mul3A_600 : vector<16xf32> to vector<1x16xf32>
        tpu.vector_store %arg10[%swap3A_601, %swap3A_602], %swap3A_605 {strides = array<i32>} : memref<128x128xf32, #tpu.memory_space<vmem>>, vector<1x16xf32>,
        %get3A_606 = arith.index_cast %add3A_555 : i32 to index
        %get3A_607 = arith.constant 80 : index
        %get3A_608 = tpu.vector_load %arg10[%get3A_606, %get3A_607] {strides = array<i32>} : memref<128x128xf32, #tpu.memory_space<vmem>>, vector<1x16xf32>,
        %get3A_609 = vector.shape_cast %get3A_608 : vector<1x16xf32> to vector<16xf32>
        %mul3A_610 = arith.mulf %get3A_609, %broadcast_in_dim3A_551 : vector<16xf32>
        %swap3A_611 = arith.index_cast %add3A_555 : i32 to index
        %swap3A_612 = arith.constant 80 : index
        %swap3A_613 = tpu.vector_load %arg10[%swap3A_611, %swap3A_612] {strides = array<i32>} : memref<128x128xf32, #tpu.memory_space<vmem>>, vector<1x16xf32>,
        %swap3A_614 = vector.shape_cast %swap3A_613 : vector<1x16xf32> to vector<16xf32>
        %swap3A_615 = vector.shape_cast %mul3A_610 : vector<16xf32> to vector<1x16xf32>
        tpu.vector_store %arg10[%swap3A_611, %swap3A_612], %swap3A_615 {strides = array<i32>} : memref<128x128xf32, #tpu.memory_space<vmem>>, vector<1x16xf32>,
        %get3A_616 = arith.index_cast %add3A_555 : i32 to index
        %get3A_617 = arith.constant 96 : index
        %get3A_618 = tpu.vector_load %arg10[%get3A_616, %get3A_617] {strides = array<i32>} : memref<128x128xf32, #tpu.memory_space<vmem>>, vector<1x16xf32>,
        %get3A_619 = vector.shape_cast %get3A_618 : vector<1x16xf32> to vector<16xf32>
        %mul3A_620 = arith.mulf %get3A_619, %broadcast_in_dim3A_551 : vector<16xf32>
        %swap3A_621 = arith.index_cast %add3A_555 : i32 to index
        %swap3A_622 = arith.constant 96 : index
        %swap3A_623 = tpu.vector_load %arg10[%swap3A_621, %swap3A_622] {strides = array<i32>} : memref<128x128xf32, #tpu.memory_space<vmem>>, vector<1x16xf32>,
        %swap3A_624 = vector.shape_cast %swap3A_623 : vector<1x16xf32> to vector<16xf32>
        %swap3A_625 = vector.shape_cast %mul3A_620 : vector<16xf32> to vector<1x16xf32>
        tpu.vector_store %arg10[%swap3A_621, %swap3A_622], %swap3A_625 {strides = array<i32>} : memref<128x128xf32, #tpu.memory_space<vmem>>, vector<1x16xf32>,
        %get3A_626 = arith.index_cast %add3A_555 : i32 to index
        %get3A_627 = arith.constant 112 : index
        %get3A_628 = tpu.vector_load %arg10[%get3A_626, %get3A_627] {strides = array<i32>} : memref<128x128xf32, #tpu.memory_space<vmem>>, vector<1x16xf32>,
        %get3A_629 = vector.shape_cast %get3A_628 : vector<1x16xf32> to vector<16xf32>
        %mul3A_630 = arith.mulf %get3A_629, %broadcast_in_dim3A_551 : vector<16xf32>
        %swap3A_631 = arith.index_cast %add3A_555 : i32 to index
        %swap3A_632 = arith.constant 112 : index
        %swap3A_633 = tpu.vector_load %arg10[%swap3A_631, %swap3A_632] {strides = array<i32>} : memref<128x128xf32, #tpu.memory_space<vmem>>, vector<1x16xf32>,
        %swap3A_634 = vector.shape_cast %swap3A_633 : vector<1x16xf32> to vector<16xf32>
        %swap3A_635 = vector.shape_cast %mul3A_630 : vector<16xf32> to vector<1x16xf32>
        tpu.vector_store %arg10[%swap3A_631, %swap3A_632], %swap3A_635 {strides = array<i32>} : memref<128x128xf32, #tpu.memory_space<vmem>>, vector<1x16xf32>,
        %slice3A_636 = vector.extract_strided_slice %get3A_203 {offsets = [5], sizes = [1], strides = [1]} : vector<16xf32> to vector<1xf32>
        %squeeze3A_637 = vector.extract %slice3A_636[0] : f32 from vector<1xf32>
        %broadcast_in_dim3A_638 = vector.broadcast %squeeze3A_637 : f32 to vector<16xf32>
        %mul3A_639 = arith.constant 16 : i32
        %mul3A_640 = arith.muli %scan3A_198, %mul3A_639 : i32
        %add3A_641 = arith.constant 5 : i32
        %add3A_642 = arith.addi %mul3A_640, %add3A_641 : i32
        %get3A_643 = arith.index_cast %add3A_642 : i32 to index
        %get3A_644 = arith.constant 0 : index
        %get3A_645 = tpu.vector_load %arg10[%get3A_643, %get3A_644] {strides = array<i32>} : memref<128x128xf32, #tpu.memory_space<vmem>>, vector<1x16xf32>,
        %get3A_646 = vector.shape_cast %get3A_645 : vector<1x16xf32> to vector<16xf32>
        %mul3A_647 = arith.mulf %get3A_646, %broadcast_in_dim3A_638 : vector<16xf32>
        %swap3A_648 = arith.index_cast %add3A_642 : i32 to index
        %swap3A_649 = arith.constant 0 : index
        %swap3A_650 = tpu.vector_load %arg10[%swap3A_648, %swap3A_649] {strides = array<i32>} : memref<128x128xf32, #tpu.memory_space<vmem>>, vector<1x16xf32>,
        %swap3A_651 = vector.shape_cast %swap3A_650 : vector<1x16xf32> to vector<16xf32>
        %swap3A_652 = vector.shape_cast %mul3A_647 : vector<16xf32> to vector<1x16xf32>
        tpu.vector_store %arg10[%swap3A_648, %swap3A_649], %swap3A_652 {strides = array<i32>} : memref<128x128xf32, #tpu.memory_space<vmem>>, vector<1x16xf32>,
        %get3A_653 = arith.index_cast %add3A_642 : i32 to index
        %get3A_654 = arith.constant 16 : index
        %get3A_655 = tpu.vector_load %arg10[%get3A_653, %get3A_654] {strides = array<i32>} : memref<128x128xf32, #tpu.memory_space<vmem>>, vector<1x16xf32>,
        %get3A_656 = vector.shape_cast %get3A_655 : vector<1x16xf32> to vector<16xf32>
        %mul3A_657 = arith.mulf %get3A_656, %broadcast_in_dim3A_638 : vector<16xf32>
        %swap3A_658 = arith.index_cast %add3A_642 : i32 to index
        %swap3A_659 = arith.constant 16 : index
        %swap3A_660 = tpu.vector_load %arg10[%swap3A_658, %swap3A_659] {strides = array<i32>} : memref<128x128xf32, #tpu.memory_space<vmem>>, vector<1x16xf32>,
        %swap3A_661 = vector.shape_cast %swap3A_660 : vector<1x16xf32> to vector<16xf32>
        %swap3A_662 = vector.shape_cast %mul3A_657 : vector<16xf32> to vector<1x16xf32>
        tpu.vector_store %arg10[%swap3A_658, %swap3A_659], %swap3A_662 {strides = array<i32>} : memref<128x128xf32, #tpu.memory_space<vmem>>, vector<1x16xf32>,
        %get3A_663 = arith.index_cast %add3A_642 : i32 to index
        %get3A_664 = arith.constant 32 : index
        %get3A_665 = tpu.vector_load %arg10[%get3A_663, %get3A_664] {strides = array<i32>} : memref<128x128xf32, #tpu.memory_space<vmem>>, vector<1x16xf32>,
        %get3A_666 = vector.shape_cast %get3A_665 : vector<1x16xf32> to vector<16xf32>
        %mul3A_667 = arith.mulf %get3A_666, %broadcast_in_dim3A_638 : vector<16xf32>
        %swap3A_668 = arith.index_cast %add3A_642 : i32 to index
        %swap3A_669 = arith.constant 32 : index
        %swap3A_670 = tpu.vector_load %arg10[%swap3A_668, %swap3A_669] {strides = array<i32>} : memref<128x128xf32, #tpu.memory_space<vmem>>, vector<1x16xf32>,
        %swap3A_671 = vector.shape_cast %swap3A_670 : vector<1x16xf32> to vector<16xf32>
        %swap3A_672 = vector.shape_cast %mul3A_667 : vector<16xf32> to vector<1x16xf32>
        tpu.vector_store %arg10[%swap3A_668, %swap3A_669], %swap3A_672 {strides = array<i32>} : memref<128x128xf32, #tpu.memory_space<vmem>>, vector<1x16xf32>,
        %get3A_673 = arith.index_cast %add3A_642 : i32 to index
        %get3A_674 = arith.constant 48 : index
        %get3A_675 = tpu.vector_load %arg10[%get3A_673, %get3A_674] {strides = array<i32>} : memref<128x128xf32, #tpu.memory_space<vmem>>, vector<1x16xf32>,
        %get3A_676 = vector.shape_cast %get3A_675 : vector<1x16xf32> to vector<16xf32>
        %mul3A_677 = arith.mulf %get3A_676, %broadcast_in_dim3A_638 : vector<16xf32>
        %swap3A_678 = arith.index_cast %add3A_642 : i32 to index
        %swap3A_679 = arith.constant 48 : index
        %swap3A_680 = tpu.vector_load %arg10[%swap3A_678, %swap3A_679] {strides = array<i32>} : memref<128x128xf32, #tpu.memory_space<vmem>>, vector<1x16xf32>,
        %swap3A_681 = vector.shape_cast %swap3A_680 : vector<1x16xf32> to vector<16xf32>
        %swap3A_682 = vector.shape_cast %mul3A_677 : vector<16xf32> to vector<1x16xf32>
        tpu.vector_store %arg10[%swap3A_678, %swap3A_679], %swap3A_682 {strides = array<i32>} : memref<128x128xf32, #tpu.memory_space<vmem>>, vector<1x16xf32>,
        %get3A_683 = arith.index_cast %add3A_642 : i32 to index
        %get3A_684 = arith.constant 64 : index
        %get3A_685 = tpu.vector_load %arg10[%get3A_683, %get3A_684] {strides = array<i32>} : memref<128x128xf32, #tpu.memory_space<vmem>>, vector<1x16xf32>,
        %get3A_686 = vector.shape_cast %get3A_685 : vector<1x16xf32> to vector<16xf32>
        %mul3A_687 = arith.mulf %get3A_686, %broadcast_in_dim3A_638 : vector<16xf32>
        %swap3A_688 = arith.index_cast %add3A_642 : i32 to index
        %swap3A_689 = arith.constant 64 : index
        %swap3A_690 = tpu.vector_load %arg10[%swap3A_688, %swap3A_689] {strides = array<i32>} : memref<128x128xf32, #tpu.memory_space<vmem>>, vector<1x16xf32>,
        %swap3A_691 = vector.shape_cast %swap3A_690 : vector<1x16xf32> to vector<16xf32>
        %swap3A_692 = vector.shape_cast %mul3A_687 : vector<16xf32> to vector<1x16xf32>
        tpu.vector_store %arg10[%swap3A_688, %swap3A_689], %swap3A_692 {strides = array<i32>} : memref<128x128xf32, #tpu.memory_space<vmem>>, vector<1x16xf32>,
        %get3A_693 = arith.index_cast %add3A_642 : i32 to index
        %get3A_694 = arith.constant 80 : index
        %get3A_695 = tpu.vector_load %arg10[%get3A_693, %get3A_694] {strides = array<i32>} : memref<128x128xf32, #tpu.memory_space<vmem>>, vector<1x16xf32>,
        %get3A_696 = vector.shape_cast %get3A_695 : vector<1x16xf32> to vector<16xf32>
        %mul3A_697 = arith.mulf %get3A_696, %broadcast_in_dim3A_638 : vector<16xf32>
        %swap3A_698 = arith.index_cast %add3A_642 : i32 to index
        %swap3A_699 = arith.constant 80 : index
        %swap3A_700 = tpu.vector_load %arg10[%swap3A_698, %swap3A_699] {strides = array<i32>} : memref<128x128xf32, #tpu.memory_space<vmem>>, vector<1x16xf32>,
        %swap3A_701 = vector.shape_cast %swap3A_700 : vector<1x16xf32> to vector<16xf32>
        %swap3A_702 = vector.shape_cast %mul3A_697 : vector<16xf32> to vector<1x16xf32>
        tpu.vector_store %arg10[%swap3A_698, %swap3A_699], %swap3A_702 {strides = array<i32>} : memref<128x128xf32, #tpu.memory_space<vmem>>, vector<1x16xf32>,
        %get3A_703 = arith.index_cast %add3A_642 : i32 to index
        %get3A_704 = arith.constant 96 : index
        %get3A_705 = tpu.vector_load %arg10[%get3A_703, %get3A_704] {strides = array<i32>} : memref<128x128xf32, #tpu.memory_space<vmem>>, vector<1x16xf32>,
        %get3A_706 = vector.shape_cast %get3A_705 : vector<1x16xf32> to vector<16xf32>
        %mul3A_707 = arith.mulf %get3A_706, %broadcast_in_dim3A_638 : vector<16xf32>
        %swap3A_708 = arith.index_cast %add3A_642 : i32 to index
        %swap3A_709 = arith.constant 96 : index
        %swap3A_710 = tpu.vector_load %arg10[%swap3A_708, %swap3A_709] {strides = array<i32>} : memref<128x128xf32, #tpu.memory_space<vmem>>, vector<1x16xf32>,
        %swap3A_711 = vector.shape_cast %swap3A_710 : vector<1x16xf32> to vector<16xf32>
        %swap3A_712 = vector.shape_cast %mul3A_707 : vector<16xf32> to vector<1x16xf32>
        tpu.vector_store %arg10[%swap3A_708, %swap3A_709], %swap3A_712 {strides = array<i32>} : memref<128x128xf32, #tpu.memory_space<vmem>>, vector<1x16xf32>,
        %get3A_713 = arith.index_cast %add3A_642 : i32 to index
        %get3A_714 = arith.constant 112 : index
        %get3A_715 = tpu.vector_load %arg10[%get3A_713, %get3A_714] {strides = array<i32>} : memref<128x128xf32, #tpu.memory_space<vmem>>, vector<1x16xf32>,
        %get3A_716 = vector.shape_cast %get3A_715 : vector<1x16xf32> to vector<16xf32>
        %mul3A_717 = arith.mulf %get3A_716, %broadcast_in_dim3A_638 : vector<16xf32>
        %swap3A_718 = arith.index_cast %add3A_642 : i32 to index
        %swap3A_719 = arith.constant 112 : index
        %swap3A_720 = tpu.vector_load %arg10[%swap3A_718, %swap3A_719] {strides = array<i32>} : memref<128x128xf32, #tpu.memory_space<vmem>>, vector<1x16xf32>,
        %swap3A_721 = vector.shape_cast %swap3A_720 : vector<1x16xf32> to vector<16xf32>
        %swap3A_722 = vector.shape_cast %mul3A_717 : vector<16xf32> to vector<1x16xf32>
        tpu.vector_store %arg10[%swap3A_718, %swap3A_719], %swap3A_722 {strides = array<i32>} : memref<128x128xf32, #tpu.memory_space<vmem>>, vector<1x16xf32>,
        %slice3A_723 = vector.extract_strided_slice %get3A_203 {offsets = [6], sizes = [1], strides = [1]} : vector<16xf32> to vector<1xf32>
        %squeeze3A_724 = vector.extract %slice3A_723[0] : f32 from vector<1xf32>
        %broadcast_in_dim3A_725 = vector.broadcast %squeeze3A_724 : f32 to vector<16xf32>
        %mul3A_726 = arith.constant 16 : i32
        %mul3A_727 = arith.muli %scan3A_198, %mul3A_726 : i32
        %add3A_728 = arith.constant 6 : i32
        %add3A_729 = arith.addi %mul3A_727, %add3A_728 : i32
        %get3A_730 = arith.index_cast %add3A_729 : i32 to index
        %get3A_731 = arith.constant 0 : index
        %get3A_732 = tpu.vector_load %arg10[%get3A_730, %get3A_731] {strides = array<i32>} : memref<128x128xf32, #tpu.memory_space<vmem>>, vector<1x16xf32>,
        %get3A_733 = vector.shape_cast %get3A_732 : vector<1x16xf32> to vector<16xf32>
        %mul3A_734 = arith.mulf %get3A_733, %broadcast_in_dim3A_725 : vector<16xf32>
        %swap3A_735 = arith.index_cast %add3A_729 : i32 to index
        %swap3A_736 = arith.constant 0 : index
        %swap3A_737 = tpu.vector_load %arg10[%swap3A_735, %swap3A_736] {strides = array<i32>} : memref<128x128xf32, #tpu.memory_space<vmem>>, vector<1x16xf32>,
        %swap3A_738 = vector.shape_cast %swap3A_737 : vector<1x16xf32> to vector<16xf32>
        %swap3A_739 = vector.shape_cast %mul3A_734 : vector<16xf32> to vector<1x16xf32>
        tpu.vector_store %arg10[%swap3A_735, %swap3A_736], %swap3A_739 {strides = array<i32>} : memref<128x128xf32, #tpu.memory_space<vmem>>, vector<1x16xf32>,
        %get3A_740 = arith.index_cast %add3A_729 : i32 to index
        %get3A_741 = arith.constant 16 : index
        %get3A_742 = tpu.vector_load %arg10[%get3A_740, %get3A_741] {strides = array<i32>} : memref<128x128xf32, #tpu.memory_space<vmem>>, vector<1x16xf32>,
        %get3A_743 = vector.shape_cast %get3A_742 : vector<1x16xf32> to vector<16xf32>
        %mul3A_744 = arith.mulf %get3A_743, %broadcast_in_dim3A_725 : vector<16xf32>
        %swap3A_745 = arith.index_cast %add3A_729 : i32 to index
        %swap3A_746 = arith.constant 16 : index
        %swap3A_747 = tpu.vector_load %arg10[%swap3A_745, %swap3A_746] {strides = array<i32>} : memref<128x128xf32, #tpu.memory_space<vmem>>, vector<1x16xf32>,
        %swap3A_748 = vector.shape_cast %swap3A_747 : vector<1x16xf32> to vector<16xf32>
        %swap3A_749 = vector.shape_cast %mul3A_744 : vector<16xf32> to vector<1x16xf32>
        tpu.vector_store %arg10[%swap3A_745, %swap3A_746], %swap3A_749 {strides = array<i32>} : memref<128x128xf32, #tpu.memory_space<vmem>>, vector<1x16xf32>,
        %get3A_750 = arith.index_cast %add3A_729 : i32 to index
        %get3A_751 = arith.constant 32 : index
        %get3A_752 = tpu.vector_load %arg10[%get3A_750, %get3A_751] {strides = array<i32>} : memref<128x128xf32, #tpu.memory_space<vmem>>, vector<1x16xf32>,
        %get3A_753 = vector.shape_cast %get3A_752 : vector<1x16xf32> to vector<16xf32>
        %mul3A_754 = arith.mulf %get3A_753, %broadcast_in_dim3A_725 : vector<16xf32>
        %swap3A_755 = arith.index_cast %add3A_729 : i32 to index
        %swap3A_756 = arith.constant 32 : index
        %swap3A_757 = tpu.vector_load %arg10[%swap3A_755, %swap3A_756] {strides = array<i32>} : memref<128x128xf32, #tpu.memory_space<vmem>>, vector<1x16xf32>,
        %swap3A_758 = vector.shape_cast %swap3A_757 : vector<1x16xf32> to vector<16xf32>
        %swap3A_759 = vector.shape_cast %mul3A_754 : vector<16xf32> to vector<1x16xf32>
        tpu.vector_store %arg10[%swap3A_755, %swap3A_756], %swap3A_759 {strides = array<i32>} : memref<128x128xf32, #tpu.memory_space<vmem>>, vector<1x16xf32>,
        %get3A_760 = arith.index_cast %add3A_729 : i32 to index
        %get3A_761 = arith.constant 48 : index
        %get3A_762 = tpu.vector_load %arg10[%get3A_760, %get3A_761] {strides = array<i32>} : memref<128x128xf32, #tpu.memory_space<vmem>>, vector<1x16xf32>,
        %get3A_763 = vector.shape_cast %get3A_762 : vector<1x16xf32> to vector<16xf32>
        %mul3A_764 = arith.mulf %get3A_763, %broadcast_in_dim3A_725 : vector<16xf32>
        %swap3A_765 = arith.index_cast %add3A_729 : i32 to index
        %swap3A_766 = arith.constant 48 : index
        %swap3A_767 = tpu.vector_load %arg10[%swap3A_765, %swap3A_766] {strides = array<i32>} : memref<128x128xf32, #tpu.memory_space<vmem>>, vector<1x16xf32>,
        %swap3A_768 = vector.shape_cast %swap3A_767 : vector<1x16xf32> to vector<16xf32>
        %swap3A_769 = vector.shape_cast %mul3A_764 : vector<16xf32> to vector<1x16xf32>
        tpu.vector_store %arg10[%swap3A_765, %swap3A_766], %swap3A_769 {strides = array<i32>} : memref<128x128xf32, #tpu.memory_space<vmem>>, vector<1x16xf32>,
        %get3A_770 = arith.index_cast %add3A_729 : i32 to index
        %get3A_771 = arith.constant 64 : index
        %get3A_772 = tpu.vector_load %arg10[%get3A_770, %get3A_771] {strides = array<i32>} : memref<128x128xf32, #tpu.memory_space<vmem>>, vector<1x16xf32>,
        %get3A_773 = vector.shape_cast %get3A_772 : vector<1x16xf32> to vector<16xf32>
        %mul3A_774 = arith.mulf %get3A_773, %broadcast_in_dim3A_725 : vector<16xf32>
        %swap3A_775 = arith.index_cast %add3A_729 : i32 to index
        %swap3A_776 = arith.constant 64 : index
        %swap3A_777 = tpu.vector_load %arg10[%swap3A_775, %swap3A_776] {strides = array<i32>} : memref<128x128xf32, #tpu.memory_space<vmem>>, vector<1x16xf32>,
        %swap3A_778 = vector.shape_cast %swap3A_777 : vector<1x16xf32> to vector<16xf32>
        %swap3A_779 = vector.shape_cast %mul3A_774 : vector<16xf32> to vector<1x16xf32>
        tpu.vector_store %arg10[%swap3A_775, %swap3A_776], %swap3A_779 {strides = array<i32>} : memref<128x128xf32, #tpu.memory_space<vmem>>, vector<1x16xf32>,
        %get3A_780 = arith.index_cast %add3A_729 : i32 to index
        %get3A_781 = arith.constant 80 : index
        %get3A_782 = tpu.vector_load %arg10[%get3A_780, %get3A_781] {strides = array<i32>} : memref<128x128xf32, #tpu.memory_space<vmem>>, vector<1x16xf32>,
        %get3A_783 = vector.shape_cast %get3A_782 : vector<1x16xf32> to vector<16xf32>
        %mul3A_784 = arith.mulf %get3A_783, %broadcast_in_dim3A_725 : vector<16xf32>
        %swap3A_785 = arith.index_cast %add3A_729 : i32 to index
        %swap3A_786 = arith.constant 80 : index
        %swap3A_787 = tpu.vector_load %arg10[%swap3A_785, %swap3A_786] {strides = array<i32>} : memref<128x128xf32, #tpu.memory_space<vmem>>, vector<1x16xf32>,
        %swap3A_788 = vector.shape_cast %swap3A_787 : vector<1x16xf32> to vector<16xf32>
        %swap3A_789 = vector.shape_cast %mul3A_784 : vector<16xf32> to vector<1x16xf32>
        tpu.vector_store %arg10[%swap3A_785, %swap3A_786], %swap3A_789 {strides = array<i32>} : memref<128x128xf32, #tpu.memory_space<vmem>>, vector<1x16xf32>,
        %get3A_790 = arith.index_cast %add3A_729 : i32 to index
        %get3A_791 = arith.constant 96 : index
        %get3A_792 = tpu.vector_load %arg10[%get3A_790, %get3A_791] {strides = array<i32>} : memref<128x128xf32, #tpu.memory_space<vmem>>, vector<1x16xf32>,
        %get3A_793 = vector.shape_cast %get3A_792 : vector<1x16xf32> to vector<16xf32>
        %mul3A_794 = arith.mulf %get3A_793, %broadcast_in_dim3A_725 : vector<16xf32>
        %swap3A_795 = arith.index_cast %add3A_729 : i32 to index
        %swap3A_796 = arith.constant 96 : index
        %swap3A_797 = tpu.vector_load %arg10[%swap3A_795, %swap3A_796] {strides = array<i32>} : memref<128x128xf32, #tpu.memory_space<vmem>>, vector<1x16xf32>,
        %swap3A_798 = vector.shape_cast %swap3A_797 : vector<1x16xf32> to vector<16xf32>
        %swap3A_799 = vector.shape_cast %mul3A_794 : vector<16xf32> to vector<1x16xf32>
        tpu.vector_store %arg10[%swap3A_795, %swap3A_796], %swap3A_799 {strides = array<i32>} : memref<128x128xf32, #tpu.memory_space<vmem>>, vector<1x16xf32>,
        %get3A_800 = arith.index_cast %add3A_729 : i32 to index
        %get3A_801 = arith.constant 112 : index
        %get3A_802 = tpu.vector_load %arg10[%get3A_800, %get3A_801] {strides = array<i32>} : memref<128x128xf32, #tpu.memory_space<vmem>>, vector<1x16xf32>,
        %get3A_803 = vector.shape_cast %get3A_802 : vector<1x16xf32> to vector<16xf32>
        %mul3A_804 = arith.mulf %get3A_803, %broadcast_in_dim3A_725 : vector<16xf32>
        %swap3A_805 = arith.index_cast %add3A_729 : i32 to index
        %swap3A_806 = arith.constant 112 : index
        %swap3A_807 = tpu.vector_load %arg10[%swap3A_805, %swap3A_806] {strides = array<i32>} : memref<128x128xf32, #tpu.memory_space<vmem>>, vector<1x16xf32>,
        %swap3A_808 = vector.shape_cast %swap3A_807 : vector<1x16xf32> to vector<16xf32>
        %swap3A_809 = vector.shape_cast %mul3A_804 : vector<16xf32> to vector<1x16xf32>
        tpu.vector_store %arg10[%swap3A_805, %swap3A_806], %swap3A_809 {strides = array<i32>} : memref<128x128xf32, #tpu.memory_space<vmem>>, vector<1x16xf32>,
        %slice3A_810 = vector.extract_strided_slice %get3A_203 {offsets = [7], sizes = [1], strides = [1]} : vector<16xf32> to vector<1xf32>
        %squeeze3A_811 = vector.extract %slice3A_810[0] : f32 from vector<1xf32>
        %broadcast_in_dim3A_812 = vector.broadcast %squeeze3A_811 : f32 to vector<16xf32>
        %mul3A_813 = arith.constant 16 : i32
        %mul3A_814 = arith.muli %scan3A_198, %mul3A_813 : i32
        %add3A_815 = arith.constant 7 : i32
        %add3A_816 = arith.addi %mul3A_814, %add3A_815 : i32
        %get3A_817 = arith.index_cast %add3A_816 : i32 to index
        %get3A_818 = arith.constant 0 : index
        %get3A_819 = tpu.vector_load %arg10[%get3A_817, %get3A_818] {strides = array<i32>} : memref<128x128xf32, #tpu.memory_space<vmem>>, vector<1x16xf32>,
        %get3A_820 = vector.shape_cast %get3A_819 : vector<1x16xf32> to vector<16xf32>
        %mul3A_821 = arith.mulf %get3A_820, %broadcast_in_dim3A_812 : vector<16xf32>
        %swap3A_822 = arith.index_cast %add3A_816 : i32 to index
        %swap3A_823 = arith.constant 0 : index
        %swap3A_824 = tpu.vector_load %arg10[%swap3A_822, %swap3A_823] {strides = array<i32>} : memref<128x128xf32, #tpu.memory_space<vmem>>, vector<1x16xf32>,
        %swap3A_825 = vector.shape_cast %swap3A_824 : vector<1x16xf32> to vector<16xf32>
        %swap3A_826 = vector.shape_cast %mul3A_821 : vector<16xf32> to vector<1x16xf32>
        tpu.vector_store %arg10[%swap3A_822, %swap3A_823], %swap3A_826 {strides = array<i32>} : memref<128x128xf32, #tpu.memory_space<vmem>>, vector<1x16xf32>,
        %get3A_827 = arith.index_cast %add3A_816 : i32 to index
        %get3A_828 = arith.constant 16 : index
        %get3A_829 = tpu.vector_load %arg10[%get3A_827, %get3A_828] {strides = array<i32>} : memref<128x128xf32, #tpu.memory_space<vmem>>, vector<1x16xf32>,
        %get3A_830 = vector.shape_cast %get3A_829 : vector<1x16xf32> to vector<16xf32>
        %mul3A_831 = arith.mulf %get3A_830, %broadcast_in_dim3A_812 : vector<16xf32>
        %swap3A_832 = arith.index_cast %add3A_816 : i32 to index
        %swap3A_833 = arith.constant 16 : index
        %swap3A_834 = tpu.vector_load %arg10[%swap3A_832, %swap3A_833] {strides = array<i32>} : memref<128x128xf32, #tpu.memory_space<vmem>>, vector<1x16xf32>,
        %swap3A_835 = vector.shape_cast %swap3A_834 : vector<1x16xf32> to vector<16xf32>
        %swap3A_836 = vector.shape_cast %mul3A_831 : vector<16xf32> to vector<1x16xf32>
        tpu.vector_store %arg10[%swap3A_832, %swap3A_833], %swap3A_836 {strides = array<i32>} : memref<128x128xf32, #tpu.memory_space<vmem>>, vector<1x16xf32>,
        %get3A_837 = arith.index_cast %add3A_816 : i32 to index
        %get3A_838 = arith.constant 32 : index
        %get3A_839 = tpu.vector_load %arg10[%get3A_837, %get3A_838] {strides = array<i32>} : memref<128x128xf32, #tpu.memory_space<vmem>>, vector<1x16xf32>,
        %get3A_840 = vector.shape_cast %get3A_839 : vector<1x16xf32> to vector<16xf32>
        %mul3A_841 = arith.mulf %get3A_840, %broadcast_in_dim3A_812 : vector<16xf32>
        %swap3A_842 = arith.index_cast %add3A_816 : i32 to index
        %swap3A_843 = arith.constant 32 : index
        %swap3A_844 = tpu.vector_load %arg10[%swap3A_842, %swap3A_843] {strides = array<i32>} : memref<128x128xf32, #tpu.memory_space<vmem>>, vector<1x16xf32>,
        %swap3A_845 = vector.shape_cast %swap3A_844 : vector<1x16xf32> to vector<16xf32>
        %swap3A_846 = vector.shape_cast %mul3A_841 : vector<16xf32> to vector<1x16xf32>
        tpu.vector_store %arg10[%swap3A_842, %swap3A_843], %swap3A_846 {strides = array<i32>} : memref<128x128xf32, #tpu.memory_space<vmem>>, vector<1x16xf32>,
        %get3A_847 = arith.index_cast %add3A_816 : i32 to index
        %get3A_848 = arith.constant 48 : index
        %get3A_849 = tpu.vector_load %arg10[%get3A_847, %get3A_848] {strides = array<i32>} : memref<128x128xf32, #tpu.memory_space<vmem>>, vector<1x16xf32>,
        %get3A_850 = vector.shape_cast %get3A_849 : vector<1x16xf32> to vector<16xf32>
        %mul3A_851 = arith.mulf %get3A_850, %broadcast_in_dim3A_812 : vector<16xf32>
        %swap3A_852 = arith.index_cast %add3A_816 : i32 to index
        %swap3A_853 = arith.constant 48 : index
        %swap3A_854 = tpu.vector_load %arg10[%swap3A_852, %swap3A_853] {strides = array<i32>} : memref<128x128xf32, #tpu.memory_space<vmem>>, vector<1x16xf32>,
        %swap3A_855 = vector.shape_cast %swap3A_854 : vector<1x16xf32> to vector<16xf32>
        %swap3A_856 = vector.shape_cast %mul3A_851 : vector<16xf32> to vector<1x16xf32>
        tpu.vector_store %arg10[%swap3A_852, %swap3A_853], %swap3A_856 {strides = array<i32>} : memref<128x128xf32, #tpu.memory_space<vmem>>, vector<1x16xf32>,
        %get3A_857 = arith.index_cast %add3A_816 : i32 to index
        %get3A_858 = arith.constant 64 : index
        %get3A_859 = tpu.vector_load %arg10[%get3A_857, %get3A_858] {strides = array<i32>} : memref<128x128xf32, #tpu.memory_space<vmem>>, vector<1x16xf32>,
        %get3A_860 = vector.shape_cast %get3A_859 : vector<1x16xf32> to vector<16xf32>
        %mul3A_861 = arith.mulf %get3A_860, %broadcast_in_dim3A_812 : vector<16xf32>
        %swap3A_862 = arith.index_cast %add3A_816 : i32 to index
        %swap3A_863 = arith.constant 64 : index
        %swap3A_864 = tpu.vector_load %arg10[%swap3A_862, %swap3A_863] {strides = array<i32>} : memref<128x128xf32, #tpu.memory_space<vmem>>, vector<1x16xf32>,
        %swap3A_865 = vector.shape_cast %swap3A_864 : vector<1x16xf32> to vector<16xf32>
        %swap3A_866 = vector.shape_cast %mul3A_861 : vector<16xf32> to vector<1x16xf32>
        tpu.vector_store %arg10[%swap3A_862, %swap3A_863], %swap3A_866 {strides = array<i32>} : memref<128x128xf32, #tpu.memory_space<vmem>>, vector<1x16xf32>,
        %get3A_867 = arith.index_cast %add3A_816 : i32 to index
        %get3A_868 = arith.constant 80 : index
        %get3A_869 = tpu.vector_load %arg10[%get3A_867, %get3A_868] {strides = array<i32>} : memref<128x128xf32, #tpu.memory_space<vmem>>, vector<1x16xf32>,
        %get3A_870 = vector.shape_cast %get3A_869 : vector<1x16xf32> to vector<16xf32>
        %mul3A_871 = arith.mulf %get3A_870, %broadcast_in_dim3A_812 : vector<16xf32>
        %swap3A_872 = arith.index_cast %add3A_816 : i32 to index
        %swap3A_873 = arith.constant 80 : index
        %swap3A_874 = tpu.vector_load %arg10[%swap3A_872, %swap3A_873] {strides = array<i32>} : memref<128x128xf32, #tpu.memory_space<vmem>>, vector<1x16xf32>,
        %swap3A_875 = vector.shape_cast %swap3A_874 : vector<1x16xf32> to vector<16xf32>
        %swap3A_876 = vector.shape_cast %mul3A_871 : vector<16xf32> to vector<1x16xf32>
        tpu.vector_store %arg10[%swap3A_872, %swap3A_873], %swap3A_876 {strides = array<i32>} : memref<128x128xf32, #tpu.memory_space<vmem>>, vector<1x16xf32>,
        %get3A_877 = arith.index_cast %add3A_816 : i32 to index
        %get3A_878 = arith.constant 96 : index
        %get3A_879 = tpu.vector_load %arg10[%get3A_877, %get3A_878] {strides = array<i32>} : memref<128x128xf32, #tpu.memory_space<vmem>>, vector<1x16xf32>,
        %get3A_880 = vector.shape_cast %get3A_879 : vector<1x16xf32> to vector<16xf32>
        %mul3A_881 = arith.mulf %get3A_880, %broadcast_in_dim3A_812 : vector<16xf32>
        %swap3A_882 = arith.index_cast %add3A_816 : i32 to index
        %swap3A_883 = arith.constant 96 : index
        %swap3A_884 = tpu.vector_load %arg10[%swap3A_882, %swap3A_883] {strides = array<i32>} : memref<128x128xf32, #tpu.memory_space<vmem>>, vector<1x16xf32>,
        %swap3A_885 = vector.shape_cast %swap3A_884 : vector<1x16xf32> to vector<16xf32>
        %swap3A_886 = vector.shape_cast %mul3A_881 : vector<16xf32> to vector<1x16xf32>
        tpu.vector_store %arg10[%swap3A_882, %swap3A_883], %swap3A_886 {strides = array<i32>} : memref<128x128xf32, #tpu.memory_space<vmem>>, vector<1x16xf32>,
        %get3A_887 = arith.index_cast %add3A_816 : i32 to index
        %get3A_888 = arith.constant 112 : index
        %get3A_889 = tpu.vector_load %arg10[%get3A_887, %get3A_888] {strides = array<i32>} : memref<128x128xf32, #tpu.memory_space<vmem>>, vector<1x16xf32>,
        %get3A_890 = vector.shape_cast %get3A_889 : vector<1x16xf32> to vector<16xf32>
        %mul3A_891 = arith.mulf %get3A_890, %broadcast_in_dim3A_812 : vector<16xf32>
        %swap3A_892 = arith.index_cast %add3A_816 : i32 to index
        %swap3A_893 = arith.constant 112 : index
        %swap3A_894 = tpu.vector_load %arg10[%swap3A_892, %swap3A_893] {strides = array<i32>} : memref<128x128xf32, #tpu.memory_space<vmem>>, vector<1x16xf32>,
        %swap3A_895 = vector.shape_cast %swap3A_894 : vector<1x16xf32> to vector<16xf32>
        %swap3A_896 = vector.shape_cast %mul3A_891 : vector<16xf32> to vector<1x16xf32>
        tpu.vector_store %arg10[%swap3A_892, %swap3A_893], %swap3A_896 {strides = array<i32>} : memref<128x128xf32, #tpu.memory_space<vmem>>, vector<1x16xf32>,
        %slice3A_897 = vector.extract_strided_slice %get3A_203 {offsets = [8], sizes = [1], strides = [1]} : vector<16xf32> to vector<1xf32>
        %squeeze3A_898 = vector.extract %slice3A_897[0] : f32 from vector<1xf32>
        %broadcast_in_dim3A_899 = vector.broadcast %squeeze3A_898 : f32 to vector<16xf32>
        %mul3A_900 = arith.constant 16 : i32
        %mul3A_901 = arith.muli %scan3A_198, %mul3A_900 : i32
        %add3A_902 = arith.constant 8 : i32
        %add3A_903 = arith.addi %mul3A_901, %add3A_902 : i32
        %get3A_904 = arith.index_cast %add3A_903 : i32 to index
        %get3A_905 = arith.constant 0 : index
        %get3A_906 = tpu.vector_load %arg10[%get3A_904, %get3A_905] {strides = array<i32>} : memref<128x128xf32, #tpu.memory_space<vmem>>, vector<1x16xf32>,
        %get3A_907 = vector.shape_cast %get3A_906 : vector<1x16xf32> to vector<16xf32>
        %mul3A_908 = arith.mulf %get3A_907, %broadcast_in_dim3A_899 : vector<16xf32>
        %swap3A_909 = arith.index_cast %add3A_903 : i32 to index
        %swap3A_910 = arith.constant 0 : index
        %swap3A_911 = tpu.vector_load %arg10[%swap3A_909, %swap3A_910] {strides = array<i32>} : memref<128x128xf32, #tpu.memory_space<vmem>>, vector<1x16xf32>,
        %swap3A_912 = vector.shape_cast %swap3A_911 : vector<1x16xf32> to vector<16xf32>
        %swap3A_913 = vector.shape_cast %mul3A_908 : vector<16xf32> to vector<1x16xf32>
        tpu.vector_store %arg10[%swap3A_909, %swap3A_910], %swap3A_913 {strides = array<i32>} : memref<128x128xf32, #tpu.memory_space<vmem>>, vector<1x16xf32>,
        %get3A_914 = arith.index_cast %add3A_903 : i32 to index
        %get3A_915 = arith.constant 16 : index
        %get3A_916 = tpu.vector_load %arg10[%get3A_914, %get3A_915] {strides = array<i32>} : memref<128x128xf32, #tpu.memory_space<vmem>>, vector<1x16xf32>,
        %get3A_917 = vector.shape_cast %get3A_916 : vector<1x16xf32> to vector<16xf32>
        %mul3A_918 = arith.mulf %get3A_917, %broadcast_in_dim3A_899 : vector<16xf32>
        %swap3A_919 = arith.index_cast %add3A_903 : i32 to index
        %swap3A_920 = arith.constant 16 : index
        %swap3A_921 = tpu.vector_load %arg10[%swap3A_919, %swap3A_920] {strides = array<i32>} : memref<128x128xf32, #tpu.memory_space<vmem>>, vector<1x16xf32>,
        %swap3A_922 = vector.shape_cast %swap3A_921 : vector<1x16xf32> to vector<16xf32>
        %swap3A_923 = vector.shape_cast %mul3A_918 : vector<16xf32> to vector<1x16xf32>
        tpu.vector_store %arg10[%swap3A_919, %swap3A_920], %swap3A_923 {strides = array<i32>} : memref<128x128xf32, #tpu.memory_space<vmem>>, vector<1x16xf32>,
        %get3A_924 = arith.index_cast %add3A_903 : i32 to index
        %get3A_925 = arith.constant 32 : index
        %get3A_926 = tpu.vector_load %arg10[%get3A_924, %get3A_925] {strides = array<i32>} : memref<128x128xf32, #tpu.memory_space<vmem>>, vector<1x16xf32>,
        %get3A_927 = vector.shape_cast %get3A_926 : vector<1x16xf32> to vector<16xf32>
        %mul3A_928 = arith.mulf %get3A_927, %broadcast_in_dim3A_899 : vector<16xf32>
        %swap3A_929 = arith.index_cast %add3A_903 : i32 to index
        %swap3A_930 = arith.constant 32 : index
        %swap3A_931 = tpu.vector_load %arg10[%swap3A_929, %swap3A_930] {strides = array<i32>} : memref<128x128xf32, #tpu.memory_space<vmem>>, vector<1x16xf32>,
        %swap3A_932 = vector.shape_cast %swap3A_931 : vector<1x16xf32> to vector<16xf32>
        %swap3A_933 = vector.shape_cast %mul3A_928 : vector<16xf32> to vector<1x16xf32>
        tpu.vector_store %arg10[%swap3A_929, %swap3A_930], %swap3A_933 {strides = array<i32>} : memref<128x128xf32, #tpu.memory_space<vmem>>, vector<1x16xf32>,
        %get3A_934 = arith.index_cast %add3A_903 : i32 to index
        %get3A_935 = arith.constant 48 : index
        %get3A_936 = tpu.vector_load %arg10[%get3A_934, %get3A_935] {strides = array<i32>} : memref<128x128xf32, #tpu.memory_space<vmem>>, vector<1x16xf32>,
        %get3A_937 = vector.shape_cast %get3A_936 : vector<1x16xf32> to vector<16xf32>
        %mul3A_938 = arith.mulf %get3A_937, %broadcast_in_dim3A_899 : vector<16xf32>
        %swap3A_939 = arith.index_cast %add3A_903 : i32 to index
        %swap3A_940 = arith.constant 48 : index
        %swap3A_941 = tpu.vector_load %arg10[%swap3A_939, %swap3A_940] {strides = array<i32>} : memref<128x128xf32, #tpu.memory_space<vmem>>, vector<1x16xf32>,
        %swap3A_942 = vector.shape_cast %swap3A_941 : vector<1x16xf32> to vector<16xf32>
        %swap3A_943 = vector.shape_cast %mul3A_938 : vector<16xf32> to vector<1x16xf32>
        tpu.vector_store %arg10[%swap3A_939, %swap3A_940], %swap3A_943 {strides = array<i32>} : memref<128x128xf32, #tpu.memory_space<vmem>>, vector<1x16xf32>,
        %get3A_944 = arith.index_cast %add3A_903 : i32 to index
        %get3A_945 = arith.constant 64 : index
        %get3A_946 = tpu.vector_load %arg10[%get3A_944, %get3A_945] {strides = array<i32>} : memref<128x128xf32, #tpu.memory_space<vmem>>, vector<1x16xf32>,
        %get3A_947 = vector.shape_cast %get3A_946 : vector<1x16xf32> to vector<16xf32>
        %mul3A_948 = arith.mulf %get3A_947, %broadcast_in_dim3A_899 : vector<16xf32>
        %swap3A_949 = arith.index_cast %add3A_903 : i32 to index
        %swap3A_950 = arith.constant 64 : index
        %swap3A_951 = tpu.vector_load %arg10[%swap3A_949, %swap3A_950] {strides = array<i32>} : memref<128x128xf32, #tpu.memory_space<vmem>>, vector<1x16xf32>,
        %swap3A_952 = vector.shape_cast %swap3A_951 : vector<1x16xf32> to vector<16xf32>
        %swap3A_953 = vector.shape_cast %mul3A_948 : vector<16xf32> to vector<1x16xf32>
        tpu.vector_store %arg10[%swap3A_949, %swap3A_950], %swap3A_953 {strides = array<i32>} : memref<128x128xf32, #tpu.memory_space<vmem>>, vector<1x16xf32>,
        %get3A_954 = arith.index_cast %add3A_903 : i32 to index
        %get3A_955 = arith.constant 80 : index
        %get3A_956 = tpu.vector_load %arg10[%get3A_954, %get3A_955] {strides = array<i32>} : memref<128x128xf32, #tpu.memory_space<vmem>>, vector<1x16xf32>,
        %get3A_957 = vector.shape_cast %get3A_956 : vector<1x16xf32> to vector<16xf32>
        %mul3A_958 = arith.mulf %get3A_957, %broadcast_in_dim3A_899 : vector<16xf32>
        %swap3A_959 = arith.index_cast %add3A_903 : i32 to index
        %swap3A_960 = arith.constant 80 : index
        %swap3A_961 = tpu.vector_load %arg10[%swap3A_959, %swap3A_960] {strides = array<i32>} : memref<128x128xf32, #tpu.memory_space<vmem>>, vector<1x16xf32>,
        %swap3A_962 = vector.shape_cast %swap3A_961 : vector<1x16xf32> to vector<16xf32>
        %swap3A_963 = vector.shape_cast %mul3A_958 : vector<16xf32> to vector<1x16xf32>
        tpu.vector_store %arg10[%swap3A_959, %swap3A_960], %swap3A_963 {strides = array<i32>} : memref<128x128xf32, #tpu.memory_space<vmem>>, vector<1x16xf32>,
        %get3A_964 = arith.index_cast %add3A_903 : i32 to index
        %get3A_965 = arith.constant 96 : index
        %get3A_966 = tpu.vector_load %arg10[%get3A_964, %get3A_965] {strides = array<i32>} : memref<128x128xf32, #tpu.memory_space<vmem>>, vector<1x16xf32>,
        %get3A_967 = vector.shape_cast %get3A_966 : vector<1x16xf32> to vector<16xf32>
        %mul3A_968 = arith.mulf %get3A_967, %broadcast_in_dim3A_899 : vector<16xf32>
        %swap3A_969 = arith.index_cast %add3A_903 : i32 to index
        %swap3A_970 = arith.constant 96 : index
        %swap3A_971 = tpu.vector_load %arg10[%swap3A_969, %swap3A_970] {strides = array<i32>} : memref<128x128xf32, #tpu.memory_space<vmem>>, vector<1x16xf32>,
        %swap3A_972 = vector.shape_cast %swap3A_971 : vector<1x16xf32> to vector<16xf32>
        %swap3A_973 = vector.shape_cast %mul3A_968 : vector<16xf32> to vector<1x16xf32>
        tpu.vector_store %arg10[%swap3A_969, %swap3A_970], %swap3A_973 {strides = array<i32>} : memref<128x128xf32, #tpu.memory_space<vmem>>, vector<1x16xf32>,
        %get3A_974 = arith.index_cast %add3A_903 : i32 to index
        %get3A_975 = arith.constant 112 : index
        %get3A_976 = tpu.vector_load %arg10[%get3A_974, %get3A_975] {strides = array<i32>} : memref<128x128xf32, #tpu.memory_space<vmem>>, vector<1x16xf32>,
        %get3A_977 = vector.shape_cast %get3A_976 : vector<1x16xf32> to vector<16xf32>
        %mul3A_978 = arith.mulf %get3A_977, %broadcast_in_dim3A_899 : vector<16xf32>
        %swap3A_979 = arith.index_cast %add3A_903 : i32 to index
        %swap3A_980 = arith.constant 112 : index
        %swap3A_981 = tpu.vector_load %arg10[%swap3A_979, %swap3A_980] {strides = array<i32>} : memref<128x128xf32, #tpu.memory_space<vmem>>, vector<1x16xf32>,
        %swap3A_982 = vector.shape_cast %swap3A_981 : vector<1x16xf32> to vector<16xf32>
        %swap3A_983 = vector.shape_cast %mul3A_978 : vector<16xf32> to vector<1x16xf32>
        tpu.vector_store %arg10[%swap3A_979, %swap3A_980], %swap3A_983 {strides = array<i32>} : memref<128x128xf32, #tpu.memory_space<vmem>>, vector<1x16xf32>,
        %slice3A_984 = vector.extract_strided_slice %get3A_203 {offsets = [9], sizes = [1], strides = [1]} : vector<16xf32> to vector<1xf32>
        %squeeze3A_985 = vector.extract %slice3A_984[0] : f32 from vector<1xf32>
        %broadcast_in_dim3A_986 = vector.broadcast %squeeze3A_985 : f32 to vector<16xf32>
        %mul3A_987 = arith.constant 16 : i32
        %mul3A_988 = arith.muli %scan3A_198, %mul3A_987 : i32
        %add3A_989 = arith.constant 9 : i32
        %add3A_990 = arith.addi %mul3A_988, %add3A_989 : i32
        %get3A_991 = arith.index_cast %add3A_990 : i32 to index
        %get3A_992 = arith.constant 0 : index
        %get3A_993 = tpu.vector_load %arg10[%get3A_991, %get3A_992] {strides = array<i32>} : memref<128x128xf32, #tpu.memory_space<vmem>>, vector<1x16xf32>,
        %get3A_994 = vector.shape_cast %get3A_993 : vector<1x16xf32> to vector<16xf32>
        %mul3A_995 = arith.mulf %get3A_994, %broadcast_in_dim3A_986 : vector<16xf32>
        %swap3A_996 = arith.index_cast %add3A_990 : i32 to index
        %swap3A_997 = arith.constant 0 : index
        %swap3A_998 = tpu.vector_load %arg10[%swap3A_996, %swap3A_997] {strides = array<i32>} : memref<128x128xf32, #tpu.memory_space<vmem>>, vector<1x16xf32>,
        %swap3A_999 = vector.shape_cast %swap3A_998 : vector<1x16xf32> to vector<16xf32>
        %swap3A_1000 = vector.shape_cast %mul3A_995 : vector<16xf32> to vector<1x16xf32>
        tpu.vector_store %arg10[%swap3A_996, %swap3A_997], %swap3A_1000 {strides = array<i32>} : memref<128x128xf32, #tpu.memory_space<vmem>>, vector<1x16xf32>,
        %get3A_1001 = arith.index_cast %add3A_990 : i32 to index
        %get3A_1002 = arith.constant 16 : index
        %get3A_1003 = tpu.vector_load %arg10[%get3A_1001, %get3A_1002] {strides = array<i32>} : memref<128x128xf32, #tpu.memory_space<vmem>>, vector<1x16xf32>,
        %get3A_1004 = vector.shape_cast %get3A_1003 : vector<1x16xf32> to vector<16xf32>
        %mul3A_1005 = arith.mulf %get3A_1004, %broadcast_in_dim3A_986 : vector<16xf32>
        %swap3A_1006 = arith.index_cast %add3A_990 : i32 to index
        %swap3A_1007 = arith.constant 16 : index
        %swap3A_1008 = tpu.vector_load %arg10[%swap3A_1006, %swap3A_1007] {strides = array<i32>} : memref<128x128xf32, #tpu.memory_space<vmem>>, vector<1x16xf32>,
        %swap3A_1009 = vector.shape_cast %swap3A_1008 : vector<1x16xf32> to vector<16xf32>
        %swap3A_1010 = vector.shape_cast %mul3A_1005 : vector<16xf32> to vector<1x16xf32>
        tpu.vector_store %arg10[%swap3A_1006, %swap3A_1007], %swap3A_1010 {strides = array<i32>} : memref<128x128xf32, #tpu.memory_space<vmem>>, vector<1x16xf32>,
        %get3A_1011 = arith.index_cast %add3A_990 : i32 to index
        %get3A_1012 = arith.constant 32 : index
        %get3A_1013 = tpu.vector_load %arg10[%get3A_1011, %get3A_1012] {strides = array<i32>} : memref<128x128xf32, #tpu.memory_space<vmem>>, vector<1x16xf32>,
        %get3A_1014 = vector.shape_cast %get3A_1013 : vector<1x16xf32> to vector<16xf32>
        %mul3A_1015 = arith.mulf %get3A_1014, %broadcast_in_dim3A_986 : vector<16xf32>
        %swap3A_1016 = arith.index_cast %add3A_990 : i32 to index
        %swap3A_1017 = arith.constant 32 : index
        %swap3A_1018 = tpu.vector_load %arg10[%swap3A_1016, %swap3A_1017] {strides = array<i32>} : memref<128x128xf32, #tpu.memory_space<vmem>>, vector<1x16xf32>,
        %swap3A_1019 = vector.shape_cast %swap3A_1018 : vector<1x16xf32> to vector<16xf32>
        %swap3A_1020 = vector.shape_cast %mul3A_1015 : vector<16xf32> to vector<1x16xf32>
        tpu.vector_store %arg10[%swap3A_1016, %swap3A_1017], %swap3A_1020 {strides = array<i32>} : memref<128x128xf32, #tpu.memory_space<vmem>>, vector<1x16xf32>,
        %get3A_1021 = arith.index_cast %add3A_990 : i32 to index
        %get3A_1022 = arith.constant 48 : index
        %get3A_1023 = tpu.vector_load %arg10[%get3A_1021, %get3A_1022] {strides = array<i32>} : memref<128x128xf32, #tpu.memory_space<vmem>>, vector<1x16xf32>,
        %get3A_1024 = vector.shape_cast %get3A_1023 : vector<1x16xf32> to vector<16xf32>
        %mul3A_1025 = arith.mulf %get3A_1024, %broadcast_in_dim3A_986 : vector<16xf32>
        %swap3A_1026 = arith.index_cast %add3A_990 : i32 to index
        %swap3A_1027 = arith.constant 48 : index
        %swap3A_1028 = tpu.vector_load %arg10[%swap3A_1026, %swap3A_1027] {strides = array<i32>} : memref<128x128xf32, #tpu.memory_space<vmem>>, vector<1x16xf32>,
        %swap3A_1029 = vector.shape_cast %swap3A_1028 : vector<1x16xf32> to vector<16xf32>
        %swap3A_1030 = vector.shape_cast %mul3A_1025 : vector<16xf32> to vector<1x16xf32>
        tpu.vector_store %arg10[%swap3A_1026, %swap3A_1027], %swap3A_1030 {strides = array<i32>} : memref<128x128xf32, #tpu.memory_space<vmem>>, vector<1x16xf32>,
        %get3A_1031 = arith.index_cast %add3A_990 : i32 to index
        %get3A_1032 = arith.constant 64 : index
        %get3A_1033 = tpu.vector_load %arg10[%get3A_1031, %get3A_1032] {strides = array<i32>} : memref<128x128xf32, #tpu.memory_space<vmem>>, vector<1x16xf32>,
        %get3A_1034 = vector.shape_cast %get3A_1033 : vector<1x16xf32> to vector<16xf32>
        %mul3A_1035 = arith.mulf %get3A_1034, %broadcast_in_dim3A_986 : vector<16xf32>
        %swap3A_1036 = arith.index_cast %add3A_990 : i32 to index
        %swap3A_1037 = arith.constant 64 : index
        %swap3A_1038 = tpu.vector_load %arg10[%swap3A_1036, %swap3A_1037] {strides = array<i32>} : memref<128x128xf32, #tpu.memory_space<vmem>>, vector<1x16xf32>,
        %swap3A_1039 = vector.shape_cast %swap3A_1038 : vector<1x16xf32> to vector<16xf32>
        %swap3A_1040 = vector.shape_cast %mul3A_1035 : vector<16xf32> to vector<1x16xf32>
        tpu.vector_store %arg10[%swap3A_1036, %swap3A_1037], %swap3A_1040 {strides = array<i32>} : memref<128x128xf32, #tpu.memory_space<vmem>>, vector<1x16xf32>,
        %get3A_1041 = arith.index_cast %add3A_990 : i32 to index
        %get3A_1042 = arith.constant 80 : index
        %get3A_1043 = tpu.vector_load %arg10[%get3A_1041, %get3A_1042] {strides = array<i32>} : memref<128x128xf32, #tpu.memory_space<vmem>>, vector<1x16xf32>,
        %get3A_1044 = vector.shape_cast %get3A_1043 : vector<1x16xf32> to vector<16xf32>
        %mul3A_1045 = arith.mulf %get3A_1044, %broadcast_in_dim3A_986 : vector<16xf32>
        %swap3A_1046 = arith.index_cast %add3A_990 : i32 to index
        %swap3A_1047 = arith.constant 80 : index
        %swap3A_1048 = tpu.vector_load %arg10[%swap3A_1046, %swap3A_1047] {strides = array<i32>} : memref<128x128xf32, #tpu.memory_space<vmem>>, vector<1x16xf32>,
        %swap3A_1049 = vector.shape_cast %swap3A_1048 : vector<1x16xf32> to vector<16xf32>
        %swap3A_1050 = vector.shape_cast %mul3A_1045 : vector<16xf32> to vector<1x16xf32>
        tpu.vector_store %arg10[%swap3A_1046, %swap3A_1047], %swap3A_1050 {strides = array<i32>} : memref<128x128xf32, #tpu.memory_space<vmem>>, vector<1x16xf32>,
        %get3A_1051 = arith.index_cast %add3A_990 : i32 to index
        %get3A_1052 = arith.constant 96 : index
        %get3A_1053 = tpu.vector_load %arg10[%get3A_1051, %get3A_1052] {strides = array<i32>} : memref<128x128xf32, #tpu.memory_space<vmem>>, vector<1x16xf32>,
        %get3A_1054 = vector.shape_cast %get3A_1053 : vector<1x16xf32> to vector<16xf32>
        %mul3A_1055 = arith.mulf %get3A_1054, %broadcast_in_dim3A_986 : vector<16xf32>
        %swap3A_1056 = arith.index_cast %add3A_990 : i32 to index
        %swap3A_1057 = arith.constant 96 : index
        %swap3A_1058 = tpu.vector_load %arg10[%swap3A_1056, %swap3A_1057] {strides = array<i32>} : memref<128x128xf32, #tpu.memory_space<vmem>>, vector<1x16xf32>,
        %swap3A_1059 = vector.shape_cast %swap3A_1058 : vector<1x16xf32> to vector<16xf32>
        %swap3A_1060 = vector.shape_cast %mul3A_1055 : vector<16xf32> to vector<1x16xf32>
        tpu.vector_store %arg10[%swap3A_1056, %swap3A_1057], %swap3A_1060 {strides = array<i32>} : memref<128x128xf32, #tpu.memory_space<vmem>>, vector<1x16xf32>,
        %get3A_1061 = arith.index_cast %add3A_990 : i32 to index
        %get3A_1062 = arith.constant 112 : index
        %get3A_1063 = tpu.vector_load %arg10[%get3A_1061, %get3A_1062] {strides = array<i32>} : memref<128x128xf32, #tpu.memory_space<vmem>>, vector<1x16xf32>,
        %get3A_1064 = vector.shape_cast %get3A_1063 : vector<1x16xf32> to vector<16xf32>
        %mul3A_1065 = arith.mulf %get3A_1064, %broadcast_in_dim3A_986 : vector<16xf32>
        %swap3A_1066 = arith.index_cast %add3A_990 : i32 to index
        %swap3A_1067 = arith.constant 112 : index
        %swap3A_1068 = tpu.vector_load %arg10[%swap3A_1066, %swap3A_1067] {strides = array<i32>} : memref<128x128xf32, #tpu.memory_space<vmem>>, vector<1x16xf32>,
        %swap3A_1069 = vector.shape_cast %swap3A_1068 : vector<1x16xf32> to vector<16xf32>
        %swap3A_1070 = vector.shape_cast %mul3A_1065 : vector<16xf32> to vector<1x16xf32>
        tpu.vector_store %arg10[%swap3A_1066, %swap3A_1067], %swap3A_1070 {strides = array<i32>} : memref<128x128xf32, #tpu.memory_space<vmem>>, vector<1x16xf32>,
        %slice3A_1071 = vector.extract_strided_slice %get3A_203 {offsets = [10], sizes = [1], strides = [1]} : vector<16xf32> to vector<1xf32>
        %squeeze3A_1072 = vector.extract %slice3A_1071[0] : f32 from vector<1xf32>
        %broadcast_in_dim3A_1073 = vector.broadcast %squeeze3A_1072 : f32 to vector<16xf32>
        %mul3A_1074 = arith.constant 16 : i32
        %mul3A_1075 = arith.muli %scan3A_198, %mul3A_1074 : i32
        %add3A_1076 = arith.constant 10 : i32
        %add3A_1077 = arith.addi %mul3A_1075, %add3A_1076 : i32
        %get3A_1078 = arith.index_cast %add3A_1077 : i32 to index
        %get3A_1079 = arith.constant 0 : index
        %get3A_1080 = tpu.vector_load %arg10[%get3A_1078, %get3A_1079] {strides = array<i32>} : memref<128x128xf32, #tpu.memory_space<vmem>>, vector<1x16xf32>,
        %get3A_1081 = vector.shape_cast %get3A_1080 : vector<1x16xf32> to vector<16xf32>
        %mul3A_1082 = arith.mulf %get3A_1081, %broadcast_in_dim3A_1073 : vector<16xf32>
        %swap3A_1083 = arith.index_cast %add3A_1077 : i32 to index
        %swap3A_1084 = arith.constant 0 : index
        %swap3A_1085 = tpu.vector_load %arg10[%swap3A_1083, %swap3A_1084] {strides = array<i32>} : memref<128x128xf32, #tpu.memory_space<vmem>>, vector<1x16xf32>,
        %swap3A_1086 = vector.shape_cast %swap3A_1085 : vector<1x16xf32> to vector<16xf32>
        %swap3A_1087 = vector.shape_cast %mul3A_1082 : vector<16xf32> to vector<1x16xf32>
        tpu.vector_store %arg10[%swap3A_1083, %swap3A_1084], %swap3A_1087 {strides = array<i32>} : memref<128x128xf32, #tpu.memory_space<vmem>>, vector<1x16xf32>,
        %get3A_1088 = arith.index_cast %add3A_1077 : i32 to index
        %get3A_1089 = arith.constant 16 : index
        %get3A_1090 = tpu.vector_load %arg10[%get3A_1088, %get3A_1089] {strides = array<i32>} : memref<128x128xf32, #tpu.memory_space<vmem>>, vector<1x16xf32>,
        %get3A_1091 = vector.shape_cast %get3A_1090 : vector<1x16xf32> to vector<16xf32>
        %mul3A_1092 = arith.mulf %get3A_1091, %broadcast_in_dim3A_1073 : vector<16xf32>
        %swap3A_1093 = arith.index_cast %add3A_1077 : i32 to index
        %swap3A_1094 = arith.constant 16 : index
        %swap3A_1095 = tpu.vector_load %arg10[%swap3A_1093, %swap3A_1094] {strides = array<i32>} : memref<128x128xf32, #tpu.memory_space<vmem>>, vector<1x16xf32>,
        %swap3A_1096 = vector.shape_cast %swap3A_1095 : vector<1x16xf32> to vector<16xf32>
        %swap3A_1097 = vector.shape_cast %mul3A_1092 : vector<16xf32> to vector<1x16xf32>
        tpu.vector_store %arg10[%swap3A_1093, %swap3A_1094], %swap3A_1097 {strides = array<i32>} : memref<128x128xf32, #tpu.memory_space<vmem>>, vector<1x16xf32>,
        %get3A_1098 = arith.index_cast %add3A_1077 : i32 to index
        %get3A_1099 = arith.constant 32 : index
        %get3A_1100 = tpu.vector_load %arg10[%get3A_1098, %get3A_1099] {strides = array<i32>} : memref<128x128xf32, #tpu.memory_space<vmem>>, vector<1x16xf32>,
        %get3A_1101 = vector.shape_cast %get3A_1100 : vector<1x16xf32> to vector<16xf32>
        %mul3A_1102 = arith.mulf %get3A_1101, %broadcast_in_dim3A_1073 : vector<16xf32>
        %swap3A_1103 = arith.index_cast %add3A_1077 : i32 to index
        %swap3A_1104 = arith.constant 32 : index
        %swap3A_1105 = tpu.vector_load %arg10[%swap3A_1103, %swap3A_1104] {strides = array<i32>} : memref<128x128xf32, #tpu.memory_space<vmem>>, vector<1x16xf32>,
        %swap3A_1106 = vector.shape_cast %swap3A_1105 : vector<1x16xf32> to vector<16xf32>
        %swap3A_1107 = vector.shape_cast %mul3A_1102 : vector<16xf32> to vector<1x16xf32>
        tpu.vector_store %arg10[%swap3A_1103, %swap3A_1104], %swap3A_1107 {strides = array<i32>} : memref<128x128xf32, #tpu.memory_space<vmem>>, vector<1x16xf32>,
        %get3A_1108 = arith.index_cast %add3A_1077 : i32 to index
        %get3A_1109 = arith.constant 48 : index
        %get3A_1110 = tpu.vector_load %arg10[%get3A_1108, %get3A_1109] {strides = array<i32>} : memref<128x128xf32, #tpu.memory_space<vmem>>, vector<1x16xf32>,
        %get3A_1111 = vector.shape_cast %get3A_1110 : vector<1x16xf32> to vector<16xf32>
        %mul3A_1112 = arith.mulf %get3A_1111, %broadcast_in_dim3A_1073 : vector<16xf32>
        %swap3A_1113 = arith.index_cast %add3A_1077 : i32 to index
        %swap3A_1114 = arith.constant 48 : index
        %swap3A_1115 = tpu.vector_load %arg10[%swap3A_1113, %swap3A_1114] {strides = array<i32>} : memref<128x128xf32, #tpu.memory_space<vmem>>, vector<1x16xf32>,
        %swap3A_1116 = vector.shape_cast %swap3A_1115 : vector<1x16xf32> to vector<16xf32>
        %swap3A_1117 = vector.shape_cast %mul3A_1112 : vector<16xf32> to vector<1x16xf32>
        tpu.vector_store %arg10[%swap3A_1113, %swap3A_1114], %swap3A_1117 {strides = array<i32>} : memref<128x128xf32, #tpu.memory_space<vmem>>, vector<1x16xf32>,
        %get3A_1118 = arith.index_cast %add3A_1077 : i32 to index
        %get3A_1119 = arith.constant 64 : index
        %get3A_1120 = tpu.vector_load %arg10[%get3A_1118, %get3A_1119] {strides = array<i32>} : memref<128x128xf32, #tpu.memory_space<vmem>>, vector<1x16xf32>,
        %get3A_1121 = vector.shape_cast %get3A_1120 : vector<1x16xf32> to vector<16xf32>
        %mul3A_1122 = arith.mulf %get3A_1121, %broadcast_in_dim3A_1073 : vector<16xf32>
        %swap3A_1123 = arith.index_cast %add3A_1077 : i32 to index
        %swap3A_1124 = arith.constant 64 : index
        %swap3A_1125 = tpu.vector_load %arg10[%swap3A_1123, %swap3A_1124] {strides = array<i32>} : memref<128x128xf32, #tpu.memory_space<vmem>>, vector<1x16xf32>,
        %swap3A_1126 = vector.shape_cast %swap3A_1125 : vector<1x16xf32> to vector<16xf32>
        %swap3A_1127 = vector.shape_cast %mul3A_1122 : vector<16xf32> to vector<1x16xf32>
        tpu.vector_store %arg10[%swap3A_1123, %swap3A_1124], %swap3A_1127 {strides = array<i32>} : memref<128x128xf32, #tpu.memory_space<vmem>>, vector<1x16xf32>,
        %get3A_1128 = arith.index_cast %add3A_1077 : i32 to index
        %get3A_1129 = arith.constant 80 : index
        %get3A_1130 = tpu.vector_load %arg10[%get3A_1128, %get3A_1129] {strides = array<i32>} : memref<128x128xf32, #tpu.memory_space<vmem>>, vector<1x16xf32>,
        %get3A_1131 = vector.shape_cast %get3A_1130 : vector<1x16xf32> to vector<16xf32>
        %mul3A_1132 = arith.mulf %get3A_1131, %broadcast_in_dim3A_1073 : vector<16xf32>
        %swap3A_1133 = arith.index_cast %add3A_1077 : i32 to index
        %swap3A_1134 = arith.constant 80 : index
        %swap3A_1135 = tpu.vector_load %arg10[%swap3A_1133, %swap3A_1134] {strides = array<i32>} : memref<128x128xf32, #tpu.memory_space<vmem>>, vector<1x16xf32>,
        %swap3A_1136 = vector.shape_cast %swap3A_1135 : vector<1x16xf32> to vector<16xf32>
        %swap3A_1137 = vector.shape_cast %mul3A_1132 : vector<16xf32> to vector<1x16xf32>
        tpu.vector_store %arg10[%swap3A_1133, %swap3A_1134], %swap3A_1137 {strides = array<i32>} : memref<128x128xf32, #tpu.memory_space<vmem>>, vector<1x16xf32>,
        %get3A_1138 = arith.index_cast %add3A_1077 : i32 to index
        %get3A_1139 = arith.constant 96 : index
        %get3A_1140 = tpu.vector_load %arg10[%get3A_1138, %get3A_1139] {strides = array<i32>} : memref<128x128xf32, #tpu.memory_space<vmem>>, vector<1x16xf32>,
        %get3A_1141 = vector.shape_cast %get3A_1140 : vector<1x16xf32> to vector<16xf32>
        %mul3A_1142 = arith.mulf %get3A_1141, %broadcast_in_dim3A_1073 : vector<16xf32>
        %swap3A_1143 = arith.index_cast %add3A_1077 : i32 to index
        %swap3A_1144 = arith.constant 96 : index
        %swap3A_1145 = tpu.vector_load %arg10[%swap3A_1143, %swap3A_1144] {strides = array<i32>} : memref<128x128xf32, #tpu.memory_space<vmem>>, vector<1x16xf32>,
        %swap3A_1146 = vector.shape_cast %swap3A_1145 : vector<1x16xf32> to vector<16xf32>
        %swap3A_1147 = vector.shape_cast %mul3A_1142 : vector<16xf32> to vector<1x16xf32>
        tpu.vector_store %arg10[%swap3A_1143, %swap3A_1144], %swap3A_1147 {strides = array<i32>} : memref<128x128xf32, #tpu.memory_space<vmem>>, vector<1x16xf32>,
        %get3A_1148 = arith.index_cast %add3A_1077 : i32 to index
        %get3A_1149 = arith.constant 112 : index
        %get3A_1150 = tpu.vector_load %arg10[%get3A_1148, %get3A_1149] {strides = array<i32>} : memref<128x128xf32, #tpu.memory_space<vmem>>, vector<1x16xf32>,
        %get3A_1151 = vector.shape_cast %get3A_1150 : vector<1x16xf32> to vector<16xf32>
        %mul3A_1152 = arith.mulf %get3A_1151, %broadcast_in_dim3A_1073 : vector<16xf32>
        %swap3A_1153 = arith.index_cast %add3A_1077 : i32 to index
        %swap3A_1154 = arith.constant 112 : index
        %swap3A_1155 = tpu.vector_load %arg10[%swap3A_1153, %swap3A_1154] {strides = array<i32>} : memref<128x128xf32, #tpu.memory_space<vmem>>, vector<1x16xf32>,
        %swap3A_1156 = vector.shape_cast %swap3A_1155 : vector<1x16xf32> to vector<16xf32>
        %swap3A_1157 = vector.shape_cast %mul3A_1152 : vector<16xf32> to vector<1x16xf32>
        tpu.vector_store %arg10[%swap3A_1153, %swap3A_1154], %swap3A_1157 {strides = array<i32>} : memref<128x128xf32, #tpu.memory_space<vmem>>, vector<1x16xf32>,
        %slice3A_1158 = vector.extract_strided_slice %get3A_203 {offsets = [11], sizes = [1], strides = [1]} : vector<16xf32> to vector<1xf32>
        %squeeze3A_1159 = vector.extract %slice3A_1158[0] : f32 from vector<1xf32>
        %broadcast_in_dim3A_1160 = vector.broadcast %squeeze3A_1159 : f32 to vector<16xf32>
        %mul3A_1161 = arith.constant 16 : i32
        %mul3A_1162 = arith.muli %scan3A_198, %mul3A_1161 : i32
        %add3A_1163 = arith.constant 11 : i32
        %add3A_1164 = arith.addi %mul3A_1162, %add3A_1163 : i32
        %get3A_1165 = arith.index_cast %add3A_1164 : i32 to index
        %get3A_1166 = arith.constant 0 : index
        %get3A_1167 = tpu.vector_load %arg10[%get3A_1165, %get3A_1166] {strides = array<i32>} : memref<128x128xf32, #tpu.memory_space<vmem>>, vector<1x16xf32>,
        %get3A_1168 = vector.shape_cast %get3A_1167 : vector<1x16xf32> to vector<16xf32>
        %mul3A_1169 = arith.mulf %get3A_1168, %broadcast_in_dim3A_1160 : vector<16xf32>
        %swap3A_1170 = arith.index_cast %add3A_1164 : i32 to index
        %swap3A_1171 = arith.constant 0 : index
        %swap3A_1172 = tpu.vector_load %arg10[%swap3A_1170, %swap3A_1171] {strides = array<i32>} : memref<128x128xf32, #tpu.memory_space<vmem>>, vector<1x16xf32>,
        %swap3A_1173 = vector.shape_cast %swap3A_1172 : vector<1x16xf32> to vector<16xf32>
        %swap3A_1174 = vector.shape_cast %mul3A_1169 : vector<16xf32> to vector<1x16xf32>
        tpu.vector_store %arg10[%swap3A_1170, %swap3A_1171], %swap3A_1174 {strides = array<i32>} : memref<128x128xf32, #tpu.memory_space<vmem>>, vector<1x16xf32>,
        %get3A_1175 = arith.index_cast %add3A_1164 : i32 to index
        %get3A_1176 = arith.constant 16 : index
        %get3A_1177 = tpu.vector_load %arg10[%get3A_1175, %get3A_1176] {strides = array<i32>} : memref<128x128xf32, #tpu.memory_space<vmem>>, vector<1x16xf32>,
        %get3A_1178 = vector.shape_cast %get3A_1177 : vector<1x16xf32> to vector<16xf32>
        %mul3A_1179 = arith.mulf %get3A_1178, %broadcast_in_dim3A_1160 : vector<16xf32>
        %swap3A_1180 = arith.index_cast %add3A_1164 : i32 to index
        %swap3A_1181 = arith.constant 16 : index
        %swap3A_1182 = tpu.vector_load %arg10[%swap3A_1180, %swap3A_1181] {strides = array<i32>} : memref<128x128xf32, #tpu.memory_space<vmem>>, vector<1x16xf32>,
        %swap3A_1183 = vector.shape_cast %swap3A_1182 : vector<1x16xf32> to vector<16xf32>
        %swap3A_1184 = vector.shape_cast %mul3A_1179 : vector<16xf32> to vector<1x16xf32>
        tpu.vector_store %arg10[%swap3A_1180, %swap3A_1181], %swap3A_1184 {strides = array<i32>} : memref<128x128xf32, #tpu.memory_space<vmem>>, vector<1x16xf32>,
        %get3A_1185 = arith.index_cast %add3A_1164 : i32 to index
        %get3A_1186 = arith.constant 32 : index
        %get3A_1187 = tpu.vector_load %arg10[%get3A_1185, %get3A_1186] {strides = array<i32>} : memref<128x128xf32, #tpu.memory_space<vmem>>, vector<1x16xf32>,
        %get3A_1188 = vector.shape_cast %get3A_1187 : vector<1x16xf32> to vector<16xf32>
        %mul3A_1189 = arith.mulf %get3A_1188, %broadcast_in_dim3A_1160 : vector<16xf32>
        %swap3A_1190 = arith.index_cast %add3A_1164 : i32 to index
        %swap3A_1191 = arith.constant 32 : index
        %swap3A_1192 = tpu.vector_load %arg10[%swap3A_1190, %swap3A_1191] {strides = array<i32>} : memref<128x128xf32, #tpu.memory_space<vmem>>, vector<1x16xf32>,
        %swap3A_1193 = vector.shape_cast %swap3A_1192 : vector<1x16xf32> to vector<16xf32>
        %swap3A_1194 = vector.shape_cast %mul3A_1189 : vector<16xf32> to vector<1x16xf32>
        tpu.vector_store %arg10[%swap3A_1190, %swap3A_1191], %swap3A_1194 {strides = array<i32>} : memref<128x128xf32, #tpu.memory_space<vmem>>, vector<1x16xf32>,
        %get3A_1195 = arith.index_cast %add3A_1164 : i32 to index
        %get3A_1196 = arith.constant 48 : index
        %get3A_1197 = tpu.vector_load %arg10[%get3A_1195, %get3A_1196] {strides = array<i32>} : memref<128x128xf32, #tpu.memory_space<vmem>>, vector<1x16xf32>,
        %get3A_1198 = vector.shape_cast %get3A_1197 : vector<1x16xf32> to vector<16xf32>
        %mul3A_1199 = arith.mulf %get3A_1198, %broadcast_in_dim3A_1160 : vector<16xf32>
        %swap3A_1200 = arith.index_cast %add3A_1164 : i32 to index
        %swap3A_1201 = arith.constant 48 : index
        %swap3A_1202 = tpu.vector_load %arg10[%swap3A_1200, %swap3A_1201] {strides = array<i32>} : memref<128x128xf32, #tpu.memory_space<vmem>>, vector<1x16xf32>,
        %swap3A_1203 = vector.shape_cast %swap3A_1202 : vector<1x16xf32> to vector<16xf32>
        %swap3A_1204 = vector.shape_cast %mul3A_1199 : vector<16xf32> to vector<1x16xf32>
        tpu.vector_store %arg10[%swap3A_1200, %swap3A_1201], %swap3A_1204 {strides = array<i32>} : memref<128x128xf32, #tpu.memory_space<vmem>>, vector<1x16xf32>,
        %get3A_1205 = arith.index_cast %add3A_1164 : i32 to index
        %get3A_1206 = arith.constant 64 : index
        %get3A_1207 = tpu.vector_load %arg10[%get3A_1205, %get3A_1206] {strides = array<i32>} : memref<128x128xf32, #tpu.memory_space<vmem>>, vector<1x16xf32>,
        %get3A_1208 = vector.shape_cast %get3A_1207 : vector<1x16xf32> to vector<16xf32>
        %mul3A_1209 = arith.mulf %get3A_1208, %broadcast_in_dim3A_1160 : vector<16xf32>
        %swap3A_1210 = arith.index_cast %add3A_1164 : i32 to index
        %swap3A_1211 = arith.constant 64 : index
        %swap3A_1212 = tpu.vector_load %arg10[%swap3A_1210, %swap3A_1211] {strides = array<i32>} : memref<128x128xf32, #tpu.memory_space<vmem>>, vector<1x16xf32>,
        %swap3A_1213 = vector.shape_cast %swap3A_1212 : vector<1x16xf32> to vector<16xf32>
        %swap3A_1214 = vector.shape_cast %mul3A_1209 : vector<16xf32> to vector<1x16xf32>
        tpu.vector_store %arg10[%swap3A_1210, %swap3A_1211], %swap3A_1214 {strides = array<i32>} : memref<128x128xf32, #tpu.memory_space<vmem>>, vector<1x16xf32>,
        %get3A_1215 = arith.index_cast %add3A_1164 : i32 to index
        %get3A_1216 = arith.constant 80 : index
        %get3A_1217 = tpu.vector_load %arg10[%get3A_1215, %get3A_1216] {strides = array<i32>} : memref<128x128xf32, #tpu.memory_space<vmem>>, vector<1x16xf32>,
        %get3A_1218 = vector.shape_cast %get3A_1217 : vector<1x16xf32> to vector<16xf32>
        %mul3A_1219 = arith.mulf %get3A_1218, %broadcast_in_dim3A_1160 : vector<16xf32>
        %swap3A_1220 = arith.index_cast %add3A_1164 : i32 to index
        %swap3A_1221 = arith.constant 80 : index
        %swap3A_1222 = tpu.vector_load %arg10[%swap3A_1220, %swap3A_1221] {strides = array<i32>} : memref<128x128xf32, #tpu.memory_space<vmem>>, vector<1x16xf32>,
        %swap3A_1223 = vector.shape_cast %swap3A_1222 : vector<1x16xf32> to vector<16xf32>
        %swap3A_1224 = vector.shape_cast %mul3A_1219 : vector<16xf32> to vector<1x16xf32>
        tpu.vector_store %arg10[%swap3A_1220, %swap3A_1221], %swap3A_1224 {strides = array<i32>} : memref<128x128xf32, #tpu.memory_space<vmem>>, vector<1x16xf32>,
        %get3A_1225 = arith.index_cast %add3A_1164 : i32 to index
        %get3A_1226 = arith.constant 96 : index
        %get3A_1227 = tpu.vector_load %arg10[%get3A_1225, %get3A_1226] {strides = array<i32>} : memref<128x128xf32, #tpu.memory_space<vmem>>, vector<1x16xf32>,
        %get3A_1228 = vector.shape_cast %get3A_1227 : vector<1x16xf32> to vector<16xf32>
        %mul3A_1229 = arith.mulf %get3A_1228, %broadcast_in_dim3A_1160 : vector<16xf32>
        %swap3A_1230 = arith.index_cast %add3A_1164 : i32 to index
        %swap3A_1231 = arith.constant 96 : index
        %swap3A_1232 = tpu.vector_load %arg10[%swap3A_1230, %swap3A_1231] {strides = array<i32>} : memref<128x128xf32, #tpu.memory_space<vmem>>, vector<1x16xf32>,
        %swap3A_1233 = vector.shape_cast %swap3A_1232 : vector<1x16xf32> to vector<16xf32>
        %swap3A_1234 = vector.shape_cast %mul3A_1229 : vector<16xf32> to vector<1x16xf32>
        tpu.vector_store %arg10[%swap3A_1230, %swap3A_1231], %swap3A_1234 {strides = array<i32>} : memref<128x128xf32, #tpu.memory_space<vmem>>, vector<1x16xf32>,
        %get3A_1235 = arith.index_cast %add3A_1164 : i32 to index
        %get3A_1236 = arith.constant 112 : index
        %get3A_1237 = tpu.vector_load %arg10[%get3A_1235, %get3A_1236] {strides = array<i32>} : memref<128x128xf32, #tpu.memory_space<vmem>>, vector<1x16xf32>,
        %get3A_1238 = vector.shape_cast %get3A_1237 : vector<1x16xf32> to vector<16xf32>
        %mul3A_1239 = arith.mulf %get3A_1238, %broadcast_in_dim3A_1160 : vector<16xf32>
        %swap3A_1240 = arith.index_cast %add3A_1164 : i32 to index
        %swap3A_1241 = arith.constant 112 : index
        %swap3A_1242 = tpu.vector_load %arg10[%swap3A_1240, %swap3A_1241] {strides = array<i32>} : memref<128x128xf32, #tpu.memory_space<vmem>>, vector<1x16xf32>,
        %swap3A_1243 = vector.shape_cast %swap3A_1242 : vector<1x16xf32> to vector<16xf32>
        %swap3A_1244 = vector.shape_cast %mul3A_1239 : vector<16xf32> to vector<1x16xf32>
        tpu.vector_store %arg10[%swap3A_1240, %swap3A_1241], %swap3A_1244 {strides = array<i32>} : memref<128x128xf32, #tpu.memory_space<vmem>>, vector<1x16xf32>,
        %slice3A_1245 = vector.extract_strided_slice %get3A_203 {offsets = [12], sizes = [1], strides = [1]} : vector<16xf32> to vector<1xf32>
        %squeeze3A_1246 = vector.extract %slice3A_1245[0] : f32 from vector<1xf32>
        %broadcast_in_dim3A_1247 = vector.broadcast %squeeze3A_1246 : f32 to vector<16xf32>
        %mul3A_1248 = arith.constant 16 : i32
        %mul3A_1249 = arith.muli %scan3A_198, %mul3A_1248 : i32
        %add3A_1250 = arith.constant 12 : i32
        %add3A_1251 = arith.addi %mul3A_1249, %add3A_1250 : i32
        %get3A_1252 = arith.index_cast %add3A_1251 : i32 to index
        %get3A_1253 = arith.constant 0 : index
        %get3A_1254 = tpu.vector_load %arg10[%get3A_1252, %get3A_1253] {strides = array<i32>} : memref<128x128xf32, #tpu.memory_space<vmem>>, vector<1x16xf32>,
        %get3A_1255 = vector.shape_cast %get3A_1254 : vector<1x16xf32> to vector<16xf32>
        %mul3A_1256 = arith.mulf %get3A_1255, %broadcast_in_dim3A_1247 : vector<16xf32>
        %swap3A_1257 = arith.index_cast %add3A_1251 : i32 to index
        %swap3A_1258 = arith.constant 0 : index
        %swap3A_1259 = tpu.vector_load %arg10[%swap3A_1257, %swap3A_1258] {strides = array<i32>} : memref<128x128xf32, #tpu.memory_space<vmem>>, vector<1x16xf32>,
        %swap3A_1260 = vector.shape_cast %swap3A_1259 : vector<1x16xf32> to vector<16xf32>
        %swap3A_1261 = vector.shape_cast %mul3A_1256 : vector<16xf32> to vector<1x16xf32>
        tpu.vector_store %arg10[%swap3A_1257, %swap3A_1258], %swap3A_1261 {strides = array<i32>} : memref<128x128xf32, #tpu.memory_space<vmem>>, vector<1x16xf32>,
        %get3A_1262 = arith.index_cast %add3A_1251 : i32 to index
        %get3A_1263 = arith.constant 16 : index
        %get3A_1264 = tpu.vector_load %arg10[%get3A_1262, %get3A_1263] {strides = array<i32>} : memref<128x128xf32, #tpu.memory_space<vmem>>, vector<1x16xf32>,
        %get3A_1265 = vector.shape_cast %get3A_1264 : vector<1x16xf32> to vector<16xf32>
        %mul3A_1266 = arith.mulf %get3A_1265, %broadcast_in_dim3A_1247 : vector<16xf32>
        %swap3A_1267 = arith.index_cast %add3A_1251 : i32 to index
        %swap3A_1268 = arith.constant 16 : index
        %swap3A_1269 = tpu.vector_load %arg10[%swap3A_1267, %swap3A_1268] {strides = array<i32>} : memref<128x128xf32, #tpu.memory_space<vmem>>, vector<1x16xf32>,
        %swap3A_1270 = vector.shape_cast %swap3A_1269 : vector<1x16xf32> to vector<16xf32>
        %swap3A_1271 = vector.shape_cast %mul3A_1266 : vector<16xf32> to vector<1x16xf32>
        tpu.vector_store %arg10[%swap3A_1267, %swap3A_1268], %swap3A_1271 {strides = array<i32>} : memref<128x128xf32, #tpu.memory_space<vmem>>, vector<1x16xf32>,
        %get3A_1272 = arith.index_cast %add3A_1251 : i32 to index
        %get3A_1273 = arith.constant 32 : index
        %get3A_1274 = tpu.vector_load %arg10[%get3A_1272, %get3A_1273] {strides = array<i32>} : memref<128x128xf32, #tpu.memory_space<vmem>>, vector<1x16xf32>,
        %get3A_1275 = vector.shape_cast %get3A_1274 : vector<1x16xf32> to vector<16xf32>
        %mul3A_1276 = arith.mulf %get3A_1275, %broadcast_in_dim3A_1247 : vector<16xf32>
        %swap3A_1277 = arith.index_cast %add3A_1251 : i32 to index
        %swap3A_1278 = arith.constant 32 : index
        %swap3A_1279 = tpu.vector_load %arg10[%swap3A_1277, %swap3A_1278] {strides = array<i32>} : memref<128x128xf32, #tpu.memory_space<vmem>>, vector<1x16xf32>,
        %swap3A_1280 = vector.shape_cast %swap3A_1279 : vector<1x16xf32> to vector<16xf32>
        %swap3A_1281 = vector.shape_cast %mul3A_1276 : vector<16xf32> to vector<1x16xf32>
        tpu.vector_store %arg10[%swap3A_1277, %swap3A_1278], %swap3A_1281 {strides = array<i32>} : memref<128x128xf32, #tpu.memory_space<vmem>>, vector<1x16xf32>,
        %get3A_1282 = arith.index_cast %add3A_1251 : i32 to index
        %get3A_1283 = arith.constant 48 : index
        %get3A_1284 = tpu.vector_load %arg10[%get3A_1282, %get3A_1283] {strides = array<i32>} : memref<128x128xf32, #tpu.memory_space<vmem>>, vector<1x16xf32>,
        %get3A_1285 = vector.shape_cast %get3A_1284 : vector<1x16xf32> to vector<16xf32>
        %mul3A_1286 = arith.mulf %get3A_1285, %broadcast_in_dim3A_1247 : vector<16xf32>
        %swap3A_1287 = arith.index_cast %add3A_1251 : i32 to index
        %swap3A_1288 = arith.constant 48 : index
        %swap3A_1289 = tpu.vector_load %arg10[%swap3A_1287, %swap3A_1288] {strides = array<i32>} : memref<128x128xf32, #tpu.memory_space<vmem>>, vector<1x16xf32>,
        %swap3A_1290 = vector.shape_cast %swap3A_1289 : vector<1x16xf32> to vector<16xf32>
        %swap3A_1291 = vector.shape_cast %mul3A_1286 : vector<16xf32> to vector<1x16xf32>
        tpu.vector_store %arg10[%swap3A_1287, %swap3A_1288], %swap3A_1291 {strides = array<i32>} : memref<128x128xf32, #tpu.memory_space<vmem>>, vector<1x16xf32>,
        %get3A_1292 = arith.index_cast %add3A_1251 : i32 to index
        %get3A_1293 = arith.constant 64 : index
        %get3A_1294 = tpu.vector_load %arg10[%get3A_1292, %get3A_1293] {strides = array<i32>} : memref<128x128xf32, #tpu.memory_space<vmem>>, vector<1x16xf32>,
        %get3A_1295 = vector.shape_cast %get3A_1294 : vector<1x16xf32> to vector<16xf32>
        %mul3A_1296 = arith.mulf %get3A_1295, %broadcast_in_dim3A_1247 : vector<16xf32>
        %swap3A_1297 = arith.index_cast %add3A_1251 : i32 to index
        %swap3A_1298 = arith.constant 64 : index
        %swap3A_1299 = tpu.vector_load %arg10[%swap3A_1297, %swap3A_1298] {strides = array<i32>} : memref<128x128xf32, #tpu.memory_space<vmem>>, vector<1x16xf32>,
        %swap3A_1300 = vector.shape_cast %swap3A_1299 : vector<1x16xf32> to vector<16xf32>
        %swap3A_1301 = vector.shape_cast %mul3A_1296 : vector<16xf32> to vector<1x16xf32>
        tpu.vector_store %arg10[%swap3A_1297, %swap3A_1298], %swap3A_1301 {strides = array<i32>} : memref<128x128xf32, #tpu.memory_space<vmem>>, vector<1x16xf32>,
        %get3A_1302 = arith.index_cast %add3A_1251 : i32 to index
        %get3A_1303 = arith.constant 80 : index
        %get3A_1304 = tpu.vector_load %arg10[%get3A_1302, %get3A_1303] {strides = array<i32>} : memref<128x128xf32, #tpu.memory_space<vmem>>, vector<1x16xf32>,
        %get3A_1305 = vector.shape_cast %get3A_1304 : vector<1x16xf32> to vector<16xf32>
        %mul3A_1306 = arith.mulf %get3A_1305, %broadcast_in_dim3A_1247 : vector<16xf32>
        %swap3A_1307 = arith.index_cast %add3A_1251 : i32 to index
        %swap3A_1308 = arith.constant 80 : index
        %swap3A_1309 = tpu.vector_load %arg10[%swap3A_1307, %swap3A_1308] {strides = array<i32>} : memref<128x128xf32, #tpu.memory_space<vmem>>, vector<1x16xf32>,
        %swap3A_1310 = vector.shape_cast %swap3A_1309 : vector<1x16xf32> to vector<16xf32>
        %swap3A_1311 = vector.shape_cast %mul3A_1306 : vector<16xf32> to vector<1x16xf32>
        tpu.vector_store %arg10[%swap3A_1307, %swap3A_1308], %swap3A_1311 {strides = array<i32>} : memref<128x128xf32, #tpu.memory_space<vmem>>, vector<1x16xf32>,
        %get3A_1312 = arith.index_cast %add3A_1251 : i32 to index
        %get3A_1313 = arith.constant 96 : index
        %get3A_1314 = tpu.vector_load %arg10[%get3A_1312, %get3A_1313] {strides = array<i32>} : memref<128x128xf32, #tpu.memory_space<vmem>>, vector<1x16xf32>,
        %get3A_1315 = vector.shape_cast %get3A_1314 : vector<1x16xf32> to vector<16xf32>
        %mul3A_1316 = arith.mulf %get3A_1315, %broadcast_in_dim3A_1247 : vector<16xf32>
        %swap3A_1317 = arith.index_cast %add3A_1251 : i32 to index
        %swap3A_1318 = arith.constant 96 : index
        %swap3A_1319 = tpu.vector_load %arg10[%swap3A_1317, %swap3A_1318] {strides = array<i32>} : memref<128x128xf32, #tpu.memory_space<vmem>>, vector<1x16xf32>,
        %swap3A_1320 = vector.shape_cast %swap3A_1319 : vector<1x16xf32> to vector<16xf32>
        %swap3A_1321 = vector.shape_cast %mul3A_1316 : vector<16xf32> to vector<1x16xf32>
        tpu.vector_store %arg10[%swap3A_1317, %swap3A_1318], %swap3A_1321 {strides = array<i32>} : memref<128x128xf32, #tpu.memory_space<vmem>>, vector<1x16xf32>,
        %get3A_1322 = arith.index_cast %add3A_1251 : i32 to index
        %get3A_1323 = arith.constant 112 : index
        %get3A_1324 = tpu.vector_load %arg10[%get3A_1322, %get3A_1323] {strides = array<i32>} : memref<128x128xf32, #tpu.memory_space<vmem>>, vector<1x16xf32>,
        %get3A_1325 = vector.shape_cast %get3A_1324 : vector<1x16xf32> to vector<16xf32>
        %mul3A_1326 = arith.mulf %get3A_1325, %broadcast_in_dim3A_1247 : vector<16xf32>
        %swap3A_1327 = arith.index_cast %add3A_1251 : i32 to index
        %swap3A_1328 = arith.constant 112 : index
        %swap3A_1329 = tpu.vector_load %arg10[%swap3A_1327, %swap3A_1328] {strides = array<i32>} : memref<128x128xf32, #tpu.memory_space<vmem>>, vector<1x16xf32>,
        %swap3A_1330 = vector.shape_cast %swap3A_1329 : vector<1x16xf32> to vector<16xf32>
        %swap3A_1331 = vector.shape_cast %mul3A_1326 : vector<16xf32> to vector<1x16xf32>
        tpu.vector_store %arg10[%swap3A_1327, %swap3A_1328], %swap3A_1331 {strides = array<i32>} : memref<128x128xf32, #tpu.memory_space<vmem>>, vector<1x16xf32>,
        %slice3A_1332 = vector.extract_strided_slice %get3A_203 {offsets = [13], sizes = [1], strides = [1]} : vector<16xf32> to vector<1xf32>
        %squeeze3A_1333 = vector.extract %slice3A_1332[0] : f32 from vector<1xf32>
        %broadcast_in_dim3A_1334 = vector.broadcast %squeeze3A_1333 : f32 to vector<16xf32>
        %mul3A_1335 = arith.constant 16 : i32
        %mul3A_1336 = arith.muli %scan3A_198, %mul3A_1335 : i32
        %add3A_1337 = arith.constant 13 : i32
        %add3A_1338 = arith.addi %mul3A_1336, %add3A_1337 : i32
        %get3A_1339 = arith.index_cast %add3A_1338 : i32 to index
        %get3A_1340 = arith.constant 0 : index
        %get3A_1341 = tpu.vector_load %arg10[%get3A_1339, %get3A_1340] {strides = array<i32>} : memref<128x128xf32, #tpu.memory_space<vmem>>, vector<1x16xf32>,
        %get3A_1342 = vector.shape_cast %get3A_1341 : vector<1x16xf32> to vector<16xf32>
        %mul3A_1343 = arith.mulf %get3A_1342, %broadcast_in_dim3A_1334 : vector<16xf32>
        %swap3A_1344 = arith.index_cast %add3A_1338 : i32 to index
        %swap3A_1345 = arith.constant 0 : index
        %swap3A_1346 = tpu.vector_load %arg10[%swap3A_1344, %swap3A_1345] {strides = array<i32>} : memref<128x128xf32, #tpu.memory_space<vmem>>, vector<1x16xf32>,
        %swap3A_1347 = vector.shape_cast %swap3A_1346 : vector<1x16xf32> to vector<16xf32>
        %swap3A_1348 = vector.shape_cast %mul3A_1343 : vector<16xf32> to vector<1x16xf32>
        tpu.vector_store %arg10[%swap3A_1344, %swap3A_1345], %swap3A_1348 {strides = array<i32>} : memref<128x128xf32, #tpu.memory_space<vmem>>, vector<1x16xf32>,
        %get3A_1349 = arith.index_cast %add3A_1338 : i32 to index
        %get3A_1350 = arith.constant 16 : index
        %get3A_1351 = tpu.vector_load %arg10[%get3A_1349, %get3A_1350] {strides = array<i32>} : memref<128x128xf32, #tpu.memory_space<vmem>>, vector<1x16xf32>,
        %get3A_1352 = vector.shape_cast %get3A_1351 : vector<1x16xf32> to vector<16xf32>
        %mul3A_1353 = arith.mulf %get3A_1352, %broadcast_in_dim3A_1334 : vector<16xf32>
        %swap3A_1354 = arith.index_cast %add3A_1338 : i32 to index
        %swap3A_1355 = arith.constant 16 : index
        %swap3A_1356 = tpu.vector_load %arg10[%swap3A_1354, %swap3A_1355] {strides = array<i32>} : memref<128x128xf32, #tpu.memory_space<vmem>>, vector<1x16xf32>,
        %swap3A_1357 = vector.shape_cast %swap3A_1356 : vector<1x16xf32> to vector<16xf32>
        %swap3A_1358 = vector.shape_cast %mul3A_1353 : vector<16xf32> to vector<1x16xf32>
        tpu.vector_store %arg10[%swap3A_1354, %swap3A_1355], %swap3A_1358 {strides = array<i32>} : memref<128x128xf32, #tpu.memory_space<vmem>>, vector<1x16xf32>,
        %get3A_1359 = arith.index_cast %add3A_1338 : i32 to index
        %get3A_1360 = arith.constant 32 : index
        %get3A_1361 = tpu.vector_load %arg10[%get3A_1359, %get3A_1360] {strides = array<i32>} : memref<128x128xf32, #tpu.memory_space<vmem>>, vector<1x16xf32>,
        %get3A_1362 = vector.shape_cast %get3A_1361 : vector<1x16xf32> to vector<16xf32>
        %mul3A_1363 = arith.mulf %get3A_1362, %broadcast_in_dim3A_1334 : vector<16xf32>
        %swap3A_1364 = arith.index_cast %add3A_1338 : i32 to index
        %swap3A_1365 = arith.constant 32 : index
        %swap3A_1366 = tpu.vector_load %arg10[%swap3A_1364, %swap3A_1365] {strides = array<i32>} : memref<128x128xf32, #tpu.memory_space<vmem>>, vector<1x16xf32>,
        %swap3A_1367 = vector.shape_cast %swap3A_1366 : vector<1x16xf32> to vector<16xf32>
        %swap3A_1368 = vector.shape_cast %mul3A_1363 : vector<16xf32> to vector<1x16xf32>
        tpu.vector_store %arg10[%swap3A_1364, %swap3A_1365], %swap3A_1368 {strides = array<i32>} : memref<128x128xf32, #tpu.memory_space<vmem>>, vector<1x16xf32>,
        %get3A_1369 = arith.index_cast %add3A_1338 : i32 to index
        %get3A_1370 = arith.constant 48 : index
        %get3A_1371 = tpu.vector_load %arg10[%get3A_1369, %get3A_1370] {strides = array<i32>} : memref<128x128xf32, #tpu.memory_space<vmem>>, vector<1x16xf32>,
        %get3A_1372 = vector.shape_cast %get3A_1371 : vector<1x16xf32> to vector<16xf32>
        %mul3A_1373 = arith.mulf %get3A_1372, %broadcast_in_dim3A_1334 : vector<16xf32>
        %swap3A_1374 = arith.index_cast %add3A_1338 : i32 to index
        %swap3A_1375 = arith.constant 48 : index
        %swap3A_1376 = tpu.vector_load %arg10[%swap3A_1374, %swap3A_1375] {strides = array<i32>} : memref<128x128xf32, #tpu.memory_space<vmem>>, vector<1x16xf32>,
        %swap3A_1377 = vector.shape_cast %swap3A_1376 : vector<1x16xf32> to vector<16xf32>
        %swap3A_1378 = vector.shape_cast %mul3A_1373 : vector<16xf32> to vector<1x16xf32>
        tpu.vector_store %arg10[%swap3A_1374, %swap3A_1375], %swap3A_1378 {strides = array<i32>} : memref<128x128xf32, #tpu.memory_space<vmem>>, vector<1x16xf32>,
        %get3A_1379 = arith.index_cast %add3A_1338 : i32 to index
        %get3A_1380 = arith.constant 64 : index
        %get3A_1381 = tpu.vector_load %arg10[%get3A_1379, %get3A_1380] {strides = array<i32>} : memref<128x128xf32, #tpu.memory_space<vmem>>, vector<1x16xf32>,
        %get3A_1382 = vector.shape_cast %get3A_1381 : vector<1x16xf32> to vector<16xf32>
        %mul3A_1383 = arith.mulf %get3A_1382, %broadcast_in_dim3A_1334 : vector<16xf32>
        %swap3A_1384 = arith.index_cast %add3A_1338 : i32 to index
        %swap3A_1385 = arith.constant 64 : index
        %swap3A_1386 = tpu.vector_load %arg10[%swap3A_1384, %swap3A_1385] {strides = array<i32>} : memref<128x128xf32, #tpu.memory_space<vmem>>, vector<1x16xf32>,
        %swap3A_1387 = vector.shape_cast %swap3A_1386 : vector<1x16xf32> to vector<16xf32>
        %swap3A_1388 = vector.shape_cast %mul3A_1383 : vector<16xf32> to vector<1x16xf32>
        tpu.vector_store %arg10[%swap3A_1384, %swap3A_1385], %swap3A_1388 {strides = array<i32>} : memref<128x128xf32, #tpu.memory_space<vmem>>, vector<1x16xf32>,
        %get3A_1389 = arith.index_cast %add3A_1338 : i32 to index
        %get3A_1390 = arith.constant 80 : index
        %get3A_1391 = tpu.vector_load %arg10[%get3A_1389, %get3A_1390] {strides = array<i32>} : memref<128x128xf32, #tpu.memory_space<vmem>>, vector<1x16xf32>,
        %get3A_1392 = vector.shape_cast %get3A_1391 : vector<1x16xf32> to vector<16xf32>
        %mul3A_1393 = arith.mulf %get3A_1392, %broadcast_in_dim3A_1334 : vector<16xf32>
        %swap3A_1394 = arith.index_cast %add3A_1338 : i32 to index
        %swap3A_1395 = arith.constant 80 : index
        %swap3A_1396 = tpu.vector_load %arg10[%swap3A_1394, %swap3A_1395] {strides = array<i32>} : memref<128x128xf32, #tpu.memory_space<vmem>>, vector<1x16xf32>,
        %swap3A_1397 = vector.shape_cast %swap3A_1396 : vector<1x16xf32> to vector<16xf32>
        %swap3A_1398 = vector.shape_cast %mul3A_1393 : vector<16xf32> to vector<1x16xf32>
        tpu.vector_store %arg10[%swap3A_1394, %swap3A_1395], %swap3A_1398 {strides = array<i32>} : memref<128x128xf32, #tpu.memory_space<vmem>>, vector<1x16xf32>,
        %get3A_1399 = arith.index_cast %add3A_1338 : i32 to index
        %get3A_1400 = arith.constant 96 : index
        %get3A_1401 = tpu.vector_load %arg10[%get3A_1399, %get3A_1400] {strides = array<i32>} : memref<128x128xf32, #tpu.memory_space<vmem>>, vector<1x16xf32>,
        %get3A_1402 = vector.shape_cast %get3A_1401 : vector<1x16xf32> to vector<16xf32>
        %mul3A_1403 = arith.mulf %get3A_1402, %broadcast_in_dim3A_1334 : vector<16xf32>
        %swap3A_1404 = arith.index_cast %add3A_1338 : i32 to index
        %swap3A_1405 = arith.constant 96 : index
        %swap3A_1406 = tpu.vector_load %arg10[%swap3A_1404, %swap3A_1405] {strides = array<i32>} : memref<128x128xf32, #tpu.memory_space<vmem>>, vector<1x16xf32>,
        %swap3A_1407 = vector.shape_cast %swap3A_1406 : vector<1x16xf32> to vector<16xf32>
        %swap3A_1408 = vector.shape_cast %mul3A_1403 : vector<16xf32> to vector<1x16xf32>
        tpu.vector_store %arg10[%swap3A_1404, %swap3A_1405], %swap3A_1408 {strides = array<i32>} : memref<128x128xf32, #tpu.memory_space<vmem>>, vector<1x16xf32>,
        %get3A_1409 = arith.index_cast %add3A_1338 : i32 to index
        %get3A_1410 = arith.constant 112 : index
        %get3A_1411 = tpu.vector_load %arg10[%get3A_1409, %get3A_1410] {strides = array<i32>} : memref<128x128xf32, #tpu.memory_space<vmem>>, vector<1x16xf32>,
        %get3A_1412 = vector.shape_cast %get3A_1411 : vector<1x16xf32> to vector<16xf32>
        %mul3A_1413 = arith.mulf %get3A_1412, %broadcast_in_dim3A_1334 : vector<16xf32>
        %swap3A_1414 = arith.index_cast %add3A_1338 : i32 to index
        %swap3A_1415 = arith.constant 112 : index
        %swap3A_1416 = tpu.vector_load %arg10[%swap3A_1414, %swap3A_1415] {strides = array<i32>} : memref<128x128xf32, #tpu.memory_space<vmem>>, vector<1x16xf32>,
        %swap3A_1417 = vector.shape_cast %swap3A_1416 : vector<1x16xf32> to vector<16xf32>
        %swap3A_1418 = vector.shape_cast %mul3A_1413 : vector<16xf32> to vector<1x16xf32>
        tpu.vector_store %arg10[%swap3A_1414, %swap3A_1415], %swap3A_1418 {strides = array<i32>} : memref<128x128xf32, #tpu.memory_space<vmem>>, vector<1x16xf32>,
        %slice3A_1419 = vector.extract_strided_slice %get3A_203 {offsets = [14], sizes = [1], strides = [1]} : vector<16xf32> to vector<1xf32>
        %squeeze3A_1420 = vector.extract %slice3A_1419[0] : f32 from vector<1xf32>
        %broadcast_in_dim3A_1421 = vector.broadcast %squeeze3A_1420 : f32 to vector<16xf32>
        %mul3A_1422 = arith.constant 16 : i32
        %mul3A_1423 = arith.muli %scan3A_198, %mul3A_1422 : i32
        %add3A_1424 = arith.constant 14 : i32
        %add3A_1425 = arith.addi %mul3A_1423, %add3A_1424 : i32
        %get3A_1426 = arith.index_cast %add3A_1425 : i32 to index
        %get3A_1427 = arith.constant 0 : index
        %get3A_1428 = tpu.vector_load %arg10[%get3A_1426, %get3A_1427] {strides = array<i32>} : memref<128x128xf32, #tpu.memory_space<vmem>>, vector<1x16xf32>,
        %get3A_1429 = vector.shape_cast %get3A_1428 : vector<1x16xf32> to vector<16xf32>
        %mul3A_1430 = arith.mulf %get3A_1429, %broadcast_in_dim3A_1421 : vector<16xf32>
        %swap3A_1431 = arith.index_cast %add3A_1425 : i32 to index
        %swap3A_1432 = arith.constant 0 : index
        %swap3A_1433 = tpu.vector_load %arg10[%swap3A_1431, %swap3A_1432] {strides = array<i32>} : memref<128x128xf32, #tpu.memory_space<vmem>>, vector<1x16xf32>,
        %swap3A_1434 = vector.shape_cast %swap3A_1433 : vector<1x16xf32> to vector<16xf32>
        %swap3A_1435 = vector.shape_cast %mul3A_1430 : vector<16xf32> to vector<1x16xf32>
        tpu.vector_store %arg10[%swap3A_1431, %swap3A_1432], %swap3A_1435 {strides = array<i32>} : memref<128x128xf32, #tpu.memory_space<vmem>>, vector<1x16xf32>,
        %get3A_1436 = arith.index_cast %add3A_1425 : i32 to index
        %get3A_1437 = arith.constant 16 : index
        %get3A_1438 = tpu.vector_load %arg10[%get3A_1436, %get3A_1437] {strides = array<i32>} : memref<128x128xf32, #tpu.memory_space<vmem>>, vector<1x16xf32>,
        %get3A_1439 = vector.shape_cast %get3A_1438 : vector<1x16xf32> to vector<16xf32>
        %mul3A_1440 = arith.mulf %get3A_1439, %broadcast_in_dim3A_1421 : vector<16xf32>
        %swap3A_1441 = arith.index_cast %add3A_1425 : i32 to index
        %swap3A_1442 = arith.constant 16 : index
        %swap3A_1443 = tpu.vector_load %arg10[%swap3A_1441, %swap3A_1442] {strides = array<i32>} : memref<128x128xf32, #tpu.memory_space<vmem>>, vector<1x16xf32>,
        %swap3A_1444 = vector.shape_cast %swap3A_1443 : vector<1x16xf32> to vector<16xf32>
        %swap3A_1445 = vector.shape_cast %mul3A_1440 : vector<16xf32> to vector<1x16xf32>
        tpu.vector_store %arg10[%swap3A_1441, %swap3A_1442], %swap3A_1445 {strides = array<i32>} : memref<128x128xf32, #tpu.memory_space<vmem>>, vector<1x16xf32>,
        %get3A_1446 = arith.index_cast %add3A_1425 : i32 to index
        %get3A_1447 = arith.constant 32 : index
        %get3A_1448 = tpu.vector_load %arg10[%get3A_1446, %get3A_1447] {strides = array<i32>} : memref<128x128xf32, #tpu.memory_space<vmem>>, vector<1x16xf32>,
        %get3A_1449 = vector.shape_cast %get3A_1448 : vector<1x16xf32> to vector<16xf32>
        %mul3A_1450 = arith.mulf %get3A_1449, %broadcast_in_dim3A_1421 : vector<16xf32>
        %swap3A_1451 = arith.index_cast %add3A_1425 : i32 to index
        %swap3A_1452 = arith.constant 32 : index
        %swap3A_1453 = tpu.vector_load %arg10[%swap3A_1451, %swap3A_1452] {strides = array<i32>} : memref<128x128xf32, #tpu.memory_space<vmem>>, vector<1x16xf32>,
        %swap3A_1454 = vector.shape_cast %swap3A_1453 : vector<1x16xf32> to vector<16xf32>
        %swap3A_1455 = vector.shape_cast %mul3A_1450 : vector<16xf32> to vector<1x16xf32>
        tpu.vector_store %arg10[%swap3A_1451, %swap3A_1452], %swap3A_1455 {strides = array<i32>} : memref<128x128xf32, #tpu.memory_space<vmem>>, vector<1x16xf32>,
        %get3A_1456 = arith.index_cast %add3A_1425 : i32 to index
        %get3A_1457 = arith.constant 48 : index
        %get3A_1458 = tpu.vector_load %arg10[%get3A_1456, %get3A_1457] {strides = array<i32>} : memref<128x128xf32, #tpu.memory_space<vmem>>, vector<1x16xf32>,
        %get3A_1459 = vector.shape_cast %get3A_1458 : vector<1x16xf32> to vector<16xf32>
        %mul3A_1460 = arith.mulf %get3A_1459, %broadcast_in_dim3A_1421 : vector<16xf32>
        %swap3A_1461 = arith.index_cast %add3A_1425 : i32 to index
        %swap3A_1462 = arith.constant 48 : index
        %swap3A_1463 = tpu.vector_load %arg10[%swap3A_1461, %swap3A_1462] {strides = array<i32>} : memref<128x128xf32, #tpu.memory_space<vmem>>, vector<1x16xf32>,
        %swap3A_1464 = vector.shape_cast %swap3A_1463 : vector<1x16xf32> to vector<16xf32>
        %swap3A_1465 = vector.shape_cast %mul3A_1460 : vector<16xf32> to vector<1x16xf32>
        tpu.vector_store %arg10[%swap3A_1461, %swap3A_1462], %swap3A_1465 {strides = array<i32>} : memref<128x128xf32, #tpu.memory_space<vmem>>, vector<1x16xf32>,
        %get3A_1466 = arith.index_cast %add3A_1425 : i32 to index
        %get3A_1467 = arith.constant 64 : index
        %get3A_1468 = tpu.vector_load %arg10[%get3A_1466, %get3A_1467] {strides = array<i32>} : memref<128x128xf32, #tpu.memory_space<vmem>>, vector<1x16xf32>,
        %get3A_1469 = vector.shape_cast %get3A_1468 : vector<1x16xf32> to vector<16xf32>
        %mul3A_1470 = arith.mulf %get3A_1469, %broadcast_in_dim3A_1421 : vector<16xf32>
        %swap3A_1471 = arith.index_cast %add3A_1425 : i32 to index
        %swap3A_1472 = arith.constant 64 : index
        %swap3A_1473 = tpu.vector_load %arg10[%swap3A_1471, %swap3A_1472] {strides = array<i32>} : memref<128x128xf32, #tpu.memory_space<vmem>>, vector<1x16xf32>,
        %swap3A_1474 = vector.shape_cast %swap3A_1473 : vector<1x16xf32> to vector<16xf32>
        %swap3A_1475 = vector.shape_cast %mul3A_1470 : vector<16xf32> to vector<1x16xf32>
        tpu.vector_store %arg10[%swap3A_1471, %swap3A_1472], %swap3A_1475 {strides = array<i32>} : memref<128x128xf32, #tpu.memory_space<vmem>>, vector<1x16xf32>,
        %get3A_1476 = arith.index_cast %add3A_1425 : i32 to index
        %get3A_1477 = arith.constant 80 : index
        %get3A_1478 = tpu.vector_load %arg10[%get3A_1476, %get3A_1477] {strides = array<i32>} : memref<128x128xf32, #tpu.memory_space<vmem>>, vector<1x16xf32>,
        %get3A_1479 = vector.shape_cast %get3A_1478 : vector<1x16xf32> to vector<16xf32>
        %mul3A_1480 = arith.mulf %get3A_1479, %broadcast_in_dim3A_1421 : vector<16xf32>
        %swap3A_1481 = arith.index_cast %add3A_1425 : i32 to index
        %swap3A_1482 = arith.constant 80 : index
        %swap3A_1483 = tpu.vector_load %arg10[%swap3A_1481, %swap3A_1482] {strides = array<i32>} : memref<128x128xf32, #tpu.memory_space<vmem>>, vector<1x16xf32>,
        %swap3A_1484 = vector.shape_cast %swap3A_1483 : vector<1x16xf32> to vector<16xf32>
        %swap3A_1485 = vector.shape_cast %mul3A_1480 : vector<16xf32> to vector<1x16xf32>
        tpu.vector_store %arg10[%swap3A_1481, %swap3A_1482], %swap3A_1485 {strides = array<i32>} : memref<128x128xf32, #tpu.memory_space<vmem>>, vector<1x16xf32>,
        %get3A_1486 = arith.index_cast %add3A_1425 : i32 to index
        %get3A_1487 = arith.constant 96 : index
        %get3A_1488 = tpu.vector_load %arg10[%get3A_1486, %get3A_1487] {strides = array<i32>} : memref<128x128xf32, #tpu.memory_space<vmem>>, vector<1x16xf32>,
        %get3A_1489 = vector.shape_cast %get3A_1488 : vector<1x16xf32> to vector<16xf32>
        %mul3A_1490 = arith.mulf %get3A_1489, %broadcast_in_dim3A_1421 : vector<16xf32>
        %swap3A_1491 = arith.index_cast %add3A_1425 : i32 to index
        %swap3A_1492 = arith.constant 96 : index
        %swap3A_1493 = tpu.vector_load %arg10[%swap3A_1491, %swap3A_1492] {strides = array<i32>} : memref<128x128xf32, #tpu.memory_space<vmem>>, vector<1x16xf32>,
        %swap3A_1494 = vector.shape_cast %swap3A_1493 : vector<1x16xf32> to vector<16xf32>
        %swap3A_1495 = vector.shape_cast %mul3A_1490 : vector<16xf32> to vector<1x16xf32>
        tpu.vector_store %arg10[%swap3A_1491, %swap3A_1492], %swap3A_1495 {strides = array<i32>} : memref<128x128xf32, #tpu.memory_space<vmem>>, vector<1x16xf32>,
        %get3A_1496 = arith.index_cast %add3A_1425 : i32 to index
        %get3A_1497 = arith.constant 112 : index
        %get3A_1498 = tpu.vector_load %arg10[%get3A_1496, %get3A_1497] {strides = array<i32>} : memref<128x128xf32, #tpu.memory_space<vmem>>, vector<1x16xf32>,
        %get3A_1499 = vector.shape_cast %get3A_1498 : vector<1x16xf32> to vector<16xf32>
        %mul3A_1500 = arith.mulf %get3A_1499, %broadcast_in_dim3A_1421 : vector<16xf32>
        %swap3A_1501 = arith.index_cast %add3A_1425 : i32 to index
        %swap3A_1502 = arith.constant 112 : index
        %swap3A_1503 = tpu.vector_load %arg10[%swap3A_1501, %swap3A_1502] {strides = array<i32>} : memref<128x128xf32, #tpu.memory_space<vmem>>, vector<1x16xf32>,
        %swap3A_1504 = vector.shape_cast %swap3A_1503 : vector<1x16xf32> to vector<16xf32>
        %swap3A_1505 = vector.shape_cast %mul3A_1500 : vector<16xf32> to vector<1x16xf32>
        tpu.vector_store %arg10[%swap3A_1501, %swap3A_1502], %swap3A_1505 {strides = array<i32>} : memref<128x128xf32, #tpu.memory_space<vmem>>, vector<1x16xf32>,
        %slice3A_1506 = vector.extract_strided_slice %get3A_203 {offsets = [15], sizes = [1], strides = [1]} : vector<16xf32> to vector<1xf32>
        %squeeze3A_1507 = vector.extract %slice3A_1506[0] : f32 from vector<1xf32>
        %broadcast_in_dim3A_1508 = vector.broadcast %squeeze3A_1507 : f32 to vector<16xf32>
        %mul3A_1509 = arith.constant 16 : i32
        %mul3A_1510 = arith.muli %scan3A_198, %mul3A_1509 : i32
        %add3A_1511 = arith.constant 15 : i32
        %add3A_1512 = arith.addi %mul3A_1510, %add3A_1511 : i32
        %get3A_1513 = arith.index_cast %add3A_1512 : i32 to index
        %get3A_1514 = arith.constant 0 : index
        %get3A_1515 = tpu.vector_load %arg10[%get3A_1513, %get3A_1514] {strides = array<i32>} : memref<128x128xf32, #tpu.memory_space<vmem>>, vector<1x16xf32>,
        %get3A_1516 = vector.shape_cast %get3A_1515 : vector<1x16xf32> to vector<16xf32>
        %mul3A_1517 = arith.mulf %get3A_1516, %broadcast_in_dim3A_1508 : vector<16xf32>
        %swap3A_1518 = arith.index_cast %add3A_1512 : i32 to index
        %swap3A_1519 = arith.constant 0 : index
        %swap3A_1520 = tpu.vector_load %arg10[%swap3A_1518, %swap3A_1519] {strides = array<i32>} : memref<128x128xf32, #tpu.memory_space<vmem>>, vector<1x16xf32>,
        %swap3A_1521 = vector.shape_cast %swap3A_1520 : vector<1x16xf32> to vector<16xf32>
        %swap3A_1522 = vector.shape_cast %mul3A_1517 : vector<16xf32> to vector<1x16xf32>
        tpu.vector_store %arg10[%swap3A_1518, %swap3A_1519], %swap3A_1522 {strides = array<i32>} : memref<128x128xf32, #tpu.memory_space<vmem>>, vector<1x16xf32>,
        %get3A_1523 = arith.index_cast %add3A_1512 : i32 to index
        %get3A_1524 = arith.constant 16 : index
        %get3A_1525 = tpu.vector_load %arg10[%get3A_1523, %get3A_1524] {strides = array<i32>} : memref<128x128xf32, #tpu.memory_space<vmem>>, vector<1x16xf32>,
        %get3A_1526 = vector.shape_cast %get3A_1525 : vector<1x16xf32> to vector<16xf32>
        %mul3A_1527 = arith.mulf %get3A_1526, %broadcast_in_dim3A_1508 : vector<16xf32>
        %swap3A_1528 = arith.index_cast %add3A_1512 : i32 to index
        %swap3A_1529 = arith.constant 16 : index
        %swap3A_1530 = tpu.vector_load %arg10[%swap3A_1528, %swap3A_1529] {strides = array<i32>} : memref<128x128xf32, #tpu.memory_space<vmem>>, vector<1x16xf32>,
        %swap3A_1531 = vector.shape_cast %swap3A_1530 : vector<1x16xf32> to vector<16xf32>
        %swap3A_1532 = vector.shape_cast %mul3A_1527 : vector<16xf32> to vector<1x16xf32>
        tpu.vector_store %arg10[%swap3A_1528, %swap3A_1529], %swap3A_1532 {strides = array<i32>} : memref<128x128xf32, #tpu.memory_space<vmem>>, vector<1x16xf32>,
        %get3A_1533 = arith.index_cast %add3A_1512 : i32 to index
        %get3A_1534 = arith.constant 32 : index
        %get3A_1535 = tpu.vector_load %arg10[%get3A_1533, %get3A_1534] {strides = array<i32>} : memref<128x128xf32, #tpu.memory_space<vmem>>, vector<1x16xf32>,
        %get3A_1536 = vector.shape_cast %get3A_1535 : vector<1x16xf32> to vector<16xf32>
        %mul3A_1537 = arith.mulf %get3A_1536, %broadcast_in_dim3A_1508 : vector<16xf32>
        %swap3A_1538 = arith.index_cast %add3A_1512 : i32 to index
        %swap3A_1539 = arith.constant 32 : index
        %swap3A_1540 = tpu.vector_load %arg10[%swap3A_1538, %swap3A_1539] {strides = array<i32>} : memref<128x128xf32, #tpu.memory_space<vmem>>, vector<1x16xf32>,
        %swap3A_1541 = vector.shape_cast %swap3A_1540 : vector<1x16xf32> to vector<16xf32>
        %swap3A_1542 = vector.shape_cast %mul3A_1537 : vector<16xf32> to vector<1x16xf32>
        tpu.vector_store %arg10[%swap3A_1538, %swap3A_1539], %swap3A_1542 {strides = array<i32>} : memref<128x128xf32, #tpu.memory_space<vmem>>, vector<1x16xf32>,
        %get3A_1543 = arith.index_cast %add3A_1512 : i32 to index
        %get3A_1544 = arith.constant 48 : index
        %get3A_1545 = tpu.vector_load %arg10[%get3A_1543, %get3A_1544] {strides = array<i32>} : memref<128x128xf32, #tpu.memory_space<vmem>>, vector<1x16xf32>,
        %get3A_1546 = vector.shape_cast %get3A_1545 : vector<1x16xf32> to vector<16xf32>
        %mul3A_1547 = arith.mulf %get3A_1546, %broadcast_in_dim3A_1508 : vector<16xf32>
        %swap3A_1548 = arith.index_cast %add3A_1512 : i32 to index
        %swap3A_1549 = arith.constant 48 : index
        %swap3A_1550 = tpu.vector_load %arg10[%swap3A_1548, %swap3A_1549] {strides = array<i32>} : memref<128x128xf32, #tpu.memory_space<vmem>>, vector<1x16xf32>,
        %swap3A_1551 = vector.shape_cast %swap3A_1550 : vector<1x16xf32> to vector<16xf32>
        %swap3A_1552 = vector.shape_cast %mul3A_1547 : vector<16xf32> to vector<1x16xf32>
        tpu.vector_store %arg10[%swap3A_1548, %swap3A_1549], %swap3A_1552 {strides = array<i32>} : memref<128x128xf32, #tpu.memory_space<vmem>>, vector<1x16xf32>,
        %get3A_1553 = arith.index_cast %add3A_1512 : i32 to index
        %get3A_1554 = arith.constant 64 : index
        %get3A_1555 = tpu.vector_load %arg10[%get3A_1553, %get3A_1554] {strides = array<i32>} : memref<128x128xf32, #tpu.memory_space<vmem>>, vector<1x16xf32>,
        %get3A_1556 = vector.shape_cast %get3A_1555 : vector<1x16xf32> to vector<16xf32>
        %mul3A_1557 = arith.mulf %get3A_1556, %broadcast_in_dim3A_1508 : vector<16xf32>
        %swap3A_1558 = arith.index_cast %add3A_1512 : i32 to index
        %swap3A_1559 = arith.constant 64 : index
        %swap3A_1560 = tpu.vector_load %arg10[%swap3A_1558, %swap3A_1559] {strides = array<i32>} : memref<128x128xf32, #tpu.memory_space<vmem>>, vector<1x16xf32>,
        %swap3A_1561 = vector.shape_cast %swap3A_1560 : vector<1x16xf32> to vector<16xf32>
        %swap3A_1562 = vector.shape_cast %mul3A_1557 : vector<16xf32> to vector<1x16xf32>
        tpu.vector_store %arg10[%swap3A_1558, %swap3A_1559], %swap3A_1562 {strides = array<i32>} : memref<128x128xf32, #tpu.memory_space<vmem>>, vector<1x16xf32>,
        %get3A_1563 = arith.index_cast %add3A_1512 : i32 to index
        %get3A_1564 = arith.constant 80 : index
        %get3A_1565 = tpu.vector_load %arg10[%get3A_1563, %get3A_1564] {strides = array<i32>} : memref<128x128xf32, #tpu.memory_space<vmem>>, vector<1x16xf32>,
        %get3A_1566 = vector.shape_cast %get3A_1565 : vector<1x16xf32> to vector<16xf32>
        %mul3A_1567 = arith.mulf %get3A_1566, %broadcast_in_dim3A_1508 : vector<16xf32>
        %swap3A_1568 = arith.index_cast %add3A_1512 : i32 to index
        %swap3A_1569 = arith.constant 80 : index
        %swap3A_1570 = tpu.vector_load %arg10[%swap3A_1568, %swap3A_1569] {strides = array<i32>} : memref<128x128xf32, #tpu.memory_space<vmem>>, vector<1x16xf32>,
        %swap3A_1571 = vector.shape_cast %swap3A_1570 : vector<1x16xf32> to vector<16xf32>
        %swap3A_1572 = vector.shape_cast %mul3A_1567 : vector<16xf32> to vector<1x16xf32>
        tpu.vector_store %arg10[%swap3A_1568, %swap3A_1569], %swap3A_1572 {strides = array<i32>} : memref<128x128xf32, #tpu.memory_space<vmem>>, vector<1x16xf32>,
        %get3A_1573 = arith.index_cast %add3A_1512 : i32 to index
        %get3A_1574 = arith.constant 96 : index
        %get3A_1575 = tpu.vector_load %arg10[%get3A_1573, %get3A_1574] {strides = array<i32>} : memref<128x128xf32, #tpu.memory_space<vmem>>, vector<1x16xf32>,
        %get3A_1576 = vector.shape_cast %get3A_1575 : vector<1x16xf32> to vector<16xf32>
        %mul3A_1577 = arith.mulf %get3A_1576, %broadcast_in_dim3A_1508 : vector<16xf32>
        %swap3A_1578 = arith.index_cast %add3A_1512 : i32 to index
        %swap3A_1579 = arith.constant 96 : index
        %swap3A_1580 = tpu.vector_load %arg10[%swap3A_1578, %swap3A_1579] {strides = array<i32>} : memref<128x128xf32, #tpu.memory_space<vmem>>, vector<1x16xf32>,
        %swap3A_1581 = vector.shape_cast %swap3A_1580 : vector<1x16xf32> to vector<16xf32>
        %swap3A_1582 = vector.shape_cast %mul3A_1577 : vector<16xf32> to vector<1x16xf32>
        tpu.vector_store %arg10[%swap3A_1578, %swap3A_1579], %swap3A_1582 {strides = array<i32>} : memref<128x128xf32, #tpu.memory_space<vmem>>, vector<1x16xf32>,
        %get3A_1583 = arith.index_cast %add3A_1512 : i32 to index
        %get3A_1584 = arith.constant 112 : index
        %get3A_1585 = tpu.vector_load %arg10[%get3A_1583, %get3A_1584] {strides = array<i32>} : memref<128x128xf32, #tpu.memory_space<vmem>>, vector<1x16xf32>,
        %get3A_1586 = vector.shape_cast %get3A_1585 : vector<1x16xf32> to vector<16xf32>
        %mul3A_1587 = arith.mulf %get3A_1586, %broadcast_in_dim3A_1508 : vector<16xf32>
        %swap3A_1588 = arith.index_cast %add3A_1512 : i32 to index
        %swap3A_1589 = arith.constant 112 : index
        %swap3A_1590 = tpu.vector_load %arg10[%swap3A_1588, %swap3A_1589] {strides = array<i32>} : memref<128x128xf32, #tpu.memory_space<vmem>>, vector<1x16xf32>,
        %swap3A_1591 = vector.shape_cast %swap3A_1590 : vector<1x16xf32> to vector<16xf32>
        %swap3A_1592 = vector.shape_cast %mul3A_1587 : vector<16xf32> to vector<1x16xf32>
        tpu.vector_store %arg10[%swap3A_1588, %swap3A_1589], %swap3A_1592 {strides = array<i32>} : memref<128x128xf32, #tpu.memory_space<vmem>>, vector<1x16xf32>,
      }
      %scan3A_153 = arith.constant 8 : i32
      %dma_start3A_154 = arith.constant 0 : i32
      %dma_start3A_155 = tpu.memref_slice %arg8[%rem3A_126, %dma_start3A_154] : memref<40x128xi32, #tpu.memory_space<vmem>> -> memref<1x128xi32, #tpu.memory_space<vmem>>
      %dma_start3A_156 = tpu.memref_squeeze %dma_start3A_155 : memref<1x128xi32, #tpu.memory_space<vmem>> -> memref<128xi32, #tpu.memory_space<vmem>>
      %dma_start3A_157 = arith.constant 0 : i32
      %dma_start3A_158 = arith.constant 0 : i32
      %dma_start3A_159 = tpu.memref_slice %arg12[%dma_start3A_157, %dma_start3A_158] : memref<10240x128xf32, #tpu.memory_space<vmem_shared>> -> memref<10240x128xf32, #tpu.memory_space<vmem_shared>>
      tpu.enqueue_indirect_dma source(%arg10 : memref<128x128xf32, #tpu.memory_space<vmem>>) target(%dma_start3A_159 : memref<10240x128xf32, #tpu.memory_space<vmem_shared>>) offsets(%dma_start3A_156 : memref<128xi32, #tpu.memory_space<vmem>>) semaphore(%arg15 : memref<!tpu.dma_semaphore, #tpu.memory_space<semaphore_mem>>) {add = true}
      %mul3A_160 = arith.constant 2 : i32
      %mul3A_161 = arith.muli %scan3A_121, %mul3A_160 : i32
      %add3A_162 = arith.constant 1 : i32
      %add3A_163 = arith.addi %mul3A_161, %add3A_162 : i32
      %rem3A_164 = arith.constant 40 : i32
      %rem3A_165 = arith.remsi %add3A_163, %rem3A_164 : i32
      %dma_wait3A_166 = arith.constant 0 : i32
      %dma_wait3A_167 = tpu.memref_slice %arg7[%rem3A_165, %dma_wait3A_166] : memref<40x128xi32, #tpu.memory_space<vmem>> -> memref<1x128xi32, #tpu.memory_space<vmem>>
      %dma_wait3A_168 = tpu.memref_squeeze %dma_wait3A_167 : memref<1x128xi32, #tpu.memory_space<vmem>> -> memref<128xi32, #tpu.memory_space<vmem>>
      %dma_wait3A_169 = arith.constant 0 : i32
      %dma_wait3A_170 = arith.constant 0 : i32
      %dma_wait3A_171 = tpu.memref_slice %arg2[%dma_wait3A_169, %dma_wait3A_170] : memref<10000x128xf32, #tpu.memory_space<hbm>> -> memref<10000x128xf32, #tpu.memory_space<hbm>>
      tpu.wait_indirect_dma semaphore(%arg14 : memref<!tpu.dma_semaphore, #tpu.memory_space<semaphore_mem>>) src(%dma_wait3A_171 : memref<10000x128xf32, #tpu.memory_space<hbm>>) dst(%arg11 : memref<128x128xf32, #tpu.memory_space<vmem>>)
      %add3A_172 = arith.constant 1 : i32
      %add3A_173 = arith.addi %add3A_163, %add3A_172 : i32
      %lt3A_174 = arith.constant 80 : i32
      %lt3A_175 = arith.cmpi slt, %add3A_173, %lt3A_174 : i32
      %add3A_176 = arith.constant 1 : i32
      %add3A_177 = arith.addi %add3A_163, %add3A_176 : i32
      %rem3A_178 = arith.constant 40 : i32
      %rem3A_179 = arith.remsi %add3A_177, %rem3A_178 : i32
      %ne3A_180 = arith.constant 0 : i32
      %ne3A_181 = arith.cmpi ne, %rem3A_179, %ne3A_180 : i32
      %and3A_182 = arith.andi %lt3A_175, %ne3A_181 : i1
      %convert_element_type3A_183 = arith.extui %and3A_182 : i1 to i32
      %cond3A_184 = arith.constant 0 : i32
      %cond3A_185 = arith.cmpi ne, %convert_element_type3A_183, %cond3A_184 : i32
      scf.if %cond3A_185 {
        %ge3A = arith.constant 1 : i32
        %ge3A_198 = arith.cmpi sge, %rem3A_165, %ge3A : i32
        %convert_element_type3A_199 = arith.extui %ge3A_198 : i1 to i32
        %cond3A_200 = arith.constant 0 : i32
        %cond3A_201 = arith.cmpi ne, %convert_element_type3A_199, %cond3A_200 : i32
        scf.if %cond3A_201 {
          %dma_wait3A_210 = arith.constant 0 : i32
          %dma_wait3A_211 = tpu.memref_slice %arg8[%rem3A_165, %dma_wait3A_210] : memref<40x128xi32, #tpu.memory_space<vmem>> -> memref<1x128xi32, #tpu.memory_space<vmem>>
          %dma_wait3A_212 = tpu.memref_squeeze %dma_wait3A_211 : memref<1x128xi32, #tpu.memory_space<vmem>> -> memref<128xi32, #tpu.memory_space<vmem>>
          %dma_wait3A_213 = arith.constant 0 : i32
          %dma_wait3A_214 = arith.constant 0 : i32
          %dma_wait3A_215 = tpu.memref_slice %arg12[%dma_wait3A_213, %dma_wait3A_214] : memref<10240x128xf32, #tpu.memory_space<vmem_shared>> -> memref<10240x128xf32, #tpu.memory_space<vmem_shared>>
          tpu.wait_indirect_dma semaphore(%arg15 : memref<!tpu.dma_semaphore, #tpu.memory_space<semaphore_mem>>) src(%arg10 : memref<128x128xf32, #tpu.memory_space<vmem>>) dst(%dma_wait3A_215 : memref<10240x128xf32, #tpu.memory_space<vmem_shared>>)
        } else {
        }
        %add3A_202 = arith.constant 1 : i32
        %add3A_203 = arith.addi %rem3A_165, %add3A_202 : i32
        %dma_start3A_204 = arith.constant 0 : i32
        %dma_start3A_205 = tpu.memref_slice %arg7[%add3A_203, %dma_start3A_204] : memref<40x128xi32, #tpu.memory_space<vmem>> -> memref<1x128xi32, #tpu.memory_space<vmem>>
        %dma_start3A_206 = tpu.memref_squeeze %dma_start3A_205 : memref<1x128xi32, #tpu.memory_space<vmem>> -> memref<128xi32, #tpu.memory_space<vmem>>
        %dma_start3A_207 = arith.constant 0 : i32
        %dma_start3A_208 = arith.constant 0 : i32
        %dma_start3A_209 = tpu.memref_slice %arg2[%dma_start3A_207, %dma_start3A_208] : memref<10000x128xf32, #tpu.memory_space<hbm>> -> memref<10000x128xf32, #tpu.memory_space<hbm>>
        tpu.enqueue_indirect_dma source(%dma_start3A_209 : memref<10000x128xf32, #tpu.memory_space<hbm>>) target(%arg10 : memref<128x128xf32, #tpu.memory_space<vmem>>) offsets(%dma_start3A_206 : memref<128xi32, #tpu.memory_space<vmem>>) semaphore(%arg13 : memref<!tpu.dma_semaphore, #tpu.memory_space<semaphore_mem>>)
      } else {
      }
      %scan3A_186 = arith.constant 0 : i32
      %scan3A_187 = arith.constant 0 : i32
      %scan3A_188 = arith.constant 8 : i32
      %scan3A_189 = arith.addi %scan3A_187, %scan3A_188 : i32
      %scan3A_190 = arith.constant 1 : i32
      scf.for %scan3A_198 = %scan3A_187 to %scan3A_189 step %scan3A_190  : i32 {
        %mul3A_199 = arith.constant 16 : i32
        %mul3A_200 = arith.muli %scan3A_198, %mul3A_199 : i32
        %get3A = arith.index_cast %rem3A_165 : i32 to index
        %get3A_201 = arith.index_cast %mul3A_200 : i32 to index
        %get3A_202 = tpu.vector_load %arg9[%get3A, %get3A_201] {strides = array<i32>} : memref<40x128xf32, #tpu.memory_space<vmem>>, vector<1x16xf32>,
        %get3A_203 = vector.shape_cast %get3A_202 : vector<1x16xf32> to vector<16xf32>
        %slice3A = vector.extract_strided_slice %get3A_203 {offsets = [0], sizes = [1], strides = [1]} : vector<16xf32> to vector<1xf32>
        %squeeze3A = vector.extract %slice3A[0] : f32 from vector<1xf32>
        %broadcast_in_dim3A_204 = vector.broadcast %squeeze3A : f32 to vector<16xf32>
        %mul3A_205 = arith.constant 16 : i32
        %mul3A_206 = arith.muli %scan3A_198, %mul3A_205 : i32
        %add3A_207 = arith.constant 0 : i32
        %add3A_208 = arith.addi %mul3A_206, %add3A_207 : i32
        %get3A_209 = arith.index_cast %add3A_208 : i32 to index
        %get3A_210 = arith.constant 0 : index
        %get3A_211 = tpu.vector_load %arg11[%get3A_209, %get3A_210] {strides = array<i32>} : memref<128x128xf32, #tpu.memory_space<vmem>>, vector<1x16xf32>,
        %get3A_212 = vector.shape_cast %get3A_211 : vector<1x16xf32> to vector<16xf32>
        %mul3A_213 = arith.mulf %get3A_212, %broadcast_in_dim3A_204 : vector<16xf32>
        %swap3A = arith.index_cast %add3A_208 : i32 to index
        %swap3A_214 = arith.constant 0 : index
        %swap3A_215 = tpu.vector_load %arg11[%swap3A, %swap3A_214] {strides = array<i32>} : memref<128x128xf32, #tpu.memory_space<vmem>>, vector<1x16xf32>,
        %swap3A_216 = vector.shape_cast %swap3A_215 : vector<1x16xf32> to vector<16xf32>
        %swap3A_217 = vector.shape_cast %mul3A_213 : vector<16xf32> to vector<1x16xf32>
        tpu.vector_store %arg11[%swap3A, %swap3A_214], %swap3A_217 {strides = array<i32>} : memref<128x128xf32, #tpu.memory_space<vmem>>, vector<1x16xf32>,
        %get3A_218 = arith.index_cast %add3A_208 : i32 to index
        %get3A_219 = arith.constant 16 : index
        %get3A_220 = tpu.vector_load %arg11[%get3A_218, %get3A_219] {strides = array<i32>} : memref<128x128xf32, #tpu.memory_space<vmem>>, vector<1x16xf32>,
        %get3A_221 = vector.shape_cast %get3A_220 : vector<1x16xf32> to vector<16xf32>
        %mul3A_222 = arith.mulf %get3A_221, %broadcast_in_dim3A_204 : vector<16xf32>
        %swap3A_223 = arith.index_cast %add3A_208 : i32 to index
        %swap3A_224 = arith.constant 16 : index
        %swap3A_225 = tpu.vector_load %arg11[%swap3A_223, %swap3A_224] {strides = array<i32>} : memref<128x128xf32, #tpu.memory_space<vmem>>, vector<1x16xf32>,
        %swap3A_226 = vector.shape_cast %swap3A_225 : vector<1x16xf32> to vector<16xf32>
        %swap3A_227 = vector.shape_cast %mul3A_222 : vector<16xf32> to vector<1x16xf32>
        tpu.vector_store %arg11[%swap3A_223, %swap3A_224], %swap3A_227 {strides = array<i32>} : memref<128x128xf32, #tpu.memory_space<vmem>>, vector<1x16xf32>,
        %get3A_228 = arith.index_cast %add3A_208 : i32 to index
        %get3A_229 = arith.constant 32 : index
        %get3A_230 = tpu.vector_load %arg11[%get3A_228, %get3A_229] {strides = array<i32>} : memref<128x128xf32, #tpu.memory_space<vmem>>, vector<1x16xf32>,
        %get3A_231 = vector.shape_cast %get3A_230 : vector<1x16xf32> to vector<16xf32>
        %mul3A_232 = arith.mulf %get3A_231, %broadcast_in_dim3A_204 : vector<16xf32>
        %swap3A_233 = arith.index_cast %add3A_208 : i32 to index
        %swap3A_234 = arith.constant 32 : index
        %swap3A_235 = tpu.vector_load %arg11[%swap3A_233, %swap3A_234] {strides = array<i32>} : memref<128x128xf32, #tpu.memory_space<vmem>>, vector<1x16xf32>,
        %swap3A_236 = vector.shape_cast %swap3A_235 : vector<1x16xf32> to vector<16xf32>
        %swap3A_237 = vector.shape_cast %mul3A_232 : vector<16xf32> to vector<1x16xf32>
        tpu.vector_store %arg11[%swap3A_233, %swap3A_234], %swap3A_237 {strides = array<i32>} : memref<128x128xf32, #tpu.memory_space<vmem>>, vector<1x16xf32>,
        %get3A_238 = arith.index_cast %add3A_208 : i32 to index
        %get3A_239 = arith.constant 48 : index
        %get3A_240 = tpu.vector_load %arg11[%get3A_238, %get3A_239] {strides = array<i32>} : memref<128x128xf32, #tpu.memory_space<vmem>>, vector<1x16xf32>,
        %get3A_241 = vector.shape_cast %get3A_240 : vector<1x16xf32> to vector<16xf32>
        %mul3A_242 = arith.mulf %get3A_241, %broadcast_in_dim3A_204 : vector<16xf32>
        %swap3A_243 = arith.index_cast %add3A_208 : i32 to index
        %swap3A_244 = arith.constant 48 : index
        %swap3A_245 = tpu.vector_load %arg11[%swap3A_243, %swap3A_244] {strides = array<i32>} : memref<128x128xf32, #tpu.memory_space<vmem>>, vector<1x16xf32>,
        %swap3A_246 = vector.shape_cast %swap3A_245 : vector<1x16xf32> to vector<16xf32>
        %swap3A_247 = vector.shape_cast %mul3A_242 : vector<16xf32> to vector<1x16xf32>
        tpu.vector_store %arg11[%swap3A_243, %swap3A_244], %swap3A_247 {strides = array<i32>} : memref<128x128xf32, #tpu.memory_space<vmem>>, vector<1x16xf32>,
        %get3A_248 = arith.index_cast %add3A_208 : i32 to index
        %get3A_249 = arith.constant 64 : index
        %get3A_250 = tpu.vector_load %arg11[%get3A_248, %get3A_249] {strides = array<i32>} : memref<128x128xf32, #tpu.memory_space<vmem>>, vector<1x16xf32>,
        %get3A_251 = vector.shape_cast %get3A_250 : vector<1x16xf32> to vector<16xf32>
        %mul3A_252 = arith.mulf %get3A_251, %broadcast_in_dim3A_204 : vector<16xf32>
        %swap3A_253 = arith.index_cast %add3A_208 : i32 to index
        %swap3A_254 = arith.constant 64 : index
        %swap3A_255 = tpu.vector_load %arg11[%swap3A_253, %swap3A_254] {strides = array<i32>} : memref<128x128xf32, #tpu.memory_space<vmem>>, vector<1x16xf32>,
        %swap3A_256 = vector.shape_cast %swap3A_255 : vector<1x16xf32> to vector<16xf32>
        %swap3A_257 = vector.shape_cast %mul3A_252 : vector<16xf32> to vector<1x16xf32>
        tpu.vector_store %arg11[%swap3A_253, %swap3A_254], %swap3A_257 {strides = array<i32>} : memref<128x128xf32, #tpu.memory_space<vmem>>, vector<1x16xf32>,
        %get3A_258 = arith.index_cast %add3A_208 : i32 to index
        %get3A_259 = arith.constant 80 : index
        %get3A_260 = tpu.vector_load %arg11[%get3A_258, %get3A_259] {strides = array<i32>} : memref<128x128xf32, #tpu.memory_space<vmem>>, vector<1x16xf32>,
        %get3A_261 = vector.shape_cast %get3A_260 : vector<1x16xf32> to vector<16xf32>
        %mul3A_262 = arith.mulf %get3A_261, %broadcast_in_dim3A_204 : vector<16xf32>
        %swap3A_263 = arith.index_cast %add3A_208 : i32 to index
        %swap3A_264 = arith.constant 80 : index
        %swap3A_265 = tpu.vector_load %arg11[%swap3A_263, %swap3A_264] {strides = array<i32>} : memref<128x128xf32, #tpu.memory_space<vmem>>, vector<1x16xf32>,
        %swap3A_266 = vector.shape_cast %swap3A_265 : vector<1x16xf32> to vector<16xf32>
        %swap3A_267 = vector.shape_cast %mul3A_262 : vector<16xf32> to vector<1x16xf32>
        tpu.vector_store %arg11[%swap3A_263, %swap3A_264], %swap3A_267 {strides = array<i32>} : memref<128x128xf32, #tpu.memory_space<vmem>>, vector<1x16xf32>,
        %get3A_268 = arith.index_cast %add3A_208 : i32 to index
        %get3A_269 = arith.constant 96 : index
        %get3A_270 = tpu.vector_load %arg11[%get3A_268, %get3A_269] {strides = array<i32>} : memref<128x128xf32, #tpu.memory_space<vmem>>, vector<1x16xf32>,
        %get3A_271 = vector.shape_cast %get3A_270 : vector<1x16xf32> to vector<16xf32>
        %mul3A_272 = arith.mulf %get3A_271, %broadcast_in_dim3A_204 : vector<16xf32>
        %swap3A_273 = arith.index_cast %add3A_208 : i32 to index
        %swap3A_274 = arith.constant 96 : index
        %swap3A_275 = tpu.vector_load %arg11[%swap3A_273, %swap3A_274] {strides = array<i32>} : memref<128x128xf32, #tpu.memory_space<vmem>>, vector<1x16xf32>,
        %swap3A_276 = vector.shape_cast %swap3A_275 : vector<1x16xf32> to vector<16xf32>
        %swap3A_277 = vector.shape_cast %mul3A_272 : vector<16xf32> to vector<1x16xf32>
        tpu.vector_store %arg11[%swap3A_273, %swap3A_274], %swap3A_277 {strides = array<i32>} : memref<128x128xf32, #tpu.memory_space<vmem>>, vector<1x16xf32>,
        %get3A_278 = arith.index_cast %add3A_208 : i32 to index
        %get3A_279 = arith.constant 112 : index
        %get3A_280 = tpu.vector_load %arg11[%get3A_278, %get3A_279] {strides = array<i32>} : memref<128x128xf32, #tpu.memory_space<vmem>>, vector<1x16xf32>,
        %get3A_281 = vector.shape_cast %get3A_280 : vector<1x16xf32> to vector<16xf32>
        %mul3A_282 = arith.mulf %get3A_281, %broadcast_in_dim3A_204 : vector<16xf32>
        %swap3A_283 = arith.index_cast %add3A_208 : i32 to index
        %swap3A_284 = arith.constant 112 : index
        %swap3A_285 = tpu.vector_load %arg11[%swap3A_283, %swap3A_284] {strides = array<i32>} : memref<128x128xf32, #tpu.memory_space<vmem>>, vector<1x16xf32>,
        %swap3A_286 = vector.shape_cast %swap3A_285 : vector<1x16xf32> to vector<16xf32>
        %swap3A_287 = vector.shape_cast %mul3A_282 : vector<16xf32> to vector<1x16xf32>
        tpu.vector_store %arg11[%swap3A_283, %swap3A_284], %swap3A_287 {strides = array<i32>} : memref<128x128xf32, #tpu.memory_space<vmem>>, vector<1x16xf32>,
        %slice3A_288 = vector.extract_strided_slice %get3A_203 {offsets = [1], sizes = [1], strides = [1]} : vector<16xf32> to vector<1xf32>
        %squeeze3A_289 = vector.extract %slice3A_288[0] : f32 from vector<1xf32>
        %broadcast_in_dim3A_290 = vector.broadcast %squeeze3A_289 : f32 to vector<16xf32>
        %mul3A_291 = arith.constant 16 : i32
        %mul3A_292 = arith.muli %scan3A_198, %mul3A_291 : i32
        %add3A_293 = arith.constant 1 : i32
        %add3A_294 = arith.addi %mul3A_292, %add3A_293 : i32
        %get3A_295 = arith.index_cast %add3A_294 : i32 to index
        %get3A_296 = arith.constant 0 : index
        %get3A_297 = tpu.vector_load %arg11[%get3A_295, %get3A_296] {strides = array<i32>} : memref<128x128xf32, #tpu.memory_space<vmem>>, vector<1x16xf32>,
        %get3A_298 = vector.shape_cast %get3A_297 : vector<1x16xf32> to vector<16xf32>
        %mul3A_299 = arith.mulf %get3A_298, %broadcast_in_dim3A_290 : vector<16xf32>
        %swap3A_300 = arith.index_cast %add3A_294 : i32 to index
        %swap3A_301 = arith.constant 0 : index
        %swap3A_302 = tpu.vector_load %arg11[%swap3A_300, %swap3A_301] {strides = array<i32>} : memref<128x128xf32, #tpu.memory_space<vmem>>, vector<1x16xf32>,
        %swap3A_303 = vector.shape_cast %swap3A_302 : vector<1x16xf32> to vector<16xf32>
        %swap3A_304 = vector.shape_cast %mul3A_299 : vector<16xf32> to vector<1x16xf32>
        tpu.vector_store %arg11[%swap3A_300, %swap3A_301], %swap3A_304 {strides = array<i32>} : memref<128x128xf32, #tpu.memory_space<vmem>>, vector<1x16xf32>,
        %get3A_305 = arith.index_cast %add3A_294 : i32 to index
        %get3A_306 = arith.constant 16 : index
        %get3A_307 = tpu.vector_load %arg11[%get3A_305, %get3A_306] {strides = array<i32>} : memref<128x128xf32, #tpu.memory_space<vmem>>, vector<1x16xf32>,
        %get3A_308 = vector.shape_cast %get3A_307 : vector<1x16xf32> to vector<16xf32>
        %mul3A_309 = arith.mulf %get3A_308, %broadcast_in_dim3A_290 : vector<16xf32>
        %swap3A_310 = arith.index_cast %add3A_294 : i32 to index
        %swap3A_311 = arith.constant 16 : index
        %swap3A_312 = tpu.vector_load %arg11[%swap3A_310, %swap3A_311] {strides = array<i32>} : memref<128x128xf32, #tpu.memory_space<vmem>>, vector<1x16xf32>,
        %swap3A_313 = vector.shape_cast %swap3A_312 : vector<1x16xf32> to vector<16xf32>
        %swap3A_314 = vector.shape_cast %mul3A_309 : vector<16xf32> to vector<1x16xf32>
        tpu.vector_store %arg11[%swap3A_310, %swap3A_311], %swap3A_314 {strides = array<i32>} : memref<128x128xf32, #tpu.memory_space<vmem>>, vector<1x16xf32>,
        %get3A_315 = arith.index_cast %add3A_294 : i32 to index
        %get3A_316 = arith.constant 32 : index
        %get3A_317 = tpu.vector_load %arg11[%get3A_315, %get3A_316] {strides = array<i32>} : memref<128x128xf32, #tpu.memory_space<vmem>>, vector<1x16xf32>,
        %get3A_318 = vector.shape_cast %get3A_317 : vector<1x16xf32> to vector<16xf32>
        %mul3A_319 = arith.mulf %get3A_318, %broadcast_in_dim3A_290 : vector<16xf32>
        %swap3A_320 = arith.index_cast %add3A_294 : i32 to index
        %swap3A_321 = arith.constant 32 : index
        %swap3A_322 = tpu.vector_load %arg11[%swap3A_320, %swap3A_321] {strides = array<i32>} : memref<128x128xf32, #tpu.memory_space<vmem>>, vector<1x16xf32>,
        %swap3A_323 = vector.shape_cast %swap3A_322 : vector<1x16xf32> to vector<16xf32>
        %swap3A_324 = vector.shape_cast %mul3A_319 : vector<16xf32> to vector<1x16xf32>
        tpu.vector_store %arg11[%swap3A_320, %swap3A_321], %swap3A_324 {strides = array<i32>} : memref<128x128xf32, #tpu.memory_space<vmem>>, vector<1x16xf32>,
        %get3A_325 = arith.index_cast %add3A_294 : i32 to index
        %get3A_326 = arith.constant 48 : index
        %get3A_327 = tpu.vector_load %arg11[%get3A_325, %get3A_326] {strides = array<i32>} : memref<128x128xf32, #tpu.memory_space<vmem>>, vector<1x16xf32>,
        %get3A_328 = vector.shape_cast %get3A_327 : vector<1x16xf32> to vector<16xf32>
        %mul3A_329 = arith.mulf %get3A_328, %broadcast_in_dim3A_290 : vector<16xf32>
        %swap3A_330 = arith.index_cast %add3A_294 : i32 to index
        %swap3A_331 = arith.constant 48 : index
        %swap3A_332 = tpu.vector_load %arg11[%swap3A_330, %swap3A_331] {strides = array<i32>} : memref<128x128xf32, #tpu.memory_space<vmem>>, vector<1x16xf32>,
        %swap3A_333 = vector.shape_cast %swap3A_332 : vector<1x16xf32> to vector<16xf32>
        %swap3A_334 = vector.shape_cast %mul3A_329 : vector<16xf32> to vector<1x16xf32>
        tpu.vector_store %arg11[%swap3A_330, %swap3A_331], %swap3A_334 {strides = array<i32>} : memref<128x128xf32, #tpu.memory_space<vmem>>, vector<1x16xf32>,
        %get3A_335 = arith.index_cast %add3A_294 : i32 to index
        %get3A_336 = arith.constant 64 : index
        %get3A_337 = tpu.vector_load %arg11[%get3A_335, %get3A_336] {strides = array<i32>} : memref<128x128xf32, #tpu.memory_space<vmem>>, vector<1x16xf32>,
        %get3A_338 = vector.shape_cast %get3A_337 : vector<1x16xf32> to vector<16xf32>
        %mul3A_339 = arith.mulf %get3A_338, %broadcast_in_dim3A_290 : vector<16xf32>
        %swap3A_340 = arith.index_cast %add3A_294 : i32 to index
        %swap3A_341 = arith.constant 64 : index
        %swap3A_342 = tpu.vector_load %arg11[%swap3A_340, %swap3A_341] {strides = array<i32>} : memref<128x128xf32, #tpu.memory_space<vmem>>, vector<1x16xf32>,
        %swap3A_343 = vector.shape_cast %swap3A_342 : vector<1x16xf32> to vector<16xf32>
        %swap3A_344 = vector.shape_cast %mul3A_339 : vector<16xf32> to vector<1x16xf32>
        tpu.vector_store %arg11[%swap3A_340, %swap3A_341], %swap3A_344 {strides = array<i32>} : memref<128x128xf32, #tpu.memory_space<vmem>>, vector<1x16xf32>,
        %get3A_345 = arith.index_cast %add3A_294 : i32 to index
        %get3A_346 = arith.constant 80 : index
        %get3A_347 = tpu.vector_load %arg11[%get3A_345, %get3A_346] {strides = array<i32>} : memref<128x128xf32, #tpu.memory_space<vmem>>, vector<1x16xf32>,
        %get3A_348 = vector.shape_cast %get3A_347 : vector<1x16xf32> to vector<16xf32>
        %mul3A_349 = arith.mulf %get3A_348, %broadcast_in_dim3A_290 : vector<16xf32>
        %swap3A_350 = arith.index_cast %add3A_294 : i32 to index
        %swap3A_351 = arith.constant 80 : index
        %swap3A_352 = tpu.vector_load %arg11[%swap3A_350, %swap3A_351] {strides = array<i32>} : memref<128x128xf32, #tpu.memory_space<vmem>>, vector<1x16xf32>,
        %swap3A_353 = vector.shape_cast %swap3A_352 : vector<1x16xf32> to vector<16xf32>
        %swap3A_354 = vector.shape_cast %mul3A_349 : vector<16xf32> to vector<1x16xf32>
        tpu.vector_store %arg11[%swap3A_350, %swap3A_351], %swap3A_354 {strides = array<i32>} : memref<128x128xf32, #tpu.memory_space<vmem>>, vector<1x16xf32>,
        %get3A_355 = arith.index_cast %add3A_294 : i32 to index
        %get3A_356 = arith.constant 96 : index
        %get3A_357 = tpu.vector_load %arg11[%get3A_355, %get3A_356] {strides = array<i32>} : memref<128x128xf32, #tpu.memory_space<vmem>>, vector<1x16xf32>,
        %get3A_358 = vector.shape_cast %get3A_357 : vector<1x16xf32> to vector<16xf32>
        %mul3A_359 = arith.mulf %get3A_358, %broadcast_in_dim3A_290 : vector<16xf32>
        %swap3A_360 = arith.index_cast %add3A_294 : i32 to index
        %swap3A_361 = arith.constant 96 : index
        %swap3A_362 = tpu.vector_load %arg11[%swap3A_360, %swap3A_361] {strides = array<i32>} : memref<128x128xf32, #tpu.memory_space<vmem>>, vector<1x16xf32>,
        %swap3A_363 = vector.shape_cast %swap3A_362 : vector<1x16xf32> to vector<16xf32>
        %swap3A_364 = vector.shape_cast %mul3A_359 : vector<16xf32> to vector<1x16xf32>
        tpu.vector_store %arg11[%swap3A_360, %swap3A_361], %swap3A_364 {strides = array<i32>} : memref<128x128xf32, #tpu.memory_space<vmem>>, vector<1x16xf32>,
        %get3A_365 = arith.index_cast %add3A_294 : i32 to index
        %get3A_366 = arith.constant 112 : index
        %get3A_367 = tpu.vector_load %arg11[%get3A_365, %get3A_366] {strides = array<i32>} : memref<128x128xf32, #tpu.memory_space<vmem>>, vector<1x16xf32>,
        %get3A_368 = vector.shape_cast %get3A_367 : vector<1x16xf32> to vector<16xf32>
        %mul3A_369 = arith.mulf %get3A_368, %broadcast_in_dim3A_290 : vector<16xf32>
        %swap3A_370 = arith.index_cast %add3A_294 : i32 to index
        %swap3A_371 = arith.constant 112 : index
        %swap3A_372 = tpu.vector_load %arg11[%swap3A_370, %swap3A_371] {strides = array<i32>} : memref<128x128xf32, #tpu.memory_space<vmem>>, vector<1x16xf32>,
        %swap3A_373 = vector.shape_cast %swap3A_372 : vector<1x16xf32> to vector<16xf32>
        %swap3A_374 = vector.shape_cast %mul3A_369 : vector<16xf32> to vector<1x16xf32>
        tpu.vector_store %arg11[%swap3A_370, %swap3A_371], %swap3A_374 {strides = array<i32>} : memref<128x128xf32, #tpu.memory_space<vmem>>, vector<1x16xf32>,
        %slice3A_375 = vector.extract_strided_slice %get3A_203 {offsets = [2], sizes = [1], strides = [1]} : vector<16xf32> to vector<1xf32>
        %squeeze3A_376 = vector.extract %slice3A_375[0] : f32 from vector<1xf32>
        %broadcast_in_dim3A_377 = vector.broadcast %squeeze3A_376 : f32 to vector<16xf32>
        %mul3A_378 = arith.constant 16 : i32
        %mul3A_379 = arith.muli %scan3A_198, %mul3A_378 : i32
        %add3A_380 = arith.constant 2 : i32
        %add3A_381 = arith.addi %mul3A_379, %add3A_380 : i32
        %get3A_382 = arith.index_cast %add3A_381 : i32 to index
        %get3A_383 = arith.constant 0 : index
        %get3A_384 = tpu.vector_load %arg11[%get3A_382, %get3A_383] {strides = array<i32>} : memref<128x128xf32, #tpu.memory_space<vmem>>, vector<1x16xf32>,
        %get3A_385 = vector.shape_cast %get3A_384 : vector<1x16xf32> to vector<16xf32>
        %mul3A_386 = arith.mulf %get3A_385, %broadcast_in_dim3A_377 : vector<16xf32>
        %swap3A_387 = arith.index_cast %add3A_381 : i32 to index
        %swap3A_388 = arith.constant 0 : index
        %swap3A_389 = tpu.vector_load %arg11[%swap3A_387, %swap3A_388] {strides = array<i32>} : memref<128x128xf32, #tpu.memory_space<vmem>>, vector<1x16xf32>,
        %swap3A_390 = vector.shape_cast %swap3A_389 : vector<1x16xf32> to vector<16xf32>
        %swap3A_391 = vector.shape_cast %mul3A_386 : vector<16xf32> to vector<1x16xf32>
        tpu.vector_store %arg11[%swap3A_387, %swap3A_388], %swap3A_391 {strides = array<i32>} : memref<128x128xf32, #tpu.memory_space<vmem>>, vector<1x16xf32>,
        %get3A_392 = arith.index_cast %add3A_381 : i32 to index
        %get3A_393 = arith.constant 16 : index
        %get3A_394 = tpu.vector_load %arg11[%get3A_392, %get3A_393] {strides = array<i32>} : memref<128x128xf32, #tpu.memory_space<vmem>>, vector<1x16xf32>,
        %get3A_395 = vector.shape_cast %get3A_394 : vector<1x16xf32> to vector<16xf32>
        %mul3A_396 = arith.mulf %get3A_395, %broadcast_in_dim3A_377 : vector<16xf32>
        %swap3A_397 = arith.index_cast %add3A_381 : i32 to index
        %swap3A_398 = arith.constant 16 : index
        %swap3A_399 = tpu.vector_load %arg11[%swap3A_397, %swap3A_398] {strides = array<i32>} : memref<128x128xf32, #tpu.memory_space<vmem>>, vector<1x16xf32>,
        %swap3A_400 = vector.shape_cast %swap3A_399 : vector<1x16xf32> to vector<16xf32>
        %swap3A_401 = vector.shape_cast %mul3A_396 : vector<16xf32> to vector<1x16xf32>
        tpu.vector_store %arg11[%swap3A_397, %swap3A_398], %swap3A_401 {strides = array<i32>} : memref<128x128xf32, #tpu.memory_space<vmem>>, vector<1x16xf32>,
        %get3A_402 = arith.index_cast %add3A_381 : i32 to index
        %get3A_403 = arith.constant 32 : index
        %get3A_404 = tpu.vector_load %arg11[%get3A_402, %get3A_403] {strides = array<i32>} : memref<128x128xf32, #tpu.memory_space<vmem>>, vector<1x16xf32>,
        %get3A_405 = vector.shape_cast %get3A_404 : vector<1x16xf32> to vector<16xf32>
        %mul3A_406 = arith.mulf %get3A_405, %broadcast_in_dim3A_377 : vector<16xf32>
        %swap3A_407 = arith.index_cast %add3A_381 : i32 to index
        %swap3A_408 = arith.constant 32 : index
        %swap3A_409 = tpu.vector_load %arg11[%swap3A_407, %swap3A_408] {strides = array<i32>} : memref<128x128xf32, #tpu.memory_space<vmem>>, vector<1x16xf32>,
        %swap3A_410 = vector.shape_cast %swap3A_409 : vector<1x16xf32> to vector<16xf32>
        %swap3A_411 = vector.shape_cast %mul3A_406 : vector<16xf32> to vector<1x16xf32>
        tpu.vector_store %arg11[%swap3A_407, %swap3A_408], %swap3A_411 {strides = array<i32>} : memref<128x128xf32, #tpu.memory_space<vmem>>, vector<1x16xf32>,
        %get3A_412 = arith.index_cast %add3A_381 : i32 to index
        %get3A_413 = arith.constant 48 : index
        %get3A_414 = tpu.vector_load %arg11[%get3A_412, %get3A_413] {strides = array<i32>} : memref<128x128xf32, #tpu.memory_space<vmem>>, vector<1x16xf32>,
        %get3A_415 = vector.shape_cast %get3A_414 : vector<1x16xf32> to vector<16xf32>
        %mul3A_416 = arith.mulf %get3A_415, %broadcast_in_dim3A_377 : vector<16xf32>
        %swap3A_417 = arith.index_cast %add3A_381 : i32 to index
        %swap3A_418 = arith.constant 48 : index
        %swap3A_419 = tpu.vector_load %arg11[%swap3A_417, %swap3A_418] {strides = array<i32>} : memref<128x128xf32, #tpu.memory_space<vmem>>, vector<1x16xf32>,
        %swap3A_420 = vector.shape_cast %swap3A_419 : vector<1x16xf32> to vector<16xf32>
        %swap3A_421 = vector.shape_cast %mul3A_416 : vector<16xf32> to vector<1x16xf32>
        tpu.vector_store %arg11[%swap3A_417, %swap3A_418], %swap3A_421 {strides = array<i32>} : memref<128x128xf32, #tpu.memory_space<vmem>>, vector<1x16xf32>,
        %get3A_422 = arith.index_cast %add3A_381 : i32 to index
        %get3A_423 = arith.constant 64 : index
        %get3A_424 = tpu.vector_load %arg11[%get3A_422, %get3A_423] {strides = array<i32>} : memref<128x128xf32, #tpu.memory_space<vmem>>, vector<1x16xf32>,
        %get3A_425 = vector.shape_cast %get3A_424 : vector<1x16xf32> to vector<16xf32>
        %mul3A_426 = arith.mulf %get3A_425, %broadcast_in_dim3A_377 : vector<16xf32>
        %swap3A_427 = arith.index_cast %add3A_381 : i32 to index
        %swap3A_428 = arith.constant 64 : index
        %swap3A_429 = tpu.vector_load %arg11[%swap3A_427, %swap3A_428] {strides = array<i32>} : memref<128x128xf32, #tpu.memory_space<vmem>>, vector<1x16xf32>,
        %swap3A_430 = vector.shape_cast %swap3A_429 : vector<1x16xf32> to vector<16xf32>
        %swap3A_431 = vector.shape_cast %mul3A_426 : vector<16xf32> to vector<1x16xf32>
        tpu.vector_store %arg11[%swap3A_427, %swap3A_428], %swap3A_431 {strides = array<i32>} : memref<128x128xf32, #tpu.memory_space<vmem>>, vector<1x16xf32>,
        %get3A_432 = arith.index_cast %add3A_381 : i32 to index
        %get3A_433 = arith.constant 80 : index
        %get3A_434 = tpu.vector_load %arg11[%get3A_432, %get3A_433] {strides = array<i32>} : memref<128x128xf32, #tpu.memory_space<vmem>>, vector<1x16xf32>,
        %get3A_435 = vector.shape_cast %get3A_434 : vector<1x16xf32> to vector<16xf32>
        %mul3A_436 = arith.mulf %get3A_435, %broadcast_in_dim3A_377 : vector<16xf32>
        %swap3A_437 = arith.index_cast %add3A_381 : i32 to index
        %swap3A_438 = arith.constant 80 : index
        %swap3A_439 = tpu.vector_load %arg11[%swap3A_437, %swap3A_438] {strides = array<i32>} : memref<128x128xf32, #tpu.memory_space<vmem>>, vector<1x16xf32>,
        %swap3A_440 = vector.shape_cast %swap3A_439 : vector<1x16xf32> to vector<16xf32>
        %swap3A_441 = vector.shape_cast %mul3A_436 : vector<16xf32> to vector<1x16xf32>
        tpu.vector_store %arg11[%swap3A_437, %swap3A_438], %swap3A_441 {strides = array<i32>} : memref<128x128xf32, #tpu.memory_space<vmem>>, vector<1x16xf32>,
        %get3A_442 = arith.index_cast %add3A_381 : i32 to index
        %get3A_443 = arith.constant 96 : index
        %get3A_444 = tpu.vector_load %arg11[%get3A_442, %get3A_443] {strides = array<i32>} : memref<128x128xf32, #tpu.memory_space<vmem>>, vector<1x16xf32>,
        %get3A_445 = vector.shape_cast %get3A_444 : vector<1x16xf32> to vector<16xf32>
        %mul3A_446 = arith.mulf %get3A_445, %broadcast_in_dim3A_377 : vector<16xf32>
        %swap3A_447 = arith.index_cast %add3A_381 : i32 to index
        %swap3A_448 = arith.constant 96 : index
        %swap3A_449 = tpu.vector_load %arg11[%swap3A_447, %swap3A_448] {strides = array<i32>} : memref<128x128xf32, #tpu.memory_space<vmem>>, vector<1x16xf32>,
        %swap3A_450 = vector.shape_cast %swap3A_449 : vector<1x16xf32> to vector<16xf32>
        %swap3A_451 = vector.shape_cast %mul3A_446 : vector<16xf32> to vector<1x16xf32>
        tpu.vector_store %arg11[%swap3A_447, %swap3A_448], %swap3A_451 {strides = array<i32>} : memref<128x128xf32, #tpu.memory_space<vmem>>, vector<1x16xf32>,
        %get3A_452 = arith.index_cast %add3A_381 : i32 to index
        %get3A_453 = arith.constant 112 : index
        %get3A_454 = tpu.vector_load %arg11[%get3A_452, %get3A_453] {strides = array<i32>} : memref<128x128xf32, #tpu.memory_space<vmem>>, vector<1x16xf32>,
        %get3A_455 = vector.shape_cast %get3A_454 : vector<1x16xf32> to vector<16xf32>
        %mul3A_456 = arith.mulf %get3A_455, %broadcast_in_dim3A_377 : vector<16xf32>
        %swap3A_457 = arith.index_cast %add3A_381 : i32 to index
        %swap3A_458 = arith.constant 112 : index
        %swap3A_459 = tpu.vector_load %arg11[%swap3A_457, %swap3A_458] {strides = array<i32>} : memref<128x128xf32, #tpu.memory_space<vmem>>, vector<1x16xf32>,
        %swap3A_460 = vector.shape_cast %swap3A_459 : vector<1x16xf32> to vector<16xf32>
        %swap3A_461 = vector.shape_cast %mul3A_456 : vector<16xf32> to vector<1x16xf32>
        tpu.vector_store %arg11[%swap3A_457, %swap3A_458], %swap3A_461 {strides = array<i32>} : memref<128x128xf32, #tpu.memory_space<vmem>>, vector<1x16xf32>,
        %slice3A_462 = vector.extract_strided_slice %get3A_203 {offsets = [3], sizes = [1], strides = [1]} : vector<16xf32> to vector<1xf32>
        %squeeze3A_463 = vector.extract %slice3A_462[0] : f32 from vector<1xf32>
        %broadcast_in_dim3A_464 = vector.broadcast %squeeze3A_463 : f32 to vector<16xf32>
        %mul3A_465 = arith.constant 16 : i32
        %mul3A_466 = arith.muli %scan3A_198, %mul3A_465 : i32
        %add3A_467 = arith.constant 3 : i32
        %add3A_468 = arith.addi %mul3A_466, %add3A_467 : i32
        %get3A_469 = arith.index_cast %add3A_468 : i32 to index
        %get3A_470 = arith.constant 0 : index
        %get3A_471 = tpu.vector_load %arg11[%get3A_469, %get3A_470] {strides = array<i32>} : memref<128x128xf32, #tpu.memory_space<vmem>>, vector<1x16xf32>,
        %get3A_472 = vector.shape_cast %get3A_471 : vector<1x16xf32> to vector<16xf32>
        %mul3A_473 = arith.mulf %get3A_472, %broadcast_in_dim3A_464 : vector<16xf32>
        %swap3A_474 = arith.index_cast %add3A_468 : i32 to index
        %swap3A_475 = arith.constant 0 : index
        %swap3A_476 = tpu.vector_load %arg11[%swap3A_474, %swap3A_475] {strides = array<i32>} : memref<128x128xf32, #tpu.memory_space<vmem>>, vector<1x16xf32>,
        %swap3A_477 = vector.shape_cast %swap3A_476 : vector<1x16xf32> to vector<16xf32>
        %swap3A_478 = vector.shape_cast %mul3A_473 : vector<16xf32> to vector<1x16xf32>
        tpu.vector_store %arg11[%swap3A_474, %swap3A_475], %swap3A_478 {strides = array<i32>} : memref<128x128xf32, #tpu.memory_space<vmem>>, vector<1x16xf32>,
        %get3A_479 = arith.index_cast %add3A_468 : i32 to index
        %get3A_480 = arith.constant 16 : index
        %get3A_481 = tpu.vector_load %arg11[%get3A_479, %get3A_480] {strides = array<i32>} : memref<128x128xf32, #tpu.memory_space<vmem>>, vector<1x16xf32>,
        %get3A_482 = vector.shape_cast %get3A_481 : vector<1x16xf32> to vector<16xf32>
        %mul3A_483 = arith.mulf %get3A_482, %broadcast_in_dim3A_464 : vector<16xf32>
        %swap3A_484 = arith.index_cast %add3A_468 : i32 to index
        %swap3A_485 = arith.constant 16 : index
        %swap3A_486 = tpu.vector_load %arg11[%swap3A_484, %swap3A_485] {strides = array<i32>} : memref<128x128xf32, #tpu.memory_space<vmem>>, vector<1x16xf32>,
        %swap3A_487 = vector.shape_cast %swap3A_486 : vector<1x16xf32> to vector<16xf32>
        %swap3A_488 = vector.shape_cast %mul3A_483 : vector<16xf32> to vector<1x16xf32>
        tpu.vector_store %arg11[%swap3A_484, %swap3A_485], %swap3A_488 {strides = array<i32>} : memref<128x128xf32, #tpu.memory_space<vmem>>, vector<1x16xf32>,
        %get3A_489 = arith.index_cast %add3A_468 : i32 to index
        %get3A_490 = arith.constant 32 : index
        %get3A_491 = tpu.vector_load %arg11[%get3A_489, %get3A_490] {strides = array<i32>} : memref<128x128xf32, #tpu.memory_space<vmem>>, vector<1x16xf32>,
        %get3A_492 = vector.shape_cast %get3A_491 : vector<1x16xf32> to vector<16xf32>
        %mul3A_493 = arith.mulf %get3A_492, %broadcast_in_dim3A_464 : vector<16xf32>
        %swap3A_494 = arith.index_cast %add3A_468 : i32 to index
        %swap3A_495 = arith.constant 32 : index
        %swap3A_496 = tpu.vector_load %arg11[%swap3A_494, %swap3A_495] {strides = array<i32>} : memref<128x128xf32, #tpu.memory_space<vmem>>, vector<1x16xf32>,
        %swap3A_497 = vector.shape_cast %swap3A_496 : vector<1x16xf32> to vector<16xf32>
        %swap3A_498 = vector.shape_cast %mul3A_493 : vector<16xf32> to vector<1x16xf32>
        tpu.vector_store %arg11[%swap3A_494, %swap3A_495], %swap3A_498 {strides = array<i32>} : memref<128x128xf32, #tpu.memory_space<vmem>>, vector<1x16xf32>,
        %get3A_499 = arith.index_cast %add3A_468 : i32 to index
        %get3A_500 = arith.constant 48 : index
        %get3A_501 = tpu.vector_load %arg11[%get3A_499, %get3A_500] {strides = array<i32>} : memref<128x128xf32, #tpu.memory_space<vmem>>, vector<1x16xf32>,
        %get3A_502 = vector.shape_cast %get3A_501 : vector<1x16xf32> to vector<16xf32>
        %mul3A_503 = arith.mulf %get3A_502, %broadcast_in_dim3A_464 : vector<16xf32>
        %swap3A_504 = arith.index_cast %add3A_468 : i32 to index
        %swap3A_505 = arith.constant 48 : index
        %swap3A_506 = tpu.vector_load %arg11[%swap3A_504, %swap3A_505] {strides = array<i32>} : memref<128x128xf32, #tpu.memory_space<vmem>>, vector<1x16xf32>,
        %swap3A_507 = vector.shape_cast %swap3A_506 : vector<1x16xf32> to vector<16xf32>
        %swap3A_508 = vector.shape_cast %mul3A_503 : vector<16xf32> to vector<1x16xf32>
        tpu.vector_store %arg11[%swap3A_504, %swap3A_505], %swap3A_508 {strides = array<i32>} : memref<128x128xf32, #tpu.memory_space<vmem>>, vector<1x16xf32>,
        %get3A_509 = arith.index_cast %add3A_468 : i32 to index
        %get3A_510 = arith.constant 64 : index
        %get3A_511 = tpu.vector_load %arg11[%get3A_509, %get3A_510] {strides = array<i32>} : memref<128x128xf32, #tpu.memory_space<vmem>>, vector<1x16xf32>,
        %get3A_512 = vector.shape_cast %get3A_511 : vector<1x16xf32> to vector<16xf32>
        %mul3A_513 = arith.mulf %get3A_512, %broadcast_in_dim3A_464 : vector<16xf32>
        %swap3A_514 = arith.index_cast %add3A_468 : i32 to index
        %swap3A_515 = arith.constant 64 : index
        %swap3A_516 = tpu.vector_load %arg11[%swap3A_514, %swap3A_515] {strides = array<i32>} : memref<128x128xf32, #tpu.memory_space<vmem>>, vector<1x16xf32>,
        %swap3A_517 = vector.shape_cast %swap3A_516 : vector<1x16xf32> to vector<16xf32>
        %swap3A_518 = vector.shape_cast %mul3A_513 : vector<16xf32> to vector<1x16xf32>
        tpu.vector_store %arg11[%swap3A_514, %swap3A_515], %swap3A_518 {strides = array<i32>} : memref<128x128xf32, #tpu.memory_space<vmem>>, vector<1x16xf32>,
        %get3A_519 = arith.index_cast %add3A_468 : i32 to index
        %get3A_520 = arith.constant 80 : index
        %get3A_521 = tpu.vector_load %arg11[%get3A_519, %get3A_520] {strides = array<i32>} : memref<128x128xf32, #tpu.memory_space<vmem>>, vector<1x16xf32>,
        %get3A_522 = vector.shape_cast %get3A_521 : vector<1x16xf32> to vector<16xf32>
        %mul3A_523 = arith.mulf %get3A_522, %broadcast_in_dim3A_464 : vector<16xf32>
        %swap3A_524 = arith.index_cast %add3A_468 : i32 to index
        %swap3A_525 = arith.constant 80 : index
        %swap3A_526 = tpu.vector_load %arg11[%swap3A_524, %swap3A_525] {strides = array<i32>} : memref<128x128xf32, #tpu.memory_space<vmem>>, vector<1x16xf32>,
        %swap3A_527 = vector.shape_cast %swap3A_526 : vector<1x16xf32> to vector<16xf32>
        %swap3A_528 = vector.shape_cast %mul3A_523 : vector<16xf32> to vector<1x16xf32>
        tpu.vector_store %arg11[%swap3A_524, %swap3A_525], %swap3A_528 {strides = array<i32>} : memref<128x128xf32, #tpu.memory_space<vmem>>, vector<1x16xf32>,
        %get3A_529 = arith.index_cast %add3A_468 : i32 to index
        %get3A_530 = arith.constant 96 : index
        %get3A_531 = tpu.vector_load %arg11[%get3A_529, %get3A_530] {strides = array<i32>} : memref<128x128xf32, #tpu.memory_space<vmem>>, vector<1x16xf32>,
        %get3A_532 = vector.shape_cast %get3A_531 : vector<1x16xf32> to vector<16xf32>
        %mul3A_533 = arith.mulf %get3A_532, %broadcast_in_dim3A_464 : vector<16xf32>
        %swap3A_534 = arith.index_cast %add3A_468 : i32 to index
        %swap3A_535 = arith.constant 96 : index
        %swap3A_536 = tpu.vector_load %arg11[%swap3A_534, %swap3A_535] {strides = array<i32>} : memref<128x128xf32, #tpu.memory_space<vmem>>, vector<1x16xf32>,
        %swap3A_537 = vector.shape_cast %swap3A_536 : vector<1x16xf32> to vector<16xf32>
        %swap3A_538 = vector.shape_cast %mul3A_533 : vector<16xf32> to vector<1x16xf32>
        tpu.vector_store %arg11[%swap3A_534, %swap3A_535], %swap3A_538 {strides = array<i32>} : memref<128x128xf32, #tpu.memory_space<vmem>>, vector<1x16xf32>,
        %get3A_539 = arith.index_cast %add3A_468 : i32 to index
        %get3A_540 = arith.constant 112 : index
        %get3A_541 = tpu.vector_load %arg11[%get3A_539, %get3A_540] {strides = array<i32>} : memref<128x128xf32, #tpu.memory_space<vmem>>, vector<1x16xf32>,
        %get3A_542 = vector.shape_cast %get3A_541 : vector<1x16xf32> to vector<16xf32>
        %mul3A_543 = arith.mulf %get3A_542, %broadcast_in_dim3A_464 : vector<16xf32>
        %swap3A_544 = arith.index_cast %add3A_468 : i32 to index
        %swap3A_545 = arith.constant 112 : index
        %swap3A_546 = tpu.vector_load %arg11[%swap3A_544, %swap3A_545] {strides = array<i32>} : memref<128x128xf32, #tpu.memory_space<vmem>>, vector<1x16xf32>,
        %swap3A_547 = vector.shape_cast %swap3A_546 : vector<1x16xf32> to vector<16xf32>
        %swap3A_548 = vector.shape_cast %mul3A_543 : vector<16xf32> to vector<1x16xf32>
        tpu.vector_store %arg11[%swap3A_544, %swap3A_545], %swap3A_548 {strides = array<i32>} : memref<128x128xf32, #tpu.memory_space<vmem>>, vector<1x16xf32>,
        %slice3A_549 = vector.extract_strided_slice %get3A_203 {offsets = [4], sizes = [1], strides = [1]} : vector<16xf32> to vector<1xf32>
        %squeeze3A_550 = vector.extract %slice3A_549[0] : f32 from vector<1xf32>
        %broadcast_in_dim3A_551 = vector.broadcast %squeeze3A_550 : f32 to vector<16xf32>
        %mul3A_552 = arith.constant 16 : i32
        %mul3A_553 = arith.muli %scan3A_198, %mul3A_552 : i32
        %add3A_554 = arith.constant 4 : i32
        %add3A_555 = arith.addi %mul3A_553, %add3A_554 : i32
        %get3A_556 = arith.index_cast %add3A_555 : i32 to index
        %get3A_557 = arith.constant 0 : index
        %get3A_558 = tpu.vector_load %arg11[%get3A_556, %get3A_557] {strides = array<i32>} : memref<128x128xf32, #tpu.memory_space<vmem>>, vector<1x16xf32>,
        %get3A_559 = vector.shape_cast %get3A_558 : vector<1x16xf32> to vector<16xf32>
        %mul3A_560 = arith.mulf %get3A_559, %broadcast_in_dim3A_551 : vector<16xf32>
        %swap3A_561 = arith.index_cast %add3A_555 : i32 to index
        %swap3A_562 = arith.constant 0 : index
        %swap3A_563 = tpu.vector_load %arg11[%swap3A_561, %swap3A_562] {strides = array<i32>} : memref<128x128xf32, #tpu.memory_space<vmem>>, vector<1x16xf32>,
        %swap3A_564 = vector.shape_cast %swap3A_563 : vector<1x16xf32> to vector<16xf32>
        %swap3A_565 = vector.shape_cast %mul3A_560 : vector<16xf32> to vector<1x16xf32>
        tpu.vector_store %arg11[%swap3A_561, %swap3A_562], %swap3A_565 {strides = array<i32>} : memref<128x128xf32, #tpu.memory_space<vmem>>, vector<1x16xf32>,
        %get3A_566 = arith.index_cast %add3A_555 : i32 to index
        %get3A_567 = arith.constant 16 : index
        %get3A_568 = tpu.vector_load %arg11[%get3A_566, %get3A_567] {strides = array<i32>} : memref<128x128xf32, #tpu.memory_space<vmem>>, vector<1x16xf32>,
        %get3A_569 = vector.shape_cast %get3A_568 : vector<1x16xf32> to vector<16xf32>
        %mul3A_570 = arith.mulf %get3A_569, %broadcast_in_dim3A_551 : vector<16xf32>
        %swap3A_571 = arith.index_cast %add3A_555 : i32 to index
        %swap3A_572 = arith.constant 16 : index
        %swap3A_573 = tpu.vector_load %arg11[%swap3A_571, %swap3A_572] {strides = array<i32>} : memref<128x128xf32, #tpu.memory_space<vmem>>, vector<1x16xf32>,
        %swap3A_574 = vector.shape_cast %swap3A_573 : vector<1x16xf32> to vector<16xf32>
        %swap3A_575 = vector.shape_cast %mul3A_570 : vector<16xf32> to vector<1x16xf32>
        tpu.vector_store %arg11[%swap3A_571, %swap3A_572], %swap3A_575 {strides = array<i32>} : memref<128x128xf32, #tpu.memory_space<vmem>>, vector<1x16xf32>,
        %get3A_576 = arith.index_cast %add3A_555 : i32 to index
        %get3A_577 = arith.constant 32 : index
        %get3A_578 = tpu.vector_load %arg11[%get3A_576, %get3A_577] {strides = array<i32>} : memref<128x128xf32, #tpu.memory_space<vmem>>, vector<1x16xf32>,
        %get3A_579 = vector.shape_cast %get3A_578 : vector<1x16xf32> to vector<16xf32>
        %mul3A_580 = arith.mulf %get3A_579, %broadcast_in_dim3A_551 : vector<16xf32>
        %swap3A_581 = arith.index_cast %add3A_555 : i32 to index
        %swap3A_582 = arith.constant 32 : index
        %swap3A_583 = tpu.vector_load %arg11[%swap3A_581, %swap3A_582] {strides = array<i32>} : memref<128x128xf32, #tpu.memory_space<vmem>>, vector<1x16xf32>,
        %swap3A_584 = vector.shape_cast %swap3A_583 : vector<1x16xf32> to vector<16xf32>
        %swap3A_585 = vector.shape_cast %mul3A_580 : vector<16xf32> to vector<1x16xf32>
        tpu.vector_store %arg11[%swap3A_581, %swap3A_582], %swap3A_585 {strides = array<i32>} : memref<128x128xf32, #tpu.memory_space<vmem>>, vector<1x16xf32>,
        %get3A_586 = arith.index_cast %add3A_555 : i32 to index
        %get3A_587 = arith.constant 48 : index
        %get3A_588 = tpu.vector_load %arg11[%get3A_586, %get3A_587] {strides = array<i32>} : memref<128x128xf32, #tpu.memory_space<vmem>>, vector<1x16xf32>,
        %get3A_589 = vector.shape_cast %get3A_588 : vector<1x16xf32> to vector<16xf32>
        %mul3A_590 = arith.mulf %get3A_589, %broadcast_in_dim3A_551 : vector<16xf32>
        %swap3A_591 = arith.index_cast %add3A_555 : i32 to index
        %swap3A_592 = arith.constant 48 : index
        %swap3A_593 = tpu.vector_load %arg11[%swap3A_591, %swap3A_592] {strides = array<i32>} : memref<128x128xf32, #tpu.memory_space<vmem>>, vector<1x16xf32>,
        %swap3A_594 = vector.shape_cast %swap3A_593 : vector<1x16xf32> to vector<16xf32>
        %swap3A_595 = vector.shape_cast %mul3A_590 : vector<16xf32> to vector<1x16xf32>
        tpu.vector_store %arg11[%swap3A_591, %swap3A_592], %swap3A_595 {strides = array<i32>} : memref<128x128xf32, #tpu.memory_space<vmem>>, vector<1x16xf32>,
        %get3A_596 = arith.index_cast %add3A_555 : i32 to index
        %get3A_597 = arith.constant 64 : index
        %get3A_598 = tpu.vector_load %arg11[%get3A_596, %get3A_597] {strides = array<i32>} : memref<128x128xf32, #tpu.memory_space<vmem>>, vector<1x16xf32>,
        %get3A_599 = vector.shape_cast %get3A_598 : vector<1x16xf32> to vector<16xf32>
        %mul3A_600 = arith.mulf %get3A_599, %broadcast_in_dim3A_551 : vector<16xf32>
        %swap3A_601 = arith.index_cast %add3A_555 : i32 to index
        %swap3A_602 = arith.constant 64 : index
        %swap3A_603 = tpu.vector_load %arg11[%swap3A_601, %swap3A_602] {strides = array<i32>} : memref<128x128xf32, #tpu.memory_space<vmem>>, vector<1x16xf32>,
        %swap3A_604 = vector.shape_cast %swap3A_603 : vector<1x16xf32> to vector<16xf32>
        %swap3A_605 = vector.shape_cast %mul3A_600 : vector<16xf32> to vector<1x16xf32>
        tpu.vector_store %arg11[%swap3A_601, %swap3A_602], %swap3A_605 {strides = array<i32>} : memref<128x128xf32, #tpu.memory_space<vmem>>, vector<1x16xf32>,
        %get3A_606 = arith.index_cast %add3A_555 : i32 to index
        %get3A_607 = arith.constant 80 : index
        %get3A_608 = tpu.vector_load %arg11[%get3A_606, %get3A_607] {strides = array<i32>} : memref<128x128xf32, #tpu.memory_space<vmem>>, vector<1x16xf32>,
        %get3A_609 = vector.shape_cast %get3A_608 : vector<1x16xf32> to vector<16xf32>
        %mul3A_610 = arith.mulf %get3A_609, %broadcast_in_dim3A_551 : vector<16xf32>
        %swap3A_611 = arith.index_cast %add3A_555 : i32 to index
        %swap3A_612 = arith.constant 80 : index
        %swap3A_613 = tpu.vector_load %arg11[%swap3A_611, %swap3A_612] {strides = array<i32>} : memref<128x128xf32, #tpu.memory_space<vmem>>, vector<1x16xf32>,
        %swap3A_614 = vector.shape_cast %swap3A_613 : vector<1x16xf32> to vector<16xf32>
        %swap3A_615 = vector.shape_cast %mul3A_610 : vector<16xf32> to vector<1x16xf32>
        tpu.vector_store %arg11[%swap3A_611, %swap3A_612], %swap3A_615 {strides = array<i32>} : memref<128x128xf32, #tpu.memory_space<vmem>>, vector<1x16xf32>,
        %get3A_616 = arith.index_cast %add3A_555 : i32 to index
        %get3A_617 = arith.constant 96 : index
        %get3A_618 = tpu.vector_load %arg11[%get3A_616, %get3A_617] {strides = array<i32>} : memref<128x128xf32, #tpu.memory_space<vmem>>, vector<1x16xf32>,
        %get3A_619 = vector.shape_cast %get3A_618 : vector<1x16xf32> to vector<16xf32>
        %mul3A_620 = arith.mulf %get3A_619, %broadcast_in_dim3A_551 : vector<16xf32>
        %swap3A_621 = arith.index_cast %add3A_555 : i32 to index
        %swap3A_622 = arith.constant 96 : index
        %swap3A_623 = tpu.vector_load %arg11[%swap3A_621, %swap3A_622] {strides = array<i32>} : memref<128x128xf32, #tpu.memory_space<vmem>>, vector<1x16xf32>,
        %swap3A_624 = vector.shape_cast %swap3A_623 : vector<1x16xf32> to vector<16xf32>
        %swap3A_625 = vector.shape_cast %mul3A_620 : vector<16xf32> to vector<1x16xf32>
        tpu.vector_store %arg11[%swap3A_621, %swap3A_622], %swap3A_625 {strides = array<i32>} : memref<128x128xf32, #tpu.memory_space<vmem>>, vector<1x16xf32>,
        %get3A_626 = arith.index_cast %add3A_555 : i32 to index
        %get3A_627 = arith.constant 112 : index
        %get3A_628 = tpu.vector_load %arg11[%get3A_626, %get3A_627] {strides = array<i32>} : memref<128x128xf32, #tpu.memory_space<vmem>>, vector<1x16xf32>,
        %get3A_629 = vector.shape_cast %get3A_628 : vector<1x16xf32> to vector<16xf32>
        %mul3A_630 = arith.mulf %get3A_629, %broadcast_in_dim3A_551 : vector<16xf32>
        %swap3A_631 = arith.index_cast %add3A_555 : i32 to index
        %swap3A_632 = arith.constant 112 : index
        %swap3A_633 = tpu.vector_load %arg11[%swap3A_631, %swap3A_632] {strides = array<i32>} : memref<128x128xf32, #tpu.memory_space<vmem>>, vector<1x16xf32>,
        %swap3A_634 = vector.shape_cast %swap3A_633 : vector<1x16xf32> to vector<16xf32>
        %swap3A_635 = vector.shape_cast %mul3A_630 : vector<16xf32> to vector<1x16xf32>
        tpu.vector_store %arg11[%swap3A_631, %swap3A_632], %swap3A_635 {strides = array<i32>} : memref<128x128xf32, #tpu.memory_space<vmem>>, vector<1x16xf32>,
        %slice3A_636 = vector.extract_strided_slice %get3A_203 {offsets = [5], sizes = [1], strides = [1]} : vector<16xf32> to vector<1xf32>
        %squeeze3A_637 = vector.extract %slice3A_636[0] : f32 from vector<1xf32>
        %broadcast_in_dim3A_638 = vector.broadcast %squeeze3A_637 : f32 to vector<16xf32>
        %mul3A_639 = arith.constant 16 : i32
        %mul3A_640 = arith.muli %scan3A_198, %mul3A_639 : i32
        %add3A_641 = arith.constant 5 : i32
        %add3A_642 = arith.addi %mul3A_640, %add3A_641 : i32
        %get3A_643 = arith.index_cast %add3A_642 : i32 to index
        %get3A_644 = arith.constant 0 : index
        %get3A_645 = tpu.vector_load %arg11[%get3A_643, %get3A_644] {strides = array<i32>} : memref<128x128xf32, #tpu.memory_space<vmem>>, vector<1x16xf32>,
        %get3A_646 = vector.shape_cast %get3A_645 : vector<1x16xf32> to vector<16xf32>
        %mul3A_647 = arith.mulf %get3A_646, %broadcast_in_dim3A_638 : vector<16xf32>
        %swap3A_648 = arith.index_cast %add3A_642 : i32 to index
        %swap3A_649 = arith.constant 0 : index
        %swap3A_650 = tpu.vector_load %arg11[%swap3A_648, %swap3A_649] {strides = array<i32>} : memref<128x128xf32, #tpu.memory_space<vmem>>, vector<1x16xf32>,
        %swap3A_651 = vector.shape_cast %swap3A_650 : vector<1x16xf32> to vector<16xf32>
        %swap3A_652 = vector.shape_cast %mul3A_647 : vector<16xf32> to vector<1x16xf32>
        tpu.vector_store %arg11[%swap3A_648, %swap3A_649], %swap3A_652 {strides = array<i32>} : memref<128x128xf32, #tpu.memory_space<vmem>>, vector<1x16xf32>,
        %get3A_653 = arith.index_cast %add3A_642 : i32 to index
        %get3A_654 = arith.constant 16 : index
        %get3A_655 = tpu.vector_load %arg11[%get3A_653, %get3A_654] {strides = array<i32>} : memref<128x128xf32, #tpu.memory_space<vmem>>, vector<1x16xf32>,
        %get3A_656 = vector.shape_cast %get3A_655 : vector<1x16xf32> to vector<16xf32>
        %mul3A_657 = arith.mulf %get3A_656, %broadcast_in_dim3A_638 : vector<16xf32>
        %swap3A_658 = arith.index_cast %add3A_642 : i32 to index
        %swap3A_659 = arith.constant 16 : index
        %swap3A_660 = tpu.vector_load %arg11[%swap3A_658, %swap3A_659] {strides = array<i32>} : memref<128x128xf32, #tpu.memory_space<vmem>>, vector<1x16xf32>,
        %swap3A_661 = vector.shape_cast %swap3A_660 : vector<1x16xf32> to vector<16xf32>
        %swap3A_662 = vector.shape_cast %mul3A_657 : vector<16xf32> to vector<1x16xf32>
        tpu.vector_store %arg11[%swap3A_658, %swap3A_659], %swap3A_662 {strides = array<i32>} : memref<128x128xf32, #tpu.memory_space<vmem>>, vector<1x16xf32>,
        %get3A_663 = arith.index_cast %add3A_642 : i32 to index
        %get3A_664 = arith.constant 32 : index
        %get3A_665 = tpu.vector_load %arg11[%get3A_663, %get3A_664] {strides = array<i32>} : memref<128x128xf32, #tpu.memory_space<vmem>>, vector<1x16xf32>,
        %get3A_666 = vector.shape_cast %get3A_665 : vector<1x16xf32> to vector<16xf32>
        %mul3A_667 = arith.mulf %get3A_666, %broadcast_in_dim3A_638 : vector<16xf32>
        %swap3A_668 = arith.index_cast %add3A_642 : i32 to index
        %swap3A_669 = arith.constant 32 : index
        %swap3A_670 = tpu.vector_load %arg11[%swap3A_668, %swap3A_669] {strides = array<i32>} : memref<128x128xf32, #tpu.memory_space<vmem>>, vector<1x16xf32>,
        %swap3A_671 = vector.shape_cast %swap3A_670 : vector<1x16xf32> to vector<16xf32>
        %swap3A_672 = vector.shape_cast %mul3A_667 : vector<16xf32> to vector<1x16xf32>
        tpu.vector_store %arg11[%swap3A_668, %swap3A_669], %swap3A_672 {strides = array<i32>} : memref<128x128xf32, #tpu.memory_space<vmem>>, vector<1x16xf32>,
        %get3A_673 = arith.index_cast %add3A_642 : i32 to index
        %get3A_674 = arith.constant 48 : index
        %get3A_675 = tpu.vector_load %arg11[%get3A_673, %get3A_674] {strides = array<i32>} : memref<128x128xf32, #tpu.memory_space<vmem>>, vector<1x16xf32>,
        %get3A_676 = vector.shape_cast %get3A_675 : vector<1x16xf32> to vector<16xf32>
        %mul3A_677 = arith.mulf %get3A_676, %broadcast_in_dim3A_638 : vector<16xf32>
        %swap3A_678 = arith.index_cast %add3A_642 : i32 to index
        %swap3A_679 = arith.constant 48 : index
        %swap3A_680 = tpu.vector_load %arg11[%swap3A_678, %swap3A_679] {strides = array<i32>} : memref<128x128xf32, #tpu.memory_space<vmem>>, vector<1x16xf32>,
        %swap3A_681 = vector.shape_cast %swap3A_680 : vector<1x16xf32> to vector<16xf32>
        %swap3A_682 = vector.shape_cast %mul3A_677 : vector<16xf32> to vector<1x16xf32>
        tpu.vector_store %arg11[%swap3A_678, %swap3A_679], %swap3A_682 {strides = array<i32>} : memref<128x128xf32, #tpu.memory_space<vmem>>, vector<1x16xf32>,
        %get3A_683 = arith.index_cast %add3A_642 : i32 to index
        %get3A_684 = arith.constant 64 : index
        %get3A_685 = tpu.vector_load %arg11[%get3A_683, %get3A_684] {strides = array<i32>} : memref<128x128xf32, #tpu.memory_space<vmem>>, vector<1x16xf32>,
        %get3A_686 = vector.shape_cast %get3A_685 : vector<1x16xf32> to vector<16xf32>
        %mul3A_687 = arith.mulf %get3A_686, %broadcast_in_dim3A_638 : vector<16xf32>
        %swap3A_688 = arith.index_cast %add3A_642 : i32 to index
        %swap3A_689 = arith.constant 64 : index
        %swap3A_690 = tpu.vector_load %arg11[%swap3A_688, %swap3A_689] {strides = array<i32>} : memref<128x128xf32, #tpu.memory_space<vmem>>, vector<1x16xf32>,
        %swap3A_691 = vector.shape_cast %swap3A_690 : vector<1x16xf32> to vector<16xf32>
        %swap3A_692 = vector.shape_cast %mul3A_687 : vector<16xf32> to vector<1x16xf32>
        tpu.vector_store %arg11[%swap3A_688, %swap3A_689], %swap3A_692 {strides = array<i32>} : memref<128x128xf32, #tpu.memory_space<vmem>>, vector<1x16xf32>,
        %get3A_693 = arith.index_cast %add3A_642 : i32 to index
        %get3A_694 = arith.constant 80 : index
        %get3A_695 = tpu.vector_load %arg11[%get3A_693, %get3A_694] {strides = array<i32>} : memref<128x128xf32, #tpu.memory_space<vmem>>, vector<1x16xf32>,
        %get3A_696 = vector.shape_cast %get3A_695 : vector<1x16xf32> to vector<16xf32>
        %mul3A_697 = arith.mulf %get3A_696, %broadcast_in_dim3A_638 : vector<16xf32>
        %swap3A_698 = arith.index_cast %add3A_642 : i32 to index
        %swap3A_699 = arith.constant 80 : index
        %swap3A_700 = tpu.vector_load %arg11[%swap3A_698, %swap3A_699] {strides = array<i32>} : memref<128x128xf32, #tpu.memory_space<vmem>>, vector<1x16xf32>,
        %swap3A_701 = vector.shape_cast %swap3A_700 : vector<1x16xf32> to vector<16xf32>
        %swap3A_702 = vector.shape_cast %mul3A_697 : vector<16xf32> to vector<1x16xf32>
        tpu.vector_store %arg11[%swap3A_698, %swap3A_699], %swap3A_702 {strides = array<i32>} : memref<128x128xf32, #tpu.memory_space<vmem>>, vector<1x16xf32>,
        %get3A_703 = arith.index_cast %add3A_642 : i32 to index
        %get3A_704 = arith.constant 96 : index
        %get3A_705 = tpu.vector_load %arg11[%get3A_703, %get3A_704] {strides = array<i32>} : memref<128x128xf32, #tpu.memory_space<vmem>>, vector<1x16xf32>,
        %get3A_706 = vector.shape_cast %get3A_705 : vector<1x16xf32> to vector<16xf32>
        %mul3A_707 = arith.mulf %get3A_706, %broadcast_in_dim3A_638 : vector<16xf32>
        %swap3A_708 = arith.index_cast %add3A_642 : i32 to index
        %swap3A_709 = arith.constant 96 : index
        %swap3A_710 = tpu.vector_load %arg11[%swap3A_708, %swap3A_709] {strides = array<i32>} : memref<128x128xf32, #tpu.memory_space<vmem>>, vector<1x16xf32>,
        %swap3A_711 = vector.shape_cast %swap3A_710 : vector<1x16xf32> to vector<16xf32>
        %swap3A_712 = vector.shape_cast %mul3A_707 : vector<16xf32> to vector<1x16xf32>
        tpu.vector_store %arg11[%swap3A_708, %swap3A_709], %swap3A_712 {strides = array<i32>} : memref<128x128xf32, #tpu.memory_space<vmem>>, vector<1x16xf32>,
        %get3A_713 = arith.index_cast %add3A_642 : i32 to index
        %get3A_714 = arith.constant 112 : index
        %get3A_715 = tpu.vector_load %arg11[%get3A_713, %get3A_714] {strides = array<i32>} : memref<128x128xf32, #tpu.memory_space<vmem>>, vector<1x16xf32>,
        %get3A_716 = vector.shape_cast %get3A_715 : vector<1x16xf32> to vector<16xf32>
        %mul3A_717 = arith.mulf %get3A_716, %broadcast_in_dim3A_638 : vector<16xf32>
        %swap3A_718 = arith.index_cast %add3A_642 : i32 to index
        %swap3A_719 = arith.constant 112 : index
        %swap3A_720 = tpu.vector_load %arg11[%swap3A_718, %swap3A_719] {strides = array<i32>} : memref<128x128xf32, #tpu.memory_space<vmem>>, vector<1x16xf32>,
        %swap3A_721 = vector.shape_cast %swap3A_720 : vector<1x16xf32> to vector<16xf32>
        %swap3A_722 = vector.shape_cast %mul3A_717 : vector<16xf32> to vector<1x16xf32>
        tpu.vector_store %arg11[%swap3A_718, %swap3A_719], %swap3A_722 {strides = array<i32>} : memref<128x128xf32, #tpu.memory_space<vmem>>, vector<1x16xf32>,
        %slice3A_723 = vector.extract_strided_slice %get3A_203 {offsets = [6], sizes = [1], strides = [1]} : vector<16xf32> to vector<1xf32>
        %squeeze3A_724 = vector.extract %slice3A_723[0] : f32 from vector<1xf32>
        %broadcast_in_dim3A_725 = vector.broadcast %squeeze3A_724 : f32 to vector<16xf32>
        %mul3A_726 = arith.constant 16 : i32
        %mul3A_727 = arith.muli %scan3A_198, %mul3A_726 : i32
        %add3A_728 = arith.constant 6 : i32
        %add3A_729 = arith.addi %mul3A_727, %add3A_728 : i32
        %get3A_730 = arith.index_cast %add3A_729 : i32 to index
        %get3A_731 = arith.constant 0 : index
        %get3A_732 = tpu.vector_load %arg11[%get3A_730, %get3A_731] {strides = array<i32>} : memref<128x128xf32, #tpu.memory_space<vmem>>, vector<1x16xf32>,
        %get3A_733 = vector.shape_cast %get3A_732 : vector<1x16xf32> to vector<16xf32>
        %mul3A_734 = arith.mulf %get3A_733, %broadcast_in_dim3A_725 : vector<16xf32>
        %swap3A_735 = arith.index_cast %add3A_729 : i32 to index
        %swap3A_736 = arith.constant 0 : index
        %swap3A_737 = tpu.vector_load %arg11[%swap3A_735, %swap3A_736] {strides = array<i32>} : memref<128x128xf32, #tpu.memory_space<vmem>>, vector<1x16xf32>,
        %swap3A_738 = vector.shape_cast %swap3A_737 : vector<1x16xf32> to vector<16xf32>
        %swap3A_739 = vector.shape_cast %mul3A_734 : vector<16xf32> to vector<1x16xf32>
        tpu.vector_store %arg11[%swap3A_735, %swap3A_736], %swap3A_739 {strides = array<i32>} : memref<128x128xf32, #tpu.memory_space<vmem>>, vector<1x16xf32>,
        %get3A_740 = arith.index_cast %add3A_729 : i32 to index
        %get3A_741 = arith.constant 16 : index
        %get3A_742 = tpu.vector_load %arg11[%get3A_740, %get3A_741] {strides = array<i32>} : memref<128x128xf32, #tpu.memory_space<vmem>>, vector<1x16xf32>,
        %get3A_743 = vector.shape_cast %get3A_742 : vector<1x16xf32> to vector<16xf32>
        %mul3A_744 = arith.mulf %get3A_743, %broadcast_in_dim3A_725 : vector<16xf32>
        %swap3A_745 = arith.index_cast %add3A_729 : i32 to index
        %swap3A_746 = arith.constant 16 : index
        %swap3A_747 = tpu.vector_load %arg11[%swap3A_745, %swap3A_746] {strides = array<i32>} : memref<128x128xf32, #tpu.memory_space<vmem>>, vector<1x16xf32>,
        %swap3A_748 = vector.shape_cast %swap3A_747 : vector<1x16xf32> to vector<16xf32>
        %swap3A_749 = vector.shape_cast %mul3A_744 : vector<16xf32> to vector<1x16xf32>
        tpu.vector_store %arg11[%swap3A_745, %swap3A_746], %swap3A_749 {strides = array<i32>} : memref<128x128xf32, #tpu.memory_space<vmem>>, vector<1x16xf32>,
        %get3A_750 = arith.index_cast %add3A_729 : i32 to index
        %get3A_751 = arith.constant 32 : index
        %get3A_752 = tpu.vector_load %arg11[%get3A_750, %get3A_751] {strides = array<i32>} : memref<128x128xf32, #tpu.memory_space<vmem>>, vector<1x16xf32>,
        %get3A_753 = vector.shape_cast %get3A_752 : vector<1x16xf32> to vector<16xf32>
        %mul3A_754 = arith.mulf %get3A_753, %broadcast_in_dim3A_725 : vector<16xf32>
        %swap3A_755 = arith.index_cast %add3A_729 : i32 to index
        %swap3A_756 = arith.constant 32 : index
        %swap3A_757 = tpu.vector_load %arg11[%swap3A_755, %swap3A_756] {strides = array<i32>} : memref<128x128xf32, #tpu.memory_space<vmem>>, vector<1x16xf32>,
        %swap3A_758 = vector.shape_cast %swap3A_757 : vector<1x16xf32> to vector<16xf32>
        %swap3A_759 = vector.shape_cast %mul3A_754 : vector<16xf32> to vector<1x16xf32>
        tpu.vector_store %arg11[%swap3A_755, %swap3A_756], %swap3A_759 {strides = array<i32>} : memref<128x128xf32, #tpu.memory_space<vmem>>, vector<1x16xf32>,
        %get3A_760 = arith.index_cast %add3A_729 : i32 to index
        %get3A_761 = arith.constant 48 : index
        %get3A_762 = tpu.vector_load %arg11[%get3A_760, %get3A_761] {strides = array<i32>} : memref<128x128xf32, #tpu.memory_space<vmem>>, vector<1x16xf32>,
        %get3A_763 = vector.shape_cast %get3A_762 : vector<1x16xf32> to vector<16xf32>
        %mul3A_764 = arith.mulf %get3A_763, %broadcast_in_dim3A_725 : vector<16xf32>
        %swap3A_765 = arith.index_cast %add3A_729 : i32 to index
        %swap3A_766 = arith.constant 48 : index
        %swap3A_767 = tpu.vector_load %arg11[%swap3A_765, %swap3A_766] {strides = array<i32>} : memref<128x128xf32, #tpu.memory_space<vmem>>, vector<1x16xf32>,
        %swap3A_768 = vector.shape_cast %swap3A_767 : vector<1x16xf32> to vector<16xf32>
        %swap3A_769 = vector.shape_cast %mul3A_764 : vector<16xf32> to vector<1x16xf32>
        tpu.vector_store %arg11[%swap3A_765, %swap3A_766], %swap3A_769 {strides = array<i32>} : memref<128x128xf32, #tpu.memory_space<vmem>>, vector<1x16xf32>,
        %get3A_770 = arith.index_cast %add3A_729 : i32 to index
        %get3A_771 = arith.constant 64 : index
        %get3A_772 = tpu.vector_load %arg11[%get3A_770, %get3A_771] {strides = array<i32>} : memref<128x128xf32, #tpu.memory_space<vmem>>, vector<1x16xf32>,
        %get3A_773 = vector.shape_cast %get3A_772 : vector<1x16xf32> to vector<16xf32>
        %mul3A_774 = arith.mulf %get3A_773, %broadcast_in_dim3A_725 : vector<16xf32>
        %swap3A_775 = arith.index_cast %add3A_729 : i32 to index
        %swap3A_776 = arith.constant 64 : index
        %swap3A_777 = tpu.vector_load %arg11[%swap3A_775, %swap3A_776] {strides = array<i32>} : memref<128x128xf32, #tpu.memory_space<vmem>>, vector<1x16xf32>,
        %swap3A_778 = vector.shape_cast %swap3A_777 : vector<1x16xf32> to vector<16xf32>
        %swap3A_779 = vector.shape_cast %mul3A_774 : vector<16xf32> to vector<1x16xf32>
        tpu.vector_store %arg11[%swap3A_775, %swap3A_776], %swap3A_779 {strides = array<i32>} : memref<128x128xf32, #tpu.memory_space<vmem>>, vector<1x16xf32>,
        %get3A_780 = arith.index_cast %add3A_729 : i32 to index
        %get3A_781 = arith.constant 80 : index
        %get3A_782 = tpu.vector_load %arg11[%get3A_780, %get3A_781] {strides = array<i32>} : memref<128x128xf32, #tpu.memory_space<vmem>>, vector<1x16xf32>,
        %get3A_783 = vector.shape_cast %get3A_782 : vector<1x16xf32> to vector<16xf32>
        %mul3A_784 = arith.mulf %get3A_783, %broadcast_in_dim3A_725 : vector<16xf32>
        %swap3A_785 = arith.index_cast %add3A_729 : i32 to index
        %swap3A_786 = arith.constant 80 : index
        %swap3A_787 = tpu.vector_load %arg11[%swap3A_785, %swap3A_786] {strides = array<i32>} : memref<128x128xf32, #tpu.memory_space<vmem>>, vector<1x16xf32>,
        %swap3A_788 = vector.shape_cast %swap3A_787 : vector<1x16xf32> to vector<16xf32>
        %swap3A_789 = vector.shape_cast %mul3A_784 : vector<16xf32> to vector<1x16xf32>
        tpu.vector_store %arg11[%swap3A_785, %swap3A_786], %swap3A_789 {strides = array<i32>} : memref<128x128xf32, #tpu.memory_space<vmem>>, vector<1x16xf32>,
        %get3A_790 = arith.index_cast %add3A_729 : i32 to index
        %get3A_791 = arith.constant 96 : index
        %get3A_792 = tpu.vector_load %arg11[%get3A_790, %get3A_791] {strides = array<i32>} : memref<128x128xf32, #tpu.memory_space<vmem>>, vector<1x16xf32>,
        %get3A_793 = vector.shape_cast %get3A_792 : vector<1x16xf32> to vector<16xf32>
        %mul3A_794 = arith.mulf %get3A_793, %broadcast_in_dim3A_725 : vector<16xf32>
        %swap3A_795 = arith.index_cast %add3A_729 : i32 to index
        %swap3A_796 = arith.constant 96 : index
        %swap3A_797 = tpu.vector_load %arg11[%swap3A_795, %swap3A_796] {strides = array<i32>} : memref<128x128xf32, #tpu.memory_space<vmem>>, vector<1x16xf32>,
        %swap3A_798 = vector.shape_cast %swap3A_797 : vector<1x16xf32> to vector<16xf32>
        %swap3A_799 = vector.shape_cast %mul3A_794 : vector<16xf32> to vector<1x16xf32>
        tpu.vector_store %arg11[%swap3A_795, %swap3A_796], %swap3A_799 {strides = array<i32>} : memref<128x128xf32, #tpu.memory_space<vmem>>, vector<1x16xf32>,
        %get3A_800 = arith.index_cast %add3A_729 : i32 to index
        %get3A_801 = arith.constant 112 : index
        %get3A_802 = tpu.vector_load %arg11[%get3A_800, %get3A_801] {strides = array<i32>} : memref<128x128xf32, #tpu.memory_space<vmem>>, vector<1x16xf32>,
        %get3A_803 = vector.shape_cast %get3A_802 : vector<1x16xf32> to vector<16xf32>
        %mul3A_804 = arith.mulf %get3A_803, %broadcast_in_dim3A_725 : vector<16xf32>
        %swap3A_805 = arith.index_cast %add3A_729 : i32 to index
        %swap3A_806 = arith.constant 112 : index
        %swap3A_807 = tpu.vector_load %arg11[%swap3A_805, %swap3A_806] {strides = array<i32>} : memref<128x128xf32, #tpu.memory_space<vmem>>, vector<1x16xf32>,
        %swap3A_808 = vector.shape_cast %swap3A_807 : vector<1x16xf32> to vector<16xf32>
        %swap3A_809 = vector.shape_cast %mul3A_804 : vector<16xf32> to vector<1x16xf32>
        tpu.vector_store %arg11[%swap3A_805, %swap3A_806], %swap3A_809 {strides = array<i32>} : memref<128x128xf32, #tpu.memory_space<vmem>>, vector<1x16xf32>,
        %slice3A_810 = vector.extract_strided_slice %get3A_203 {offsets = [7], sizes = [1], strides = [1]} : vector<16xf32> to vector<1xf32>
        %squeeze3A_811 = vector.extract %slice3A_810[0] : f32 from vector<1xf32>
        %broadcast_in_dim3A_812 = vector.broadcast %squeeze3A_811 : f32 to vector<16xf32>
        %mul3A_813 = arith.constant 16 : i32
        %mul3A_814 = arith.muli %scan3A_198, %mul3A_813 : i32
        %add3A_815 = arith.constant 7 : i32
        %add3A_816 = arith.addi %mul3A_814, %add3A_815 : i32
        %get3A_817 = arith.index_cast %add3A_816 : i32 to index
        %get3A_818 = arith.constant 0 : index
        %get3A_819 = tpu.vector_load %arg11[%get3A_817, %get3A_818] {strides = array<i32>} : memref<128x128xf32, #tpu.memory_space<vmem>>, vector<1x16xf32>,
        %get3A_820 = vector.shape_cast %get3A_819 : vector<1x16xf32> to vector<16xf32>
        %mul3A_821 = arith.mulf %get3A_820, %broadcast_in_dim3A_812 : vector<16xf32>
        %swap3A_822 = arith.index_cast %add3A_816 : i32 to index
        %swap3A_823 = arith.constant 0 : index
        %swap3A_824 = tpu.vector_load %arg11[%swap3A_822, %swap3A_823] {strides = array<i32>} : memref<128x128xf32, #tpu.memory_space<vmem>>, vector<1x16xf32>,
        %swap3A_825 = vector.shape_cast %swap3A_824 : vector<1x16xf32> to vector<16xf32>
        %swap3A_826 = vector.shape_cast %mul3A_821 : vector<16xf32> to vector<1x16xf32>
        tpu.vector_store %arg11[%swap3A_822, %swap3A_823], %swap3A_826 {strides = array<i32>} : memref<128x128xf32, #tpu.memory_space<vmem>>, vector<1x16xf32>,
        %get3A_827 = arith.index_cast %add3A_816 : i32 to index
        %get3A_828 = arith.constant 16 : index
        %get3A_829 = tpu.vector_load %arg11[%get3A_827, %get3A_828] {strides = array<i32>} : memref<128x128xf32, #tpu.memory_space<vmem>>, vector<1x16xf32>,
        %get3A_830 = vector.shape_cast %get3A_829 : vector<1x16xf32> to vector<16xf32>
        %mul3A_831 = arith.mulf %get3A_830, %broadcast_in_dim3A_812 : vector<16xf32>
        %swap3A_832 = arith.index_cast %add3A_816 : i32 to index
        %swap3A_833 = arith.constant 16 : index
        %swap3A_834 = tpu.vector_load %arg11[%swap3A_832, %swap3A_833] {strides = array<i32>} : memref<128x128xf32, #tpu.memory_space<vmem>>, vector<1x16xf32>,
        %swap3A_835 = vector.shape_cast %swap3A_834 : vector<1x16xf32> to vector<16xf32>
        %swap3A_836 = vector.shape_cast %mul3A_831 : vector<16xf32> to vector<1x16xf32>
        tpu.vector_store %arg11[%swap3A_832, %swap3A_833], %swap3A_836 {strides = array<i32>} : memref<128x128xf32, #tpu.memory_space<vmem>>, vector<1x16xf32>,
        %get3A_837 = arith.index_cast %add3A_816 : i32 to index
        %get3A_838 = arith.constant 32 : index
        %get3A_839 = tpu.vector_load %arg11[%get3A_837, %get3A_838] {strides = array<i32>} : memref<128x128xf32, #tpu.memory_space<vmem>>, vector<1x16xf32>,
        %get3A_840 = vector.shape_cast %get3A_839 : vector<1x16xf32> to vector<16xf32>
        %mul3A_841 = arith.mulf %get3A_840, %broadcast_in_dim3A_812 : vector<16xf32>
        %swap3A_842 = arith.index_cast %add3A_816 : i32 to index
        %swap3A_843 = arith.constant 32 : index
        %swap3A_844 = tpu.vector_load %arg11[%swap3A_842, %swap3A_843] {strides = array<i32>} : memref<128x128xf32, #tpu.memory_space<vmem>>, vector<1x16xf32>,
        %swap3A_845 = vector.shape_cast %swap3A_844 : vector<1x16xf32> to vector<16xf32>
        %swap3A_846 = vector.shape_cast %mul3A_841 : vector<16xf32> to vector<1x16xf32>
        tpu.vector_store %arg11[%swap3A_842, %swap3A_843], %swap3A_846 {strides = array<i32>} : memref<128x128xf32, #tpu.memory_space<vmem>>, vector<1x16xf32>,
        %get3A_847 = arith.index_cast %add3A_816 : i32 to index
        %get3A_848 = arith.constant 48 : index
        %get3A_849 = tpu.vector_load %arg11[%get3A_847, %get3A_848] {strides = array<i32>} : memref<128x128xf32, #tpu.memory_space<vmem>>, vector<1x16xf32>,
        %get3A_850 = vector.shape_cast %get3A_849 : vector<1x16xf32> to vector<16xf32>
        %mul3A_851 = arith.mulf %get3A_850, %broadcast_in_dim3A_812 : vector<16xf32>
        %swap3A_852 = arith.index_cast %add3A_816 : i32 to index
        %swap3A_853 = arith.constant 48 : index
        %swap3A_854 = tpu.vector_load %arg11[%swap3A_852, %swap3A_853] {strides = array<i32>} : memref<128x128xf32, #tpu.memory_space<vmem>>, vector<1x16xf32>,
        %swap3A_855 = vector.shape_cast %swap3A_854 : vector<1x16xf32> to vector<16xf32>
        %swap3A_856 = vector.shape_cast %mul3A_851 : vector<16xf32> to vector<1x16xf32>
        tpu.vector_store %arg11[%swap3A_852, %swap3A_853], %swap3A_856 {strides = array<i32>} : memref<128x128xf32, #tpu.memory_space<vmem>>, vector<1x16xf32>,
        %get3A_857 = arith.index_cast %add3A_816 : i32 to index
        %get3A_858 = arith.constant 64 : index
        %get3A_859 = tpu.vector_load %arg11[%get3A_857, %get3A_858] {strides = array<i32>} : memref<128x128xf32, #tpu.memory_space<vmem>>, vector<1x16xf32>,
        %get3A_860 = vector.shape_cast %get3A_859 : vector<1x16xf32> to vector<16xf32>
        %mul3A_861 = arith.mulf %get3A_860, %broadcast_in_dim3A_812 : vector<16xf32>
        %swap3A_862 = arith.index_cast %add3A_816 : i32 to index
        %swap3A_863 = arith.constant 64 : index
        %swap3A_864 = tpu.vector_load %arg11[%swap3A_862, %swap3A_863] {strides = array<i32>} : memref<128x128xf32, #tpu.memory_space<vmem>>, vector<1x16xf32>,
        %swap3A_865 = vector.shape_cast %swap3A_864 : vector<1x16xf32> to vector<16xf32>
        %swap3A_866 = vector.shape_cast %mul3A_861 : vector<16xf32> to vector<1x16xf32>
        tpu.vector_store %arg11[%swap3A_862, %swap3A_863], %swap3A_866 {strides = array<i32>} : memref<128x128xf32, #tpu.memory_space<vmem>>, vector<1x16xf32>,
        %get3A_867 = arith.index_cast %add3A_816 : i32 to index
        %get3A_868 = arith.constant 80 : index
        %get3A_869 = tpu.vector_load %arg11[%get3A_867, %get3A_868] {strides = array<i32>} : memref<128x128xf32, #tpu.memory_space<vmem>>, vector<1x16xf32>,
        %get3A_870 = vector.shape_cast %get3A_869 : vector<1x16xf32> to vector<16xf32>
        %mul3A_871 = arith.mulf %get3A_870, %broadcast_in_dim3A_812 : vector<16xf32>
        %swap3A_872 = arith.index_cast %add3A_816 : i32 to index
        %swap3A_873 = arith.constant 80 : index
        %swap3A_874 = tpu.vector_load %arg11[%swap3A_872, %swap3A_873] {strides = array<i32>} : memref<128x128xf32, #tpu.memory_space<vmem>>, vector<1x16xf32>,
        %swap3A_875 = vector.shape_cast %swap3A_874 : vector<1x16xf32> to vector<16xf32>
        %swap3A_876 = vector.shape_cast %mul3A_871 : vector<16xf32> to vector<1x16xf32>
        tpu.vector_store %arg11[%swap3A_872, %swap3A_873], %swap3A_876 {strides = array<i32>} : memref<128x128xf32, #tpu.memory_space<vmem>>, vector<1x16xf32>,
        %get3A_877 = arith.index_cast %add3A_816 : i32 to index
        %get3A_878 = arith.constant 96 : index
        %get3A_879 = tpu.vector_load %arg11[%get3A_877, %get3A_878] {strides = array<i32>} : memref<128x128xf32, #tpu.memory_space<vmem>>, vector<1x16xf32>,
        %get3A_880 = vector.shape_cast %get3A_879 : vector<1x16xf32> to vector<16xf32>
        %mul3A_881 = arith.mulf %get3A_880, %broadcast_in_dim3A_812 : vector<16xf32>
        %swap3A_882 = arith.index_cast %add3A_816 : i32 to index
        %swap3A_883 = arith.constant 96 : index
        %swap3A_884 = tpu.vector_load %arg11[%swap3A_882, %swap3A_883] {strides = array<i32>} : memref<128x128xf32, #tpu.memory_space<vmem>>, vector<1x16xf32>,
        %swap3A_885 = vector.shape_cast %swap3A_884 : vector<1x16xf32> to vector<16xf32>
        %swap3A_886 = vector.shape_cast %mul3A_881 : vector<16xf32> to vector<1x16xf32>
        tpu.vector_store %arg11[%swap3A_882, %swap3A_883], %swap3A_886 {strides = array<i32>} : memref<128x128xf32, #tpu.memory_space<vmem>>, vector<1x16xf32>,
        %get3A_887 = arith.index_cast %add3A_816 : i32 to index
        %get3A_888 = arith.constant 112 : index
        %get3A_889 = tpu.vector_load %arg11[%get3A_887, %get3A_888] {strides = array<i32>} : memref<128x128xf32, #tpu.memory_space<vmem>>, vector<1x16xf32>,
        %get3A_890 = vector.shape_cast %get3A_889 : vector<1x16xf32> to vector<16xf32>
        %mul3A_891 = arith.mulf %get3A_890, %broadcast_in_dim3A_812 : vector<16xf32>
        %swap3A_892 = arith.index_cast %add3A_816 : i32 to index
        %swap3A_893 = arith.constant 112 : index
        %swap3A_894 = tpu.vector_load %arg11[%swap3A_892, %swap3A_893] {strides = array<i32>} : memref<128x128xf32, #tpu.memory_space<vmem>>, vector<1x16xf32>,
        %swap3A_895 = vector.shape_cast %swap3A_894 : vector<1x16xf32> to vector<16xf32>
        %swap3A_896 = vector.shape_cast %mul3A_891 : vector<16xf32> to vector<1x16xf32>
        tpu.vector_store %arg11[%swap3A_892, %swap3A_893], %swap3A_896 {strides = array<i32>} : memref<128x128xf32, #tpu.memory_space<vmem>>, vector<1x16xf32>,
        %slice3A_897 = vector.extract_strided_slice %get3A_203 {offsets = [8], sizes = [1], strides = [1]} : vector<16xf32> to vector<1xf32>
        %squeeze3A_898 = vector.extract %slice3A_897[0] : f32 from vector<1xf32>
        %broadcast_in_dim3A_899 = vector.broadcast %squeeze3A_898 : f32 to vector<16xf32>
        %mul3A_900 = arith.constant 16 : i32
        %mul3A_901 = arith.muli %scan3A_198, %mul3A_900 : i32
        %add3A_902 = arith.constant 8 : i32
        %add3A_903 = arith.addi %mul3A_901, %add3A_902 : i32
        %get3A_904 = arith.index_cast %add3A_903 : i32 to index
        %get3A_905 = arith.constant 0 : index
        %get3A_906 = tpu.vector_load %arg11[%get3A_904, %get3A_905] {strides = array<i32>} : memref<128x128xf32, #tpu.memory_space<vmem>>, vector<1x16xf32>,
        %get3A_907 = vector.shape_cast %get3A_906 : vector<1x16xf32> to vector<16xf32>
        %mul3A_908 = arith.mulf %get3A_907, %broadcast_in_dim3A_899 : vector<16xf32>
        %swap3A_909 = arith.index_cast %add3A_903 : i32 to index
        %swap3A_910 = arith.constant 0 : index
        %swap3A_911 = tpu.vector_load %arg11[%swap3A_909, %swap3A_910] {strides = array<i32>} : memref<128x128xf32, #tpu.memory_space<vmem>>, vector<1x16xf32>,
        %swap3A_912 = vector.shape_cast %swap3A_911 : vector<1x16xf32> to vector<16xf32>
        %swap3A_913 = vector.shape_cast %mul3A_908 : vector<16xf32> to vector<1x16xf32>
        tpu.vector_store %arg11[%swap3A_909, %swap3A_910], %swap3A_913 {strides = array<i32>} : memref<128x128xf32, #tpu.memory_space<vmem>>, vector<1x16xf32>,
        %get3A_914 = arith.index_cast %add3A_903 : i32 to index
        %get3A_915 = arith.constant 16 : index
        %get3A_916 = tpu.vector_load %arg11[%get3A_914, %get3A_915] {strides = array<i32>} : memref<128x128xf32, #tpu.memory_space<vmem>>, vector<1x16xf32>,
        %get3A_917 = vector.shape_cast %get3A_916 : vector<1x16xf32> to vector<16xf32>
        %mul3A_918 = arith.mulf %get3A_917, %broadcast_in_dim3A_899 : vector<16xf32>
        %swap3A_919 = arith.index_cast %add3A_903 : i32 to index
        %swap3A_920 = arith.constant 16 : index
        %swap3A_921 = tpu.vector_load %arg11[%swap3A_919, %swap3A_920] {strides = array<i32>} : memref<128x128xf32, #tpu.memory_space<vmem>>, vector<1x16xf32>,
        %swap3A_922 = vector.shape_cast %swap3A_921 : vector<1x16xf32> to vector<16xf32>
        %swap3A_923 = vector.shape_cast %mul3A_918 : vector<16xf32> to vector<1x16xf32>
        tpu.vector_store %arg11[%swap3A_919, %swap3A_920], %swap3A_923 {strides = array<i32>} : memref<128x128xf32, #tpu.memory_space<vmem>>, vector<1x16xf32>,
        %get3A_924 = arith.index_cast %add3A_903 : i32 to index
        %get3A_925 = arith.constant 32 : index
        %get3A_926 = tpu.vector_load %arg11[%get3A_924, %get3A_925] {strides = array<i32>} : memref<128x128xf32, #tpu.memory_space<vmem>>, vector<1x16xf32>,
        %get3A_927 = vector.shape_cast %get3A_926 : vector<1x16xf32> to vector<16xf32>
        %mul3A_928 = arith.mulf %get3A_927, %broadcast_in_dim3A_899 : vector<16xf32>
        %swap3A_929 = arith.index_cast %add3A_903 : i32 to index
        %swap3A_930 = arith.constant 32 : index
        %swap3A_931 = tpu.vector_load %arg11[%swap3A_929, %swap3A_930] {strides = array<i32>} : memref<128x128xf32, #tpu.memory_space<vmem>>, vector<1x16xf32>,
        %swap3A_932 = vector.shape_cast %swap3A_931 : vector<1x16xf32> to vector<16xf32>
        %swap3A_933 = vector.shape_cast %mul3A_928 : vector<16xf32> to vector<1x16xf32>
        tpu.vector_store %arg11[%swap3A_929, %swap3A_930], %swap3A_933 {strides = array<i32>} : memref<128x128xf32, #tpu.memory_space<vmem>>, vector<1x16xf32>,
        %get3A_934 = arith.index_cast %add3A_903 : i32 to index
        %get3A_935 = arith.constant 48 : index
        %get3A_936 = tpu.vector_load %arg11[%get3A_934, %get3A_935] {strides = array<i32>} : memref<128x128xf32, #tpu.memory_space<vmem>>, vector<1x16xf32>,
        %get3A_937 = vector.shape_cast %get3A_936 : vector<1x16xf32> to vector<16xf32>
        %mul3A_938 = arith.mulf %get3A_937, %broadcast_in_dim3A_899 : vector<16xf32>
        %swap3A_939 = arith.index_cast %add3A_903 : i32 to index
        %swap3A_940 = arith.constant 48 : index
        %swap3A_941 = tpu.vector_load %arg11[%swap3A_939, %swap3A_940] {strides = array<i32>} : memref<128x128xf32, #tpu.memory_space<vmem>>, vector<1x16xf32>,
        %swap3A_942 = vector.shape_cast %swap3A_941 : vector<1x16xf32> to vector<16xf32>
        %swap3A_943 = vector.shape_cast %mul3A_938 : vector<16xf32> to vector<1x16xf32>
        tpu.vector_store %arg11[%swap3A_939, %swap3A_940], %swap3A_943 {strides = array<i32>} : memref<128x128xf32, #tpu.memory_space<vmem>>, vector<1x16xf32>,
        %get3A_944 = arith.index_cast %add3A_903 : i32 to index
        %get3A_945 = arith.constant 64 : index
        %get3A_946 = tpu.vector_load %arg11[%get3A_944, %get3A_945] {strides = array<i32>} : memref<128x128xf32, #tpu.memory_space<vmem>>, vector<1x16xf32>,
        %get3A_947 = vector.shape_cast %get3A_946 : vector<1x16xf32> to vector<16xf32>
        %mul3A_948 = arith.mulf %get3A_947, %broadcast_in_dim3A_899 : vector<16xf32>
        %swap3A_949 = arith.index_cast %add3A_903 : i32 to index
        %swap3A_950 = arith.constant 64 : index
        %swap3A_951 = tpu.vector_load %arg11[%swap3A_949, %swap3A_950] {strides = array<i32>} : memref<128x128xf32, #tpu.memory_space<vmem>>, vector<1x16xf32>,
        %swap3A_952 = vector.shape_cast %swap3A_951 : vector<1x16xf32> to vector<16xf32>
        %swap3A_953 = vector.shape_cast %mul3A_948 : vector<16xf32> to vector<1x16xf32>
        tpu.vector_store %arg11[%swap3A_949, %swap3A_950], %swap3A_953 {strides = array<i32>} : memref<128x128xf32, #tpu.memory_space<vmem>>, vector<1x16xf32>,
        %get3A_954 = arith.index_cast %add3A_903 : i32 to index
        %get3A_955 = arith.constant 80 : index
        %get3A_956 = tpu.vector_load %arg11[%get3A_954, %get3A_955] {strides = array<i32>} : memref<128x128xf32, #tpu.memory_space<vmem>>, vector<1x16xf32>,
        %get3A_957 = vector.shape_cast %get3A_956 : vector<1x16xf32> to vector<16xf32>
        %mul3A_958 = arith.mulf %get3A_957, %broadcast_in_dim3A_899 : vector<16xf32>
        %swap3A_959 = arith.index_cast %add3A_903 : i32 to index
        %swap3A_960 = arith.constant 80 : index
        %swap3A_961 = tpu.vector_load %arg11[%swap3A_959, %swap3A_960] {strides = array<i32>} : memref<128x128xf32, #tpu.memory_space<vmem>>, vector<1x16xf32>,
        %swap3A_962 = vector.shape_cast %swap3A_961 : vector<1x16xf32> to vector<16xf32>
        %swap3A_963 = vector.shape_cast %mul3A_958 : vector<16xf32> to vector<1x16xf32>
        tpu.vector_store %arg11[%swap3A_959, %swap3A_960], %swap3A_963 {strides = array<i32>} : memref<128x128xf32, #tpu.memory_space<vmem>>, vector<1x16xf32>,
        %get3A_964 = arith.index_cast %add3A_903 : i32 to index
        %get3A_965 = arith.constant 96 : index
        %get3A_966 = tpu.vector_load %arg11[%get3A_964, %get3A_965] {strides = array<i32>} : memref<128x128xf32, #tpu.memory_space<vmem>>, vector<1x16xf32>,
        %get3A_967 = vector.shape_cast %get3A_966 : vector<1x16xf32> to vector<16xf32>
        %mul3A_968 = arith.mulf %get3A_967, %broadcast_in_dim3A_899 : vector<16xf32>
        %swap3A_969 = arith.index_cast %add3A_903 : i32 to index
        %swap3A_970 = arith.constant 96 : index
        %swap3A_971 = tpu.vector_load %arg11[%swap3A_969, %swap3A_970] {strides = array<i32>} : memref<128x128xf32, #tpu.memory_space<vmem>>, vector<1x16xf32>,
        %swap3A_972 = vector.shape_cast %swap3A_971 : vector<1x16xf32> to vector<16xf32>
        %swap3A_973 = vector.shape_cast %mul3A_968 : vector<16xf32> to vector<1x16xf32>
        tpu.vector_store %arg11[%swap3A_969, %swap3A_970], %swap3A_973 {strides = array<i32>} : memref<128x128xf32, #tpu.memory_space<vmem>>, vector<1x16xf32>,
        %get3A_974 = arith.index_cast %add3A_903 : i32 to index
        %get3A_975 = arith.constant 112 : index
        %get3A_976 = tpu.vector_load %arg11[%get3A_974, %get3A_975] {strides = array<i32>} : memref<128x128xf32, #tpu.memory_space<vmem>>, vector<1x16xf32>,
        %get3A_977 = vector.shape_cast %get3A_976 : vector<1x16xf32> to vector<16xf32>
        %mul3A_978 = arith.mulf %get3A_977, %broadcast_in_dim3A_899 : vector<16xf32>
        %swap3A_979 = arith.index_cast %add3A_903 : i32 to index
        %swap3A_980 = arith.constant 112 : index
        %swap3A_981 = tpu.vector_load %arg11[%swap3A_979, %swap3A_980] {strides = array<i32>} : memref<128x128xf32, #tpu.memory_space<vmem>>, vector<1x16xf32>,
        %swap3A_982 = vector.shape_cast %swap3A_981 : vector<1x16xf32> to vector<16xf32>
        %swap3A_983 = vector.shape_cast %mul3A_978 : vector<16xf32> to vector<1x16xf32>
        tpu.vector_store %arg11[%swap3A_979, %swap3A_980], %swap3A_983 {strides = array<i32>} : memref<128x128xf32, #tpu.memory_space<vmem>>, vector<1x16xf32>,
        %slice3A_984 = vector.extract_strided_slice %get3A_203 {offsets = [9], sizes = [1], strides = [1]} : vector<16xf32> to vector<1xf32>
        %squeeze3A_985 = vector.extract %slice3A_984[0] : f32 from vector<1xf32>
        %broadcast_in_dim3A_986 = vector.broadcast %squeeze3A_985 : f32 to vector<16xf32>
        %mul3A_987 = arith.constant 16 : i32
        %mul3A_988 = arith.muli %scan3A_198, %mul3A_987 : i32
        %add3A_989 = arith.constant 9 : i32
        %add3A_990 = arith.addi %mul3A_988, %add3A_989 : i32
        %get3A_991 = arith.index_cast %add3A_990 : i32 to index
        %get3A_992 = arith.constant 0 : index
        %get3A_993 = tpu.vector_load %arg11[%get3A_991, %get3A_992] {strides = array<i32>} : memref<128x128xf32, #tpu.memory_space<vmem>>, vector<1x16xf32>,
        %get3A_994 = vector.shape_cast %get3A_993 : vector<1x16xf32> to vector<16xf32>
        %mul3A_995 = arith.mulf %get3A_994, %broadcast_in_dim3A_986 : vector<16xf32>
        %swap3A_996 = arith.index_cast %add3A_990 : i32 to index
        %swap3A_997 = arith.constant 0 : index
        %swap3A_998 = tpu.vector_load %arg11[%swap3A_996, %swap3A_997] {strides = array<i32>} : memref<128x128xf32, #tpu.memory_space<vmem>>, vector<1x16xf32>,
        %swap3A_999 = vector.shape_cast %swap3A_998 : vector<1x16xf32> to vector<16xf32>
        %swap3A_1000 = vector.shape_cast %mul3A_995 : vector<16xf32> to vector<1x16xf32>
        tpu.vector_store %arg11[%swap3A_996, %swap3A_997], %swap3A_1000 {strides = array<i32>} : memref<128x128xf32, #tpu.memory_space<vmem>>, vector<1x16xf32>,
        %get3A_1001 = arith.index_cast %add3A_990 : i32 to index
        %get3A_1002 = arith.constant 16 : index
        %get3A_1003 = tpu.vector_load %arg11[%get3A_1001, %get3A_1002] {strides = array<i32>} : memref<128x128xf32, #tpu.memory_space<vmem>>, vector<1x16xf32>,
        %get3A_1004 = vector.shape_cast %get3A_1003 : vector<1x16xf32> to vector<16xf32>
        %mul3A_1005 = arith.mulf %get3A_1004, %broadcast_in_dim3A_986 : vector<16xf32>
        %swap3A_1006 = arith.index_cast %add3A_990 : i32 to index
        %swap3A_1007 = arith.constant 16 : index
        %swap3A_1008 = tpu.vector_load %arg11[%swap3A_1006, %swap3A_1007] {strides = array<i32>} : memref<128x128xf32, #tpu.memory_space<vmem>>, vector<1x16xf32>,
        %swap3A_1009 = vector.shape_cast %swap3A_1008 : vector<1x16xf32> to vector<16xf32>
        %swap3A_1010 = vector.shape_cast %mul3A_1005 : vector<16xf32> to vector<1x16xf32>
        tpu.vector_store %arg11[%swap3A_1006, %swap3A_1007], %swap3A_1010 {strides = array<i32>} : memref<128x128xf32, #tpu.memory_space<vmem>>, vector<1x16xf32>,
        %get3A_1011 = arith.index_cast %add3A_990 : i32 to index
        %get3A_1012 = arith.constant 32 : index
        %get3A_1013 = tpu.vector_load %arg11[%get3A_1011, %get3A_1012] {strides = array<i32>} : memref<128x128xf32, #tpu.memory_space<vmem>>, vector<1x16xf32>,
        %get3A_1014 = vector.shape_cast %get3A_1013 : vector<1x16xf32> to vector<16xf32>
        %mul3A_1015 = arith.mulf %get3A_1014, %broadcast_in_dim3A_986 : vector<16xf32>
        %swap3A_1016 = arith.index_cast %add3A_990 : i32 to index
        %swap3A_1017 = arith.constant 32 : index
        %swap3A_1018 = tpu.vector_load %arg11[%swap3A_1016, %swap3A_1017] {strides = array<i32>} : memref<128x128xf32, #tpu.memory_space<vmem>>, vector<1x16xf32>,
        %swap3A_1019 = vector.shape_cast %swap3A_1018 : vector<1x16xf32> to vector<16xf32>
        %swap3A_1020 = vector.shape_cast %mul3A_1015 : vector<16xf32> to vector<1x16xf32>
        tpu.vector_store %arg11[%swap3A_1016, %swap3A_1017], %swap3A_1020 {strides = array<i32>} : memref<128x128xf32, #tpu.memory_space<vmem>>, vector<1x16xf32>,
        %get3A_1021 = arith.index_cast %add3A_990 : i32 to index
        %get3A_1022 = arith.constant 48 : index
        %get3A_1023 = tpu.vector_load %arg11[%get3A_1021, %get3A_1022] {strides = array<i32>} : memref<128x128xf32, #tpu.memory_space<vmem>>, vector<1x16xf32>,
        %get3A_1024 = vector.shape_cast %get3A_1023 : vector<1x16xf32> to vector<16xf32>
        %mul3A_1025 = arith.mulf %get3A_1024, %broadcast_in_dim3A_986 : vector<16xf32>
        %swap3A_1026 = arith.index_cast %add3A_990 : i32 to index
        %swap3A_1027 = arith.constant 48 : index
        %swap3A_1028 = tpu.vector_load %arg11[%swap3A_1026, %swap3A_1027] {strides = array<i32>} : memref<128x128xf32, #tpu.memory_space<vmem>>, vector<1x16xf32>,
        %swap3A_1029 = vector.shape_cast %swap3A_1028 : vector<1x16xf32> to vector<16xf32>
        %swap3A_1030 = vector.shape_cast %mul3A_1025 : vector<16xf32> to vector<1x16xf32>
        tpu.vector_store %arg11[%swap3A_1026, %swap3A_1027], %swap3A_1030 {strides = array<i32>} : memref<128x128xf32, #tpu.memory_space<vmem>>, vector<1x16xf32>,
        %get3A_1031 = arith.index_cast %add3A_990 : i32 to index
        %get3A_1032 = arith.constant 64 : index
        %get3A_1033 = tpu.vector_load %arg11[%get3A_1031, %get3A_1032] {strides = array<i32>} : memref<128x128xf32, #tpu.memory_space<vmem>>, vector<1x16xf32>,
        %get3A_1034 = vector.shape_cast %get3A_1033 : vector<1x16xf32> to vector<16xf32>
        %mul3A_1035 = arith.mulf %get3A_1034, %broadcast_in_dim3A_986 : vector<16xf32>
        %swap3A_1036 = arith.index_cast %add3A_990 : i32 to index
        %swap3A_1037 = arith.constant 64 : index
        %swap3A_1038 = tpu.vector_load %arg11[%swap3A_1036, %swap3A_1037] {strides = array<i32>} : memref<128x128xf32, #tpu.memory_space<vmem>>, vector<1x16xf32>,
        %swap3A_1039 = vector.shape_cast %swap3A_1038 : vector<1x16xf32> to vector<16xf32>
        %swap3A_1040 = vector.shape_cast %mul3A_1035 : vector<16xf32> to vector<1x16xf32>
        tpu.vector_store %arg11[%swap3A_1036, %swap3A_1037], %swap3A_1040 {strides = array<i32>} : memref<128x128xf32, #tpu.memory_space<vmem>>, vector<1x16xf32>,
        %get3A_1041 = arith.index_cast %add3A_990 : i32 to index
        %get3A_1042 = arith.constant 80 : index
        %get3A_1043 = tpu.vector_load %arg11[%get3A_1041, %get3A_1042] {strides = array<i32>} : memref<128x128xf32, #tpu.memory_space<vmem>>, vector<1x16xf32>,
        %get3A_1044 = vector.shape_cast %get3A_1043 : vector<1x16xf32> to vector<16xf32>
        %mul3A_1045 = arith.mulf %get3A_1044, %broadcast_in_dim3A_986 : vector<16xf32>
        %swap3A_1046 = arith.index_cast %add3A_990 : i32 to index
        %swap3A_1047 = arith.constant 80 : index
        %swap3A_1048 = tpu.vector_load %arg11[%swap3A_1046, %swap3A_1047] {strides = array<i32>} : memref<128x128xf32, #tpu.memory_space<vmem>>, vector<1x16xf32>,
        %swap3A_1049 = vector.shape_cast %swap3A_1048 : vector<1x16xf32> to vector<16xf32>
        %swap3A_1050 = vector.shape_cast %mul3A_1045 : vector<16xf32> to vector<1x16xf32>
        tpu.vector_store %arg11[%swap3A_1046, %swap3A_1047], %swap3A_1050 {strides = array<i32>} : memref<128x128xf32, #tpu.memory_space<vmem>>, vector<1x16xf32>,
        %get3A_1051 = arith.index_cast %add3A_990 : i32 to index
        %get3A_1052 = arith.constant 96 : index
        %get3A_1053 = tpu.vector_load %arg11[%get3A_1051, %get3A_1052] {strides = array<i32>} : memref<128x128xf32, #tpu.memory_space<vmem>>, vector<1x16xf32>,
        %get3A_1054 = vector.shape_cast %get3A_1053 : vector<1x16xf32> to vector<16xf32>
        %mul3A_1055 = arith.mulf %get3A_1054, %broadcast_in_dim3A_986 : vector<16xf32>
        %swap3A_1056 = arith.index_cast %add3A_990 : i32 to index
        %swap3A_1057 = arith.constant 96 : index
        %swap3A_1058 = tpu.vector_load %arg11[%swap3A_1056, %swap3A_1057] {strides = array<i32>} : memref<128x128xf32, #tpu.memory_space<vmem>>, vector<1x16xf32>,
        %swap3A_1059 = vector.shape_cast %swap3A_1058 : vector<1x16xf32> to vector<16xf32>
        %swap3A_1060 = vector.shape_cast %mul3A_1055 : vector<16xf32> to vector<1x16xf32>
        tpu.vector_store %arg11[%swap3A_1056, %swap3A_1057], %swap3A_1060 {strides = array<i32>} : memref<128x128xf32, #tpu.memory_space<vmem>>, vector<1x16xf32>,
        %get3A_1061 = arith.index_cast %add3A_990 : i32 to index
        %get3A_1062 = arith.constant 112 : index
        %get3A_1063 = tpu.vector_load %arg11[%get3A_1061, %get3A_1062] {strides = array<i32>} : memref<128x128xf32, #tpu.memory_space<vmem>>, vector<1x16xf32>,
        %get3A_1064 = vector.shape_cast %get3A_1063 : vector<1x16xf32> to vector<16xf32>
        %mul3A_1065 = arith.mulf %get3A_1064, %broadcast_in_dim3A_986 : vector<16xf32>
        %swap3A_1066 = arith.index_cast %add3A_990 : i32 to index
        %swap3A_1067 = arith.constant 112 : index
        %swap3A_1068 = tpu.vector_load %arg11[%swap3A_1066, %swap3A_1067] {strides = array<i32>} : memref<128x128xf32, #tpu.memory_space<vmem>>, vector<1x16xf32>,
        %swap3A_1069 = vector.shape_cast %swap3A_1068 : vector<1x16xf32> to vector<16xf32>
        %swap3A_1070 = vector.shape_cast %mul3A_1065 : vector<16xf32> to vector<1x16xf32>
        tpu.vector_store %arg11[%swap3A_1066, %swap3A_1067], %swap3A_1070 {strides = array<i32>} : memref<128x128xf32, #tpu.memory_space<vmem>>, vector<1x16xf32>,
        %slice3A_1071 = vector.extract_strided_slice %get3A_203 {offsets = [10], sizes = [1], strides = [1]} : vector<16xf32> to vector<1xf32>
        %squeeze3A_1072 = vector.extract %slice3A_1071[0] : f32 from vector<1xf32>
        %broadcast_in_dim3A_1073 = vector.broadcast %squeeze3A_1072 : f32 to vector<16xf32>
        %mul3A_1074 = arith.constant 16 : i32
        %mul3A_1075 = arith.muli %scan3A_198, %mul3A_1074 : i32
        %add3A_1076 = arith.constant 10 : i32
        %add3A_1077 = arith.addi %mul3A_1075, %add3A_1076 : i32
        %get3A_1078 = arith.index_cast %add3A_1077 : i32 to index
        %get3A_1079 = arith.constant 0 : index
        %get3A_1080 = tpu.vector_load %arg11[%get3A_1078, %get3A_1079] {strides = array<i32>} : memref<128x128xf32, #tpu.memory_space<vmem>>, vector<1x16xf32>,
        %get3A_1081 = vector.shape_cast %get3A_1080 : vector<1x16xf32> to vector<16xf32>
        %mul3A_1082 = arith.mulf %get3A_1081, %broadcast_in_dim3A_1073 : vector<16xf32>
        %swap3A_1083 = arith.index_cast %add3A_1077 : i32 to index
        %swap3A_1084 = arith.constant 0 : index
        %swap3A_1085 = tpu.vector_load %arg11[%swap3A_1083, %swap3A_1084] {strides = array<i32>} : memref<128x128xf32, #tpu.memory_space<vmem>>, vector<1x16xf32>,
        %swap3A_1086 = vector.shape_cast %swap3A_1085 : vector<1x16xf32> to vector<16xf32>
        %swap3A_1087 = vector.shape_cast %mul3A_1082 : vector<16xf32> to vector<1x16xf32>
        tpu.vector_store %arg11[%swap3A_1083, %swap3A_1084], %swap3A_1087 {strides = array<i32>} : memref<128x128xf32, #tpu.memory_space<vmem>>, vector<1x16xf32>,
        %get3A_1088 = arith.index_cast %add3A_1077 : i32 to index
        %get3A_1089 = arith.constant 16 : index
        %get3A_1090 = tpu.vector_load %arg11[%get3A_1088, %get3A_1089] {strides = array<i32>} : memref<128x128xf32, #tpu.memory_space<vmem>>, vector<1x16xf32>,
        %get3A_1091 = vector.shape_cast %get3A_1090 : vector<1x16xf32> to vector<16xf32>
        %mul3A_1092 = arith.mulf %get3A_1091, %broadcast_in_dim3A_1073 : vector<16xf32>
        %swap3A_1093 = arith.index_cast %add3A_1077 : i32 to index
        %swap3A_1094 = arith.constant 16 : index
        %swap3A_1095 = tpu.vector_load %arg11[%swap3A_1093, %swap3A_1094] {strides = array<i32>} : memref<128x128xf32, #tpu.memory_space<vmem>>, vector<1x16xf32>,
        %swap3A_1096 = vector.shape_cast %swap3A_1095 : vector<1x16xf32> to vector<16xf32>
        %swap3A_1097 = vector.shape_cast %mul3A_1092 : vector<16xf32> to vector<1x16xf32>
        tpu.vector_store %arg11[%swap3A_1093, %swap3A_1094], %swap3A_1097 {strides = array<i32>} : memref<128x128xf32, #tpu.memory_space<vmem>>, vector<1x16xf32>,
        %get3A_1098 = arith.index_cast %add3A_1077 : i32 to index
        %get3A_1099 = arith.constant 32 : index
        %get3A_1100 = tpu.vector_load %arg11[%get3A_1098, %get3A_1099] {strides = array<i32>} : memref<128x128xf32, #tpu.memory_space<vmem>>, vector<1x16xf32>,
        %get3A_1101 = vector.shape_cast %get3A_1100 : vector<1x16xf32> to vector<16xf32>
        %mul3A_1102 = arith.mulf %get3A_1101, %broadcast_in_dim3A_1073 : vector<16xf32>
        %swap3A_1103 = arith.index_cast %add3A_1077 : i32 to index
        %swap3A_1104 = arith.constant 32 : index
        %swap3A_1105 = tpu.vector_load %arg11[%swap3A_1103, %swap3A_1104] {strides = array<i32>} : memref<128x128xf32, #tpu.memory_space<vmem>>, vector<1x16xf32>,
        %swap3A_1106 = vector.shape_cast %swap3A_1105 : vector<1x16xf32> to vector<16xf32>
        %swap3A_1107 = vector.shape_cast %mul3A_1102 : vector<16xf32> to vector<1x16xf32>
        tpu.vector_store %arg11[%swap3A_1103, %swap3A_1104], %swap3A_1107 {strides = array<i32>} : memref<128x128xf32, #tpu.memory_space<vmem>>, vector<1x16xf32>,
        %get3A_1108 = arith.index_cast %add3A_1077 : i32 to index
        %get3A_1109 = arith.constant 48 : index
        %get3A_1110 = tpu.vector_load %arg11[%get3A_1108, %get3A_1109] {strides = array<i32>} : memref<128x128xf32, #tpu.memory_space<vmem>>, vector<1x16xf32>,
        %get3A_1111 = vector.shape_cast %get3A_1110 : vector<1x16xf32> to vector<16xf32>
        %mul3A_1112 = arith.mulf %get3A_1111, %broadcast_in_dim3A_1073 : vector<16xf32>
        %swap3A_1113 = arith.index_cast %add3A_1077 : i32 to index
        %swap3A_1114 = arith.constant 48 : index
        %swap3A_1115 = tpu.vector_load %arg11[%swap3A_1113, %swap3A_1114] {strides = array<i32>} : memref<128x128xf32, #tpu.memory_space<vmem>>, vector<1x16xf32>,
        %swap3A_1116 = vector.shape_cast %swap3A_1115 : vector<1x16xf32> to vector<16xf32>
        %swap3A_1117 = vector.shape_cast %mul3A_1112 : vector<16xf32> to vector<1x16xf32>
        tpu.vector_store %arg11[%swap3A_1113, %swap3A_1114], %swap3A_1117 {strides = array<i32>} : memref<128x128xf32, #tpu.memory_space<vmem>>, vector<1x16xf32>,
        %get3A_1118 = arith.index_cast %add3A_1077 : i32 to index
        %get3A_1119 = arith.constant 64 : index
        %get3A_1120 = tpu.vector_load %arg11[%get3A_1118, %get3A_1119] {strides = array<i32>} : memref<128x128xf32, #tpu.memory_space<vmem>>, vector<1x16xf32>,
        %get3A_1121 = vector.shape_cast %get3A_1120 : vector<1x16xf32> to vector<16xf32>
        %mul3A_1122 = arith.mulf %get3A_1121, %broadcast_in_dim3A_1073 : vector<16xf32>
        %swap3A_1123 = arith.index_cast %add3A_1077 : i32 to index
        %swap3A_1124 = arith.constant 64 : index
        %swap3A_1125 = tpu.vector_load %arg11[%swap3A_1123, %swap3A_1124] {strides = array<i32>} : memref<128x128xf32, #tpu.memory_space<vmem>>, vector<1x16xf32>,
        %swap3A_1126 = vector.shape_cast %swap3A_1125 : vector<1x16xf32> to vector<16xf32>
        %swap3A_1127 = vector.shape_cast %mul3A_1122 : vector<16xf32> to vector<1x16xf32>
        tpu.vector_store %arg11[%swap3A_1123, %swap3A_1124], %swap3A_1127 {strides = array<i32>} : memref<128x128xf32, #tpu.memory_space<vmem>>, vector<1x16xf32>,
        %get3A_1128 = arith.index_cast %add3A_1077 : i32 to index
        %get3A_1129 = arith.constant 80 : index
        %get3A_1130 = tpu.vector_load %arg11[%get3A_1128, %get3A_1129] {strides = array<i32>} : memref<128x128xf32, #tpu.memory_space<vmem>>, vector<1x16xf32>,
        %get3A_1131 = vector.shape_cast %get3A_1130 : vector<1x16xf32> to vector<16xf32>
        %mul3A_1132 = arith.mulf %get3A_1131, %broadcast_in_dim3A_1073 : vector<16xf32>
        %swap3A_1133 = arith.index_cast %add3A_1077 : i32 to index
        %swap3A_1134 = arith.constant 80 : index
        %swap3A_1135 = tpu.vector_load %arg11[%swap3A_1133, %swap3A_1134] {strides = array<i32>} : memref<128x128xf32, #tpu.memory_space<vmem>>, vector<1x16xf32>,
        %swap3A_1136 = vector.shape_cast %swap3A_1135 : vector<1x16xf32> to vector<16xf32>
        %swap3A_1137 = vector.shape_cast %mul3A_1132 : vector<16xf32> to vector<1x16xf32>
        tpu.vector_store %arg11[%swap3A_1133, %swap3A_1134], %swap3A_1137 {strides = array<i32>} : memref<128x128xf32, #tpu.memory_space<vmem>>, vector<1x16xf32>,
        %get3A_1138 = arith.index_cast %add3A_1077 : i32 to index
        %get3A_1139 = arith.constant 96 : index
        %get3A_1140 = tpu.vector_load %arg11[%get3A_1138, %get3A_1139] {strides = array<i32>} : memref<128x128xf32, #tpu.memory_space<vmem>>, vector<1x16xf32>,
        %get3A_1141 = vector.shape_cast %get3A_1140 : vector<1x16xf32> to vector<16xf32>
        %mul3A_1142 = arith.mulf %get3A_1141, %broadcast_in_dim3A_1073 : vector<16xf32>
        %swap3A_1143 = arith.index_cast %add3A_1077 : i32 to index
        %swap3A_1144 = arith.constant 96 : index
        %swap3A_1145 = tpu.vector_load %arg11[%swap3A_1143, %swap3A_1144] {strides = array<i32>} : memref<128x128xf32, #tpu.memory_space<vmem>>, vector<1x16xf32>,
        %swap3A_1146 = vector.shape_cast %swap3A_1145 : vector<1x16xf32> to vector<16xf32>
        %swap3A_1147 = vector.shape_cast %mul3A_1142 : vector<16xf32> to vector<1x16xf32>
        tpu.vector_store %arg11[%swap3A_1143, %swap3A_1144], %swap3A_1147 {strides = array<i32>} : memref<128x128xf32, #tpu.memory_space<vmem>>, vector<1x16xf32>,
        %get3A_1148 = arith.index_cast %add3A_1077 : i32 to index
        %get3A_1149 = arith.constant 112 : index
        %get3A_1150 = tpu.vector_load %arg11[%get3A_1148, %get3A_1149] {strides = array<i32>} : memref<128x128xf32, #tpu.memory_space<vmem>>, vector<1x16xf32>,
        %get3A_1151 = vector.shape_cast %get3A_1150 : vector<1x16xf32> to vector<16xf32>
        %mul3A_1152 = arith.mulf %get3A_1151, %broadcast_in_dim3A_1073 : vector<16xf32>
        %swap3A_1153 = arith.index_cast %add3A_1077 : i32 to index
        %swap3A_1154 = arith.constant 112 : index
        %swap3A_1155 = tpu.vector_load %arg11[%swap3A_1153, %swap3A_1154] {strides = array<i32>} : memref<128x128xf32, #tpu.memory_space<vmem>>, vector<1x16xf32>,
        %swap3A_1156 = vector.shape_cast %swap3A_1155 : vector<1x16xf32> to vector<16xf32>
        %swap3A_1157 = vector.shape_cast %mul3A_1152 : vector<16xf32> to vector<1x16xf32>
        tpu.vector_store %arg11[%swap3A_1153, %swap3A_1154], %swap3A_1157 {strides = array<i32>} : memref<128x128xf32, #tpu.memory_space<vmem>>, vector<1x16xf32>,
        %slice3A_1158 = vector.extract_strided_slice %get3A_203 {offsets = [11], sizes = [1], strides = [1]} : vector<16xf32> to vector<1xf32>
        %squeeze3A_1159 = vector.extract %slice3A_1158[0] : f32 from vector<1xf32>
        %broadcast_in_dim3A_1160 = vector.broadcast %squeeze3A_1159 : f32 to vector<16xf32>
        %mul3A_1161 = arith.constant 16 : i32
        %mul3A_1162 = arith.muli %scan3A_198, %mul3A_1161 : i32
        %add3A_1163 = arith.constant 11 : i32
        %add3A_1164 = arith.addi %mul3A_1162, %add3A_1163 : i32
        %get3A_1165 = arith.index_cast %add3A_1164 : i32 to index
        %get3A_1166 = arith.constant 0 : index
        %get3A_1167 = tpu.vector_load %arg11[%get3A_1165, %get3A_1166] {strides = array<i32>} : memref<128x128xf32, #tpu.memory_space<vmem>>, vector<1x16xf32>,
        %get3A_1168 = vector.shape_cast %get3A_1167 : vector<1x16xf32> to vector<16xf32>
        %mul3A_1169 = arith.mulf %get3A_1168, %broadcast_in_dim3A_1160 : vector<16xf32>
        %swap3A_1170 = arith.index_cast %add3A_1164 : i32 to index
        %swap3A_1171 = arith.constant 0 : index
        %swap3A_1172 = tpu.vector_load %arg11[%swap3A_1170, %swap3A_1171] {strides = array<i32>} : memref<128x128xf32, #tpu.memory_space<vmem>>, vector<1x16xf32>,
        %swap3A_1173 = vector.shape_cast %swap3A_1172 : vector<1x16xf32> to vector<16xf32>
        %swap3A_1174 = vector.shape_cast %mul3A_1169 : vector<16xf32> to vector<1x16xf32>
        tpu.vector_store %arg11[%swap3A_1170, %swap3A_1171], %swap3A_1174 {strides = array<i32>} : memref<128x128xf32, #tpu.memory_space<vmem>>, vector<1x16xf32>,
        %get3A_1175 = arith.index_cast %add3A_1164 : i32 to index
        %get3A_1176 = arith.constant 16 : index
        %get3A_1177 = tpu.vector_load %arg11[%get3A_1175, %get3A_1176] {strides = array<i32>} : memref<128x128xf32, #tpu.memory_space<vmem>>, vector<1x16xf32>,
        %get3A_1178 = vector.shape_cast %get3A_1177 : vector<1x16xf32> to vector<16xf32>
        %mul3A_1179 = arith.mulf %get3A_1178, %broadcast_in_dim3A_1160 : vector<16xf32>
        %swap3A_1180 = arith.index_cast %add3A_1164 : i32 to index
        %swap3A_1181 = arith.constant 16 : index
        %swap3A_1182 = tpu.vector_load %arg11[%swap3A_1180, %swap3A_1181] {strides = array<i32>} : memref<128x128xf32, #tpu.memory_space<vmem>>, vector<1x16xf32>,
        %swap3A_1183 = vector.shape_cast %swap3A_1182 : vector<1x16xf32> to vector<16xf32>
        %swap3A_1184 = vector.shape_cast %mul3A_1179 : vector<16xf32> to vector<1x16xf32>
        tpu.vector_store %arg11[%swap3A_1180, %swap3A_1181], %swap3A_1184 {strides = array<i32>} : memref<128x128xf32, #tpu.memory_space<vmem>>, vector<1x16xf32>,
        %get3A_1185 = arith.index_cast %add3A_1164 : i32 to index
        %get3A_1186 = arith.constant 32 : index
        %get3A_1187 = tpu.vector_load %arg11[%get3A_1185, %get3A_1186] {strides = array<i32>} : memref<128x128xf32, #tpu.memory_space<vmem>>, vector<1x16xf32>,
        %get3A_1188 = vector.shape_cast %get3A_1187 : vector<1x16xf32> to vector<16xf32>
        %mul3A_1189 = arith.mulf %get3A_1188, %broadcast_in_dim3A_1160 : vector<16xf32>
        %swap3A_1190 = arith.index_cast %add3A_1164 : i32 to index
        %swap3A_1191 = arith.constant 32 : index
        %swap3A_1192 = tpu.vector_load %arg11[%swap3A_1190, %swap3A_1191] {strides = array<i32>} : memref<128x128xf32, #tpu.memory_space<vmem>>, vector<1x16xf32>,
        %swap3A_1193 = vector.shape_cast %swap3A_1192 : vector<1x16xf32> to vector<16xf32>
        %swap3A_1194 = vector.shape_cast %mul3A_1189 : vector<16xf32> to vector<1x16xf32>
        tpu.vector_store %arg11[%swap3A_1190, %swap3A_1191], %swap3A_1194 {strides = array<i32>} : memref<128x128xf32, #tpu.memory_space<vmem>>, vector<1x16xf32>,
        %get3A_1195 = arith.index_cast %add3A_1164 : i32 to index
        %get3A_1196 = arith.constant 48 : index
        %get3A_1197 = tpu.vector_load %arg11[%get3A_1195, %get3A_1196] {strides = array<i32>} : memref<128x128xf32, #tpu.memory_space<vmem>>, vector<1x16xf32>,
        %get3A_1198 = vector.shape_cast %get3A_1197 : vector<1x16xf32> to vector<16xf32>
        %mul3A_1199 = arith.mulf %get3A_1198, %broadcast_in_dim3A_1160 : vector<16xf32>
        %swap3A_1200 = arith.index_cast %add3A_1164 : i32 to index
        %swap3A_1201 = arith.constant 48 : index
        %swap3A_1202 = tpu.vector_load %arg11[%swap3A_1200, %swap3A_1201] {strides = array<i32>} : memref<128x128xf32, #tpu.memory_space<vmem>>, vector<1x16xf32>,
        %swap3A_1203 = vector.shape_cast %swap3A_1202 : vector<1x16xf32> to vector<16xf32>
        %swap3A_1204 = vector.shape_cast %mul3A_1199 : vector<16xf32> to vector<1x16xf32>
        tpu.vector_store %arg11[%swap3A_1200, %swap3A_1201], %swap3A_1204 {strides = array<i32>} : memref<128x128xf32, #tpu.memory_space<vmem>>, vector<1x16xf32>,
        %get3A_1205 = arith.index_cast %add3A_1164 : i32 to index
        %get3A_1206 = arith.constant 64 : index
        %get3A_1207 = tpu.vector_load %arg11[%get3A_1205, %get3A_1206] {strides = array<i32>} : memref<128x128xf32, #tpu.memory_space<vmem>>, vector<1x16xf32>,
        %get3A_1208 = vector.shape_cast %get3A_1207 : vector<1x16xf32> to vector<16xf32>
        %mul3A_1209 = arith.mulf %get3A_1208, %broadcast_in_dim3A_1160 : vector<16xf32>
        %swap3A_1210 = arith.index_cast %add3A_1164 : i32 to index
        %swap3A_1211 = arith.constant 64 : index
        %swap3A_1212 = tpu.vector_load %arg11[%swap3A_1210, %swap3A_1211] {strides = array<i32>} : memref<128x128xf32, #tpu.memory_space<vmem>>, vector<1x16xf32>,
        %swap3A_1213 = vector.shape_cast %swap3A_1212 : vector<1x16xf32> to vector<16xf32>
        %swap3A_1214 = vector.shape_cast %mul3A_1209 : vector<16xf32> to vector<1x16xf32>
        tpu.vector_store %arg11[%swap3A_1210, %swap3A_1211], %swap3A_1214 {strides = array<i32>} : memref<128x128xf32, #tpu.memory_space<vmem>>, vector<1x16xf32>,
        %get3A_1215 = arith.index_cast %add3A_1164 : i32 to index
        %get3A_1216 = arith.constant 80 : index
        %get3A_1217 = tpu.vector_load %arg11[%get3A_1215, %get3A_1216] {strides = array<i32>} : memref<128x128xf32, #tpu.memory_space<vmem>>, vector<1x16xf32>,
        %get3A_1218 = vector.shape_cast %get3A_1217 : vector<1x16xf32> to vector<16xf32>
        %mul3A_1219 = arith.mulf %get3A_1218, %broadcast_in_dim3A_1160 : vector<16xf32>
        %swap3A_1220 = arith.index_cast %add3A_1164 : i32 to index
        %swap3A_1221 = arith.constant 80 : index
        %swap3A_1222 = tpu.vector_load %arg11[%swap3A_1220, %swap3A_1221] {strides = array<i32>} : memref<128x128xf32, #tpu.memory_space<vmem>>, vector<1x16xf32>,
        %swap3A_1223 = vector.shape_cast %swap3A_1222 : vector<1x16xf32> to vector<16xf32>
        %swap3A_1224 = vector.shape_cast %mul3A_1219 : vector<16xf32> to vector<1x16xf32>
        tpu.vector_store %arg11[%swap3A_1220, %swap3A_1221], %swap3A_1224 {strides = array<i32>} : memref<128x128xf32, #tpu.memory_space<vmem>>, vector<1x16xf32>,
        %get3A_1225 = arith.index_cast %add3A_1164 : i32 to index
        %get3A_1226 = arith.constant 96 : index
        %get3A_1227 = tpu.vector_load %arg11[%get3A_1225, %get3A_1226] {strides = array<i32>} : memref<128x128xf32, #tpu.memory_space<vmem>>, vector<1x16xf32>,
        %get3A_1228 = vector.shape_cast %get3A_1227 : vector<1x16xf32> to vector<16xf32>
        %mul3A_1229 = arith.mulf %get3A_1228, %broadcast_in_dim3A_1160 : vector<16xf32>
        %swap3A_1230 = arith.index_cast %add3A_1164 : i32 to index
        %swap3A_1231 = arith.constant 96 : index
        %swap3A_1232 = tpu.vector_load %arg11[%swap3A_1230, %swap3A_1231] {strides = array<i32>} : memref<128x128xf32, #tpu.memory_space<vmem>>, vector<1x16xf32>,
        %swap3A_1233 = vector.shape_cast %swap3A_1232 : vector<1x16xf32> to vector<16xf32>
        %swap3A_1234 = vector.shape_cast %mul3A_1229 : vector<16xf32> to vector<1x16xf32>
        tpu.vector_store %arg11[%swap3A_1230, %swap3A_1231], %swap3A_1234 {strides = array<i32>} : memref<128x128xf32, #tpu.memory_space<vmem>>, vector<1x16xf32>,
        %get3A_1235 = arith.index_cast %add3A_1164 : i32 to index
        %get3A_1236 = arith.constant 112 : index
        %get3A_1237 = tpu.vector_load %arg11[%get3A_1235, %get3A_1236] {strides = array<i32>} : memref<128x128xf32, #tpu.memory_space<vmem>>, vector<1x16xf32>,
        %get3A_1238 = vector.shape_cast %get3A_1237 : vector<1x16xf32> to vector<16xf32>
        %mul3A_1239 = arith.mulf %get3A_1238, %broadcast_in_dim3A_1160 : vector<16xf32>
        %swap3A_1240 = arith.index_cast %add3A_1164 : i32 to index
        %swap3A_1241 = arith.constant 112 : index
        %swap3A_1242 = tpu.vector_load %arg11[%swap3A_1240, %swap3A_1241] {strides = array<i32>} : memref<128x128xf32, #tpu.memory_space<vmem>>, vector<1x16xf32>,
        %swap3A_1243 = vector.shape_cast %swap3A_1242 : vector<1x16xf32> to vector<16xf32>
        %swap3A_1244 = vector.shape_cast %mul3A_1239 : vector<16xf32> to vector<1x16xf32>
        tpu.vector_store %arg11[%swap3A_1240, %swap3A_1241], %swap3A_1244 {strides = array<i32>} : memref<128x128xf32, #tpu.memory_space<vmem>>, vector<1x16xf32>,
        %slice3A_1245 = vector.extract_strided_slice %get3A_203 {offsets = [12], sizes = [1], strides = [1]} : vector<16xf32> to vector<1xf32>
        %squeeze3A_1246 = vector.extract %slice3A_1245[0] : f32 from vector<1xf32>
        %broadcast_in_dim3A_1247 = vector.broadcast %squeeze3A_1246 : f32 to vector<16xf32>
        %mul3A_1248 = arith.constant 16 : i32
        %mul3A_1249 = arith.muli %scan3A_198, %mul3A_1248 : i32
        %add3A_1250 = arith.constant 12 : i32
        %add3A_1251 = arith.addi %mul3A_1249, %add3A_1250 : i32
        %get3A_1252 = arith.index_cast %add3A_1251 : i32 to index
        %get3A_1253 = arith.constant 0 : index
        %get3A_1254 = tpu.vector_load %arg11[%get3A_1252, %get3A_1253] {strides = array<i32>} : memref<128x128xf32, #tpu.memory_space<vmem>>, vector<1x16xf32>,
        %get3A_1255 = vector.shape_cast %get3A_1254 : vector<1x16xf32> to vector<16xf32>
        %mul3A_1256 = arith.mulf %get3A_1255, %broadcast_in_dim3A_1247 : vector<16xf32>
        %swap3A_1257 = arith.index_cast %add3A_1251 : i32 to index
        %swap3A_1258 = arith.constant 0 : index
        %swap3A_1259 = tpu.vector_load %arg11[%swap3A_1257, %swap3A_1258] {strides = array<i32>} : memref<128x128xf32, #tpu.memory_space<vmem>>, vector<1x16xf32>,
        %swap3A_1260 = vector.shape_cast %swap3A_1259 : vector<1x16xf32> to vector<16xf32>
        %swap3A_1261 = vector.shape_cast %mul3A_1256 : vector<16xf32> to vector<1x16xf32>
        tpu.vector_store %arg11[%swap3A_1257, %swap3A_1258], %swap3A_1261 {strides = array<i32>} : memref<128x128xf32, #tpu.memory_space<vmem>>, vector<1x16xf32>,
        %get3A_1262 = arith.index_cast %add3A_1251 : i32 to index
        %get3A_1263 = arith.constant 16 : index
        %get3A_1264 = tpu.vector_load %arg11[%get3A_1262, %get3A_1263] {strides = array<i32>} : memref<128x128xf32, #tpu.memory_space<vmem>>, vector<1x16xf32>,
        %get3A_1265 = vector.shape_cast %get3A_1264 : vector<1x16xf32> to vector<16xf32>
        %mul3A_1266 = arith.mulf %get3A_1265, %broadcast_in_dim3A_1247 : vector<16xf32>
        %swap3A_1267 = arith.index_cast %add3A_1251 : i32 to index
        %swap3A_1268 = arith.constant 16 : index
        %swap3A_1269 = tpu.vector_load %arg11[%swap3A_1267, %swap3A_1268] {strides = array<i32>} : memref<128x128xf32, #tpu.memory_space<vmem>>, vector<1x16xf32>,
        %swap3A_1270 = vector.shape_cast %swap3A_1269 : vector<1x16xf32> to vector<16xf32>
        %swap3A_1271 = vector.shape_cast %mul3A_1266 : vector<16xf32> to vector<1x16xf32>
        tpu.vector_store %arg11[%swap3A_1267, %swap3A_1268], %swap3A_1271 {strides = array<i32>} : memref<128x128xf32, #tpu.memory_space<vmem>>, vector<1x16xf32>,
        %get3A_1272 = arith.index_cast %add3A_1251 : i32 to index
        %get3A_1273 = arith.constant 32 : index
        %get3A_1274 = tpu.vector_load %arg11[%get3A_1272, %get3A_1273] {strides = array<i32>} : memref<128x128xf32, #tpu.memory_space<vmem>>, vector<1x16xf32>,
        %get3A_1275 = vector.shape_cast %get3A_1274 : vector<1x16xf32> to vector<16xf32>
        %mul3A_1276 = arith.mulf %get3A_1275, %broadcast_in_dim3A_1247 : vector<16xf32>
        %swap3A_1277 = arith.index_cast %add3A_1251 : i32 to index
        %swap3A_1278 = arith.constant 32 : index
        %swap3A_1279 = tpu.vector_load %arg11[%swap3A_1277, %swap3A_1278] {strides = array<i32>} : memref<128x128xf32, #tpu.memory_space<vmem>>, vector<1x16xf32>,
        %swap3A_1280 = vector.shape_cast %swap3A_1279 : vector<1x16xf32> to vector<16xf32>
        %swap3A_1281 = vector.shape_cast %mul3A_1276 : vector<16xf32> to vector<1x16xf32>
        tpu.vector_store %arg11[%swap3A_1277, %swap3A_1278], %swap3A_1281 {strides = array<i32>} : memref<128x128xf32, #tpu.memory_space<vmem>>, vector<1x16xf32>,
        %get3A_1282 = arith.index_cast %add3A_1251 : i32 to index
        %get3A_1283 = arith.constant 48 : index
        %get3A_1284 = tpu.vector_load %arg11[%get3A_1282, %get3A_1283] {strides = array<i32>} : memref<128x128xf32, #tpu.memory_space<vmem>>, vector<1x16xf32>,
        %get3A_1285 = vector.shape_cast %get3A_1284 : vector<1x16xf32> to vector<16xf32>
        %mul3A_1286 = arith.mulf %get3A_1285, %broadcast_in_dim3A_1247 : vector<16xf32>
        %swap3A_1287 = arith.index_cast %add3A_1251 : i32 to index
        %swap3A_1288 = arith.constant 48 : index
        %swap3A_1289 = tpu.vector_load %arg11[%swap3A_1287, %swap3A_1288] {strides = array<i32>} : memref<128x128xf32, #tpu.memory_space<vmem>>, vector<1x16xf32>,
        %swap3A_1290 = vector.shape_cast %swap3A_1289 : vector<1x16xf32> to vector<16xf32>
        %swap3A_1291 = vector.shape_cast %mul3A_1286 : vector<16xf32> to vector<1x16xf32>
        tpu.vector_store %arg11[%swap3A_1287, %swap3A_1288], %swap3A_1291 {strides = array<i32>} : memref<128x128xf32, #tpu.memory_space<vmem>>, vector<1x16xf32>,
        %get3A_1292 = arith.index_cast %add3A_1251 : i32 to index
        %get3A_1293 = arith.constant 64 : index
        %get3A_1294 = tpu.vector_load %arg11[%get3A_1292, %get3A_1293] {strides = array<i32>} : memref<128x128xf32, #tpu.memory_space<vmem>>, vector<1x16xf32>,
        %get3A_1295 = vector.shape_cast %get3A_1294 : vector<1x16xf32> to vector<16xf32>
        %mul3A_1296 = arith.mulf %get3A_1295, %broadcast_in_dim3A_1247 : vector<16xf32>
        %swap3A_1297 = arith.index_cast %add3A_1251 : i32 to index
        %swap3A_1298 = arith.constant 64 : index
        %swap3A_1299 = tpu.vector_load %arg11[%swap3A_1297, %swap3A_1298] {strides = array<i32>} : memref<128x128xf32, #tpu.memory_space<vmem>>, vector<1x16xf32>,
        %swap3A_1300 = vector.shape_cast %swap3A_1299 : vector<1x16xf32> to vector<16xf32>
        %swap3A_1301 = vector.shape_cast %mul3A_1296 : vector<16xf32> to vector<1x16xf32>
        tpu.vector_store %arg11[%swap3A_1297, %swap3A_1298], %swap3A_1301 {strides = array<i32>} : memref<128x128xf32, #tpu.memory_space<vmem>>, vector<1x16xf32>,
        %get3A_1302 = arith.index_cast %add3A_1251 : i32 to index
        %get3A_1303 = arith.constant 80 : index
        %get3A_1304 = tpu.vector_load %arg11[%get3A_1302, %get3A_1303] {strides = array<i32>} : memref<128x128xf32, #tpu.memory_space<vmem>>, vector<1x16xf32>,
        %get3A_1305 = vector.shape_cast %get3A_1304 : vector<1x16xf32> to vector<16xf32>
        %mul3A_1306 = arith.mulf %get3A_1305, %broadcast_in_dim3A_1247 : vector<16xf32>
        %swap3A_1307 = arith.index_cast %add3A_1251 : i32 to index
        %swap3A_1308 = arith.constant 80 : index
        %swap3A_1309 = tpu.vector_load %arg11[%swap3A_1307, %swap3A_1308] {strides = array<i32>} : memref<128x128xf32, #tpu.memory_space<vmem>>, vector<1x16xf32>,
        %swap3A_1310 = vector.shape_cast %swap3A_1309 : vector<1x16xf32> to vector<16xf32>
        %swap3A_1311 = vector.shape_cast %mul3A_1306 : vector<16xf32> to vector<1x16xf32>
        tpu.vector_store %arg11[%swap3A_1307, %swap3A_1308], %swap3A_1311 {strides = array<i32>} : memref<128x128xf32, #tpu.memory_space<vmem>>, vector<1x16xf32>,
        %get3A_1312 = arith.index_cast %add3A_1251 : i32 to index
        %get3A_1313 = arith.constant 96 : index
        %get3A_1314 = tpu.vector_load %arg11[%get3A_1312, %get3A_1313] {strides = array<i32>} : memref<128x128xf32, #tpu.memory_space<vmem>>, vector<1x16xf32>,
        %get3A_1315 = vector.shape_cast %get3A_1314 : vector<1x16xf32> to vector<16xf32>
        %mul3A_1316 = arith.mulf %get3A_1315, %broadcast_in_dim3A_1247 : vector<16xf32>
        %swap3A_1317 = arith.index_cast %add3A_1251 : i32 to index
        %swap3A_1318 = arith.constant 96 : index
        %swap3A_1319 = tpu.vector_load %arg11[%swap3A_1317, %swap3A_1318] {strides = array<i32>} : memref<128x128xf32, #tpu.memory_space<vmem>>, vector<1x16xf32>,
        %swap3A_1320 = vector.shape_cast %swap3A_1319 : vector<1x16xf32> to vector<16xf32>
        %swap3A_1321 = vector.shape_cast %mul3A_1316 : vector<16xf32> to vector<1x16xf32>
        tpu.vector_store %arg11[%swap3A_1317, %swap3A_1318], %swap3A_1321 {strides = array<i32>} : memref<128x128xf32, #tpu.memory_space<vmem>>, vector<1x16xf32>,
        %get3A_1322 = arith.index_cast %add3A_1251 : i32 to index
        %get3A_1323 = arith.constant 112 : index
        %get3A_1324 = tpu.vector_load %arg11[%get3A_1322, %get3A_1323] {strides = array<i32>} : memref<128x128xf32, #tpu.memory_space<vmem>>, vector<1x16xf32>,
        %get3A_1325 = vector.shape_cast %get3A_1324 : vector<1x16xf32> to vector<16xf32>
        %mul3A_1326 = arith.mulf %get3A_1325, %broadcast_in_dim3A_1247 : vector<16xf32>
        %swap3A_1327 = arith.index_cast %add3A_1251 : i32 to index
        %swap3A_1328 = arith.constant 112 : index
        %swap3A_1329 = tpu.vector_load %arg11[%swap3A_1327, %swap3A_1328] {strides = array<i32>} : memref<128x128xf32, #tpu.memory_space<vmem>>, vector<1x16xf32>,
        %swap3A_1330 = vector.shape_cast %swap3A_1329 : vector<1x16xf32> to vector<16xf32>
        %swap3A_1331 = vector.shape_cast %mul3A_1326 : vector<16xf32> to vector<1x16xf32>
        tpu.vector_store %arg11[%swap3A_1327, %swap3A_1328], %swap3A_1331 {strides = array<i32>} : memref<128x128xf32, #tpu.memory_space<vmem>>, vector<1x16xf32>,
        %slice3A_1332 = vector.extract_strided_slice %get3A_203 {offsets = [13], sizes = [1], strides = [1]} : vector<16xf32> to vector<1xf32>
        %squeeze3A_1333 = vector.extract %slice3A_1332[0] : f32 from vector<1xf32>
        %broadcast_in_dim3A_1334 = vector.broadcast %squeeze3A_1333 : f32 to vector<16xf32>
        %mul3A_1335 = arith.constant 16 : i32
        %mul3A_1336 = arith.muli %scan3A_198, %mul3A_1335 : i32
        %add3A_1337 = arith.constant 13 : i32
        %add3A_1338 = arith.addi %mul3A_1336, %add3A_1337 : i32
        %get3A_1339 = arith.index_cast %add3A_1338 : i32 to index
        %get3A_1340 = arith.constant 0 : index
        %get3A_1341 = tpu.vector_load %arg11[%get3A_1339, %get3A_1340] {strides = array<i32>} : memref<128x128xf32, #tpu.memory_space<vmem>>, vector<1x16xf32>,
        %get3A_1342 = vector.shape_cast %get3A_1341 : vector<1x16xf32> to vector<16xf32>
        %mul3A_1343 = arith.mulf %get3A_1342, %broadcast_in_dim3A_1334 : vector<16xf32>
        %swap3A_1344 = arith.index_cast %add3A_1338 : i32 to index
        %swap3A_1345 = arith.constant 0 : index
        %swap3A_1346 = tpu.vector_load %arg11[%swap3A_1344, %swap3A_1345] {strides = array<i32>} : memref<128x128xf32, #tpu.memory_space<vmem>>, vector<1x16xf32>,
        %swap3A_1347 = vector.shape_cast %swap3A_1346 : vector<1x16xf32> to vector<16xf32>
        %swap3A_1348 = vector.shape_cast %mul3A_1343 : vector<16xf32> to vector<1x16xf32>
        tpu.vector_store %arg11[%swap3A_1344, %swap3A_1345], %swap3A_1348 {strides = array<i32>} : memref<128x128xf32, #tpu.memory_space<vmem>>, vector<1x16xf32>,
        %get3A_1349 = arith.index_cast %add3A_1338 : i32 to index
        %get3A_1350 = arith.constant 16 : index
        %get3A_1351 = tpu.vector_load %arg11[%get3A_1349, %get3A_1350] {strides = array<i32>} : memref<128x128xf32, #tpu.memory_space<vmem>>, vector<1x16xf32>,
        %get3A_1352 = vector.shape_cast %get3A_1351 : vector<1x16xf32> to vector<16xf32>
        %mul3A_1353 = arith.mulf %get3A_1352, %broadcast_in_dim3A_1334 : vector<16xf32>
        %swap3A_1354 = arith.index_cast %add3A_1338 : i32 to index
        %swap3A_1355 = arith.constant 16 : index
        %swap3A_1356 = tpu.vector_load %arg11[%swap3A_1354, %swap3A_1355] {strides = array<i32>} : memref<128x128xf32, #tpu.memory_space<vmem>>, vector<1x16xf32>,
        %swap3A_1357 = vector.shape_cast %swap3A_1356 : vector<1x16xf32> to vector<16xf32>
        %swap3A_1358 = vector.shape_cast %mul3A_1353 : vector<16xf32> to vector<1x16xf32>
        tpu.vector_store %arg11[%swap3A_1354, %swap3A_1355], %swap3A_1358 {strides = array<i32>} : memref<128x128xf32, #tpu.memory_space<vmem>>, vector<1x16xf32>,
        %get3A_1359 = arith.index_cast %add3A_1338 : i32 to index
        %get3A_1360 = arith.constant 32 : index
        %get3A_1361 = tpu.vector_load %arg11[%get3A_1359, %get3A_1360] {strides = array<i32>} : memref<128x128xf32, #tpu.memory_space<vmem>>, vector<1x16xf32>,
        %get3A_1362 = vector.shape_cast %get3A_1361 : vector<1x16xf32> to vector<16xf32>
        %mul3A_1363 = arith.mulf %get3A_1362, %broadcast_in_dim3A_1334 : vector<16xf32>
        %swap3A_1364 = arith.index_cast %add3A_1338 : i32 to index
        %swap3A_1365 = arith.constant 32 : index
        %swap3A_1366 = tpu.vector_load %arg11[%swap3A_1364, %swap3A_1365] {strides = array<i32>} : memref<128x128xf32, #tpu.memory_space<vmem>>, vector<1x16xf32>,
        %swap3A_1367 = vector.shape_cast %swap3A_1366 : vector<1x16xf32> to vector<16xf32>
        %swap3A_1368 = vector.shape_cast %mul3A_1363 : vector<16xf32> to vector<1x16xf32>
        tpu.vector_store %arg11[%swap3A_1364, %swap3A_1365], %swap3A_1368 {strides = array<i32>} : memref<128x128xf32, #tpu.memory_space<vmem>>, vector<1x16xf32>,
        %get3A_1369 = arith.index_cast %add3A_1338 : i32 to index
        %get3A_1370 = arith.constant 48 : index
        %get3A_1371 = tpu.vector_load %arg11[%get3A_1369, %get3A_1370] {strides = array<i32>} : memref<128x128xf32, #tpu.memory_space<vmem>>, vector<1x16xf32>,
        %get3A_1372 = vector.shape_cast %get3A_1371 : vector<1x16xf32> to vector<16xf32>
        %mul3A_1373 = arith.mulf %get3A_1372, %broadcast_in_dim3A_1334 : vector<16xf32>
        %swap3A_1374 = arith.index_cast %add3A_1338 : i32 to index
        %swap3A_1375 = arith.constant 48 : index
        %swap3A_1376 = tpu.vector_load %arg11[%swap3A_1374, %swap3A_1375] {strides = array<i32>} : memref<128x128xf32, #tpu.memory_space<vmem>>, vector<1x16xf32>,
        %swap3A_1377 = vector.shape_cast %swap3A_1376 : vector<1x16xf32> to vector<16xf32>
        %swap3A_1378 = vector.shape_cast %mul3A_1373 : vector<16xf32> to vector<1x16xf32>
        tpu.vector_store %arg11[%swap3A_1374, %swap3A_1375], %swap3A_1378 {strides = array<i32>} : memref<128x128xf32, #tpu.memory_space<vmem>>, vector<1x16xf32>,
        %get3A_1379 = arith.index_cast %add3A_1338 : i32 to index
        %get3A_1380 = arith.constant 64 : index
        %get3A_1381 = tpu.vector_load %arg11[%get3A_1379, %get3A_1380] {strides = array<i32>} : memref<128x128xf32, #tpu.memory_space<vmem>>, vector<1x16xf32>,
        %get3A_1382 = vector.shape_cast %get3A_1381 : vector<1x16xf32> to vector<16xf32>
        %mul3A_1383 = arith.mulf %get3A_1382, %broadcast_in_dim3A_1334 : vector<16xf32>
        %swap3A_1384 = arith.index_cast %add3A_1338 : i32 to index
        %swap3A_1385 = arith.constant 64 : index
        %swap3A_1386 = tpu.vector_load %arg11[%swap3A_1384, %swap3A_1385] {strides = array<i32>} : memref<128x128xf32, #tpu.memory_space<vmem>>, vector<1x16xf32>,
        %swap3A_1387 = vector.shape_cast %swap3A_1386 : vector<1x16xf32> to vector<16xf32>
        %swap3A_1388 = vector.shape_cast %mul3A_1383 : vector<16xf32> to vector<1x16xf32>
        tpu.vector_store %arg11[%swap3A_1384, %swap3A_1385], %swap3A_1388 {strides = array<i32>} : memref<128x128xf32, #tpu.memory_space<vmem>>, vector<1x16xf32>,
        %get3A_1389 = arith.index_cast %add3A_1338 : i32 to index
        %get3A_1390 = arith.constant 80 : index
        %get3A_1391 = tpu.vector_load %arg11[%get3A_1389, %get3A_1390] {strides = array<i32>} : memref<128x128xf32, #tpu.memory_space<vmem>>, vector<1x16xf32>,
        %get3A_1392 = vector.shape_cast %get3A_1391 : vector<1x16xf32> to vector<16xf32>
        %mul3A_1393 = arith.mulf %get3A_1392, %broadcast_in_dim3A_1334 : vector<16xf32>
        %swap3A_1394 = arith.index_cast %add3A_1338 : i32 to index
        %swap3A_1395 = arith.constant 80 : index
        %swap3A_1396 = tpu.vector_load %arg11[%swap3A_1394, %swap3A_1395] {strides = array<i32>} : memref<128x128xf32, #tpu.memory_space<vmem>>, vector<1x16xf32>,
        %swap3A_1397 = vector.shape_cast %swap3A_1396 : vector<1x16xf32> to vector<16xf32>
        %swap3A_1398 = vector.shape_cast %mul3A_1393 : vector<16xf32> to vector<1x16xf32>
        tpu.vector_store %arg11[%swap3A_1394, %swap3A_1395], %swap3A_1398 {strides = array<i32>} : memref<128x128xf32, #tpu.memory_space<vmem>>, vector<1x16xf32>,
        %get3A_1399 = arith.index_cast %add3A_1338 : i32 to index
        %get3A_1400 = arith.constant 96 : index
        %get3A_1401 = tpu.vector_load %arg11[%get3A_1399, %get3A_1400] {strides = array<i32>} : memref<128x128xf32, #tpu.memory_space<vmem>>, vector<1x16xf32>,
        %get3A_1402 = vector.shape_cast %get3A_1401 : vector<1x16xf32> to vector<16xf32>
        %mul3A_1403 = arith.mulf %get3A_1402, %broadcast_in_dim3A_1334 : vector<16xf32>
        %swap3A_1404 = arith.index_cast %add3A_1338 : i32 to index
        %swap3A_1405 = arith.constant 96 : index
        %swap3A_1406 = tpu.vector_load %arg11[%swap3A_1404, %swap3A_1405] {strides = array<i32>} : memref<128x128xf32, #tpu.memory_space<vmem>>, vector<1x16xf32>,
        %swap3A_1407 = vector.shape_cast %swap3A_1406 : vector<1x16xf32> to vector<16xf32>
        %swap3A_1408 = vector.shape_cast %mul3A_1403 : vector<16xf32> to vector<1x16xf32>
        tpu.vector_store %arg11[%swap3A_1404, %swap3A_1405], %swap3A_1408 {strides = array<i32>} : memref<128x128xf32, #tpu.memory_space<vmem>>, vector<1x16xf32>,
        %get3A_1409 = arith.index_cast %add3A_1338 : i32 to index
        %get3A_1410 = arith.constant 112 : index
        %get3A_1411 = tpu.vector_load %arg11[%get3A_1409, %get3A_1410] {strides = array<i32>} : memref<128x128xf32, #tpu.memory_space<vmem>>, vector<1x16xf32>,
        %get3A_1412 = vector.shape_cast %get3A_1411 : vector<1x16xf32> to vector<16xf32>
        %mul3A_1413 = arith.mulf %get3A_1412, %broadcast_in_dim3A_1334 : vector<16xf32>
        %swap3A_1414 = arith.index_cast %add3A_1338 : i32 to index
        %swap3A_1415 = arith.constant 112 : index
        %swap3A_1416 = tpu.vector_load %arg11[%swap3A_1414, %swap3A_1415] {strides = array<i32>} : memref<128x128xf32, #tpu.memory_space<vmem>>, vector<1x16xf32>,
        %swap3A_1417 = vector.shape_cast %swap3A_1416 : vector<1x16xf32> to vector<16xf32>
        %swap3A_1418 = vector.shape_cast %mul3A_1413 : vector<16xf32> to vector<1x16xf32>
        tpu.vector_store %arg11[%swap3A_1414, %swap3A_1415], %swap3A_1418 {strides = array<i32>} : memref<128x128xf32, #tpu.memory_space<vmem>>, vector<1x16xf32>,
        %slice3A_1419 = vector.extract_strided_slice %get3A_203 {offsets = [14], sizes = [1], strides = [1]} : vector<16xf32> to vector<1xf32>
        %squeeze3A_1420 = vector.extract %slice3A_1419[0] : f32 from vector<1xf32>
        %broadcast_in_dim3A_1421 = vector.broadcast %squeeze3A_1420 : f32 to vector<16xf32>
        %mul3A_1422 = arith.constant 16 : i32
        %mul3A_1423 = arith.muli %scan3A_198, %mul3A_1422 : i32
        %add3A_1424 = arith.constant 14 : i32
        %add3A_1425 = arith.addi %mul3A_1423, %add3A_1424 : i32
        %get3A_1426 = arith.index_cast %add3A_1425 : i32 to index
        %get3A_1427 = arith.constant 0 : index
        %get3A_1428 = tpu.vector_load %arg11[%get3A_1426, %get3A_1427] {strides = array<i32>} : memref<128x128xf32, #tpu.memory_space<vmem>>, vector<1x16xf32>,
        %get3A_1429 = vector.shape_cast %get3A_1428 : vector<1x16xf32> to vector<16xf32>
        %mul3A_1430 = arith.mulf %get3A_1429, %broadcast_in_dim3A_1421 : vector<16xf32>
        %swap3A_1431 = arith.index_cast %add3A_1425 : i32 to index
        %swap3A_1432 = arith.constant 0 : index
        %swap3A_1433 = tpu.vector_load %arg11[%swap3A_1431, %swap3A_1432] {strides = array<i32>} : memref<128x128xf32, #tpu.memory_space<vmem>>, vector<1x16xf32>,
        %swap3A_1434 = vector.shape_cast %swap3A_1433 : vector<1x16xf32> to vector<16xf32>
        %swap3A_1435 = vector.shape_cast %mul3A_1430 : vector<16xf32> to vector<1x16xf32>
        tpu.vector_store %arg11[%swap3A_1431, %swap3A_1432], %swap3A_1435 {strides = array<i32>} : memref<128x128xf32, #tpu.memory_space<vmem>>, vector<1x16xf32>,
        %get3A_1436 = arith.index_cast %add3A_1425 : i32 to index
        %get3A_1437 = arith.constant 16 : index
        %get3A_1438 = tpu.vector_load %arg11[%get3A_1436, %get3A_1437] {strides = array<i32>} : memref<128x128xf32, #tpu.memory_space<vmem>>, vector<1x16xf32>,
        %get3A_1439 = vector.shape_cast %get3A_1438 : vector<1x16xf32> to vector<16xf32>
        %mul3A_1440 = arith.mulf %get3A_1439, %broadcast_in_dim3A_1421 : vector<16xf32>
        %swap3A_1441 = arith.index_cast %add3A_1425 : i32 to index
        %swap3A_1442 = arith.constant 16 : index
        %swap3A_1443 = tpu.vector_load %arg11[%swap3A_1441, %swap3A_1442] {strides = array<i32>} : memref<128x128xf32, #tpu.memory_space<vmem>>, vector<1x16xf32>,
        %swap3A_1444 = vector.shape_cast %swap3A_1443 : vector<1x16xf32> to vector<16xf32>
        %swap3A_1445 = vector.shape_cast %mul3A_1440 : vector<16xf32> to vector<1x16xf32>
        tpu.vector_store %arg11[%swap3A_1441, %swap3A_1442], %swap3A_1445 {strides = array<i32>} : memref<128x128xf32, #tpu.memory_space<vmem>>, vector<1x16xf32>,
        %get3A_1446 = arith.index_cast %add3A_1425 : i32 to index
        %get3A_1447 = arith.constant 32 : index
        %get3A_1448 = tpu.vector_load %arg11[%get3A_1446, %get3A_1447] {strides = array<i32>} : memref<128x128xf32, #tpu.memory_space<vmem>>, vector<1x16xf32>,
        %get3A_1449 = vector.shape_cast %get3A_1448 : vector<1x16xf32> to vector<16xf32>
        %mul3A_1450 = arith.mulf %get3A_1449, %broadcast_in_dim3A_1421 : vector<16xf32>
        %swap3A_1451 = arith.index_cast %add3A_1425 : i32 to index
        %swap3A_1452 = arith.constant 32 : index
        %swap3A_1453 = tpu.vector_load %arg11[%swap3A_1451, %swap3A_1452] {strides = array<i32>} : memref<128x128xf32, #tpu.memory_space<vmem>>, vector<1x16xf32>,
        %swap3A_1454 = vector.shape_cast %swap3A_1453 : vector<1x16xf32> to vector<16xf32>
        %swap3A_1455 = vector.shape_cast %mul3A_1450 : vector<16xf32> to vector<1x16xf32>
        tpu.vector_store %arg11[%swap3A_1451, %swap3A_1452], %swap3A_1455 {strides = array<i32>} : memref<128x128xf32, #tpu.memory_space<vmem>>, vector<1x16xf32>,
        %get3A_1456 = arith.index_cast %add3A_1425 : i32 to index
        %get3A_1457 = arith.constant 48 : index
        %get3A_1458 = tpu.vector_load %arg11[%get3A_1456, %get3A_1457] {strides = array<i32>} : memref<128x128xf32, #tpu.memory_space<vmem>>, vector<1x16xf32>,
        %get3A_1459 = vector.shape_cast %get3A_1458 : vector<1x16xf32> to vector<16xf32>
        %mul3A_1460 = arith.mulf %get3A_1459, %broadcast_in_dim3A_1421 : vector<16xf32>
        %swap3A_1461 = arith.index_cast %add3A_1425 : i32 to index
        %swap3A_1462 = arith.constant 48 : index
        %swap3A_1463 = tpu.vector_load %arg11[%swap3A_1461, %swap3A_1462] {strides = array<i32>} : memref<128x128xf32, #tpu.memory_space<vmem>>, vector<1x16xf32>,
        %swap3A_1464 = vector.shape_cast %swap3A_1463 : vector<1x16xf32> to vector<16xf32>
        %swap3A_1465 = vector.shape_cast %mul3A_1460 : vector<16xf32> to vector<1x16xf32>
        tpu.vector_store %arg11[%swap3A_1461, %swap3A_1462], %swap3A_1465 {strides = array<i32>} : memref<128x128xf32, #tpu.memory_space<vmem>>, vector<1x16xf32>,
        %get3A_1466 = arith.index_cast %add3A_1425 : i32 to index
        %get3A_1467 = arith.constant 64 : index
        %get3A_1468 = tpu.vector_load %arg11[%get3A_1466, %get3A_1467] {strides = array<i32>} : memref<128x128xf32, #tpu.memory_space<vmem>>, vector<1x16xf32>,
        %get3A_1469 = vector.shape_cast %get3A_1468 : vector<1x16xf32> to vector<16xf32>
        %mul3A_1470 = arith.mulf %get3A_1469, %broadcast_in_dim3A_1421 : vector<16xf32>
        %swap3A_1471 = arith.index_cast %add3A_1425 : i32 to index
        %swap3A_1472 = arith.constant 64 : index
        %swap3A_1473 = tpu.vector_load %arg11[%swap3A_1471, %swap3A_1472] {strides = array<i32>} : memref<128x128xf32, #tpu.memory_space<vmem>>, vector<1x16xf32>,
        %swap3A_1474 = vector.shape_cast %swap3A_1473 : vector<1x16xf32> to vector<16xf32>
        %swap3A_1475 = vector.shape_cast %mul3A_1470 : vector<16xf32> to vector<1x16xf32>
        tpu.vector_store %arg11[%swap3A_1471, %swap3A_1472], %swap3A_1475 {strides = array<i32>} : memref<128x128xf32, #tpu.memory_space<vmem>>, vector<1x16xf32>,
        %get3A_1476 = arith.index_cast %add3A_1425 : i32 to index
        %get3A_1477 = arith.constant 80 : index
        %get3A_1478 = tpu.vector_load %arg11[%get3A_1476, %get3A_1477] {strides = array<i32>} : memref<128x128xf32, #tpu.memory_space<vmem>>, vector<1x16xf32>,
        %get3A_1479 = vector.shape_cast %get3A_1478 : vector<1x16xf32> to vector<16xf32>
        %mul3A_1480 = arith.mulf %get3A_1479, %broadcast_in_dim3A_1421 : vector<16xf32>
        %swap3A_1481 = arith.index_cast %add3A_1425 : i32 to index
        %swap3A_1482 = arith.constant 80 : index
        %swap3A_1483 = tpu.vector_load %arg11[%swap3A_1481, %swap3A_1482] {strides = array<i32>} : memref<128x128xf32, #tpu.memory_space<vmem>>, vector<1x16xf32>,
        %swap3A_1484 = vector.shape_cast %swap3A_1483 : vector<1x16xf32> to vector<16xf32>
        %swap3A_1485 = vector.shape_cast %mul3A_1480 : vector<16xf32> to vector<1x16xf32>
        tpu.vector_store %arg11[%swap3A_1481, %swap3A_1482], %swap3A_1485 {strides = array<i32>} : memref<128x128xf32, #tpu.memory_space<vmem>>, vector<1x16xf32>,
        %get3A_1486 = arith.index_cast %add3A_1425 : i32 to index
        %get3A_1487 = arith.constant 96 : index
        %get3A_1488 = tpu.vector_load %arg11[%get3A_1486, %get3A_1487] {strides = array<i32>} : memref<128x128xf32, #tpu.memory_space<vmem>>, vector<1x16xf32>,
        %get3A_1489 = vector.shape_cast %get3A_1488 : vector<1x16xf32> to vector<16xf32>
        %mul3A_1490 = arith.mulf %get3A_1489, %broadcast_in_dim3A_1421 : vector<16xf32>
        %swap3A_1491 = arith.index_cast %add3A_1425 : i32 to index
        %swap3A_1492 = arith.constant 96 : index
        %swap3A_1493 = tpu.vector_load %arg11[%swap3A_1491, %swap3A_1492] {strides = array<i32>} : memref<128x128xf32, #tpu.memory_space<vmem>>, vector<1x16xf32>,
        %swap3A_1494 = vector.shape_cast %swap3A_1493 : vector<1x16xf32> to vector<16xf32>
        %swap3A_1495 = vector.shape_cast %mul3A_1490 : vector<16xf32> to vector<1x16xf32>
        tpu.vector_store %arg11[%swap3A_1491, %swap3A_1492], %swap3A_1495 {strides = array<i32>} : memref<128x128xf32, #tpu.memory_space<vmem>>, vector<1x16xf32>,
        %get3A_1496 = arith.index_cast %add3A_1425 : i32 to index
        %get3A_1497 = arith.constant 112 : index
        %get3A_1498 = tpu.vector_load %arg11[%get3A_1496, %get3A_1497] {strides = array<i32>} : memref<128x128xf32, #tpu.memory_space<vmem>>, vector<1x16xf32>,
        %get3A_1499 = vector.shape_cast %get3A_1498 : vector<1x16xf32> to vector<16xf32>
        %mul3A_1500 = arith.mulf %get3A_1499, %broadcast_in_dim3A_1421 : vector<16xf32>
        %swap3A_1501 = arith.index_cast %add3A_1425 : i32 to index
        %swap3A_1502 = arith.constant 112 : index
        %swap3A_1503 = tpu.vector_load %arg11[%swap3A_1501, %swap3A_1502] {strides = array<i32>} : memref<128x128xf32, #tpu.memory_space<vmem>>, vector<1x16xf32>,
        %swap3A_1504 = vector.shape_cast %swap3A_1503 : vector<1x16xf32> to vector<16xf32>
        %swap3A_1505 = vector.shape_cast %mul3A_1500 : vector<16xf32> to vector<1x16xf32>
        tpu.vector_store %arg11[%swap3A_1501, %swap3A_1502], %swap3A_1505 {strides = array<i32>} : memref<128x128xf32, #tpu.memory_space<vmem>>, vector<1x16xf32>,
        %slice3A_1506 = vector.extract_strided_slice %get3A_203 {offsets = [15], sizes = [1], strides = [1]} : vector<16xf32> to vector<1xf32>
        %squeeze3A_1507 = vector.extract %slice3A_1506[0] : f32 from vector<1xf32>
        %broadcast_in_dim3A_1508 = vector.broadcast %squeeze3A_1507 : f32 to vector<16xf32>
        %mul3A_1509 = arith.constant 16 : i32
        %mul3A_1510 = arith.muli %scan3A_198, %mul3A_1509 : i32
        %add3A_1511 = arith.constant 15 : i32
        %add3A_1512 = arith.addi %mul3A_1510, %add3A_1511 : i32
        %get3A_1513 = arith.index_cast %add3A_1512 : i32 to index
        %get3A_1514 = arith.constant 0 : index
        %get3A_1515 = tpu.vector_load %arg11[%get3A_1513, %get3A_1514] {strides = array<i32>} : memref<128x128xf32, #tpu.memory_space<vmem>>, vector<1x16xf32>,
        %get3A_1516 = vector.shape_cast %get3A_1515 : vector<1x16xf32> to vector<16xf32>
        %mul3A_1517 = arith.mulf %get3A_1516, %broadcast_in_dim3A_1508 : vector<16xf32>
        %swap3A_1518 = arith.index_cast %add3A_1512 : i32 to index
        %swap3A_1519 = arith.constant 0 : index
        %swap3A_1520 = tpu.vector_load %arg11[%swap3A_1518, %swap3A_1519] {strides = array<i32>} : memref<128x128xf32, #tpu.memory_space<vmem>>, vector<1x16xf32>,
        %swap3A_1521 = vector.shape_cast %swap3A_1520 : vector<1x16xf32> to vector<16xf32>
        %swap3A_1522 = vector.shape_cast %mul3A_1517 : vector<16xf32> to vector<1x16xf32>
        tpu.vector_store %arg11[%swap3A_1518, %swap3A_1519], %swap3A_1522 {strides = array<i32>} : memref<128x128xf32, #tpu.memory_space<vmem>>, vector<1x16xf32>,
        %get3A_1523 = arith.index_cast %add3A_1512 : i32 to index
        %get3A_1524 = arith.constant 16 : index
        %get3A_1525 = tpu.vector_load %arg11[%get3A_1523, %get3A_1524] {strides = array<i32>} : memref<128x128xf32, #tpu.memory_space<vmem>>, vector<1x16xf32>,
        %get3A_1526 = vector.shape_cast %get3A_1525 : vector<1x16xf32> to vector<16xf32>
        %mul3A_1527 = arith.mulf %get3A_1526, %broadcast_in_dim3A_1508 : vector<16xf32>
        %swap3A_1528 = arith.index_cast %add3A_1512 : i32 to index
        %swap3A_1529 = arith.constant 16 : index
        %swap3A_1530 = tpu.vector_load %arg11[%swap3A_1528, %swap3A_1529] {strides = array<i32>} : memref<128x128xf32, #tpu.memory_space<vmem>>, vector<1x16xf32>,
        %swap3A_1531 = vector.shape_cast %swap3A_1530 : vector<1x16xf32> to vector<16xf32>
        %swap3A_1532 = vector.shape_cast %mul3A_1527 : vector<16xf32> to vector<1x16xf32>
        tpu.vector_store %arg11[%swap3A_1528, %swap3A_1529], %swap3A_1532 {strides = array<i32>} : memref<128x128xf32, #tpu.memory_space<vmem>>, vector<1x16xf32>,
        %get3A_1533 = arith.index_cast %add3A_1512 : i32 to index
        %get3A_1534 = arith.constant 32 : index
        %get3A_1535 = tpu.vector_load %arg11[%get3A_1533, %get3A_1534] {strides = array<i32>} : memref<128x128xf32, #tpu.memory_space<vmem>>, vector<1x16xf32>,
        %get3A_1536 = vector.shape_cast %get3A_1535 : vector<1x16xf32> to vector<16xf32>
        %mul3A_1537 = arith.mulf %get3A_1536, %broadcast_in_dim3A_1508 : vector<16xf32>
        %swap3A_1538 = arith.index_cast %add3A_1512 : i32 to index
        %swap3A_1539 = arith.constant 32 : index
        %swap3A_1540 = tpu.vector_load %arg11[%swap3A_1538, %swap3A_1539] {strides = array<i32>} : memref<128x128xf32, #tpu.memory_space<vmem>>, vector<1x16xf32>,
        %swap3A_1541 = vector.shape_cast %swap3A_1540 : vector<1x16xf32> to vector<16xf32>
        %swap3A_1542 = vector.shape_cast %mul3A_1537 : vector<16xf32> to vector<1x16xf32>
        tpu.vector_store %arg11[%swap3A_1538, %swap3A_1539], %swap3A_1542 {strides = array<i32>} : memref<128x128xf32, #tpu.memory_space<vmem>>, vector<1x16xf32>,
        %get3A_1543 = arith.index_cast %add3A_1512 : i32 to index
        %get3A_1544 = arith.constant 48 : index
        %get3A_1545 = tpu.vector_load %arg11[%get3A_1543, %get3A_1544] {strides = array<i32>} : memref<128x128xf32, #tpu.memory_space<vmem>>, vector<1x16xf32>,
        %get3A_1546 = vector.shape_cast %get3A_1545 : vector<1x16xf32> to vector<16xf32>
        %mul3A_1547 = arith.mulf %get3A_1546, %broadcast_in_dim3A_1508 : vector<16xf32>
        %swap3A_1548 = arith.index_cast %add3A_1512 : i32 to index
        %swap3A_1549 = arith.constant 48 : index
        %swap3A_1550 = tpu.vector_load %arg11[%swap3A_1548, %swap3A_1549] {strides = array<i32>} : memref<128x128xf32, #tpu.memory_space<vmem>>, vector<1x16xf32>,
        %swap3A_1551 = vector.shape_cast %swap3A_1550 : vector<1x16xf32> to vector<16xf32>
        %swap3A_1552 = vector.shape_cast %mul3A_1547 : vector<16xf32> to vector<1x16xf32>
        tpu.vector_store %arg11[%swap3A_1548, %swap3A_1549], %swap3A_1552 {strides = array<i32>} : memref<128x128xf32, #tpu.memory_space<vmem>>, vector<1x16xf32>,
        %get3A_1553 = arith.index_cast %add3A_1512 : i32 to index
        %get3A_1554 = arith.constant 64 : index
        %get3A_1555 = tpu.vector_load %arg11[%get3A_1553, %get3A_1554] {strides = array<i32>} : memref<128x128xf32, #tpu.memory_space<vmem>>, vector<1x16xf32>,
        %get3A_1556 = vector.shape_cast %get3A_1555 : vector<1x16xf32> to vector<16xf32>
        %mul3A_1557 = arith.mulf %get3A_1556, %broadcast_in_dim3A_1508 : vector<16xf32>
        %swap3A_1558 = arith.index_cast %add3A_1512 : i32 to index
        %swap3A_1559 = arith.constant 64 : index
        %swap3A_1560 = tpu.vector_load %arg11[%swap3A_1558, %swap3A_1559] {strides = array<i32>} : memref<128x128xf32, #tpu.memory_space<vmem>>, vector<1x16xf32>,
        %swap3A_1561 = vector.shape_cast %swap3A_1560 : vector<1x16xf32> to vector<16xf32>
        %swap3A_1562 = vector.shape_cast %mul3A_1557 : vector<16xf32> to vector<1x16xf32>
        tpu.vector_store %arg11[%swap3A_1558, %swap3A_1559], %swap3A_1562 {strides = array<i32>} : memref<128x128xf32, #tpu.memory_space<vmem>>, vector<1x16xf32>,
        %get3A_1563 = arith.index_cast %add3A_1512 : i32 to index
        %get3A_1564 = arith.constant 80 : index
        %get3A_1565 = tpu.vector_load %arg11[%get3A_1563, %get3A_1564] {strides = array<i32>} : memref<128x128xf32, #tpu.memory_space<vmem>>, vector<1x16xf32>,
        %get3A_1566 = vector.shape_cast %get3A_1565 : vector<1x16xf32> to vector<16xf32>
        %mul3A_1567 = arith.mulf %get3A_1566, %broadcast_in_dim3A_1508 : vector<16xf32>
        %swap3A_1568 = arith.index_cast %add3A_1512 : i32 to index
        %swap3A_1569 = arith.constant 80 : index
        %swap3A_1570 = tpu.vector_load %arg11[%swap3A_1568, %swap3A_1569] {strides = array<i32>} : memref<128x128xf32, #tpu.memory_space<vmem>>, vector<1x16xf32>,
        %swap3A_1571 = vector.shape_cast %swap3A_1570 : vector<1x16xf32> to vector<16xf32>
        %swap3A_1572 = vector.shape_cast %mul3A_1567 : vector<16xf32> to vector<1x16xf32>
        tpu.vector_store %arg11[%swap3A_1568, %swap3A_1569], %swap3A_1572 {strides = array<i32>} : memref<128x128xf32, #tpu.memory_space<vmem>>, vector<1x16xf32>,
        %get3A_1573 = arith.index_cast %add3A_1512 : i32 to index
        %get3A_1574 = arith.constant 96 : index
        %get3A_1575 = tpu.vector_load %arg11[%get3A_1573, %get3A_1574] {strides = array<i32>} : memref<128x128xf32, #tpu.memory_space<vmem>>, vector<1x16xf32>,
        %get3A_1576 = vector.shape_cast %get3A_1575 : vector<1x16xf32> to vector<16xf32>
        %mul3A_1577 = arith.mulf %get3A_1576, %broadcast_in_dim3A_1508 : vector<16xf32>
        %swap3A_1578 = arith.index_cast %add3A_1512 : i32 to index
        %swap3A_1579 = arith.constant 96 : index
        %swap3A_1580 = tpu.vector_load %arg11[%swap3A_1578, %swap3A_1579] {strides = array<i32>} : memref<128x128xf32, #tpu.memory_space<vmem>>, vector<1x16xf32>,
        %swap3A_1581 = vector.shape_cast %swap3A_1580 : vector<1x16xf32> to vector<16xf32>
        %swap3A_1582 = vector.shape_cast %mul3A_1577 : vector<16xf32> to vector<1x16xf32>
        tpu.vector_store %arg11[%swap3A_1578, %swap3A_1579], %swap3A_1582 {strides = array<i32>} : memref<128x128xf32, #tpu.memory_space<vmem>>, vector<1x16xf32>,
        %get3A_1583 = arith.index_cast %add3A_1512 : i32 to index
        %get3A_1584 = arith.constant 112 : index
        %get3A_1585 = tpu.vector_load %arg11[%get3A_1583, %get3A_1584] {strides = array<i32>} : memref<128x128xf32, #tpu.memory_space<vmem>>, vector<1x16xf32>,
        %get3A_1586 = vector.shape_cast %get3A_1585 : vector<1x16xf32> to vector<16xf32>
        %mul3A_1587 = arith.mulf %get3A_1586, %broadcast_in_dim3A_1508 : vector<16xf32>
        %swap3A_1588 = arith.index_cast %add3A_1512 : i32 to index
        %swap3A_1589 = arith.constant 112 : index
        %swap3A_1590 = tpu.vector_load %arg11[%swap3A_1588, %swap3A_1589] {strides = array<i32>} : memref<128x128xf32, #tpu.memory_space<vmem>>, vector<1x16xf32>,
        %swap3A_1591 = vector.shape_cast %swap3A_1590 : vector<1x16xf32> to vector<16xf32>
        %swap3A_1592 = vector.shape_cast %mul3A_1587 : vector<16xf32> to vector<1x16xf32>
        tpu.vector_store %arg11[%swap3A_1588, %swap3A_1589], %swap3A_1592 {strides = array<i32>} : memref<128x128xf32, #tpu.memory_space<vmem>>, vector<1x16xf32>,
      }
      %scan3A_191 = arith.constant 8 : i32
      %dma_start3A_192 = arith.constant 0 : i32
      %dma_start3A_193 = tpu.memref_slice %arg8[%rem3A_165, %dma_start3A_192] : memref<40x128xi32, #tpu.memory_space<vmem>> -> memref<1x128xi32, #tpu.memory_space<vmem>>
      %dma_start3A_194 = tpu.memref_squeeze %dma_start3A_193 : memref<1x128xi32, #tpu.memory_space<vmem>> -> memref<128xi32, #tpu.memory_space<vmem>>
      %dma_start3A_195 = arith.constant 0 : i32
      %dma_start3A_196 = arith.constant 0 : i32
      %dma_start3A_197 = tpu.memref_slice %arg12[%dma_start3A_195, %dma_start3A_196] : memref<10240x128xf32, #tpu.memory_space<vmem_shared>> -> memref<10240x128xf32, #tpu.memory_space<vmem_shared>>
      tpu.enqueue_indirect_dma source(%arg11 : memref<128x128xf32, #tpu.memory_space<vmem>>) target(%dma_start3A_197 : memref<10240x128xf32, #tpu.memory_space<vmem_shared>>) offsets(%dma_start3A_194 : memref<128xi32, #tpu.memory_space<vmem>>) semaphore(%arg16 : memref<!tpu.dma_semaphore, #tpu.memory_space<semaphore_mem>>) {add = true}
    }
    %scan3A_101 = arith.constant 40 : i32
    %dma_wait3A_102 = arith.constant 0 : i32
    %dma_wait3A_103 = arith.constant 0 : i32
    %dma_wait3A_104 = tpu.memref_slice %arg8[%dma_wait3A_102, %dma_wait3A_103] : memref<40x128xi32, #tpu.memory_space<vmem>> -> memref<1x128xi32, #tpu.memory_space<vmem>>
    %dma_wait3A_105 = tpu.memref_squeeze %dma_wait3A_104 : memref<1x128xi32, #tpu.memory_space<vmem>> -> memref<128xi32, #tpu.memory_space<vmem>>
    %dma_wait3A_106 = arith.constant 0 : i32
    %dma_wait3A_107 = arith.constant 0 : i32
    %dma_wait3A_108 = tpu.memref_slice %arg12[%dma_wait3A_106, %dma_wait3A_107] : memref<10240x128xf32, #tpu.memory_space<vmem_shared>> -> memref<10240x128xf32, #tpu.memory_space<vmem_shared>>
    tpu.wait_indirect_dma semaphore(%arg15 : memref<!tpu.dma_semaphore, #tpu.memory_space<semaphore_mem>>) src(%arg10 : memref<128x128xf32, #tpu.memory_space<vmem>>) dst(%dma_wait3A_108 : memref<10240x128xf32, #tpu.memory_space<vmem_shared>>)
    %dma_wait3A_109 = arith.constant 0 : i32
    %dma_wait3A_110 = arith.constant 0 : i32
    %dma_wait3A_111 = tpu.memref_slice %arg8[%dma_wait3A_109, %dma_wait3A_110] : memref<40x128xi32, #tpu.memory_space<vmem>> -> memref<1x128xi32, #tpu.memory_space<vmem>>
    %dma_wait3A_112 = tpu.memref_squeeze %dma_wait3A_111 : memref<1x128xi32, #tpu.memory_space<vmem>> -> memref<128xi32, #tpu.memory_space<vmem>>
    %dma_wait3A_113 = arith.constant 0 : i32
    %dma_wait3A_114 = arith.constant 0 : i32
    %dma_wait3A_115 = tpu.memref_slice %arg12[%dma_wait3A_113, %dma_wait3A_114] : memref<10240x128xf32, #tpu.memory_space<vmem_shared>> -> memref<10240x128xf32, #tpu.memory_space<vmem_shared>>
    tpu.wait_indirect_dma semaphore(%arg16 : memref<!tpu.dma_semaphore, #tpu.memory_space<semaphore_mem>>) src(%arg11 : memref<128x128xf32, #tpu.memory_space<vmem>>) dst(%dma_wait3A_115 : memref<10240x128xf32, #tpu.memory_space<vmem_shared>>)
    %barrier3A_116 = arith.constant 0 : index
    tpu.barrier barrier_id(%barrier3A_116)
    %mul3A_117 = arith.constant 640 : i32
    %mul3A_118 = arith.muli %arg1, %mul3A_117 : i32
    %mul3A_119 = arith.constant 640 : i32
    %mul3A_120 = arith.muli %arg1, %mul3A_119 : i32
    "tpu.region"() ({
      %run_scoped3A = tpu.sem_alloc : memref<!tpu.dma_semaphore, #tpu.memory_space<semaphore_mem>>
      %dma_start3A_121 = arith.constant 0 : i32
      %dma_start3A_122 = tpu.memref_slice %arg6[%arg0, %mul3A_120, %dma_start3A_121] : memref<2x10240x128xf32, #tpu.memory_space<hbm>> -> memref<1x640x128xf32, #tpu.memory_space<hbm>>
      %dma_start3A_123 = tpu.memref_squeeze %dma_start3A_122 : memref<1x640x128xf32, #tpu.memory_space<hbm>> -> memref<640x128xf32, #tpu.memory_space<hbm>>
      %dma_start3A_124 = arith.constant 0 : i32
      %dma_start3A_125 = tpu.memref_slice %arg12[%mul3A_118, %dma_start3A_124] : memref<10240x128xf32, #tpu.memory_space<vmem_shared>> -> memref<640x128xf32, #tpu.memory_space<vmem_shared>>
      tpu.enqueue_dma source(%dma_start3A_125 : memref<640x128xf32, #tpu.memory_space<vmem_shared>>) target(%dma_start3A_123 : memref<640x128xf32, #tpu.memory_space<hbm>>) target_semaphore(%run_scoped3A : memref<!tpu.dma_semaphore, #tpu.memory_space<semaphore_mem>>)
      %dma_wait3A_126 = arith.constant 0 : i32
      %dma_wait3A_127 = tpu.memref_slice %arg6[%arg0, %mul3A_120, %dma_wait3A_126] : memref<2x10240x128xf32, #tpu.memory_space<hbm>> -> memref<1x640x128xf32, #tpu.memory_space<hbm>>
      %dma_wait3A_128 = tpu.memref_squeeze %dma_wait3A_127 : memref<1x640x128xf32, #tpu.memory_space<hbm>> -> memref<640x128xf32, #tpu.memory_space<hbm>>
      %dma_wait3A_129 = arith.constant 0 : i32
      %dma_wait3A_130 = tpu.memref_slice %arg12[%mul3A_118, %dma_wait3A_129] : memref<10240x128xf32, #tpu.memory_space<vmem_shared>> -> memref<640x128xf32, #tpu.memory_space<vmem_shared>>
      tpu.wait_dma2 semaphore(%run_scoped3A : memref<!tpu.dma_semaphore, #tpu.memory_space<semaphore_mem>>) src(%dma_wait3A_130 : memref<640x128xf32, #tpu.memory_space<vmem_shared>>) dst(%dma_wait3A_128 : memref<640x128xf32, #tpu.memory_space<hbm>>)
      tpu.yield
    }) : () -> ()
    return
  }
}

module attributes {stable_mosaic.version = 14 : i64} {
  func.func @body(%arg0: memref<2x10000xf32, #tpu.memory_space<vmem>>, %arg1: memref<1x10000xf32, #tpu.memory_space<vmem>>) attributes {dimension_semantics = [], scalar_prefetch = 0 : i64, scratch_operands = 0 : i64, tpu.core_type = #tpu.core_type<tc>} {
    %get3A = arith.constant 0 : index
    %get3A_0 = arith.constant 0 : index
    %get3A_1 = vector.load %arg0[%get3A, %get3A_0] : memref<2x10000xf32, #tpu.memory_space<vmem>>, vector<1x10000xf32>
    %get3A_2 = arith.constant 1 : index
    %get3A_3 = arith.constant 0 : index
    %get3A_4 = vector.load %arg0[%get3A_2, %get3A_3] : memref<2x10000xf32, #tpu.memory_space<vmem>>, vector<1x10000xf32>
    %add3A = arith.addf %get3A_1, %get3A_4 : vector<1x10000xf32>
    %add3A_5 = arith.constant 1.000000e+00 : f32
    %add3A_6 = vector.broadcast %add3A_5 : f32 to vector<1x10000xf32>
    %add3A_7 = arith.addf %add3A, %add3A_6 : vector<1x10000xf32>
    %rsqrt3A = math.rsqrt %add3A_7 : vector<1x10000xf32>
    %swap3A = arith.constant 0 : index
    %swap3A_8 = arith.constant 0 : index
    %swap3A_9 = vector.load %arg1[%swap3A, %swap3A_8] : memref<1x10000xf32, #tpu.memory_space<vmem>>, vector<1x10000xf32>
    tpu.vector_store %arg1[%swap3A, %swap3A_8], %rsqrt3A {strides = array<i32>} : memref<1x10000xf32, #tpu.memory_space<vmem>>, vector<1x10000xf32>,
    return
  }
}

module attributes {stable_mosaic.version = 14 : i64} {
  func.func @body(%arg0: i32, %arg1: memref<1000x128xf32, #tpu.memory_space<vmem>>, %arg2: memref<128x128xf32, #tpu.memory_space<vmem>>, %arg3: memref<1000x1xf32, #tpu.memory_space<vmem>>, %arg4: memref<1000x128xf32, #tpu.memory_space<vmem>>) attributes {dimension_semantics = [#tpu.dimension_semantics<arbitrary>], iteration_bounds = array<i64: 10>, scalar_prefetch = 0 : i64, scratch_operands = 0 : i64, tpu.core_type = #tpu.core_type<tc>, window_params = [{transform_indices = @transform_0, window_bounds = array<i64: 1000, 128>}, {pipeline_mode = #tpu.pipeline_mode<synchronous>, transform_indices = @transform_1, window_bounds = array<i64: 128, 128>}, {transform_indices = @transform_2, window_bounds = array<i64: 1000, 1>}, {transform_indices = @transform_3, window_bounds = array<i64: 1000, 128>}]} {
    %get3A = arith.constant 0 : index
    %get3A_0 = arith.constant 0 : index
    %get3A_1 = vector.load %arg3[%get3A, %get3A_0] : memref<1000x1xf32, #tpu.memory_space<vmem>>, vector<1000x1xf32>
    %get3A_2 = arith.constant 0 : index
    %get3A_3 = arith.constant 0 : index
    %get3A_4 = vector.load %arg1[%get3A_2, %get3A_3] : memref<1000x128xf32, #tpu.memory_space<vmem>>, vector<1000x128xf32>
    %get3A_5 = arith.constant 0 : index
    %get3A_6 = arith.constant 0 : index
    %get3A_7 = vector.load %arg2[%get3A_5, %get3A_6] : memref<128x128xf32, #tpu.memory_space<vmem>>, vector<128x128xf32>
    %dot_general3A = arith.constant dense<0.000000e+00> : vector<1000x128xf32>
    %dot_general3A_8 = tpu.matmul %get3A_4, %get3A_7, %dot_general3A {dimension_numbers = #tpu.dot_dimension_numbers<[1], [0], [0], [1], [0, 0, 1, 1], [], []>, transpose_lhs_hint = false} : vector<1000x128xf32>, vector<128x128xf32>, vector<1000x128xf32> -> vector<1000x128xf32>
    %mul3A = vector.broadcast %get3A_1 : vector<1000x1xf32> to vector<1000x128xf32>
    %mul3A_9 = arith.mulf %mul3A, %dot_general3A_8 : vector<1000x128xf32>
    %swap3A = arith.constant 0 : index
    %swap3A_10 = arith.constant 0 : index
    %swap3A_11 = vector.load %arg4[%swap3A, %swap3A_10] : memref<1000x128xf32, #tpu.memory_space<vmem>>, vector<1000x128xf32>
    tpu.vector_store %arg4[%swap3A, %swap3A_10], %mul3A_9 {strides = array<i32>} : memref<1000x128xf32, #tpu.memory_space<vmem>>, vector<1000x128xf32>,
    return
  }
  func.func @transform_0(%arg0: i32) -> (i32, i32) {
    %c0_i32 = arith.constant 0 : i32
    %c0_i32_0 = arith.constant 0 : i32
    return %arg0, %c0_i32 : i32, i32
  }
  func.func @transform_1(%arg0: i32) -> (i32, i32) {
    %c0_i32 = arith.constant 0 : i32
    %c0_i32_0 = arith.constant 0 : i32
    %c0_i32_1 = arith.constant 0 : i32
    return %c0_i32, %c0_i32_0 : i32, i32
  }
  func.func @transform_2(%arg0: i32) -> (i32, i32) {
    %c0_i32 = arith.constant 0 : i32
    %c0_i32_0 = arith.constant 0 : i32
    return %arg0, %c0_i32 : i32, i32
  }
  func.func @transform_3(%arg0: i32) -> (i32, i32) {
    %c0_i32 = arith.constant 0 : i32
    %c0_i32_0 = arith.constant 0 : i32
    return %arg0, %c0_i32 : i32, i32
  }
}

module attributes {stable_mosaic.version = 14 : i64} {
  func.func @body(%arg0: i32, %arg1: memref<2x1000x128xf32, #tpu.memory_space<vmem>>, %arg2: memref<1000x128xf32, #tpu.memory_space<vmem>>, %arg3: memref<1000x128xf32, #tpu.memory_space<vmem>>, %arg4: memref<1000x1xf32, #tpu.memory_space<vmem>>, %arg5: memref<1000x1xi32, #tpu.memory_space<vmem>>, %arg6: memref<1x128xf32, #tpu.memory_space<vmem>>, %arg7: memref<128x128xf32, #tpu.memory_space<vmem>>, %arg8: memref<128x128xf32, #tpu.memory_space<vmem>>, %arg9: memref<1x128xf32, #tpu.memory_space<vmem>>, %arg10: memref<128x128xf32, #tpu.memory_space<vmem>>, %arg11: memref<1x1xf32, #tpu.memory_space<vmem>>, %arg12: memref<1000x128xf32, #tpu.memory_space<vmem>>, %arg13: memref<1000x128xf32, #tpu.memory_space<vmem>>, %arg14: memref<64x128xf32, #tpu.memory_space<vmem>>) attributes {dimension_semantics = [#tpu.dimension_semantics<arbitrary>], iteration_bounds = array<i64: 10>, scalar_prefetch = 0 : i64, scratch_operands = 0 : i64, tpu.core_type = #tpu.core_type<tc>, window_params = [{transform_indices = @transform_0, window_bounds = array<i64: 2, 1000, 128>}, {transform_indices = @transform_1, window_bounds = array<i64: 1000, 128>}, {transform_indices = @transform_2, window_bounds = array<i64: 1000, 128>}, {transform_indices = @transform_3, window_bounds = array<i64: 1000, 1>}, {transform_indices = @transform_4, window_bounds = array<i64: 1000, 1>}, {pipeline_mode = #tpu.pipeline_mode<synchronous>, transform_indices = @transform_5, window_bounds = array<i64: 1, 128>}, {pipeline_mode = #tpu.pipeline_mode<synchronous>, transform_indices = @transform_6, window_bounds = array<i64: 128, 128>}, {pipeline_mode = #tpu.pipeline_mode<synchronous>, transform_indices = @transform_7, window_bounds = array<i64: 128, 128>}, {pipeline_mode = #tpu.pipeline_mode<synchronous>, transform_indices = @transform_8, window_bounds = array<i64: 1, 128>}, {pipeline_mode = #tpu.pipeline_mode<synchronous>, transform_indices = @transform_9, window_bounds = array<i64: 128, 128>}, {pipeline_mode = #tpu.pipeline_mode<synchronous>, transform_indices = @transform_10, window_bounds = array<i64: 1, 1>}, {transform_indices = @transform_11, window_bounds = array<i64: 1000, 128>}, {transform_indices = @transform_12, window_bounds = array<i64: 1000, 128>}, {pipeline_mode = #tpu.pipeline_mode<synchronous>, transform_indices = @transform_13, window_bounds = array<i64: 64, 128>}]} {
    %get3A = arith.constant 0 : index
    %get3A_0 = arith.constant 0 : index
    %get3A_1 = arith.constant 0 : index
    %get3A_2 = vector.load %arg1[%get3A, %get3A_0, %get3A_1] : memref<2x1000x128xf32, #tpu.memory_space<vmem>>, vector<1x1000x128xf32>
    %get3A_3 = vector.shape_cast %get3A_2 : vector<1x1000x128xf32> to vector<1000x128xf32>
    %get3A_4 = arith.constant 1 : index
    %get3A_5 = arith.constant 0 : index
    %get3A_6 = arith.constant 0 : index
    %get3A_7 = vector.load %arg1[%get3A_4, %get3A_5, %get3A_6] : memref<2x1000x128xf32, #tpu.memory_space<vmem>>, vector<1x1000x128xf32>
    %get3A_8 = vector.shape_cast %get3A_7 : vector<1x1000x128xf32> to vector<1000x128xf32>
    %add3A = arith.addf %get3A_3, %get3A_8 : vector<1000x128xf32>
    %get3A_9 = arith.constant 0 : index
    %get3A_10 = arith.constant 0 : index
    %get3A_11 = vector.load %arg4[%get3A_9, %get3A_10] : memref<1000x1xf32, #tpu.memory_space<vmem>>, vector<1000x1xf32>
    %get3A_12 = arith.constant 0 : index
    %get3A_13 = arith.constant 0 : index
    %get3A_14 = vector.load %arg11[%get3A_12, %get3A_13] : memref<1x1xf32, #tpu.memory_space<vmem>>, vector<1x1xf32>
    %get3A_15 = arith.constant 0 : index
    %get3A_16 = arith.constant 0 : index
    %get3A_17 = vector.load %arg2[%get3A_15, %get3A_16] : memref<1000x128xf32, #tpu.memory_space<vmem>>, vector<1000x128xf32>
    %add3A_18 = arith.addf %add3A, %get3A_17 : vector<1000x128xf32>
    %mul3A = vector.broadcast %get3A_11 : vector<1000x1xf32> to vector<1000x128xf32>
    %mul3A_19 = arith.mulf %mul3A, %add3A_18 : vector<1000x128xf32>
    %get3A_20 = arith.constant 0 : index
    %get3A_21 = arith.constant 0 : index
    %get3A_22 = vector.load %arg6[%get3A_20, %get3A_21] : memref<1x128xf32, #tpu.memory_space<vmem>>, vector<1x128xf32>
    %add3A_23 = vector.broadcast %get3A_22 : vector<1x128xf32> to vector<1000x128xf32>
    %add3A_24 = arith.addf %mul3A_19, %add3A_23 : vector<1000x128xf32>
    %max3A = arith.constant 0.000000e+00 : f32
    %max3A_25 = vector.broadcast %max3A : f32 to vector<1000x128xf32>
    %max3A_26 = arith.maximumf %add3A_24, %max3A_25 : vector<1000x128xf32>
    %get3A_27 = arith.constant 0 : index
    %get3A_28 = arith.constant 0 : index
    %get3A_29 = vector.load %arg3[%get3A_27, %get3A_28] : memref<1000x128xf32, #tpu.memory_space<vmem>>, vector<1000x128xf32>
    %get3A_30 = arith.constant 0 : index
    %get3A_31 = arith.constant 0 : index
    %get3A_32 = vector.load %arg7[%get3A_30, %get3A_31] : memref<128x128xf32, #tpu.memory_space<vmem>>, vector<128x128xf32>
    %dot_general3A = arith.constant dense<0.000000e+00> : vector<1000x128xf32>
    %dot_general3A_33 = tpu.matmul %get3A_29, %get3A_32, %dot_general3A {dimension_numbers = #tpu.dot_dimension_numbers<[1], [0], [0], [1], [0, 0, 1, 1], [], []>, transpose_lhs_hint = false} : vector<1000x128xf32>, vector<128x128xf32>, vector<1000x128xf32> -> vector<1000x128xf32>
    %get3A_34 = arith.constant 0 : index
    %get3A_35 = arith.constant 0 : index
    %get3A_36 = vector.load %arg8[%get3A_34, %get3A_35] : memref<128x128xf32, #tpu.memory_space<vmem>>, vector<128x128xf32>
    %dot_general3A_37 = arith.constant dense<0.000000e+00> : vector<1000x128xf32>
    %dot_general3A_38 = tpu.matmul %max3A_26, %get3A_36, %dot_general3A_37 {dimension_numbers = #tpu.dot_dimension_numbers<[1], [0], [0], [1], [0, 0, 1, 1], [], []>, transpose_lhs_hint = false} : vector<1000x128xf32>, vector<128x128xf32>, vector<1000x128xf32> -> vector<1000x128xf32>
    %add3A_39 = arith.addf %dot_general3A_33, %dot_general3A_38 : vector<1000x128xf32>
    %get3A_40 = arith.constant 0 : index
    %get3A_41 = arith.constant 0 : index
    %get3A_42 = vector.load %arg9[%get3A_40, %get3A_41] : memref<1x128xf32, #tpu.memory_space<vmem>>, vector<1x128xf32>
    %add3A_43 = vector.broadcast %get3A_42 : vector<1x128xf32> to vector<1000x128xf32>
    %add3A_44 = arith.addf %add3A_39, %add3A_43 : vector<1000x128xf32>
    %max3A_45 = arith.constant 0.000000e+00 : f32
    %max3A_46 = vector.broadcast %max3A_45 : f32 to vector<1000x128xf32>
    %max3A_47 = arith.maximumf %add3A_44, %max3A_46 : vector<1000x128xf32>
    %sub3A = arith.subf %max3A_47, %max3A_26 : vector<1000x128xf32>
    %mul3A_48 = vector.broadcast %get3A_14 : vector<1x1xf32> to vector<1000x128xf32>
    %mul3A_49 = arith.mulf %mul3A_48, %sub3A : vector<1000x128xf32>
    %add3A_50 = arith.addf %max3A_26, %mul3A_49 : vector<1000x128xf32>
    %swap3A = arith.constant 0 : index
    %swap3A_51 = arith.constant 0 : index
    %swap3A_52 = vector.load %arg12[%swap3A, %swap3A_51] : memref<1000x128xf32, #tpu.memory_space<vmem>>, vector<1000x128xf32>
    tpu.vector_store %arg12[%swap3A, %swap3A_51], %max3A_26 {strides = array<i32>} : memref<1000x128xf32, #tpu.memory_space<vmem>>, vector<1000x128xf32>,
    %get3A_53 = arith.constant 0 : index
    %get3A_54 = arith.constant 0 : index
    %get3A_55 = vector.load %arg10[%get3A_53, %get3A_54] : memref<128x128xf32, #tpu.memory_space<vmem>>, vector<128x128xf32>
    %dot_general3A_56 = arith.constant dense<0.000000e+00> : vector<1000x128xf32>
    %dot_general3A_57 = tpu.matmul %add3A_50, %get3A_55, %dot_general3A_56 {dimension_numbers = #tpu.dot_dimension_numbers<[1], [0], [0], [1], [0, 0, 1, 1], [], []>, transpose_lhs_hint = false} : vector<1000x128xf32>, vector<128x128xf32>, vector<1000x128xf32> -> vector<1000x128xf32>
    %mul3A_58 = vector.broadcast %get3A_11 : vector<1000x1xf32> to vector<1000x128xf32>
    %mul3A_59 = arith.mulf %mul3A_58, %dot_general3A_57 : vector<1000x128xf32>
    %swap3A_60 = arith.constant 0 : index
    %swap3A_61 = arith.constant 0 : index
    %swap3A_62 = vector.load %arg13[%swap3A_60, %swap3A_61] : memref<1000x128xf32, #tpu.memory_space<vmem>>, vector<1000x128xf32>
    tpu.vector_store %arg13[%swap3A_60, %swap3A_61], %mul3A_59 {strides = array<i32>} : memref<1000x128xf32, #tpu.memory_space<vmem>>, vector<1000x128xf32>,
    %iota3A = tpu.iota {dimensions = array<i32: 1>} : vector<1000x64xi32>
    %get3A_63 = arith.constant 0 : index
    %get3A_64 = arith.constant 0 : index
    %get3A_65 = vector.load %arg5[%get3A_63, %get3A_64] : memref<1000x1xi32, #tpu.memory_space<vmem>>, vector<1000x1xi32>
    %eq3A = vector.broadcast %get3A_65 : vector<1000x1xi32> to vector<1000x64xi32>
    %eq3A_66 = arith.cmpi eq, %eq3A, %iota3A : vector<1000x64xi32>
    %convert_element_type3A = arith.extui %eq3A_66 : vector<1000x64xi1> to vector<1000x64xi32>
    %convert_element_type3A_67 = arith.sitofp %convert_element_type3A : vector<1000x64xi32> to vector<1000x64xf32>
    %eq3A_68 = arith.constant 0 : i32
    %eq3A_69 = arith.cmpi eq, %arg0, %eq3A_68 : i32
    %convert_element_type3A_70 = arith.extui %eq3A_69 : i1 to i32
    %cond3A = arith.constant 0 : i32
    %cond3A_71 = arith.cmpi ne, %convert_element_type3A_70, %cond3A : i32
    scf.if %cond3A_71 {
      %broadcast_in_dim3A = arith.constant 0.000000e+00 : f32
      %broadcast_in_dim3A_83 = vector.broadcast %broadcast_in_dim3A : f32 to vector<64x128xf32>
      %swap3A_84 = arith.constant 0 : index
      %swap3A_85 = arith.constant 0 : index
      %swap3A_86 = vector.load %arg14[%swap3A_84, %swap3A_85] : memref<64x128xf32, #tpu.memory_space<vmem>>, vector<64x128xf32>
      tpu.vector_store %arg14[%swap3A_84, %swap3A_85], %broadcast_in_dim3A_83 {strides = array<i32>} : memref<64x128xf32, #tpu.memory_space<vmem>>, vector<64x128xf32>,
    } else {
    }
    %get3A_72 = arith.constant 0 : index
    %get3A_73 = arith.constant 0 : index
    %get3A_74 = vector.load %arg14[%get3A_72, %get3A_73] : memref<64x128xf32, #tpu.memory_space<vmem>>, vector<64x128xf32>
    %mul3A_75 = vector.broadcast %get3A_14 : vector<1x1xf32> to vector<1000x128xf32>
    %mul3A_76 = arith.mulf %mul3A_75, %max3A_47 : vector<1000x128xf32>
    %dot_general3A_77 = arith.constant dense<0.000000e+00> : vector<64x128xf32>
    %dot_general3A_78 = tpu.matmul %convert_element_type3A_67, %mul3A_76, %dot_general3A_77 {dimension_numbers = #tpu.dot_dimension_numbers<[0], [0], [1], [1], [0, 1, 1, 1], [], []>, transpose_lhs_hint = false} : vector<1000x64xf32>, vector<1000x128xf32>, vector<64x128xf32> -> vector<64x128xf32>
    %add3A_79 = arith.addf %get3A_74, %dot_general3A_78 : vector<64x128xf32>
    %swap3A_80 = arith.constant 0 : index
    %swap3A_81 = arith.constant 0 : index
    %swap3A_82 = vector.load %arg14[%swap3A_80, %swap3A_81] : memref<64x128xf32, #tpu.memory_space<vmem>>, vector<64x128xf32>
    tpu.vector_store %arg14[%swap3A_80, %swap3A_81], %add3A_79 {strides = array<i32>} : memref<64x128xf32, #tpu.memory_space<vmem>>, vector<64x128xf32>,
    return
  }
  func.func @transform_0(%arg0: i32) -> (i32, i32, i32) {
    %c0_i32 = arith.constant 0 : i32
    %c0_i32_0 = arith.constant 0 : i32
    %c0_i32_1 = arith.constant 0 : i32
    return %c0_i32, %arg0, %c0_i32_0 : i32, i32, i32
  }
  func.func @transform_1(%arg0: i32) -> (i32, i32) {
    %c0_i32 = arith.constant 0 : i32
    %c0_i32_0 = arith.constant 0 : i32
    return %arg0, %c0_i32 : i32, i32
  }
  func.func @transform_2(%arg0: i32) -> (i32, i32) {
    %c0_i32 = arith.constant 0 : i32
    %c0_i32_0 = arith.constant 0 : i32
    return %arg0, %c0_i32 : i32, i32
  }
  func.func @transform_3(%arg0: i32) -> (i32, i32) {
    %c0_i32 = arith.constant 0 : i32
    %c0_i32_0 = arith.constant 0 : i32
    return %arg0, %c0_i32 : i32, i32
  }
  func.func @transform_4(%arg0: i32) -> (i32, i32) {
    %c0_i32 = arith.constant 0 : i32
    %c0_i32_0 = arith.constant 0 : i32
    return %arg0, %c0_i32 : i32, i32
  }
  func.func @transform_5(%arg0: i32) -> (i32, i32) {
    %c0_i32 = arith.constant 0 : i32
    %c0_i32_0 = arith.constant 0 : i32
    %c0_i32_1 = arith.constant 0 : i32
    return %c0_i32, %c0_i32_0 : i32, i32
  }
  func.func @transform_6(%arg0: i32) -> (i32, i32) {
    %c0_i32 = arith.constant 0 : i32
    %c0_i32_0 = arith.constant 0 : i32
    %c0_i32_1 = arith.constant 0 : i32
    return %c0_i32, %c0_i32_0 : i32, i32
  }
  func.func @transform_7(%arg0: i32) -> (i32, i32) {
    %c0_i32 = arith.constant 0 : i32
    %c0_i32_0 = arith.constant 0 : i32
    %c0_i32_1 = arith.constant 0 : i32
    return %c0_i32, %c0_i32_0 : i32, i32
  }
  func.func @transform_8(%arg0: i32) -> (i32, i32) {
    %c0_i32 = arith.constant 0 : i32
    %c0_i32_0 = arith.constant 0 : i32
    %c0_i32_1 = arith.constant 0 : i32
    return %c0_i32, %c0_i32_0 : i32, i32
  }
  func.func @transform_9(%arg0: i32) -> (i32, i32) {
    %c0_i32 = arith.constant 0 : i32
    %c0_i32_0 = arith.constant 0 : i32
    %c0_i32_1 = arith.constant 0 : i32
    return %c0_i32, %c0_i32_0 : i32, i32
  }
  func.func @transform_10(%arg0: i32) -> (i32, i32) {
    %c0_i32 = arith.constant 0 : i32
    %c0_i32_0 = arith.constant 0 : i32
    %c0_i32_1 = arith.constant 0 : i32
    return %c0_i32, %c0_i32_0 : i32, i32
  }
  func.func @transform_11(%arg0: i32) -> (i32, i32) {
    %c0_i32 = arith.constant 0 : i32
    %c0_i32_0 = arith.constant 0 : i32
    return %arg0, %c0_i32 : i32, i32
  }
  func.func @transform_12(%arg0: i32) -> (i32, i32) {
    %c0_i32 = arith.constant 0 : i32
    %c0_i32_0 = arith.constant 0 : i32
    return %arg0, %c0_i32 : i32, i32
  }
  func.func @transform_13(%arg0: i32) -> (i32, i32) {
    %c0_i32 = arith.constant 0 : i32
    %c0_i32_0 = arith.constant 0 : i32
    %c0_i32_1 = arith.constant 0 : i32
    return %c0_i32, %c0_i32_0 : i32, i32
  }
}

module attributes {stable_mosaic.version = 14 : i64} {
  func.func @body(%arg0: memref<64x128xf32, #tpu.memory_space<vmem>>, %arg1: memref<64x128xf32, #tpu.memory_space<vmem>>, %arg2: memref<64x128xf32, #tpu.memory_space<vmem>>, %arg3: memref<1x384xf32, #tpu.memory_space<vmem>>, %arg4: memref<1x384xf32, #tpu.memory_space<vmem>>, %arg5: memref<384x128xf32, #tpu.memory_space<vmem>>, %arg6: memref<1x128xf32, #tpu.memory_space<vmem>>, %arg7: memref<128x16xf32, #tpu.memory_space<vmem>>, %arg8: memref<1x16xf32, #tpu.memory_space<vmem>>, %arg9: memref<64x16xf32, #tpu.memory_space<vmem>>) attributes {dimension_semantics = [], scalar_prefetch = 0 : i64, scratch_operands = 0 : i64, tpu.core_type = #tpu.core_type<tc>} {
    %get3A = arith.constant 0 : index
    %get3A_0 = arith.constant 0 : index
    %get3A_1 = vector.load %arg0[%get3A, %get3A_0] : memref<64x128xf32, #tpu.memory_space<vmem>>, vector<64x128xf32>
    %get3A_2 = arith.constant 0 : index
    %get3A_3 = arith.constant 0 : index
    %get3A_4 = vector.load %arg1[%get3A_2, %get3A_3] : memref<64x128xf32, #tpu.memory_space<vmem>>, vector<64x128xf32>
    %get3A_5 = arith.constant 0 : index
    %get3A_6 = arith.constant 0 : index
    %get3A_7 = vector.load %arg2[%get3A_5, %get3A_6] : memref<64x128xf32, #tpu.memory_space<vmem>>, vector<64x128xf32>
    %concatenate3A = tpu.concatenate %get3A_1, %get3A_4, %get3A_7 in 1 : vector<64x128xf32>, vector<64x128xf32>, vector<64x128xf32> -> vector<64x384xf32>
    %get3A_8 = arith.constant 0 : index
    %get3A_9 = arith.constant 0 : index
    %get3A_10 = vector.load %arg3[%get3A_8, %get3A_9] : memref<1x384xf32, #tpu.memory_space<vmem>>, vector<1x384xf32>
    %mul3A = vector.broadcast %get3A_10 : vector<1x384xf32> to vector<64x384xf32>
    %mul3A_11 = arith.mulf %mul3A, %concatenate3A : vector<64x384xf32>
    %mul3A_12 = arith.constant 0.999994993 : f32
    %mul3A_13 = vector.broadcast %mul3A_12 : f32 to vector<64x384xf32>
    %mul3A_14 = arith.mulf %mul3A_11, %mul3A_13 : vector<64x384xf32>
    %get3A_15 = arith.constant 0 : index
    %get3A_16 = arith.constant 0 : index
    %get3A_17 = vector.load %arg4[%get3A_15, %get3A_16] : memref<1x384xf32, #tpu.memory_space<vmem>>, vector<1x384xf32>
    %add3A = vector.broadcast %get3A_17 : vector<1x384xf32> to vector<64x384xf32>
    %add3A_18 = arith.addf %mul3A_14, %add3A : vector<64x384xf32>
    %get3A_19 = arith.constant 0 : index
    %get3A_20 = arith.constant 0 : index
    %get3A_21 = vector.load %arg5[%get3A_19, %get3A_20] : memref<384x128xf32, #tpu.memory_space<vmem>>, vector<384x128xf32>
    %dot_general3A = arith.constant dense<0.000000e+00> : vector<64x128xf32>
    %dot_general3A_22 = tpu.matmul %add3A_18, %get3A_21, %dot_general3A {dimension_numbers = #tpu.dot_dimension_numbers<[1], [0], [0], [1], [0, 0, 1, 1], [], []>, transpose_lhs_hint = false} : vector<64x384xf32>, vector<384x128xf32>, vector<64x128xf32> -> vector<64x128xf32>
    %get3A_23 = arith.constant 0 : index
    %get3A_24 = arith.constant 0 : index
    %get3A_25 = vector.load %arg6[%get3A_23, %get3A_24] : memref<1x128xf32, #tpu.memory_space<vmem>>, vector<1x128xf32>
    %add3A_26 = vector.broadcast %get3A_25 : vector<1x128xf32> to vector<64x128xf32>
    %add3A_27 = arith.addf %dot_general3A_22, %add3A_26 : vector<64x128xf32>
    %max3A = arith.constant 0.000000e+00 : f32
    %max3A_28 = vector.broadcast %max3A : f32 to vector<64x128xf32>
    %max3A_29 = arith.maximumf %add3A_27, %max3A_28 : vector<64x128xf32>
    %get3A_30 = arith.constant 0 : index
    %get3A_31 = arith.constant 0 : index
    %get3A_32 = vector.load %arg7[%get3A_30, %get3A_31] : memref<128x16xf32, #tpu.memory_space<vmem>>, vector<128x16xf32>
    %dot_general3A_33 = arith.constant dense<0.000000e+00> : vector<64x16xf32>
    %dot_general3A_34 = tpu.matmul %max3A_29, %get3A_32, %dot_general3A_33 {dimension_numbers = #tpu.dot_dimension_numbers<[1], [0], [0], [1], [0, 0, 1, 1], [], []>, transpose_lhs_hint = false} : vector<64x128xf32>, vector<128x16xf32>, vector<64x16xf32> -> vector<64x16xf32>
    %get3A_35 = arith.constant 0 : index
    %get3A_36 = arith.constant 0 : index
    %get3A_37 = vector.load %arg8[%get3A_35, %get3A_36] : memref<1x16xf32, #tpu.memory_space<vmem>>, vector<1x16xf32>
    %add3A_38 = vector.broadcast %get3A_37 : vector<1x16xf32> to vector<64x16xf32>
    %add3A_39 = arith.addf %dot_general3A_34, %add3A_38 : vector<64x16xf32>
    %reduce_max3A = arith.constant dense<0xFF800000> : vector<64xf32>
    %reduce_max3A_40 = vector.multi_reduction <maximumf>, %add3A_39, %reduce_max3A [1] : vector<64x16xf32> to vector<64xf32>
    %broadcast_in_dim3A = vector.shape_cast %reduce_max3A_40 : vector<64xf32> to vector<64x1xf32>
    %sub3A = vector.broadcast %broadcast_in_dim3A : vector<64x1xf32> to vector<64x16xf32>
    %sub3A_41 = arith.subf %add3A_39, %sub3A : vector<64x16xf32>
    %exp3A = math.exp %sub3A_41 : vector<64x16xf32>
    %reduce_sum3A = arith.constant dense<0.000000e+00> : vector<64xf32>
    %reduce_sum3A_42 = vector.multi_reduction <add>, %exp3A, %reduce_sum3A [1] : vector<64x16xf32> to vector<64xf32>
    %broadcast_in_dim3A_43 = vector.shape_cast %reduce_sum3A_42 : vector<64xf32> to vector<64x1xf32>
    %div3A = vector.broadcast %broadcast_in_dim3A_43 : vector<64x1xf32> to vector<64x16xf32>
    %div3A_44 = arith.divf %exp3A, %div3A : vector<64x16xf32>
    %swap3A = arith.constant 0 : index
    %swap3A_45 = arith.constant 0 : index
    %swap3A_46 = vector.load %arg9[%swap3A, %swap3A_45] : memref<64x16xf32, #tpu.memory_space<vmem>>, vector<64x16xf32>
    tpu.vector_store %arg9[%swap3A, %swap3A_45], %div3A_44 {strides = array<i32>} : memref<64x16xf32, #tpu.memory_space<vmem>>, vector<64x16xf32>,
    return
  }
}

</mosaic_0001>

<sc_bundles>
// kernel: body.14.cloned.1.call-start
scs
__scs_entry_jumppad:
0x0: {  	(pc) =	sbr.rel $0x88, $3  }
0x1: {  	(tag) =	ssettag $0x0;
	lr =	simm.s32 $0x1  }
0x2: {  	[smem:$0x3F85] =	sst lr;
	_ =	strace $0xD0000000  }
0x3: {  	_ = 	snop  }
0x4: {  	_ = 	snop  }
0x5: {  	_ = 	snop  }
0x6: {  	_ = 	snop  }
0x7: {  	_ = 	snop  }
__scs_overlays_trampoline_lowered:
0x8: {  	[smem:$0x3F94] =	sst s0  }
0x9: {  	[smem:$0x3F95] =	sst s1  }
0xa: {  	[smem:$0x3F96] =	sst s2  }
0xb: {  	[smem:$0x3F97] =	sst s3  }
0xc: {  	[smem:$0x3F98] =	sst s4  }
0xd: {  	[smem:$0x3F99] =	sst s5  }
0xe: {  	[smem:$0x3F9A] =	sst s6  }
0xf: {  	[smem:$0x3F9B] =	sst s7  }
0x10: {  	[smem:$0x3F9C] =	sst s8  }
0x11: {  	[smem:$0x3F9D] =	sst s9;
	s0 =	simm.s32 @!p0 $0x0  }
0x12: {  	s1 =	sld [smem:$0x3F83];
	s0 =	simm.s32 @p0 $0x1  }
0x13: {  	[smem:$0x3F9E] =	sst s0;
	s0 =	simm.s32 @!p1 $0x0  }
0x14: {  	s2 =	sld [smem:$0x3F82];
	s0 =	simm.s32 @p1 $0x1  }
0x15: {  	[smem:$0x3F9F] =	sst s0;
	s0 =	simm.s32 @!p2 $0x0  }
0x16: {  	s3 =	sld [smem:$0x3FDB];
	s0 =	simm.s32 @p2 $0x1  }
0x17: {  	s4 =	simm.s32 $0x1BF5;
	[smem:$0x3FA1] =	sst s0  }
0x18: {  	s0 =	sld [smem:$0x3F84];
	_ =	swait.ge [sflag:s4], $0x0  }
0x19: {  	s7 =	sld [smem:$0x3F85]  }
0x1a: {  	s8 =	sadd.s32 $0xFFFFE003, lr  }
0x1b: {  	s9 =	sadd.s32 $0xFFFFFEF7, lr;
	s5 =	simm.s32 $0xFFFFFFFF;
	p2 =	slt.u32 s8, $0xFFFFF086  }
0x1c: {  	p1 =	slt.u32 s9, $0xF7A;
	s5 =	simm.s32 @!p2 $0x0  }
0x1d: {  	s5 =	simm.s32 @p1 $0x1;
	p0 =	seq.s32 s7, s2  }
0x1e: {  	s7 =	smul.u32 @!p0 $0xF7A, s2;
	p2 =	seq.s32 @!p0 s5, $0x0  }
0x1f: {  	s9 =	smul.u32 $0xF7A, s1;
	s8 =	simm.s32 @!p0 $0x1BF5;
	p2 =	por !p2, p0  }
0x20: {  	[sflag:s8] =	ssyncset.s32 @!p0 $0xFFFFF086;
	s6 =	sadd.s32 @!p0 s3, s7;
	s7 =	simm.s32 @!p0 $0x108  }
0x21: {  	s3 =	sadd.s32 s3, s9;
	s6 =	sadd.s32 @!p0 $0x88, s6;
	s7 =	simm.s32 @p2 $0x1082  }
0x22: {  	[simem:s7], [sflag:s8] =	dma.local @!p0 [hbm:s6], $0xF7A  }
0x23: {  	s9 =	sor.u32 $0xD0000000, s2;
	s6 =	simm.s32 $0x108;
	_ =	swait.ge @!p0 [sflag:s8], $0x0  }
0x24: {  	s3 =	sadd.s32 $0x88, s3;
	s6 =	simm.s32 @!p1 $0x1082;
	[sflag:s4] =	ssyncset.s32 $0xFFFFF086  }
0x25: {  	[simem:s6], [sflag:s4] =	dma.local [hbm:s3], $0xF7A  }
0x26: {  	[smem:$0x3F85] =	sst s1;
	(tag) =	ssettag s2;
	_ =	strace s9  }
0x27: {  	s1 =	sld [smem:$0x3F95]  }
0x28: {  	s2 =	sld [smem:$0x3F96]  }
0x29: {  	s4 =	sld [smem:$0x3F98]  }
0x2a: {  	p0 =	seq.s32 s5, $0x0;
	s5 =	sld [smem:$0x3F99]  }
0x2b: {  	s6 =	sld [smem:$0x3F9A]  }
0x2c: {  	s7 =	sld [smem:$0x3F9B]  }
0x2d: {  	s3 =	simm.s32 $0x108;
	s8 =	sld [smem:$0x3F9C]  }
0x2e: {  	s3 =	simm.s32 @!p0 $0x1082;
	s9 =	sld [smem:$0x3F9D]  }
0x2f: {  	lr =	sadd.s32 s0, s3;
	s0 =	sld [smem:$0x3F94]  }
0x30: {  	s3 =	sld [smem:$0x3F97]  }
0x31: {  	[smem:$0x3FA0] =	sst s10  }
0x32: {  	s10 =	sld [smem:$0x3F9E];
	_ =	sdelay $0x3  }
0x33: {  	p0 =	seq.s32 s10, $0x1;
	s10 =	sld [smem:$0x3FA0];
	_ =	sdelay $0x3  }
0x34: {  	[smem:$0x3FA0] =	sst s10  }
0x35: {  	s10 =	sld [smem:$0x3F9F];
	_ =	sdelay $0x3  }
0x36: {  	p1 =	seq.s32 s10, $0x1;
	s10 =	sld [smem:$0x3FA0];
	_ =	sdelay $0x3  }
0x37: {  	[smem:$0x3FA0] =	sst s10  }
0x38: {  	s10 =	sld [smem:$0x3FA1]  }
0x39: {  	_ = 	snop;
	(pc) =	sbr.ind lr, $3  }
0x3a: {  	_ = 	snop  }
0x3b: {  	_ = 	snop  }
0x3c: {  	p2 =	seq.s32 s10, $0x1;
	s10 =	sld [smem:$0x3FA0]  }
0x3d: {  	_ =	shalt  }
0x3e: {  	_ =	shalt  }
0x3f: {  	_ =	shalt  }
0x40: {  	_ =	shalt  }
0x41: {  	_ =	shalt  }
0x42: {  	_ =	shalt  }
0x43: {  	_ =	shalt  }
0x44: {  	_ =	shalt  }
0x45: {  	_ =	shalt  }
0x46: {  	_ =	shalt  }
0x47: {  	_ =	shalt  }
0x48: {  	_ =	shalt  }
0x49: {  	_ =	shalt  }
0x4a: {  	_ =	shalt  }
0x4b: {  	_ =	shalt  }
0x4c: {  	_ =	shalt  }
0x4d: {  	_ =	shalt  }
0x4e: {  	_ =	shalt  }
0x4f: {  	_ =	shalt  }
0x50: {  	_ =	shalt  }
0x51: {  	_ =	shalt  }
0x52: {  	_ =	shalt  }
0x53: {  	_ =	shalt  }
0x54: {  	_ =	shalt  }
0x55: {  	_ =	shalt  }
0x56: {  	_ =	shalt  }
0x57: {  	_ =	shalt  }
0x58: {  	_ =	shalt  }
0x59: {  	_ =	shalt  }
0x5a: {  	_ =	shalt  }
0x5b: {  	_ =	shalt  }
0x5c: {  	_ =	shalt  }
0x5d: {  	_ =	shalt  }
0x5e: {  	_ =	shalt  }
0x5f: {  	_ =	shalt  }
0x60: {  	_ =	shalt  }
0x61: {  	_ =	shalt  }
0x62: {  	_ =	shalt  }
0x63: {  	_ =	shalt  }
0x64: {  	_ =	shalt  }
0x65: {  	_ =	shalt  }
0x66: {  	_ =	shalt  }
0x67: {  	_ =	shalt  }
0x68: {  	_ =	shalt  }
0x69: {  	_ =	shalt  }
0x6a: {  	_ =	shalt  }
0x6b: {  	_ =	shalt  }
0x6c: {  	_ =	shalt  }
0x6d: {  	_ =	shalt  }
0x6e: {  	_ =	shalt  }
0x6f: {  	_ =	shalt  }
0x70: {  	_ =	shalt  }
0x71: {  	_ =	shalt  }
0x72: {  	_ =	shalt  }
0x73: {  	_ =	shalt  }
0x74: {  	_ =	shalt  }
0x75: {  	_ =	shalt  }
0x76: {  	_ =	shalt  }
0x77: {  	_ =	shalt  }
0x78: {  	_ =	shalt  }
0x79: {  	_ =	shalt  }
0x7a: {  	_ =	shalt  }
0x7b: {  	_ =	shalt  }
0x7c: {  	_ =	shalt  }
0x7d: {  	_ =	shalt  }
0x7e: {  	_ =	shalt  }
0x7f: {  	_ =	shalt  }
0x80: {  	_ =	shalt  }
0x81: {  	_ =	shalt  }
0x82: {  	_ =	shalt  }
0x83: {  	_ =	shalt  }
0x84: {  	_ =	shalt  }
0x85: {  	_ =	shalt  }
0x86: {  	_ =	shalt  }
0x87: {  	_ =	shalt  }
.Lfunc_end0:
.L_simem_size_0:
called_computation_lowered:
.L_overlay_start_0:
0x88: {  	s2 =	sld [smem:$0x3FD9]  }
0x89: {  	s3 =	sld [smem:$0x3FFE];
	_ =	sdelay $0x1  }
0x8a: {  	s1 =	srdreg.scid  }
0x8b: {  	s0 =	sand.u32 $0x1, s1  }
0x8c: {  	s16 =	sshll.u32 s0, $0xA;
	s2 =	sadd.s32 s3, s2  }
0x8d: {  	s2 =	sadd.s32 s2, s16  }
0x8e: {  	[smem:$0x3FAC] =	sst s2  }
0x8f: {  	_ = 	snop  }
0x90: {  	(tm) =	ssettm $0x1  }
0x91: {  	s17 =	sld [smem:$0x3FFB];
	_ =	sdelay $0x3  }
0x92: {  	_ =	strace s17  }
0x93: {  	s2 =	sld [smem:$0x3FFC];
	_ =	sdelay $0x3  }
0x94: {  	_ =	strace s2  }
0x95: {  	s2 =	sld [smem:$0x3FFD];
	_ =	sdelay $0x3  }
0x96: {  	_ =	strace s2  }
0x97: {  	_ =	strace $0x8FFFFFFF  }
0x98: {  	s18 =	sld [smem:$0x3FDB];
	_ =	sdelay $0x1  }
0x99: {  	s19 =	simm.s32 $_scs_section_size  }
0x9a: {  	s4 =	simm.s32 $_size__tile_overlayer_lowered;
	s5 =	simm.s32 $_tile_overlayer_lowered  }
0x9b: {  	s22 =	simm.s32 $0x1BFF;
	s21 =	sshll.u32 s5, $0x1;
	s2 =	sadd.s32 s19, s18  }
0x9c: {  	s6 =	simm.s32 $0x0;
	s20 =	sshll.u32 s4, $0x1;
	s4 =	sadd.s32 s21, s2  }
0x9d: {  	[timem:s6], [sflag:s22] =	dma.local [hbm:s4], s20  }
0x9e: {  	_ =	swait.ge [sflag:s22], s20  }
0x9f: {  	s3 =	ssub.s32 $0x0, s20;
	[sflag:s22] =	ssyncset.done $0x0  }
0xa0: {  	[sflag:s22] =	ssyncadd.s32 s3;
	_ =	sdelay $0x1  }
0xa1: {  	s23 =	simm.s32 $0x1B8B  }
0xa2: {  	_ =	swait.ge [sflag:s23], $0x1  }
0xa3: {  	[sflag:s23] =	ssyncset.done $0x0  }
0xa4: {  	s25 =	simm.s32 $0x1B8E;
	s24 =	sld [smem:$0x3FFE];
	[sflag:s23] =	ssyncadd.s32 $0xFFFFFFFF  }
0xa5: {  	s26 =	simm.s32 $execute0_lowered;
	[smem:$0x3FD2] =	sst s25  }
0xa6: {  	s4 =	sshll.u32 s26, $0x1;
	_ =	strace $0x80000049;
	[dreg:$0x1] =	wrdreg $0xFFFFFFFF  }
0xa7: {  	s28 =	simm.s32 $_size_execute0_lowered;
	s2 =	sadd.s32 s2, s4;
	[dreg:$0x0] =	wrdreg $0x0  }
0xa8: {  	s4 =	sshll.u32 s28, $0x1;
	[dreg:$0x2] =	wrdreg s2  }
0xa9: {  	[dreg:$0x3] =	wrdreg s4  }
0xaa: {  	[dreg:$0x4] =	wrdreg $0xC0  }
0xab: {  	_ =	task [dreg:s6], $0x5FFFF  }
0xac: {  	[dreg:$0x1] =	wrdreg $0xFFFFFFFF  }
0xad: {  	[dreg:$0x0] =	wrdreg $0x60  }
0xae: {  	[dreg:$0x2] =	wrdreg s24  }
0xaf: {  	[dreg:$0x3] =	wrdreg $0xBC000  }
0xb0: {  	[dreg:$0x4] =	wrdreg $0x9  }
0xb1: {  	_ =	task.clear_ibuf [dreg:s6], $0x5FFFF;
	_ =	strace $0x90000049  }
0xb2: {  	s29 =	simm.s32 $0x9;
	_ =	strace $0x8000004B  }
0xb3: {  	_ =	swait.ge [sflag:s29], $0x1  }
0xb4: {  	[sflag:s29] =	ssyncadd.s32 $0xFFFFFFFF  }
0xb5: {  	_ =	strace $0x9000004B  }
0xb6: {  	_ =	sfence  }
0xb7: {  	s30 =	sld [smem:$0x0];
	_ =	sdelay $0x2  }
0xb8: {  	s31 =	sshll.u32 s1, $0xD;
	s1 =	sshrl.u32 s1, $0x2  }
0xb9: {  	s3 =	sand.u32 $0x4000, s31;
	s1 =	sadd.s32 s1, s30  }
0xba: {  	s0 =	sor.u32 s3, s0;
	s1 =	sshll.u32 s1, $0x11  }
0xbb: {  	s0 =	sor.u32 s1, s0  }
0xbc: {  	s0 =	sadd.s32 $0x8F2B, s0  }
0xbd: {  	[sflag:s0] =	ssyncadd.remote.s32 $0x1  }
0xbe: {  	_ =	sfence.sel $0xFFFF  }
0xbf: {  	[dreg:$0x0] =	wrdreg $0xFFFFFFFF;
	(pc) =	sbr.abs _section_cstart, $3  }
0xc0: {  	[dreg:$0x1] =	wrdreg $0xFFFFFFFF  }
0xc1: {  	_ =	task.clear_ibuf [dreg:s6], $0x2FFFF;
	_ =	strace $0x9FFFFFFF  }
0xc2: {  	(tm) =	ssettm $0x7FFFFFFF  }
0xc3: {  	_ =	shalt  }
tec
execute0_lowered:
.L_overlay_start_1:
0x0: {  	(tag) =	ssettag $0x1  }
0x1: {  	s0 =	rddreg [dreg:$0x0]  }
0x2: {  	s1 =	rddreg [dreg:$0x1];
	s2 =	srdreg.scid;
	s3 =	simm.s32 $0x0  }
0x3: {  	s11 =	stileid.u32;
	s19 =	simm.s32 $0x3C00;
	s20 =	simm.s32 $0x1  }
0x4: {  	s21 =	simm.s32 $0x5;
	s24 =	simm.s32 $0x80;
	s25 =	simm.s32 $0x7C00  }
0x5: {  	s26 =	simm.s32 $0x2;
	s28 =	simm.s32 $0x3;
	s29 =	simm.s32 $0x4  }
0x6: {  	s2 =	sand.u32 $0x1, s2;
	[smem:$0x7FF] =	sst s3;
	s7 =	smul.u32 $0x14000, s11  }
0x7: {  	s4 =	sadd.s32 $0x79C00, s0;
	s9 =	smul.u32 $0x50000, s11;
	s11 =	sshll.u32 s11, $0x1  }
0x8: {  	s6 =	smul.u32 $0x140000, s2;
	s30 =	ssub.s32 $0x2, s2;
	s2 =	sor.u32 s2, s11  }
0x9: {  	s5 =	sadd.s32 $0x6FC00, s0;
	_ =	strace $0x8000004A;
	s16 =	smul.u32 $0x500, s2  }
0xa: {  	s10 =	sshrl.u32 s30, $0x1;
	s9 =	sshrl.u32 s9, $0x2;
	s13 =	smul.u32 $0x50, s2  }
0xb: {  	s7 =	sadd.s32 s7, s6;
	s6 =	sadd.s32 $0x6200, s0;
	s18 =	ssub.s32 s30, s10  }
0xc: {  	s8 =	sshrl.u32 s7, $0x3;
	s7 =	sadd.s32 $0x10200, s0;
	s14 =	sadd.s32 s5, s16  }
0xd: {  	s15 =	sadd.s32 s6, s16;
	s0 =	sadd.s32 s8, s0;
	s8 =	sadd.s32 s9, s1  }
0xe: {  	s18 =	smax.u32 s18, $0x1;
	s16 =	sadd.s32 s7, s16;
	s9 =	sadd.s32 $0x4000, s8  }
0xf: {  	s31 =	sadd.s32 $0x8000, s8;
	s11 =	sadd.s32 $0xC000, s8;
	[dreg:$0x3] =	wrdreg s9  }
0x10: {  	v0 =	vimm.f32 $0.0e+00;
	s12 =	sadd.s32 $0x10000, s8;
	s17 =	sadd.s32 $0xA0E00, s0;
	[dreg:$0x4] =	wrdreg s31  }
.LBB2_1:
0x11: {  	s0 =	simm.s32 $0x0;
	s2 =	simm.s32 $0x200  }
.LBB2_2:
0x12: {  	p0 =	sne.s32 s2, $0xFE00;
	[tilespmem:s0+$0x3C70] =	vst v0  }
0x13: {  	[tilespmem:s0+$0x3C00] =	vst v0  }
0x14: {  	[tilespmem:s0+$0x3C10] =	vst v0  }
.Ltmp0:
0x15: {  	[tilespmem:s0+$0x3C20] =	vst v0;
	(pc) =	sbr.rel @p0 .LBB2_2-.Ltmp0, $4  }
0x16: {  	[tilespmem:s0+$0x3C30] =	vst v0  }
0x17: {  	[tilespmem:s0+$0x3C40] =	vst v0  }
0x18: {  	[tilespmem:s0+$0x3C50] =	vst v0  }
0x19: {  	[tilespmem:s0+$0x3C60] =	vst v0;
	s0 =	sshra.s32 s2, $0x2;
	s2 =	sadd.s32 $0x200, s2  }
0x1a: {  	[tilespmem:s0+$0x3C70] =	vst v0  }
0x1b: {  	[tilespmem:s0+$0x3C00] =	vst v0  }
0x1c: {  	[tilespmem:s0+$0x3C10] =	vst v0  }
0x1d: {  	[tilespmem:s0+$0x3C20] =	vst v0  }
0x1e: {  	[tilespmem:s0+$0x3C30] =	vst v0  }
0x1f: {  	[tilespmem:s0+$0x3C40] =	vst v0  }
0x20: {  	[tilespmem:s0+$0x3C50] =	vst v0  }
0x21: {  	[tilespmem:s0+$0x3C60] =	vst v0  }
0x22: {  	[spmem:s8] =	stream.linear.scatter [tilespmem:s19], [sflag:$0x1], $0x4000, $0x38;
	[tilespmem:$0x1FC00] =	vst v63  }
0x23: {  	s10 =	rddreg [dreg:$0x3]  }
0x24: {  	[spmem:s10] =	stream.linear.scatter [tilespmem:s19], [sflag:$0x1], $0x4000, $0x38;
	[tilespmem:$0x1FC00] =	vst v63  }
0x25: {  	s22 =	rddreg [dreg:$0x4]  }
0x26: {  	[spmem:s22] =	stream.linear.scatter [tilespmem:s19], [sflag:$0x1], $0x4000, $0x38;
	[tilespmem:$0x1FC00] =	vst v63  }
0x27: {  	_ = 	snop  }
0x28: {  	[spmem:s11] =	stream.linear.scatter [tilespmem:s19], [sflag:$0x1], $0x4000, $0x38;
	[tilespmem:$0x1FC00] =	vst v63  }
0x29: {  	_ = 	snop  }
0x2a: {  	[spmem:s12] =	stream.linear.scatter [tilespmem:s19], [sflag:$0x1], $0x4000, $0x38;
	[tilespmem:$0x1FC00] =	vst v63  }
0x2b: {  	_ =	swait.ge [sflag:s20], $0x4000  }
0x2c: {  	[sflag:s20] =	ssyncset.done $0x0  }
0x2d: {  	[sflag:s20] =	ssyncadd.s32 $0xFFFFC000  }
0x2e: {  	_ =	swait.ge [sflag:s20], $0x4000  }
0x2f: {  	[sflag:s20] =	ssyncset.done $0x0  }
0x30: {  	[sflag:s20] =	ssyncadd.s32 $0xFFFFC000  }
0x31: {  	_ =	swait.ge [sflag:s20], $0x4000  }
0x32: {  	[sflag:s20] =	ssyncset.done $0x0  }
0x33: {  	[sflag:s20] =	ssyncadd.s32 $0xFFFFC000  }
0x34: {  	_ =	swait.ge [sflag:s20], $0x4000  }
0x35: {  	[sflag:s20] =	ssyncset.done $0x0  }
0x36: {  	[sflag:s20] =	ssyncadd.s32 $0xFFFFC000  }
0x37: {  	_ =	swait.ge [sflag:s20], $0x4000  }
0x38: {  	[sflag:s20] =	ssyncset.done $0x0  }
0x39: {  	[sflag:s20] =	ssyncadd.s32 $0xFFFFC000  }
0x3a: {  	s30 =	simm.s32 $0x0;
	[bflag:$0x0] =	sbarrier.arrive $0xFFFF  }
0x3b: {  	[tilespmem:s30], [sflag:$0x5] =	stream.linear.gather [hbm4b:s14+s30], $0x1400, $0x38;
	[tilespmem:$0x1FC00] =	vst v63  }
0x3c: {  	_ =	swait.ge [sflag:s21], $0x1400  }
0x3d: {  	[sflag:s21] =	ssyncset.done $0x0  }
0x3e: {  	s23 =	simm.s32 $0x1400;
	[sflag:s21] =	ssyncadd.s32 $0xFFFFEC00  }
0x3f: {  	[tilespmem:s23], [sflag:$0x5] =	stream.linear.gather [hbm4b:s15+s30], $0x1400, $0x38;
	[tilespmem:$0x1FC00] =	vst v63  }
0x40: {  	_ =	swait.ge [sflag:s21], $0x1400  }
0x41: {  	[sflag:s21] =	ssyncset.done $0x0  }
0x42: {  	s31 =	simm.s32 $0x2800;
	[sflag:s21] =	ssyncadd.s32 $0xFFFFEC00  }
0x43: {  	[tilespmem:s31], [sflag:$0x5] =	stream.linear.gather [hbm4b:s16+s30], $0x1400, $0x38;
	[tilespmem:$0x1FC00] =	vst v63  }
0x44: {  	_ =	swait.ge [sflag:s21], $0x1400  }
0x45: {  	[sflag:s21] =	ssyncset.done $0x0  }
0x46: {  	[sflag:s21] =	ssyncadd.s32 $0xFFFFEC00  }
0x47: {  	[tilespmem:s19], [sflag:$0x1] =	stream.indirect.gather [hbm4b:s4+s24], $0x80, s30, s24, $0xb8;
	[tilespmem:$0x1FC00] =	vst v63  }
.LBB2_4:
0x48: {  	s31 =	sshll.u32 s30, $0x1  }
0x49: {  	p0 =	slt.u32 s30, $0x14;
	s0 =	sadd.s32 $0xFFFFFFD8, s31  }
0x4a: {  	p1 =	seq.s32 s30, $0x0;
	s0 =	smov.u32 @p0 s31  }
0x4b: {  	p2 =	sne.s32 @!p1 s0, $0x0  }
0x4c: {  	p1 =	por p2, p1  }
0x4d: {  	s2 =	simm.s32 @!p1 $0x4  }
0x4e: {  	_ =	swait.ge @!p1 [sflag:s2], $0x4000  }
0x4f: {  	[sflag:s2] =	ssyncset.done @!p1 $0x0  }
0x50: {  	[sflag:s2] =	ssyncadd.s32 @!p1 $0xFFFFC000;
	s2 =	sadd.s32 @!p1 s13, s31  }
0x51: {  	s22 =	simm.s32 @!p1 $0x3;
	s23 =	sshll.u32 @!p1 s30, $0x5;
	s2 =	sshll.u32 @!p1 s2, $0x4  }
0x52: {  	s23 =	sand.u32 @!p1 $0x60, s23;
	_ =	swait.ge @!p1 [sflag:s22], $0x4000;
	s2 =	sand.u32 @!p1 $0xFFFFF80, s2  }
0x53: {  	[sflag:s22] =	ssyncset.done @!p1 $0x0;
	s2 =	sor.u32 @!p1 s23, s2  }
0x54: {  	[sflag:s22] =	ssyncadd.s32 @!p1 $0xFFFFC000;
	s23 =	simm.s32 @!p1 $0x0;
	s22 =	sadd.s32 @!p1 s5, s2  }
0x55: {  	[tilespmem:s23], [sflag:$0x5] =	stream.linear.gather @!p1 [hbm4b:s22+s23], $0x1400, $0x38;
	[tilespmem:$0x1FC00] =	vst v63  }
0x56: {  	s22 =	simm.s32 @!p1 $0x5  }
0x57: {  	_ =	swait.ge @!p1 [sflag:s22], $0x1400  }
0x58: {  	[sflag:s22] =	ssyncset.done @!p1 $0x0  }
0x59: {  	s10 =	simm.s32 @!p1 $0x1400;
	s9 =	sadd.s32 @!p1 s6, s2;
	[sflag:s22] =	ssyncadd.s32 @!p1 $0xFFFFEC00  }
0x5a: {  	[tilespmem:s10], [sflag:$0x5] =	stream.linear.gather @!p1 [hbm4b:s9+s23], $0x1400, $0x38;
	[tilespmem:$0x1FC00] =	vst v63  }
0x5b: {  	_ =	swait.ge @!p1 [sflag:s22], $0x1400  }
0x5c: {  	[sflag:s22] =	ssyncset.done @!p1 $0x0  }
0x5d: {  	s2 =	sadd.s32 @!p1 s7, s2;
	s9 =	simm.s32 @!p1 $0x2800;
	[sflag:s22] =	ssyncadd.s32 @!p1 $0xFFFFEC00  }
0x5e: {  	[tilespmem:s9], [sflag:$0x5] =	stream.linear.gather @!p1 [hbm4b:s2+s23], $0x1400, $0x38;
	[tilespmem:$0x1FC00] =	vst v63  }
0x5f: {  	_ =	swait.ge @!p1 [sflag:s22], $0x1400  }
0x60: {  	[sflag:s22] =	ssyncset.done @!p1 $0x0  }
0x61: {  	s2 =	simm.s32 @!p1 $0x80;
	s9 =	simm.s32 @!p1 $0x3C00;
	[sflag:s22] =	ssyncadd.s32 @!p1 $0xFFFFEC00  }
0x62: {  	[tilespmem:s9], [sflag:$0x1] =	stream.indirect.gather @!p1 [hbm4b:s4+s2], $0x80, s23, s2, $0xb8;
	[tilespmem:$0x1FC00] =	vst v63  }
0x63: {  	_ =	swait.ge [sflag:s20], $0x4000  }
0x64: {  	p1 =	seq.s32 s0, $0x0;
	[sflag:s20] =	ssyncset.done $0x0  }
0x65: {  	s2 =	simm.s32 @!p1 $0x4;
	[sflag:s20] =	ssyncadd.s32 $0xFFFFC000  }
0x66: {  	s0 =	sshll.u32 s0, $0x9;
	_ =	swait.ge @!p1 [sflag:s2], $0x4000  }
0x67: {  	s22 =	sshrl.u32 s0, $0x2;
	[sflag:s2] =	ssyncset.done @!p1 $0x0  }
0x68: {  	s0 =	sadd.s32 $0x80, s22;
	s23 =	sadd.s32 $0x2800, s22;
	[sflag:s2] =	ssyncadd.s32 @!p1 $0xFFFFC000  }
0x69: {  	v1 =	vmov s23;
	[tilespmem:s25], [sflag:$0x2] =	stream.indirect.gather [hbm4b:s4+s24], $0x80, s0, s24, $0xb8;
	[tilespmem:$0x1FC00] =	vst v63  }
0x6a: {  	s2 =	sor.u32 $0x1, s31;
	s0 =	sadd.s32 $0xFFFFFFD9, s31  }
0x6b: {  	s23 =	simm.s32 $0x0;
	s0 =	smov.u32 @p0 s2  }
.LBB2_5:
0x6c: {  	s2 =	sshll.u32 s23, $0x4  }
0x6d: {  	s2 =	sand.u32 $0x3FFFFFF0, s2  }
0x6e: {  	s10 =	sshll.u32 s23, $0xB;
	v2 =	vld.idx.msk [tilespmem:v1+s2+$0x0 ss:$0x1], $0xffff  }
0x6f: {  	s2 =	sand.u32 $0x3FFFF800, s10  }
0x70: {  	v3 =	vld [tilespmem:s2+$0x3C00]  }
0x71: {  	v4 =	vld [tilespmem:s2+$0x3C10]  }
0x72: {  	v5 =	vld [tilespmem:s2+$0x3C20]  }
0x73: {  	v7 =	vld [tilespmem:s2+$0x3C30];
	v6 =	vbroadcast v2, $0x0  }
0x74: {  	v8 =	vld [tilespmem:s2+$0x3C40]  }
0x75: {  	v9 =	vld [tilespmem:s2+$0x3C50];
	v3 =	vmul.f32 v6, v3  }
0x76: {  	v10 =	vld [tilespmem:s2+$0x3C60];
	v4 =	vmul.f32 v4, v6  }
0x77: {  	v24 =	vld [tilespmem:s2+$0x3C70];
	[tilespmem:s2+$0x3C00] =	vst v3;
	v3 =	vmul.f32 v5, v6  }
0x78: {  	v26 =	vld [tilespmem:s2+$0x3C80];
	v25 =	vmul.f32 v7, v6;
	[tilespmem:s2+$0x3C10] =	vst v4  }
0x79: {  	v27 =	vld [tilespmem:s2+$0x3C90];
	[tilespmem:s2+$0x3C20] =	vst v3;
	v3 =	vmul.f32 v8, v6  }
0x7a: {  	v29 =	vld [tilespmem:s2+$0x3CA0];
	v28 =	vmul.f32 v9, v6;
	[tilespmem:s2+$0x3C30] =	vst v25  }
0x7b: {  	v11 =	vld [tilespmem:s2+$0x3CB0];
	v30 =	vbroadcast v2, $0x1;
	[tilespmem:s2+$0x3C40] =	vst v3;
	v3 =	vmul.f32 v10, v6  }
0x7c: {  	v32 =	vld [tilespmem:s2+$0x3CC0];
	v31 =	vmul.f32 v24, v6;
	[tilespmem:s2+$0x3C50] =	vst v28  }
0x7d: {  	v33 =	vld [tilespmem:s2+$0x3CD0];
	[tilespmem:s2+$0x3C60] =	vst v3;
	v3 =	vmul.f32 v26, v30  }
0x7e: {  	v35 =	vld [tilespmem:s2+$0x3CE0];
	v34 =	vmul.f32 v27, v30;
	[tilespmem:s2+$0x3C70] =	vst v31  }
0x7f: {  	v36 =	vld [tilespmem:s2+$0x3CF0];
	[tilespmem:s2+$0x3C80] =	vst v3;
	v3 =	vmul.f32 v29, v30  }
0x80: {  	v38 =	vld [tilespmem:s2+$0x3D00];
	v37 =	vmul.f32 v11, v30;
	[tilespmem:s2+$0x3C90] =	vst v34  }
0x81: {  	v39 =	vld [tilespmem:s2+$0x3D10];
	[tilespmem:s2+$0x3CA0] =	vst v3;
	v3 =	vmul.f32 v32, v30  }
0x82: {  	v41 =	vld [tilespmem:s2+$0x3D20];
	v40 =	vmul.f32 v33, v30;
	[tilespmem:s2+$0x3CB0] =	vst v37  }
0x83: {  	v43 =	vld [tilespmem:s2+$0x3D30];
	v42 =	vbroadcast v2, $0x2;
	[tilespmem:s2+$0x3CC0] =	vst v3;
	v3 =	vmul.f32 v35, v30  }
0x84: {  	v45 =	vld [tilespmem:s2+$0x3D40];
	v44 =	vmul.f32 v36, v30;
	[tilespmem:s2+$0x3CD0] =	vst v40  }
0x85: {  	v46 =	vld [tilespmem:s2+$0x3D50];
	[tilespmem:s2+$0x3CE0] =	vst v3;
	v3 =	vmul.f32 v38, v42  }
0x86: {  	v48 =	vld [tilespmem:s2+$0x3D60];
	v47 =	vmul.f32 v39, v42;
	[tilespmem:s2+$0x3CF0] =	vst v44  }
0x87: {  	v49 =	vld [tilespmem:s2+$0x3D70];
	[tilespmem:s2+$0x3D00] =	vst v3;
	v3 =	vmul.f32 v41, v42  }
0x88: {  	v51 =	vld [tilespmem:s2+$0x3D80];
	v50 =	vmul.f32 v43, v42;
	[tilespmem:s2+$0x3D10] =	vst v47  }
0x89: {  	v52 =	vld [tilespmem:s2+$0x3D90];
	[tilespmem:s2+$0x3D20] =	vst v3;
	v3 =	vmul.f32 v45, v42  }
0x8a: {  	v54 =	vld [tilespmem:s2+$0x3DA0];
	v53 =	vmul.f32 v46, v42;
	[tilespmem:s2+$0x3D30] =	vst v50  }
0x8b: {  	v56 =	vld [tilespmem:s2+$0x3DB0];
	v55 =	vbroadcast v2, $0x3;
	[tilespmem:s2+$0x3D40] =	vst v3;
	v3 =	vmul.f32 v48, v42  }
0x8c: {  	v58 =	vld [tilespmem:s2+$0x3DC0];
	v57 =	vmul.f32 v49, v42;
	[tilespmem:s2+$0x3D50] =	vst v53  }
0x8d: {  	v59 =	vld [tilespmem:s2+$0x3DD0];
	[tilespmem:s2+$0x3D60] =	vst v3;
	v3 =	vmul.f32 v51, v55  }
0x8e: {  	v61 =	vld [tilespmem:s2+$0x3DE0];
	v60 =	vmul.f32 v52, v55;
	[tilespmem:s2+$0x3D70] =	vst v57  }
0x8f: {  	v62 =	vld [tilespmem:s2+$0x3DF0];
	[tilespmem:s2+$0x3D80] =	vst v3;
	v3 =	vmul.f32 v54, v55  }
0x90: {  	v12 =	vld [tilespmem:s2+$0x3E00];
	v63 =	vmul.f32 v56, v55;
	[tilespmem:s2+$0x3D90] =	vst v60  }
0x91: {  	v13 =	vld [tilespmem:s2+$0x3E10];
	[tilespmem:s2+$0x3DA0] =	vst v3;
	v3 =	vmul.f32 v58, v55  }
0x92: {  	v15 =	vld [tilespmem:s2+$0x3E20];
	v14 =	vmul.f32 v59, v55;
	[tilespmem:s2+$0x3DB0] =	vst v63  }
0x93: {  	v17 =	vld [tilespmem:s2+$0x3E30];
	v16 =	vbroadcast v2, $0x4;
	[tilespmem:s2+$0x3DC0] =	vst v3;
	v3 =	vmul.f32 v61, v55  }
0x94: {  	v19 =	vld [tilespmem:s2+$0x3E40];
	v18 =	vmul.f32 v62, v55;
	[tilespmem:s2+$0x3DD0] =	vst v14  }
0x95: {  	v20 =	vld [tilespmem:s2+$0x3E50];
	[tilespmem:s2+$0x3DE0] =	vst v3;
	v3 =	vmul.f32 v12, v16  }
0x96: {  	v22 =	vld [tilespmem:s2+$0x3E60];
	v21 =	vmul.f32 v13, v16;
	[tilespmem:s2+$0x3DF0] =	vst v18  }
0x97: {  	v23 =	vld [tilespmem:s2+$0x3E70];
	[tilespmem:s2+$0x3E00] =	vst v3;
	v3 =	vmul.f32 v15, v16  }
0x98: {  	v24 =	vmul.f32 v17, v16;
	[tilespmem:s2+$0x3E10] =	vst v21;
	v25 =	vld [tilespmem:s2+$0x3E80]  }
0x99: {  	v33 =	vld [tilespmem:s2+$0x3ED0];
	[tilespmem:s2+$0x3E20] =	vst v3;
	v3 =	vmul.f32 v19, v16  }
0x9a: {  	v27 =	vmul.f32 v20, v16;
	[tilespmem:s2+$0x3E30] =	vst v24;
	v28 =	vld [tilespmem:s2+$0x3EA0]  }
0x9b: {  	v36 =	vld [tilespmem:s2+$0x3EF0];
	v29 =	vbroadcast v2, $0x5;
	[tilespmem:s2+$0x3E40] =	vst v3;
	v3 =	vmul.f32 v22, v16  }
0x9c: {  	[tilespmem:s2+$0x3E50] =	vst v27;
	v31 =	vmul.f32 v23, v16;
	v32 =	vld [tilespmem:s2+$0x3EC0]  }
0x9d: {  	v26 =	vld [tilespmem:s2+$0x3E90];
	[tilespmem:s2+$0x3E60] =	vst v3;
	v3 =	vmul.f32 v25, v29  }
0x9e: {  	[tilespmem:s2+$0x3E70] =	vst v31;
	v40 =	vmul.f32 v33, v29;
	v35 =	vld [tilespmem:s2+$0x3EE0]  }
0x9f: {  	v30 =	vld [tilespmem:s2+$0x3EB0];
	[tilespmem:s2+$0x3E80] =	vst v3;
	v3 =	vmul.f32 v28, v29  }
0xa0: {  	v44 =	vmul.f32 v36, v29;
	[tilespmem:s2+$0x3ED0] =	vst v40;
	v38 =	vld [tilespmem:s2+$0x3F00]  }
0xa1: {  	v39 =	vld [tilespmem:s2+$0x3F10];
	[tilespmem:s2+$0x3EA0] =	vst v3;
	v3 =	vmul.f32 v32, v29  }
0xa2: {  	v34 =	vmul.f32 v26, v29;
	[tilespmem:s2+$0x3EF0] =	vst v44;
	v41 =	vld [tilespmem:s2+$0x3F20]  }
0xa3: {  	v43 =	vld [tilespmem:s2+$0x3F30];
	v42 =	vbroadcast v2, $0x6;
	[tilespmem:s2+$0x3EC0] =	vst v3;
	v3 =	vmul.f32 v35, v29  }
0xa4: {  	[tilespmem:s2+$0x3E90] =	vst v34;
	v37 =	vmul.f32 v30, v29;
	v45 =	vld [tilespmem:s2+$0x3F40]  }
0xa5: {  	v46 =	vld [tilespmem:s2+$0x3F50];
	[tilespmem:s2+$0x3EE0] =	vst v3;
	v3 =	vmul.f32 v38, v42  }
0xa6: {  	[tilespmem:s2+$0x3EB0] =	vst v37;
	v48 =	vld [tilespmem:s2+$0x3F60];
	v47 =	vmul.f32 v39, v42  }
0xa7: {  	v49 =	vld [tilespmem:s2+$0x3F70];
	[tilespmem:s2+$0x3F00] =	vst v3;
	v3 =	vmul.f32 v41, v42  }
0xa8: {  	v50 =	vmul.f32 v43, v42;
	v51 =	vld [tilespmem:s2+$0x3F80];
	[tilespmem:s2+$0x3F10] =	vst v47  }
0xa9: {  	v52 =	vld [tilespmem:s2+$0x3F90];
	[tilespmem:s2+$0x3F20] =	vst v3;
	v3 =	vmul.f32 v45, v42  }
0xaa: {  	v53 =	vmul.f32 v46, v42;
	[tilespmem:s2+$0x3F30] =	vst v50;
	v54 =	vld [tilespmem:s2+$0x3FA0]  }
0xab: {  	v56 =	vld [tilespmem:s2+$0x3FB0];
	v55 =	vbroadcast v2, $0x7;
	[tilespmem:s2+$0x3F40] =	vst v3;
	v3 =	vmul.f32 v48, v42  }
0xac: {  	v57 =	vmul.f32 v49, v42;
	[tilespmem:s2+$0x3F50] =	vst v53;
	v58 =	vld [tilespmem:s2+$0x3FC0]  }
0xad: {  	v59 =	vld [tilespmem:s2+$0x3FD0];
	[tilespmem:s2+$0x3F60] =	vst v3;
	v3 =	vmul.f32 v51, v55  }
0xae: {  	[tilespmem:s2+$0x3F70] =	vst v57;
	v61 =	vld [tilespmem:s2+$0x3FE0];
	v60 =	vmul.f32 v52, v55  }
0xaf: {  	v62 =	vld [tilespmem:s2+$0x3FF0];
	[tilespmem:s2+$0x3F80] =	vst v3;
	v3 =	vmul.f32 v54, v55  }
0xb0: {  	v63 =	vmul.f32 v56, v55;
	v12 =	vld [tilespmem:s2+$0x4000];
	[tilespmem:s2+$0x3F90] =	vst v60  }
0xb1: {  	v13 =	vld [tilespmem:s2+$0x4010];
	[tilespmem:s2+$0x3FA0] =	vst v3;
	v3 =	vmul.f32 v58, v55  }
0xb2: {  	v14 =	vmul.f32 v59, v55;
	[tilespmem:s2+$0x3FB0] =	vst v63;
	v15 =	vld [tilespmem:s2+$0x4020]  }
0xb3: {  	v17 =	vld [tilespmem:s2+$0x4030];
	v16 =	vbroadcast v2, $0x8;
	[tilespmem:s2+$0x3FC0] =	vst v3;
	v3 =	vmul.f32 v61, v55  }
0xb4: {  	v18 =	vmul.f32 v62, v55;
	[tilespmem:s2+$0x3FD0] =	vst v14;
	v19 =	vld [tilespmem:s2+$0x4040]  }
0xb5: {  	v20 =	vld [tilespmem:s2+$0x4050];
	[tilespmem:s2+$0x3FE0] =	vst v3;
	v3 =	vmul.f32 v12, v16  }
0xb6: {  	[tilespmem:s2+$0x3FF0] =	vst v18;
	v22 =	vld [tilespmem:s2+$0x4060];
	v21 =	vmul.f32 v13, v16  }
0xb7: {  	v23 =	vld [tilespmem:s2+$0x4070];
	[tilespmem:s2+$0x4000] =	vst v3;
	v3 =	vmul.f32 v15, v16  }
0xb8: {  	v24 =	vmul.f32 v17, v16;
	v25 =	vld [tilespmem:s2+$0x4080];
	[tilespmem:s2+$0x4010] =	vst v21  }
0xb9: {  	v26 =	vld [tilespmem:s2+$0x4090];
	[tilespmem:s2+$0x4020] =	vst v3;
	v3 =	vmul.f32 v19, v16  }
0xba: {  	v27 =	vmul.f32 v20, v16;
	[tilespmem:s2+$0x4030] =	vst v24;
	v28 =	vld [tilespmem:s2+$0x40A0]  }
0xbb: {  	v30 =	vld [tilespmem:s2+$0x40B0];
	v29 =	vbroadcast v2, $0x9;
	[tilespmem:s2+$0x4040] =	vst v3;
	v3 =	vmul.f32 v22, v16  }
0xbc: {  	v31 =	vmul.f32 v23, v16;
	[tilespmem:s2+$0x4050] =	vst v27;
	v32 =	vld [tilespmem:s2+$0x40C0]  }
0xbd: {  	v33 =	vld [tilespmem:s2+$0x40D0];
	[tilespmem:s2+$0x4060] =	vst v3;
	v3 =	vmul.f32 v25, v29  }
0xbe: {  	[tilespmem:s2+$0x4070] =	vst v31;
	v35 =	vld [tilespmem:s2+$0x40E0];
	v34 =	vmul.f32 v26, v29  }
0xbf: {  	v36 =	vld [tilespmem:s2+$0x40F0];
	[tilespmem:s2+$0x4080] =	vst v3;
	v3 =	vmul.f32 v28, v29  }
0xc0: {  	v37 =	vmul.f32 v30, v29;
	v38 =	vld [tilespmem:s2+$0x4100];
	[tilespmem:s2+$0x4090] =	vst v34  }
0xc1: {  	v39 =	vld [tilespmem:s2+$0x4110];
	[tilespmem:s2+$0x40A0] =	vst v3;
	v3 =	vmul.f32 v32, v29  }
0xc2: {  	v40 =	vmul.f32 v33, v29;
	[tilespmem:s2+$0x40B0] =	vst v37;
	v41 =	vld [tilespmem:s2+$0x4120]  }
0xc3: {  	v43 =	vld [tilespmem:s2+$0x4130];
	v42 =	vbroadcast v2, $0xA;
	[tilespmem:s2+$0x40C0] =	vst v3;
	v3 =	vmul.f32 v35, v29  }
0xc4: {  	v44 =	vmul.f32 v36, v29;
	[tilespmem:s2+$0x40D0] =	vst v40;
	v45 =	vld [tilespmem:s2+$0x4140]  }
0xc5: {  	v46 =	vld [tilespmem:s2+$0x4150];
	[tilespmem:s2+$0x40E0] =	vst v3;
	v3 =	vmul.f32 v38, v42  }
0xc6: {  	[tilespmem:s2+$0x40F0] =	vst v44;
	v48 =	vld [tilespmem:s2+$0x4160];
	v47 =	vmul.f32 v39, v42  }
0xc7: {  	v49 =	vld [tilespmem:s2+$0x4170];
	[tilespmem:s2+$0x4100] =	vst v3;
	v3 =	vmul.f32 v41, v42  }
0xc8: {  	v50 =	vmul.f32 v43, v42;
	v51 =	vld [tilespmem:s2+$0x4180];
	[tilespmem:s2+$0x4110] =	vst v47  }
0xc9: {  	v52 =	vld [tilespmem:s2+$0x4190];
	[tilespmem:s2+$0x4120] =	vst v3;
	v3 =	vmul.f32 v45, v42  }
0xca: {  	v53 =	vmul.f32 v46, v42;
	[tilespmem:s2+$0x4130] =	vst v50;
	v54 =	vld [tilespmem:s2+$0x41A0]  }
0xcb: {  	v56 =	vld [tilespmem:s2+$0x41B0];
	v55 =	vbroadcast v2, $0xB;
	[tilespmem:s2+$0x4140] =	vst v3;
	v3 =	vmul.f32 v48, v42  }
0xcc: {  	v57 =	vmul.f32 v49, v42;
	[tilespmem:s2+$0x4150] =	vst v53;
	v58 =	vld [tilespmem:s2+$0x41C0]  }
0xcd: {  	v59 =	vld [tilespmem:s2+$0x41D0];
	[tilespmem:s2+$0x4160] =	vst v3;
	v3 =	vmul.f32 v51, v55  }
0xce: {  	[tilespmem:s2+$0x4170] =	vst v57;
	v61 =	vld [tilespmem:s2+$0x41E0];
	v60 =	vmul.f32 v52, v55  }
0xcf: {  	v62 =	vld [tilespmem:s2+$0x41F0];
	[tilespmem:s2+$0x4180] =	vst v3;
	v3 =	vmul.f32 v54, v55  }
0xd0: {  	v63 =	vmul.f32 v56, v55;
	v12 =	vld [tilespmem:s2+$0x4200];
	[tilespmem:s2+$0x4190] =	vst v60  }
0xd1: {  	v13 =	vld [tilespmem:s2+$0x4210];
	[tilespmem:s2+$0x41A0] =	vst v3;
	v3 =	vmul.f32 v58, v55  }
0xd2: {  	v14 =	vmul.f32 v59, v55;
	[tilespmem:s2+$0x41B0] =	vst v63;
	v15 =	vld [tilespmem:s2+$0x4220]  }
0xd3: {  	v17 =	vld [tilespmem:s2+$0x4230];
	v16 =	vbroadcast v2, $0xC;
	[tilespmem:s2+$0x41C0] =	vst v3;
	v3 =	vmul.f32 v61, v55  }
0xd4: {  	v18 =	vmul.f32 v62, v55;
	[tilespmem:s2+$0x41D0] =	vst v14;
	v19 =	vld [tilespmem:s2+$0x4240]  }
0xd5: {  	v20 =	vld [tilespmem:s2+$0x4250];
	[tilespmem:s2+$0x41E0] =	vst v3;
	v3 =	vmul.f32 v12, v16  }
0xd6: {  	[tilespmem:s2+$0x41F0] =	vst v18;
	v22 =	vld [tilespmem:s2+$0x4260];
	v21 =	vmul.f32 v13, v16  }
0xd7: {  	v23 =	vld [tilespmem:s2+$0x4270];
	[tilespmem:s2+$0x4200] =	vst v3;
	v3 =	vmul.f32 v15, v16  }
0xd8: {  	v24 =	vmul.f32 v17, v16;
	v25 =	vld [tilespmem:s2+$0x4280];
	[tilespmem:s2+$0x4210] =	vst v21  }
0xd9: {  	v26 =	vld [tilespmem:s2+$0x4290];
	[tilespmem:s2+$0x4220] =	vst v3;
	v3 =	vmul.f32 v19, v16  }
0xda: {  	v27 =	vmul.f32 v20, v16;
	[tilespmem:s2+$0x4230] =	vst v24;
	v28 =	vld [tilespmem:s2+$0x42A0]  }
0xdb: {  	v30 =	vld [tilespmem:s2+$0x42B0];
	v29 =	vbroadcast v2, $0xD;
	[tilespmem:s2+$0x4240] =	vst v3;
	v3 =	vmul.f32 v22, v16  }
0xdc: {  	v31 =	vmul.f32 v23, v16;
	[tilespmem:s2+$0x4250] =	vst v27;
	v32 =	vld [tilespmem:s2+$0x42C0]  }
0xdd: {  	v33 =	vld [tilespmem:s2+$0x42D0];
	[tilespmem:s2+$0x4260] =	vst v3;
	v3 =	vmul.f32 v25, v29  }
0xde: {  	[tilespmem:s2+$0x4270] =	vst v31;
	v35 =	vld [tilespmem:s2+$0x42E0];
	v34 =	vmul.f32 v26, v29  }
0xdf: {  	v36 =	vld [tilespmem:s2+$0x42F0];
	[tilespmem:s2+$0x4280] =	vst v3;
	v3 =	vmul.f32 v28, v29  }
0xe0: {  	v37 =	vmul.f32 v30, v29;
	v38 =	vld [tilespmem:s2+$0x4300];
	[tilespmem:s2+$0x4290] =	vst v34  }
0xe1: {  	v39 =	vld [tilespmem:s2+$0x4310];
	[tilespmem:s2+$0x42A0] =	vst v3;
	v3 =	vmul.f32 v32, v29  }
0xe2: {  	v40 =	vmul.f32 v33, v29;
	[tilespmem:s2+$0x42B0] =	vst v37;
	v41 =	vld [tilespmem:s2+$0x4320]  }
0xe3: {  	v43 =	vld [tilespmem:s2+$0x4330];
	v42 =	vbroadcast v2, $0xE;
	[tilespmem:s2+$0x42C0] =	vst v3;
	v3 =	vmul.f32 v35, v29  }
0xe4: {  	v44 =	vmul.f32 v36, v29;
	[tilespmem:s2+$0x42D0] =	vst v40;
	v45 =	vld [tilespmem:s2+$0x4340]  }
0xe5: {  	v46 =	vld [tilespmem:s2+$0x4350];
	[tilespmem:s2+$0x42E0] =	vst v3;
	v3 =	vmul.f32 v38, v42  }
0xe6: {  	[tilespmem:s2+$0x42F0] =	vst v44;
	v48 =	vld [tilespmem:s2+$0x4360];
	v47 =	vmul.f32 v39, v42  }
0xe7: {  	v49 =	vld [tilespmem:s2+$0x4370];
	[tilespmem:s2+$0x4300] =	vst v3;
	v3 =	vmul.f32 v41, v42  }
0xe8: {  	v50 =	vmul.f32 v43, v42;
	v51 =	vld [tilespmem:s2+$0x4380];
	[tilespmem:s2+$0x4310] =	vst v47  }
0xe9: {  	v52 =	vld [tilespmem:s2+$0x4390];
	[tilespmem:s2+$0x4320] =	vst v3;
	v3 =	vmul.f32 v45, v42  }
0xea: {  	v53 =	vmul.f32 v46, v42;
	[tilespmem:s2+$0x4330] =	vst v50;
	v54 =	vld [tilespmem:s2+$0x43A0]  }
0xeb: {  	v2 =	vbroadcast v2, $0xF;
	v58 =	vld [tilespmem:s2+$0x43D0];
	[tilespmem:s2+$0x4340] =	vst v3;
	v3 =	vmul.f32 v48, v42  }
0xec: {  	v57 =	vld [tilespmem:s2+$0x43C0];
	v56 =	vmul.f32 v49, v42;
	[tilespmem:s2+$0x4350] =	vst v53  }
0xed: {  	v55 =	vld [tilespmem:s2+$0x43B0];
	[tilespmem:s2+$0x4360] =	vst v3;
	v3 =	vmul.f32 v51, v2  }
0xee: {  	v60 =	vld [tilespmem:s2+$0x43E0];
	v59 =	vmul.f32 v52, v2;
	[tilespmem:s2+$0x4370] =	vst v56  }
0xef: {  	v61 =	vld [tilespmem:s2+$0x43F0];
	[tilespmem:s2+$0x4380] =	vst v3;
	v3 =	vmul.f32 v54, v2  }
0xf0: {  	[tilespmem:s2+$0x4390] =	vst v59;
	v63 =	vmul.f32 v58, v2  }
0xf1: {  	p0 =	sne.s32 s23, $0x7;
	[tilespmem:s2+$0x43A0] =	vst v3;
	v3 =	vmul.f32 v57, v2  }
.Ltmp1:
0xf2: {  	v62 =	vmul.f32 v55, v2;
	[tilespmem:s2+$0x43D0] =	vst v63;
	(pc) =	sbr.rel @p0 .LBB2_5-.Ltmp1, $4  }
0xf3: {  	[tilespmem:s2+$0x43C0] =	vst v3;
	v3 =	vmul.f32 v60, v2  }
0xf4: {  	[tilespmem:s2+$0x43B0] =	vst v62;
	v2 =	vmul.f32 v61, v2  }
0xf5: {  	[tilespmem:s2+$0x43E0] =	vst v3  }
0xf6: {  	s23 =	sadd.s32 $0x1, s23;
	[tilespmem:s2+$0x43F0] =	vst v2  }
0xf7: {  	s2 =	sadd.s32 $0x2, s31  }
0xf8: {  	s9 =	smulhi.u32 $0x66666667, s2;
	_ =	sdelay $0x1  }
0xf9: {  	s9 =	sshrl.u32 s9, $0x4  }
0xfa: {  	s10 =	sadd.s32 $0x1400, s22;
	s9 =	smul.u32 $0x28, s9  }
0xfb: {  	[spmem:s1] =	stream.indirect.scatter.add.f32 [tilespmem:s19], [sflag:$0x3], $0x80, s10, s24, $0xb8;
	[tilespmem:$0x1FC00] =	vst v63  }
0xfc: {  	p0 =	seq.s32 s30, $0x27;
	_ =	swait.ge [sflag:s26], $0x4000;
	s2 =	ssub.s32 s2, s9  }
0xfd: {  	[sflag:s26] =	ssyncset.done $0x0;
	p1 =	sne.s32 @!p0 s2, $0x0  }
0xfe: {  	[sflag:s26] =	ssyncadd.s32 $0xFFFFC000;
	s2 =	sshll.u32 s0, $0x9;
	p0 =	por p0, !p1  }
0xff: {  	_ =	swait.ge @!p0 [sflag:s28], $0x4000;
	s2 =	sshll.u32 @!p0 s0, $0x9  }
0x100: {  	[sflag:s28] =	ssyncset.done @!p0 $0x0;
	s0 =	sshrl.u32 @!p0 s2, $0x2  }
0x101: {  	[sflag:s28] =	ssyncadd.s32 @!p0 $0xFFFFC000;
	s0 =	sadd.s32 @!p0 $0x80, s0  }
0x102: {  	[tilespmem:s19], [sflag:$0x1] =	stream.indirect.gather @!p0 [hbm4b:s4+s24], $0x80, s0, s24, $0xb8;
	[tilespmem:$0x1FC00] =	vst v63  }
0x103: {  	s0 =	sshrl.u32 s2, $0x2  }
0x104: {  	s2 =	sadd.s32 $0x2800, s0  }
0x105: {  	v1 =	vmov s2;
	_ =	sdelay $0x1  }
0x106: {  	s22 =	simm.s32 $0x0  }
.LBB2_7:
0x107: {  	s2 =	sshll.u32 s22, $0x4  }
0x108: {  	s2 =	sand.u32 $0x3FFFFFF0, s2  }
0x109: {  	s31 =	sshll.u32 s22, $0xB;
	v2 =	vld.idx.msk [tilespmem:v1+s2+$0x0 ss:$0x1], $0xffff  }
0x10a: {  	s2 =	sand.u32 $0x3FFFF800, s31  }
0x10b: {  	v3 =	vld [tilespmem:s2+$0x7C00]  }
0x10c: {  	v4 =	vld [tilespmem:s2+$0x7C10]  }
0x10d: {  	v5 =	vld [tilespmem:s2+$0x7C20]  }
0x10e: {  	v7 =	vld [tilespmem:s2+$0x7C30];
	v6 =	vbroadcast v2, $0x0  }
0x10f: {  	v8 =	vld [tilespmem:s2+$0x7C40]  }
0x110: {  	v9 =	vld [tilespmem:s2+$0x7C50];
	v3 =	vmul.f32 v6, v3  }
0x111: {  	v10 =	vld [tilespmem:s2+$0x7C60];
	v4 =	vmul.f32 v4, v6  }
0x112: {  	v24 =	vld [tilespmem:s2+$0x7C70];
	[tilespmem:s2+$0x7C00] =	vst v3;
	v3 =	vmul.f32 v5, v6  }
0x113: {  	v26 =	vld [tilespmem:s2+$0x7C80];
	v25 =	vmul.f32 v7, v6;
	[tilespmem:s2+$0x7C10] =	vst v4  }
0x114: {  	v27 =	vld [tilespmem:s2+$0x7C90];
	[tilespmem:s2+$0x7C20] =	vst v3;
	v3 =	vmul.f32 v8, v6  }
0x115: {  	v29 =	vld [tilespmem:s2+$0x7CA0];
	v28 =	vmul.f32 v9, v6;
	[tilespmem:s2+$0x7C30] =	vst v25  }
0x116: {  	v11 =	vld [tilespmem:s2+$0x7CB0];
	v30 =	vbroadcast v2, $0x1;
	[tilespmem:s2+$0x7C40] =	vst v3;
	v3 =	vmul.f32 v10, v6  }
0x117: {  	v32 =	vld [tilespmem:s2+$0x7CC0];
	v31 =	vmul.f32 v24, v6;
	[tilespmem:s2+$0x7C50] =	vst v28  }
0x118: {  	v33 =	vld [tilespmem:s2+$0x7CD0];
	[tilespmem:s2+$0x7C60] =	vst v3;
	v3 =	vmul.f32 v26, v30  }
0x119: {  	v35 =	vld [tilespmem:s2+$0x7CE0];
	v34 =	vmul.f32 v27, v30;
	[tilespmem:s2+$0x7C70] =	vst v31  }
0x11a: {  	v36 =	vld [tilespmem:s2+$0x7CF0];
	[tilespmem:s2+$0x7C80] =	vst v3;
	v3 =	vmul.f32 v29, v30  }
0x11b: {  	v38 =	vld [tilespmem:s2+$0x7D00];
	v37 =	vmul.f32 v11, v30;
	[tilespmem:s2+$0x7C90] =	vst v34  }
0x11c: {  	v39 =	vld [tilespmem:s2+$0x7D10];
	[tilespmem:s2+$0x7CA0] =	vst v3;
	v3 =	vmul.f32 v32, v30  }
0x11d: {  	v41 =	vld [tilespmem:s2+$0x7D20];
	v40 =	vmul.f32 v33, v30;
	[tilespmem:s2+$0x7CB0] =	vst v37  }
0x11e: {  	v43 =	vld [tilespmem:s2+$0x7D30];
	v42 =	vbroadcast v2, $0x2;
	[tilespmem:s2+$0x7CC0] =	vst v3;
	v3 =	vmul.f32 v35, v30  }
0x11f: {  	v45 =	vld [tilespmem:s2+$0x7D40];
	v44 =	vmul.f32 v36, v30;
	[tilespmem:s2+$0x7CD0] =	vst v40  }
0x120: {  	v46 =	vld [tilespmem:s2+$0x7D50];
	[tilespmem:s2+$0x7CE0] =	vst v3;
	v3 =	vmul.f32 v38, v42  }
0x121: {  	v48 =	vld [tilespmem:s2+$0x7D60];
	v47 =	vmul.f32 v39, v42;
	[tilespmem:s2+$0x7CF0] =	vst v44  }
0x122: {  	v49 =	vld [tilespmem:s2+$0x7D70];
	[tilespmem:s2+$0x7D00] =	vst v3;
	v3 =	vmul.f32 v41, v42  }
0x123: {  	v51 =	vld [tilespmem:s2+$0x7D80];
	v50 =	vmul.f32 v43, v42;
	[tilespmem:s2+$0x7D10] =	vst v47  }
0x124: {  	v52 =	vld [tilespmem:s2+$0x7D90];
	[tilespmem:s2+$0x7D20] =	vst v3;
	v3 =	vmul.f32 v45, v42  }
0x125: {  	v54 =	vld [tilespmem:s2+$0x7DA0];
	v53 =	vmul.f32 v46, v42;
	[tilespmem:s2+$0x7D30] =	vst v50  }
0x126: {  	v56 =	vld [tilespmem:s2+$0x7DB0];
	v55 =	vbroadcast v2, $0x3;
	[tilespmem:s2+$0x7D40] =	vst v3;
	v3 =	vmul.f32 v48, v42  }
0x127: {  	v58 =	vld [tilespmem:s2+$0x7DC0];
	v57 =	vmul.f32 v49, v42;
	[tilespmem:s2+$0x7D50] =	vst v53  }
0x128: {  	v59 =	vld [tilespmem:s2+$0x7DD0];
	[tilespmem:s2+$0x7D60] =	vst v3;
	v3 =	vmul.f32 v51, v55  }
0x129: {  	v61 =	vld [tilespmem:s2+$0x7DE0];
	v60 =	vmul.f32 v52, v55;
	[tilespmem:s2+$0x7D70] =	vst v57  }
0x12a: {  	v62 =	vld [tilespmem:s2+$0x7DF0];
	[tilespmem:s2+$0x7D80] =	vst v3;
	v3 =	vmul.f32 v54, v55  }
0x12b: {  	v12 =	vld [tilespmem:s2+$0x7E00];
	v63 =	vmul.f32 v56, v55;
	[tilespmem:s2+$0x7D90] =	vst v60  }
0x12c: {  	v13 =	vld [tilespmem:s2+$0x7E10];
	[tilespmem:s2+$0x7DA0] =	vst v3;
	v3 =	vmul.f32 v58, v55  }
0x12d: {  	v15 =	vld [tilespmem:s2+$0x7E20];
	v14 =	vmul.f32 v59, v55;
	[tilespmem:s2+$0x7DB0] =	vst v63  }
0x12e: {  	v17 =	vld [tilespmem:s2+$0x7E30];
	v16 =	vbroadcast v2, $0x4;
	[tilespmem:s2+$0x7DC0] =	vst v3;
	v3 =	vmul.f32 v61, v55  }
0x12f: {  	v19 =	vld [tilespmem:s2+$0x7E40];
	v18 =	vmul.f32 v62, v55;
	[tilespmem:s2+$0x7DD0] =	vst v14  }
0x130: {  	v20 =	vld [tilespmem:s2+$0x7E50];
	[tilespmem:s2+$0x7DE0] =	vst v3;
	v3 =	vmul.f32 v12, v16  }
0x131: {  	v22 =	vld [tilespmem:s2+$0x7E60];
	v21 =	vmul.f32 v13, v16;
	[tilespmem:s2+$0x7DF0] =	vst v18  }
0x132: {  	v23 =	vld [tilespmem:s2+$0x7E70];
	[tilespmem:s2+$0x7E00] =	vst v3;
	v3 =	vmul.f32 v15, v16  }
0x133: {  	v24 =	vmul.f32 v17, v16;
	[tilespmem:s2+$0x7E10] =	vst v21;
	v25 =	vld [tilespmem:s2+$0x7E80]  }
0x134: {  	v33 =	vld [tilespmem:s2+$0x7ED0];
	[tilespmem:s2+$0x7E20] =	vst v3;
	v3 =	vmul.f32 v19, v16  }
0x135: {  	v27 =	vmul.f32 v20, v16;
	[tilespmem:s2+$0x7E30] =	vst v24;
	v28 =	vld [tilespmem:s2+$0x7EA0]  }
0x136: {  	v36 =	vld [tilespmem:s2+$0x7EF0];
	v29 =	vbroadcast v2, $0x5;
	[tilespmem:s2+$0x7E40] =	vst v3;
	v3 =	vmul.f32 v22, v16  }
0x137: {  	[tilespmem:s2+$0x7E50] =	vst v27;
	v31 =	vmul.f32 v23, v16;
	v32 =	vld [tilespmem:s2+$0x7EC0]  }
0x138: {  	v26 =	vld [tilespmem:s2+$0x7E90];
	[tilespmem:s2+$0x7E60] =	vst v3;
	v3 =	vmul.f32 v25, v29  }
0x139: {  	[tilespmem:s2+$0x7E70] =	vst v31;
	v40 =	vmul.f32 v33, v29;
	v35 =	vld [tilespmem:s2+$0x7EE0]  }
0x13a: {  	v30 =	vld [tilespmem:s2+$0x7EB0];
	[tilespmem:s2+$0x7E80] =	vst v3;
	v3 =	vmul.f32 v28, v29  }
0x13b: {  	v44 =	vmul.f32 v36, v29;
	[tilespmem:s2+$0x7ED0] =	vst v40;
	v38 =	vld [tilespmem:s2+$0x7F00]  }
0x13c: {  	v39 =	vld [tilespmem:s2+$0x7F10];
	[tilespmem:s2+$0x7EA0] =	vst v3;
	v3 =	vmul.f32 v32, v29  }
0x13d: {  	v34 =	vmul.f32 v26, v29;
	[tilespmem:s2+$0x7EF0] =	vst v44;
	v41 =	vld [tilespmem:s2+$0x7F20]  }
0x13e: {  	v43 =	vld [tilespmem:s2+$0x7F30];
	v42 =	vbroadcast v2, $0x6;
	[tilespmem:s2+$0x7EC0] =	vst v3;
	v3 =	vmul.f32 v35, v29  }
0x13f: {  	[tilespmem:s2+$0x7E90] =	vst v34;
	v37 =	vmul.f32 v30, v29;
	v45 =	vld [tilespmem:s2+$0x7F40]  }
0x140: {  	v46 =	vld [tilespmem:s2+$0x7F50];
	[tilespmem:s2+$0x7EE0] =	vst v3;
	v3 =	vmul.f32 v38, v42  }
0x141: {  	[tilespmem:s2+$0x7EB0] =	vst v37;
	v48 =	vld [tilespmem:s2+$0x7F60];
	v47 =	vmul.f32 v39, v42  }
0x142: {  	v49 =	vld [tilespmem:s2+$0x7F70];
	[tilespmem:s2+$0x7F00] =	vst v3;
	v3 =	vmul.f32 v41, v42  }
0x143: {  	v50 =	vmul.f32 v43, v42;
	v51 =	vld [tilespmem:s2+$0x7F80];
	[tilespmem:s2+$0x7F10] =	vst v47  }
0x144: {  	v52 =	vld [tilespmem:s2+$0x7F90];
	[tilespmem:s2+$0x7F20] =	vst v3;
	v3 =	vmul.f32 v45, v42  }
0x145: {  	v53 =	vmul.f32 v46, v42;
	[tilespmem:s2+$0x7F30] =	vst v50;
	v54 =	vld [tilespmem:s2+$0x7FA0]  }
0x146: {  	v56 =	vld [tilespmem:s2+$0x7FB0];
	v55 =	vbroadcast v2, $0x7;
	[tilespmem:s2+$0x7F40] =	vst v3;
	v3 =	vmul.f32 v48, v42  }
0x147: {  	v57 =	vmul.f32 v49, v42;
	[tilespmem:s2+$0x7F50] =	vst v53;
	v58 =	vld [tilespmem:s2+$0x7FC0]  }
0x148: {  	v59 =	vld [tilespmem:s2+$0x7FD0];
	[tilespmem:s2+$0x7F60] =	vst v3;
	v3 =	vmul.f32 v51, v55  }
0x149: {  	[tilespmem:s2+$0x7F70] =	vst v57;
	v61 =	vld [tilespmem:s2+$0x7FE0];
	v60 =	vmul.f32 v52, v55  }
0x14a: {  	v62 =	vld [tilespmem:s2+$0x7FF0];
	[tilespmem:s2+$0x7F80] =	vst v3;
	v3 =	vmul.f32 v54, v55  }
0x14b: {  	v63 =	vmul.f32 v56, v55;
	v12 =	vld [tilespmem:s2+$0x8000];
	[tilespmem:s2+$0x7F90] =	vst v60  }
0x14c: {  	v13 =	vld [tilespmem:s2+$0x8010];
	[tilespmem:s2+$0x7FA0] =	vst v3;
	v3 =	vmul.f32 v58, v55  }
0x14d: {  	v14 =	vmul.f32 v59, v55;
	[tilespmem:s2+$0x7FB0] =	vst v63;
	v15 =	vld [tilespmem:s2+$0x8020]  }
0x14e: {  	v17 =	vld [tilespmem:s2+$0x8030];
	v16 =	vbroadcast v2, $0x8;
	[tilespmem:s2+$0x7FC0] =	vst v3;
	v3 =	vmul.f32 v61, v55  }
0x14f: {  	v18 =	vmul.f32 v62, v55;
	[tilespmem:s2+$0x7FD0] =	vst v14;
	v19 =	vld [tilespmem:s2+$0x8040]  }
0x150: {  	v20 =	vld [tilespmem:s2+$0x8050];
	[tilespmem:s2+$0x7FE0] =	vst v3;
	v3 =	vmul.f32 v12, v16  }
0x151: {  	[tilespmem:s2+$0x7FF0] =	vst v18;
	v22 =	vld [tilespmem:s2+$0x8060];
	v21 =	vmul.f32 v13, v16  }
0x152: {  	v23 =	vld [tilespmem:s2+$0x8070];
	[tilespmem:s2+$0x8000] =	vst v3;
	v3 =	vmul.f32 v15, v16  }
0x153: {  	v24 =	vmul.f32 v17, v16;
	v25 =	vld [tilespmem:s2+$0x8080];
	[tilespmem:s2+$0x8010] =	vst v21  }
0x154: {  	v26 =	vld [tilespmem:s2+$0x8090];
	[tilespmem:s2+$0x8020] =	vst v3;
	v3 =	vmul.f32 v19, v16  }
0x155: {  	v27 =	vmul.f32 v20, v16;
	[tilespmem:s2+$0x8030] =	vst v24;
	v28 =	vld [tilespmem:s2+$0x80A0]  }
0x156: {  	v30 =	vld [tilespmem:s2+$0x80B0];
	v29 =	vbroadcast v2, $0x9;
	[tilespmem:s2+$0x8040] =	vst v3;
	v3 =	vmul.f32 v22, v16  }
0x157: {  	v31 =	vmul.f32 v23, v16;
	[tilespmem:s2+$0x8050] =	vst v27;
	v32 =	vld [tilespmem:s2+$0x80C0]  }
0x158: {  	v33 =	vld [tilespmem:s2+$0x80D0];
	[tilespmem:s2+$0x8060] =	vst v3;
	v3 =	vmul.f32 v25, v29  }
0x159: {  	[tilespmem:s2+$0x8070] =	vst v31;
	v35 =	vld [tilespmem:s2+$0x80E0];
	v34 =	vmul.f32 v26, v29  }
0x15a: {  	v36 =	vld [tilespmem:s2+$0x80F0];
	[tilespmem:s2+$0x8080] =	vst v3;
	v3 =	vmul.f32 v28, v29  }
0x15b: {  	v37 =	vmul.f32 v30, v29;
	v38 =	vld [tilespmem:s2+$0x8100];
	[tilespmem:s2+$0x8090] =	vst v34  }
0x15c: {  	v39 =	vld [tilespmem:s2+$0x8110];
	[tilespmem:s2+$0x80A0] =	vst v3;
	v3 =	vmul.f32 v32, v29  }
0x15d: {  	v40 =	vmul.f32 v33, v29;
	[tilespmem:s2+$0x80B0] =	vst v37;
	v41 =	vld [tilespmem:s2+$0x8120]  }
0x15e: {  	v43 =	vld [tilespmem:s2+$0x8130];
	v42 =	vbroadcast v2, $0xA;
	[tilespmem:s2+$0x80C0] =	vst v3;
	v3 =	vmul.f32 v35, v29  }
0x15f: {  	v44 =	vmul.f32 v36, v29;
	[tilespmem:s2+$0x80D0] =	vst v40;
	v45 =	vld [tilespmem:s2+$0x8140]  }
0x160: {  	v46 =	vld [tilespmem:s2+$0x8150];
	[tilespmem:s2+$0x80E0] =	vst v3;
	v3 =	vmul.f32 v38, v42  }
0x161: {  	[tilespmem:s2+$0x80F0] =	vst v44;
	v48 =	vld [tilespmem:s2+$0x8160];
	v47 =	vmul.f32 v39, v42  }
0x162: {  	v49 =	vld [tilespmem:s2+$0x8170];
	[tilespmem:s2+$0x8100] =	vst v3;
	v3 =	vmul.f32 v41, v42  }
0x163: {  	v50 =	vmul.f32 v43, v42;
	v51 =	vld [tilespmem:s2+$0x8180];
	[tilespmem:s2+$0x8110] =	vst v47  }
0x164: {  	v52 =	vld [tilespmem:s2+$0x8190];
	[tilespmem:s2+$0x8120] =	vst v3;
	v3 =	vmul.f32 v45, v42  }
0x165: {  	v53 =	vmul.f32 v46, v42;
	[tilespmem:s2+$0x8130] =	vst v50;
	v54 =	vld [tilespmem:s2+$0x81A0]  }
0x166: {  	v56 =	vld [tilespmem:s2+$0x81B0];
	v55 =	vbroadcast v2, $0xB;
	[tilespmem:s2+$0x8140] =	vst v3;
	v3 =	vmul.f32 v48, v42  }
0x167: {  	v57 =	vmul.f32 v49, v42;
	[tilespmem:s2+$0x8150] =	vst v53;
	v58 =	vld [tilespmem:s2+$0x81C0]  }
0x168: {  	v59 =	vld [tilespmem:s2+$0x81D0];
	[tilespmem:s2+$0x8160] =	vst v3;
	v3 =	vmul.f32 v51, v55  }
0x169: {  	[tilespmem:s2+$0x8170] =	vst v57;
	v61 =	vld [tilespmem:s2+$0x81E0];
	v60 =	vmul.f32 v52, v55  }
0x16a: {  	v62 =	vld [tilespmem:s2+$0x81F0];
	[tilespmem:s2+$0x8180] =	vst v3;
	v3 =	vmul.f32 v54, v55  }
0x16b: {  	v63 =	vmul.f32 v56, v55;
	v12 =	vld [tilespmem:s2+$0x8200];
	[tilespmem:s2+$0x8190] =	vst v60  }
0x16c: {  	v13 =	vld [tilespmem:s2+$0x8210];
	[tilespmem:s2+$0x81A0] =	vst v3;
	v3 =	vmul.f32 v58, v55  }
0x16d: {  	v14 =	vmul.f32 v59, v55;
	[tilespmem:s2+$0x81B0] =	vst v63;
	v15 =	vld [tilespmem:s2+$0x8220]  }
0x16e: {  	v17 =	vld [tilespmem:s2+$0x8230];
	v16 =	vbroadcast v2, $0xC;
	[tilespmem:s2+$0x81C0] =	vst v3;
	v3 =	vmul.f32 v61, v55  }
0x16f: {  	v18 =	vmul.f32 v62, v55;
	[tilespmem:s2+$0x81D0] =	vst v14;
	v19 =	vld [tilespmem:s2+$0x8240]  }
0x170: {  	v20 =	vld [tilespmem:s2+$0x8250];
	[tilespmem:s2+$0x81E0] =	vst v3;
	v3 =	vmul.f32 v12, v16  }
0x171: {  	[tilespmem:s2+$0x81F0] =	vst v18;
	v22 =	vld [tilespmem:s2+$0x8260];
	v21 =	vmul.f32 v13, v16  }
0x172: {  	v23 =	vld [tilespmem:s2+$0x8270];
	[tilespmem:s2+$0x8200] =	vst v3;
	v3 =	vmul.f32 v15, v16  }
0x173: {  	v24 =	vmul.f32 v17, v16;
	v25 =	vld [tilespmem:s2+$0x8280];
	[tilespmem:s2+$0x8210] =	vst v21  }
0x174: {  	v26 =	vld [tilespmem:s2+$0x8290];
	[tilespmem:s2+$0x8220] =	vst v3;
	v3 =	vmul.f32 v19, v16  }
0x175: {  	v27 =	vmul.f32 v20, v16;
	[tilespmem:s2+$0x8230] =	vst v24;
	v28 =	vld [tilespmem:s2+$0x82A0]  }
0x176: {  	v30 =	vld [tilespmem:s2+$0x82B0];
	v29 =	vbroadcast v2, $0xD;
	[tilespmem:s2+$0x8240] =	vst v3;
	v3 =	vmul.f32 v22, v16  }
0x177: {  	v31 =	vmul.f32 v23, v16;
	[tilespmem:s2+$0x8250] =	vst v27;
	v32 =	vld [tilespmem:s2+$0x82C0]  }
0x178: {  	v33 =	vld [tilespmem:s2+$0x82D0];
	[tilespmem:s2+$0x8260] =	vst v3;
	v3 =	vmul.f32 v25, v29  }
0x179: {  	[tilespmem:s2+$0x8270] =	vst v31;
	v35 =	vld [tilespmem:s2+$0x82E0];
	v34 =	vmul.f32 v26, v29  }
0x17a: {  	v36 =	vld [tilespmem:s2+$0x82F0];
	[tilespmem:s2+$0x8280] =	vst v3;
	v3 =	vmul.f32 v28, v29  }
0x17b: {  	v37 =	vmul.f32 v30, v29;
	v38 =	vld [tilespmem:s2+$0x8300];
	[tilespmem:s2+$0x8290] =	vst v34  }
0x17c: {  	v39 =	vld [tilespmem:s2+$0x8310];
	[tilespmem:s2+$0x82A0] =	vst v3;
	v3 =	vmul.f32 v32, v29  }
0x17d: {  	v40 =	vmul.f32 v33, v29;
	[tilespmem:s2+$0x82B0] =	vst v37;
	v41 =	vld [tilespmem:s2+$0x8320]  }
0x17e: {  	v43 =	vld [tilespmem:s2+$0x8330];
	v42 =	vbroadcast v2, $0xE;
	[tilespmem:s2+$0x82C0] =	vst v3;
	v3 =	vmul.f32 v35, v29  }
0x17f: {  	v44 =	vmul.f32 v36, v29;
	[tilespmem:s2+$0x82D0] =	vst v40;
	v45 =	vld [tilespmem:s2+$0x8340]  }
0x180: {  	v46 =	vld [tilespmem:s2+$0x8350];
	[tilespmem:s2+$0x82E0] =	vst v3;
	v3 =	vmul.f32 v38, v42  }
0x181: {  	[tilespmem:s2+$0x82F0] =	vst v44;
	v48 =	vld [tilespmem:s2+$0x8360];
	v47 =	vmul.f32 v39, v42  }
0x182: {  	v49 =	vld [tilespmem:s2+$0x8370];
	[tilespmem:s2+$0x8300] =	vst v3;
	v3 =	vmul.f32 v41, v42  }
0x183: {  	v50 =	vmul.f32 v43, v42;
	v51 =	vld [tilespmem:s2+$0x8380];
	[tilespmem:s2+$0x8310] =	vst v47  }
0x184: {  	v52 =	vld [tilespmem:s2+$0x8390];
	[tilespmem:s2+$0x8320] =	vst v3;
	v3 =	vmul.f32 v45, v42  }
0x185: {  	v53 =	vmul.f32 v46, v42;
	[tilespmem:s2+$0x8330] =	vst v50;
	v54 =	vld [tilespmem:s2+$0x83A0]  }
0x186: {  	v2 =	vbroadcast v2, $0xF;
	v58 =	vld [tilespmem:s2+$0x83D0];
	[tilespmem:s2+$0x8340] =	vst v3;
	v3 =	vmul.f32 v48, v42  }
0x187: {  	v57 =	vld [tilespmem:s2+$0x83C0];
	v56 =	vmul.f32 v49, v42;
	[tilespmem:s2+$0x8350] =	vst v53  }
0x188: {  	v55 =	vld [tilespmem:s2+$0x83B0];
	[tilespmem:s2+$0x8360] =	vst v3;
	v3 =	vmul.f32 v51, v2  }
0x189: {  	v60 =	vld [tilespmem:s2+$0x83E0];
	v59 =	vmul.f32 v52, v2;
	[tilespmem:s2+$0x8370] =	vst v56  }
0x18a: {  	v61 =	vld [tilespmem:s2+$0x83F0];
	[tilespmem:s2+$0x8380] =	vst v3;
	v3 =	vmul.f32 v54, v2  }
0x18b: {  	[tilespmem:s2+$0x8390] =	vst v59;
	v63 =	vmul.f32 v58, v2  }
0x18c: {  	p0 =	sne.s32 s22, $0x7;
	[tilespmem:s2+$0x83A0] =	vst v3;
	v3 =	vmul.f32 v57, v2  }
.Ltmp2:
0x18d: {  	v62 =	vmul.f32 v55, v2;
	[tilespmem:s2+$0x83D0] =	vst v63;
	(pc) =	sbr.rel @p0 .LBB2_7-.Ltmp2, $4  }
0x18e: {  	[tilespmem:s2+$0x83C0] =	vst v3;
	v3 =	vmul.f32 v60, v2  }
0x18f: {  	[tilespmem:s2+$0x83B0] =	vst v62;
	v2 =	vmul.f32 v61, v2  }
0x190: {  	[tilespmem:s2+$0x83E0] =	vst v3  }
0x191: {  	s22 =	sadd.s32 $0x1, s22;
	[tilespmem:s2+$0x83F0] =	vst v2  }
0x192: {  	s30 =	sadd.s32 $0x1, s30  }
0x193: {  	p0 =	sne.s32 s30, $0x28  }
.Ltmp3:
0x194: {  	_ = 	snop;
	(pc) =	sbr.rel @p0 .LBB2_4-.Ltmp3, $3  }
0x195: {  	_ =	sdelay $0x1  }
0x196: {  	s0 =	sadd.s32 $0x1400, s0  }
0x197: {  	[spmem:s1] =	stream.indirect.scatter.add.f32 [tilespmem:s25], [sflag:$0x4], $0x80, s0, s24, $0xb8;
	[tilespmem:$0x1FC00] =	vst v63  }
0x198: {  	_ =	swait.ge [sflag:s28], $0x4000  }
0x199: {  	[sflag:s28] =	ssyncset.done $0x0  }
0x19a: {  	[sflag:s28] =	ssyncadd.s32 $0xFFFFC000  }
0x19b: {  	s0 =	stileid.u32;
	_ =	swait.ge [sflag:s29], $0x4000  }
0x19c: {  	s2 =	sshrl.u32 s8, $0x3;
	s3 =	sadd.s32 $0x1, s3;
	[sflag:s29] =	ssyncset.done $0x0  }
0x19d: {  	s0 =	sshll.u32 s0, $0x6;
	p0 =	sne.s32 s3, s18;
	[sflag:s29] =	ssyncadd.s32 $0xFFFFC000  }
.Ltmp4:
0x19e: {  	s0 =	sor.u32 $0x1C05, s0;
	[bflag:$0x0] =	sbarrier.arrive $0xFFFF;
	(pc) =	sbr.rel @p0 .LBB2_1-.Ltmp4, $4  }
0x19f: {  	[hbm:s17], [sflag:s0] =	dma.local [spmem:s2], $0x2800  }
0x1a0: {  	_ =	swait.ge [sflag:s21], $0x2800  }
0x1a1: {  	[sflag:s21] =	ssyncset.done $0x0  }
0x1a2: {  	[sflag:s21] =	ssyncadd.s32 $0xFFFFD800  }
0x1a3: {  	_ =	sfence.sel $0x180000  }
0x1a4: {  	[bflag:$0x0] =	sbarrier.arrive $0xFFFF  }
0x1a5: {  	_ =	strace $0x9000004A  }
0x1a6: {  	s0 =	stileid.u32;
	[bflag:$0x2] =	sbarrier.arrive $0xFFFF  }
0x1a7: {  	p0 =	sne.s32 s0, $0x0;
	s0 =	rddreg [dreg:$0x2]  }
0x1a8: {  	s0 =	sadd.s32 @!p0 $0x100000, s0  }
0x1a9: {  	[sflag:s0] =	ssyncadd.tile.s32 @!p0 $0x1;
	_ =	shalt  }
.Lfunc_end2:
_tile_overlayer_lowered:
.L_overlay_start_2:
0x1aa: {  	(tag) =	ssettag $0x2  }
0x1ab: {  	s0 =	rddreg [dreg:$0x0];
	s2 =	stileid.u32  }
0x1ac: {  	s1 =	rddreg [dreg:$0x1];
	p0 =	sne.s32 s2, $0x0  }
0x1ad: {  	s3 =	rddreg [dreg:$0x2];
	[bflag:$0x3] =	sbarrier.arrive $0xFFFF;
	s2 =	simm.s32 @!p0 $0x1C05  }
0x1ae: {  	[timem:s3], [sflag:s2] =	dma.local @!p0 [hbm:s0], s1  }
0x1af: {  	s0 =	simm.s32 @!p0 $0x5  }
0x1b0: {  	_ =	swait.ge @!p0 [sflag:s0], s1  }
0x1b1: {  	s1 =	ssub.s32 @!p0 $0x0, s1;
	[sflag:s0] =	ssyncset.done @!p0 $0x0  }
0x1b2: {  	[sflag:s0] =	ssyncadd.s32 @!p0 s1  }
0x1b3: {  	[bflag:$0x3] =	sbarrier.arrive $0xFFFF  }
0x1b4: {  	_ =	shalt  }

// kernel: kernel.6.cloned.1.call-start
scs
__scs_entry_jumppad:
0x0: {  	(pc) =	sbr.rel $0x88, $3  }
0x1: {  	(tag) =	ssettag $0x0;
	lr =	simm.s32 $0x1  }
0x2: {  	[smem:$0x3F85] =	sst lr;
	_ =	strace $0xD0000000  }
0x3: {  	_ = 	snop  }
0x4: {  	_ = 	snop  }
0x5: {  	_ = 	snop  }
0x6: {  	_ = 	snop  }
0x7: {  	_ = 	snop  }
__scs_overlays_trampoline_lowered:
0x8: {  	[smem:$0x3F94] =	sst s0  }
0x9: {  	[smem:$0x3F95] =	sst s1  }
0xa: {  	[smem:$0x3F96] =	sst s2  }
0xb: {  	[smem:$0x3F97] =	sst s3  }
0xc: {  	[smem:$0x3F98] =	sst s4  }
0xd: {  	[smem:$0x3F99] =	sst s5  }
0xe: {  	[smem:$0x3F9A] =	sst s6  }
0xf: {  	[smem:$0x3F9B] =	sst s7  }
0x10: {  	[smem:$0x3F9C] =	sst s8  }
0x11: {  	[smem:$0x3F9D] =	sst s9;
	s0 =	simm.s32 @!p0 $0x0  }
0x12: {  	s1 =	sld [smem:$0x3F83];
	s0 =	simm.s32 @p0 $0x1  }
0x13: {  	[smem:$0x3F9E] =	sst s0;
	s0 =	simm.s32 @!p1 $0x0  }
0x14: {  	s2 =	sld [smem:$0x3F82];
	s0 =	simm.s32 @p1 $0x1  }
0x15: {  	[smem:$0x3F9F] =	sst s0;
	s0 =	simm.s32 @!p2 $0x0  }
0x16: {  	s3 =	sld [smem:$0x3FDB];
	s0 =	simm.s32 @p2 $0x1  }
0x17: {  	s4 =	simm.s32 $0x1BF5;
	[smem:$0x3FA1] =	sst s0  }
0x18: {  	s0 =	sld [smem:$0x3F84];
	_ =	swait.ge [sflag:s4], $0x0  }
0x19: {  	s7 =	sld [smem:$0x3F85]  }
0x1a: {  	s8 =	sadd.s32 $0xFFFFE003, lr  }
0x1b: {  	s9 =	sadd.s32 $0xFFFFFEF7, lr;
	s5 =	simm.s32 $0xFFFFFFFF;
	p2 =	slt.u32 s8, $0xFFFFF086  }
0x1c: {  	p1 =	slt.u32 s9, $0xF7A;
	s5 =	simm.s32 @!p2 $0x0  }
0x1d: {  	s5 =	simm.s32 @p1 $0x1;
	p0 =	seq.s32 s7, s2  }
0x1e: {  	s7 =	smul.u32 @!p0 $0xF7A, s2;
	p2 =	seq.s32 @!p0 s5, $0x0  }
0x1f: {  	s9 =	smul.u32 $0xF7A, s1;
	s8 =	simm.s32 @!p0 $0x1BF5;
	p2 =	por !p2, p0  }
0x20: {  	[sflag:s8] =	ssyncset.s32 @!p0 $0xFFFFF086;
	s6 =	sadd.s32 @!p0 s3, s7;
	s7 =	simm.s32 @!p0 $0x108  }
0x21: {  	s3 =	sadd.s32 s3, s9;
	s6 =	sadd.s32 @!p0 $0x88, s6;
	s7 =	simm.s32 @p2 $0x1082  }
0x22: {  	[simem:s7], [sflag:s8] =	dma.local @!p0 [hbm:s6], $0xF7A  }
0x23: {  	s9 =	sor.u32 $0xD0000000, s2;
	s6 =	simm.s32 $0x108;
	_ =	swait.ge @!p0 [sflag:s8], $0x0  }
0x24: {  	s3 =	sadd.s32 $0x88, s3;
	s6 =	simm.s32 @!p1 $0x1082;
	[sflag:s4] =	ssyncset.s32 $0xFFFFF086  }
0x25: {  	[simem:s6], [sflag:s4] =	dma.local [hbm:s3], $0xF7A  }
0x26: {  	[smem:$0x3F85] =	sst s1;
	(tag) =	ssettag s2;
	_ =	strace s9  }
0x27: {  	s1 =	sld [smem:$0x3F95]  }
0x28: {  	s2 =	sld [smem:$0x3F96]  }
0x29: {  	s4 =	sld [smem:$0x3F98]  }
0x2a: {  	p0 =	seq.s32 s5, $0x0;
	s5 =	sld [smem:$0x3F99]  }
0x2b: {  	s6 =	sld [smem:$0x3F9A]  }
0x2c: {  	s7 =	sld [smem:$0x3F9B]  }
0x2d: {  	s3 =	simm.s32 $0x108;
	s8 =	sld [smem:$0x3F9C]  }
0x2e: {  	s3 =	simm.s32 @!p0 $0x1082;
	s9 =	sld [smem:$0x3F9D]  }
0x2f: {  	lr =	sadd.s32 s0, s3;
	s0 =	sld [smem:$0x3F94]  }
0x30: {  	s3 =	sld [smem:$0x3F97]  }
0x31: {  	[smem:$0x3FA0] =	sst s10  }
0x32: {  	s10 =	sld [smem:$0x3F9E];
	_ =	sdelay $0x3  }
0x33: {  	p0 =	seq.s32 s10, $0x1;
	s10 =	sld [smem:$0x3FA0];
	_ =	sdelay $0x3  }
0x34: {  	[smem:$0x3FA0] =	sst s10  }
0x35: {  	s10 =	sld [smem:$0x3F9F];
	_ =	sdelay $0x3  }
0x36: {  	p1 =	seq.s32 s10, $0x1;
	s10 =	sld [smem:$0x3FA0];
	_ =	sdelay $0x3  }
0x37: {  	[smem:$0x3FA0] =	sst s10  }
0x38: {  	s10 =	sld [smem:$0x3FA1]  }
0x39: {  	_ = 	snop;
	(pc) =	sbr.ind lr, $3  }
0x3a: {  	_ = 	snop  }
0x3b: {  	_ = 	snop  }
0x3c: {  	p2 =	seq.s32 s10, $0x1;
	s10 =	sld [smem:$0x3FA0]  }
0x3d: {  	_ =	shalt  }
0x3e: {  	_ =	shalt  }
0x3f: {  	_ =	shalt  }
0x40: {  	_ =	shalt  }
0x41: {  	_ =	shalt  }
0x42: {  	_ =	shalt  }
0x43: {  	_ =	shalt  }
0x44: {  	_ =	shalt  }
0x45: {  	_ =	shalt  }
0x46: {  	_ =	shalt  }
0x47: {  	_ =	shalt  }
0x48: {  	_ =	shalt  }
0x49: {  	_ =	shalt  }
0x4a: {  	_ =	shalt  }
0x4b: {  	_ =	shalt  }
0x4c: {  	_ =	shalt  }
0x4d: {  	_ =	shalt  }
0x4e: {  	_ =	shalt  }
0x4f: {  	_ =	shalt  }
0x50: {  	_ =	shalt  }
0x51: {  	_ =	shalt  }
0x52: {  	_ =	shalt  }
0x53: {  	_ =	shalt  }
0x54: {  	_ =	shalt  }
0x55: {  	_ =	shalt  }
0x56: {  	_ =	shalt  }
0x57: {  	_ =	shalt  }
0x58: {  	_ =	shalt  }
0x59: {  	_ =	shalt  }
0x5a: {  	_ =	shalt  }
0x5b: {  	_ =	shalt  }
0x5c: {  	_ =	shalt  }
0x5d: {  	_ =	shalt  }
0x5e: {  	_ =	shalt  }
0x5f: {  	_ =	shalt  }
0x60: {  	_ =	shalt  }
0x61: {  	_ =	shalt  }
0x62: {  	_ =	shalt  }
0x63: {  	_ =	shalt  }
0x64: {  	_ =	shalt  }
0x65: {  	_ =	shalt  }
0x66: {  	_ =	shalt  }
0x67: {  	_ =	shalt  }
0x68: {  	_ =	shalt  }
0x69: {  	_ =	shalt  }
0x6a: {  	_ =	shalt  }
0x6b: {  	_ =	shalt  }
0x6c: {  	_ =	shalt  }
0x6d: {  	_ =	shalt  }
0x6e: {  	_ =	shalt  }
0x6f: {  	_ =	shalt  }
0x70: {  	_ =	shalt  }
0x71: {  	_ =	shalt  }
0x72: {  	_ =	shalt  }
0x73: {  	_ =	shalt  }
0x74: {  	_ =	shalt  }
0x75: {  	_ =	shalt  }
0x76: {  	_ =	shalt  }
0x77: {  	_ =	shalt  }
0x78: {  	_ =	shalt  }
0x79: {  	_ =	shalt  }
0x7a: {  	_ =	shalt  }
0x7b: {  	_ =	shalt  }
0x7c: {  	_ =	shalt  }
0x7d: {  	_ =	shalt  }
0x7e: {  	_ =	shalt  }
0x7f: {  	_ =	shalt  }
0x80: {  	_ =	shalt  }
0x81: {  	_ =	shalt  }
0x82: {  	_ =	shalt  }
0x83: {  	_ =	shalt  }
0x84: {  	_ =	shalt  }
0x85: {  	_ =	shalt  }
0x86: {  	_ =	shalt  }
0x87: {  	_ =	shalt  }
.Lfunc_end0:
.L_simem_size_0:
called_computation.1_lowered:
.L_overlay_start_0:
0x88: {  	s2 =	sld [smem:$0x3FD9]  }
0x89: {  	s3 =	sld [smem:$0x3FFE];
	_ =	sdelay $0x1  }
0x8a: {  	s1 =	srdreg.scid  }
0x8b: {  	s0 =	sand.u32 $0x1, s1  }
0x8c: {  	s16 =	sshll.u32 s0, $0xA;
	s2 =	sadd.s32 s3, s2  }
0x8d: {  	s2 =	sadd.s32 s2, s16  }
0x8e: {  	[smem:$0x3FAC] =	sst s2  }
0x8f: {  	_ = 	snop  }
0x90: {  	(tm) =	ssettm $0x1  }
0x91: {  	s17 =	sld [smem:$0x3FFB];
	_ =	sdelay $0x3  }
0x92: {  	_ =	strace s17  }
0x93: {  	s2 =	sld [smem:$0x3FFC];
	_ =	sdelay $0x3  }
0x94: {  	_ =	strace s2  }
0x95: {  	s2 =	sld [smem:$0x3FFD];
	_ =	sdelay $0x3  }
0x96: {  	_ =	strace s2  }
0x97: {  	_ =	strace $0x8FFFFFFF  }
0x98: {  	s18 =	sld [smem:$0x3FDB];
	_ =	sdelay $0x1  }
0x99: {  	s19 =	simm.s32 $_scs_section_size  }
0x9a: {  	s4 =	simm.s32 $_size__tile_overlayer_lowered;
	s5 =	simm.s32 $_tile_overlayer_lowered  }
0x9b: {  	s22 =	simm.s32 $0x1BFF;
	s21 =	sshll.u32 s5, $0x1;
	s2 =	sadd.s32 s19, s18  }
0x9c: {  	s6 =	simm.s32 $0x0;
	s20 =	sshll.u32 s4, $0x1;
	s4 =	sadd.s32 s21, s2  }
0x9d: {  	[timem:s6], [sflag:s22] =	dma.local [hbm:s4], s20  }
0x9e: {  	_ =	swait.ge [sflag:s22], s20  }
0x9f: {  	s3 =	ssub.s32 $0x0, s20;
	[sflag:s22] =	ssyncset.done $0x0  }
0xa0: {  	[sflag:s22] =	ssyncadd.s32 s3;
	_ =	sdelay $0x1  }
0xa1: {  	s23 =	simm.s32 $0x1B8B  }
0xa2: {  	_ =	swait.ge [sflag:s23], $0x1  }
0xa3: {  	[sflag:s23] =	ssyncset.done $0x0  }
0xa4: {  	s25 =	simm.s32 $0x1B8E;
	s24 =	sld [smem:$0x3FFE];
	[sflag:s23] =	ssyncadd.s32 $0xFFFFFFFF  }
0xa5: {  	s26 =	simm.s32 $execute0_lowered;
	[smem:$0x3FD2] =	sst s25  }
0xa6: {  	s4 =	sshll.u32 s26, $0x1;
	_ =	strace $0x80000046;
	[dreg:$0x1] =	wrdreg $0xFFFFFFFF  }
0xa7: {  	s28 =	simm.s32 $_size_execute0_lowered;
	s2 =	sadd.s32 s2, s4;
	[dreg:$0x0] =	wrdreg $0x0  }
0xa8: {  	s4 =	sshll.u32 s28, $0x1;
	[dreg:$0x2] =	wrdreg s2  }
0xa9: {  	[dreg:$0x3] =	wrdreg s4  }
0xaa: {  	[dreg:$0x4] =	wrdreg $0xC0  }
0xab: {  	_ =	task [dreg:s6], $0x5FFFF  }
0xac: {  	[dreg:$0x1] =	wrdreg $0xFFFFFFFF  }
0xad: {  	[dreg:$0x0] =	wrdreg $0x60  }
0xae: {  	[dreg:$0x2] =	wrdreg s24  }
0xaf: {  	[dreg:$0x3] =	wrdreg $0x52800  }
0xb0: {  	[dreg:$0x4] =	wrdreg $0x9  }
0xb1: {  	_ =	task.clear_ibuf [dreg:s6], $0x5FFFF;
	_ =	strace $0x90000046  }
0xb2: {  	s29 =	simm.s32 $0x9;
	_ =	strace $0x80000048  }
0xb3: {  	_ =	swait.ge [sflag:s29], $0x1  }
0xb4: {  	[sflag:s29] =	ssyncadd.s32 $0xFFFFFFFF  }
0xb5: {  	_ =	strace $0x90000048  }
0xb6: {  	_ =	sfence  }
0xb7: {  	s30 =	sld [smem:$0x0];
	_ =	sdelay $0x2  }
0xb8: {  	s31 =	sshll.u32 s1, $0xD;
	s1 =	sshrl.u32 s1, $0x2  }
0xb9: {  	s3 =	sand.u32 $0x4000, s31;
	s1 =	sadd.s32 s1, s30  }
0xba: {  	s0 =	sor.u32 s3, s0;
	s1 =	sshll.u32 s1, $0x11  }
0xbb: {  	s0 =	sor.u32 s1, s0  }
0xbc: {  	s0 =	sadd.s32 $0x8F2B, s0  }
0xbd: {  	[sflag:s0] =	ssyncadd.remote.s32 $0x1  }
0xbe: {  	_ =	sfence.sel $0xFFFF  }
0xbf: {  	[dreg:$0x0] =	wrdreg $0xFFFFFFFF;
	(pc) =	sbr.abs _section_cstart, $3  }
0xc0: {  	[dreg:$0x1] =	wrdreg $0xFFFFFFFF  }
0xc1: {  	_ =	task.clear_ibuf [dreg:s6], $0x2FFFF;
	_ =	strace $0x9FFFFFFF  }
0xc2: {  	(tm) =	ssettm $0x7FFFFFFF  }
0xc3: {  	_ =	shalt  }
tec
execute0_lowered:
.L_overlay_start_1:
0x0: {  	(tag) =	ssettag $0x1  }
0x1: {  	s1 =	srdreg.scid;
	s4 =	rddreg [dreg:$0x0]  }
0x2: {  	s0 =	stileid.u32;
	s2 =	rddreg [dreg:$0x1];
	s3 =	simm.s32 $0x0  }
0x3: {  	s10 =	simm.s32 $0x2;
	s11 =	simm.s32 $0x2800;
	s12 =	simm.s32 $0x80  }
0x4: {  	s13 =	simm.s32 $0x1;
	s16 =	simm.s32 $0x0;
	s5 =	sand.u32 $0x1, s1  }
0x5: {  	s6 =	smul.u32 $0x280, s0;
	s7 =	sshll.u32 s0, $0x1;
	s1 =	rddreg [dreg:$0x2]  }
0x6: {  	[smem:$0x7FF] =	sst s3;
	s14 =	sshll.u32 s0, $0x6;
	s8 =	smul.u32 $0x2800, s5  }
0x7: {  	s7 =	sor.u32 s5, s7;
	_ =	strace $0x80000047;
	s5 =	ssub.s32 $0x2, s5  }
0x8: {  	s7 =	smul.u32 $0x500, s7;
	s31 =	sshrl.u32 s5, $0x1;
	s8 =	sadd.s32 s6, s8  }
0x9: {  	s14 =	sor.u32 $0x1C02, s14;
	s9 =	ssub.s32 s5, s31;
	s8 =	sshrl.u32 s8, $0x3  }
0xa: {  	s7 =	sadd.s32 s7, s4;
	s8 =	sadd.s32 s8, s4;
	s4 =	sadd.s32 s6, s2  }
0xb: {  	s5 =	sadd.s32 $0x6200, s7;
	s6 =	sadd.s32 $0x10200, s7;
	s7 =	sadd.s32 $0x1A200, s8  }
0xc: {  	v0 =	vimm.f32 $0.0e+00;
	s8 =	smax.u32 s9, $0x1;
	s9 =	simm.s32 $0x5000;
	s15 =	sshrl.u32 s4, $0x3  }
.LBB2_1:
0xd: {  	[tilespmem:$0x5000] =	vst v0  }
0xe: {  	[tilespmem:$0x5010] =	vst v0  }
0xf: {  	[tilespmem:$0x5020] =	vst v0  }
0x10: {  	[tilespmem:$0x5030] =	vst v0  }
0x11: {  	[tilespmem:$0x5040] =	vst v0  }
0x12: {  	[tilespmem:$0x5050] =	vst v0  }
0x13: {  	[tilespmem:$0x5060] =	vst v0  }
0x14: {  	[tilespmem:$0x5070] =	vst v0  }
0x15: {  	[tilespmem:$0x5080] =	vst v0  }
0x16: {  	[tilespmem:$0x5090] =	vst v0  }
0x17: {  	[tilespmem:$0x50A0] =	vst v0  }
0x18: {  	[tilespmem:$0x50B0] =	vst v0  }
0x19: {  	[tilespmem:$0x50C0] =	vst v0  }
0x1a: {  	[tilespmem:$0x50D0] =	vst v0  }
0x1b: {  	[tilespmem:$0x50E0] =	vst v0  }
0x1c: {  	[tilespmem:$0x50F0] =	vst v0  }
0x1d: {  	[tilespmem:$0x5100] =	vst v0  }
0x1e: {  	[tilespmem:$0x5110] =	vst v0  }
0x1f: {  	[tilespmem:$0x5120] =	vst v0  }
0x20: {  	[tilespmem:$0x5130] =	vst v0  }
0x21: {  	[tilespmem:$0x5140] =	vst v0  }
0x22: {  	[tilespmem:$0x5150] =	vst v0  }
0x23: {  	[tilespmem:$0x5160] =	vst v0  }
0x24: {  	[tilespmem:$0x5170] =	vst v0  }
0x25: {  	[tilespmem:$0x5180] =	vst v0  }
0x26: {  	[tilespmem:$0x5190] =	vst v0  }
0x27: {  	[tilespmem:$0x51A0] =	vst v0  }
0x28: {  	[tilespmem:$0x51B0] =	vst v0  }
0x29: {  	[tilespmem:$0x51C0] =	vst v0  }
0x2a: {  	[tilespmem:$0x51D0] =	vst v0  }
0x2b: {  	[tilespmem:$0x51E0] =	vst v0  }
0x2c: {  	[tilespmem:$0x51F0] =	vst v0  }
0x2d: {  	[tilespmem:$0x5200] =	vst v0  }
0x2e: {  	[tilespmem:$0x5210] =	vst v0  }
0x2f: {  	[tilespmem:$0x5220] =	vst v0  }
0x30: {  	[tilespmem:$0x5230] =	vst v0  }
0x31: {  	[tilespmem:$0x5240] =	vst v0  }
0x32: {  	[tilespmem:$0x5250] =	vst v0  }
0x33: {  	[tilespmem:$0x5260] =	vst v0  }
0x34: {  	[tilespmem:$0x5270] =	vst v0  }
0x35: {  	[spmem:s4] =	stream.linear.scatter [tilespmem:s9], [sflag:$0x2], $0x280, $0x38;
	[tilespmem:$0x5500] =	vst v63  }
0x36: {  	_ =	swait.ge [sflag:s10], $0x280  }
0x37: {  	[sflag:s10] =	ssyncset.done $0x0  }
0x38: {  	[sflag:s10] =	ssyncadd.s32 $0xFFFFFD80  }
0x39: {  	[bflag:$0x0] =	sbarrier.arrive $0xFFFF  }
0x3a: {  	[tilespmem:s3], [sflag:$0x2] =	stream.linear.gather [hbm4b:s5+s3], $0x2800, $0x38;
	[tilespmem:$0x5500] =	vst v63  }
0x3b: {  	_ =	swait.ge [sflag:s10], $0x2800  }
0x3c: {  	[sflag:s10] =	ssyncset.done $0x0  }
0x3d: {  	[sflag:s10] =	ssyncadd.s32 $0xFFFFD800  }
0x3e: {  	[tilespmem:s11], [sflag:$0x2] =	stream.linear.gather [hbm4b:s6+s3], $0x2800, $0x38;
	[tilespmem:$0x5500] =	vst v63  }
0x3f: {  	_ =	swait.ge [sflag:s10], $0x2800  }
0x40: {  	[sflag:s10] =	ssyncset.done $0x0  }
0x41: {  	s17 =	simm.s32 $0x0;
	[sflag:s10] =	ssyncadd.s32 $0xFFFFD800  }
.LBB2_2:
0x42: {  	p0 =	sne.s32 s17, $0x9E00  }
.Ltmp0:
0x43: {  	_ = 	snop;
	(pc) =	sbr.rel @p0 .LBB2_2-.Ltmp0, $4  }
0x44: {  	_ = 	snop  }
0x45: {  	s18 =	sshra.s32 s17, $0x2  }
0x46: {  	s17 =	sadd.s32 $0x200, s17;
	s19 =	sadd.s32 $0x2800, s18  }
0x47: {  	[spmem:s2] =	stream.indirect.scatter.add.f32 [tilespmem:s19], [sflag:$0x1], $0x1, s18, s12, $0xb8;
	[tilespmem:$0x5500] =	vst v63  }
0x48: {  	_ =	swait.ge [sflag:s13], $0x80  }
0x49: {  	s17 =	simm.s32 $0x4F;
	[sflag:s13] =	ssyncset.done $0x0  }
.LBB2_4:
0x4a: {  	p0 =	sne.s32 s17, $0x1;
	s17 =	sadd.s32 $0xFFFFFFFF, s17;
	[sflag:s13] =	ssyncadd.s32 $0xFFFFFF80  }
.Ltmp1:
0x4b: {  	(pc) =	sbr.rel @p0 .LBB2_4-.Ltmp1, $3  }
0x4c: {  	_ =	sdelay $0x1  }
0x4d: {  	_ =	swait.ge [sflag:s13], $0x80  }
0x4e: {  	[sflag:s13] =	ssyncset.done $0x0  }
0x4f: {  	s16 =	sadd.s32 $0x1, s16  }
0x50: {  	[sflag:s13] =	ssyncadd.s32 $0xFFFFFF80;
	p0 =	sne.s32 s16, s8  }
.Ltmp2:
0x51: {  	[bflag:$0x0] =	sbarrier.arrive $0xFFFF;
	(pc) =	sbr.rel @p0 .LBB2_1-.Ltmp2, $4  }
0x52: {  	[hbm:s7], [sflag:s14] =	dma.local [spmem:s15], $0x50  }
0x53: {  	_ =	swait.ge [sflag:s10], $0x50  }
0x54: {  	[sflag:s10] =	ssyncset.done $0x0  }
0x55: {  	[sflag:s10] =	ssyncadd.s32 $0xFFFFFFB0  }
0x56: {  	_ =	sfence.sel $0x180000  }
0x57: {  	[bflag:$0x0] =	sbarrier.arrive $0xFFFF  }
0x58: {  	p0 =	sne.s32 s0, $0x0;
	_ =	strace $0x90000047  }
0x59: {  	s0 =	sadd.s32 @!p0 $0x100000, s1;
	[bflag:$0x2] =	sbarrier.arrive $0xFFFF  }
0x5a: {  	[sflag:s0] =	ssyncadd.tile.s32 @!p0 $0x1;
	_ =	shalt  }
.Lfunc_end2:
_tile_overlayer_lowered:
.L_overlay_start_2:
0x5b: {  	(tag) =	ssettag $0x2  }
0x5c: {  	s0 =	rddreg [dreg:$0x0];
	s2 =	stileid.u32  }
0x5d: {  	s1 =	rddreg [dreg:$0x1];
	p0 =	sne.s32 s2, $0x0  }
0x5e: {  	s3 =	rddreg [dreg:$0x2];
	[bflag:$0x3] =	sbarrier.arrive $0xFFFF;
	s2 =	simm.s32 @!p0 $0x1C02  }
0x5f: {  	[timem:s3], [sflag:s2] =	dma.local @!p0 [hbm:s0], s1  }
0x60: {  	s0 =	simm.s32 @!p0 $0x2  }
0x61: {  	_ =	swait.ge @!p0 [sflag:s0], s1  }
0x62: {  	s1 =	ssub.s32 @!p0 $0x0, s1;
	[sflag:s0] =	ssyncset.done @!p0 $0x0  }
0x63: {  	[sflag:s0] =	ssyncadd.s32 @!p0 s1  }
0x64: {  	[bflag:$0x3] =	sbarrier.arrive $0xFFFF  }
0x65: {  	_ =	shalt  }

</sc_bundles>
